<compile_context>
chip_gen: v7x
topology: tpu7x:2x2x1
jax: 0.10.2.dev20260603
libtpu: 0.0.44.dev20260713+nightly
codegen_flags: <defaults>
</compile_context>

<pallas_src>
import jax
import jax.numpy as jnp
from jax import lax
from jax.experimental import pallas as pl
from jax.experimental.pallas import tpu as pltpu
from jax.experimental.pallas import tpu_sc as plsc

NC = 2
NS = 16
NW = NC * NS
L = 16

C = 1280
NSETS = 4
PROWS = 4


def _sc_kernel_fn(n, n_pad, t_edges, a_anchors, tailp):
  nsl = n_pad // NS
  e_t = (t_edges // (NW * 128)) * 128
  nfull = e_t // C
  rem = e_t - nfull * C
  a_s = a_anchors // NS
  a_rows = a_s // 128
  n_tbl = n_pad

  f32 = jnp.float32

  pipelined = (
      nfull >= 2 and (nfull - 2) % NSETS == 0
      and (NW - 1) * e_t + (nfull + 1) * C + C <= t_edges
  )

  nchunks = []
  off = 0
  while off < nsl:
    nchunks.append((off, min(C, nsl - off)))
    off += C

  def body(x_hbm, w_hbm, src_hbm, dst_hbm, anc_hbm, tsrc_hbm, tdst_hbm, tw_hbm,
           s_out, c_out, h_out,
           h_table,
           src_0, src_1, src_2, src_3,
           w_0, w_1, w_2, w_3,
           di_0, di_1, di_2, di_3,
           pstage, ones_v,
           acc_s, acc_c,
           sem_0, sem_1, sem_2, sem_3, sem_s):
    c = lax.axis_index("c")
    s = lax.axis_index("s")
    wid = c * NS + s
    nb = s * nsl

    sets = [
        (src_0, w_0, di_0, sem_0),
        (src_1, w_1, di_1, sem_1),
        (src_2, w_2, di_2, sem_2),
        (src_3, w_3, di_3, sem_3),
    ]

    def init_ones(i, _):
      ones_v[pl.ds(i * L, L)] = jnp.ones((L,), f32)
      return 0
    lax.fori_loop(0, C // L, init_ones, 0)

    def zero_w2(i, _):
      w_2[pl.ds(i * L, L)] = jnp.zeros((L,), f32)
      return 0
    lax.fori_loop(0, C // L, zero_w2, 0)

    for arr in (acc_s, acc_c):
      for noff, nsz in nchunks:
        pltpu.async_copy(w_2.at[pl.ds(0, nsz)], arr.at[pl.ds(nb + noff, nsz)],
                         sem_s)
    for arr in (acc_s, acc_c):
      for noff, nsz in nchunks:
        pltpu.make_async_copy(w_2.at[pl.ds(0, nsz)],
                              arr.at[pl.ds(nb + noff, nsz)], sem_s).wait()
    plsc.subcore_barrier()

    for r in range(a_rows):
      pltpu.sync_copy(anc_hbm.at[pl.ds(s * a_s + r * 128, 128)], pstage.at[r])
    for r in range(a_rows):
      pltpu.async_copy(x_hbm.at[pstage.at[r]], w_3.at[pl.ds(r * 128, 128)],
                       sem_s)
    for r in range(a_rows):
      pltpu.make_async_copy(x_hbm.at[pstage.at[r]],
                            w_3.at[pl.ds(r * 128, 128)], sem_s).wait()
    for r in range(a_rows):
      pltpu.async_copy(w_3.at[pl.ds(r * 128, 128)], acc_s.at[pstage.at[r]],
                       sem_s, add=True)
      pltpu.async_copy(ones_v.at[pl.ds(0, 128)], acc_c.at[pstage.at[r]],
                       sem_s, add=True)
    for r in range(a_rows):
      pltpu.make_async_copy(w_3.at[pl.ds(r * 128, 128)],
                            acc_s.at[pstage.at[r]], sem_s).wait()
      pltpu.make_async_copy(ones_v.at[pl.ds(0, 128)],
                            acc_c.at[pstage.at[r]], sem_s).wait()
    plsc.subcore_barrier()

    for noff, nsz in nchunks:
      pltpu.async_copy(acc_c.at[pl.ds(nb + noff, nsz)], w_0.at[pl.ds(0, nsz)],
                       sem_s)
      pltpu.async_copy(acc_s.at[pl.ds(nb + noff, nsz)], w_1.at[pl.ds(0, nsz)],
                       sem_s)
      pltpu.make_async_copy(acc_c.at[pl.ds(nb + noff, nsz)],
                            w_0.at[pl.ds(0, nsz)], sem_s).wait()
      pltpu.make_async_copy(acc_s.at[pl.ds(nb + noff, nsz)],
                            w_1.at[pl.ds(0, nsz)], sem_s).wait()
      for arr in (acc_s, acc_c):
        pltpu.async_copy(w_2.at[pl.ds(0, nsz)], arr.at[pl.ds(nb + noff, nsz)],
                         sem_1)

      def hbody(i, _):
        hcv = w_0[pl.ds(i * L, L)]
        hgv = w_1[pl.ds(i * L, L)]
        w_1[pl.ds(i * L, L)] = jnp.where(hcv > 0.0, hgv + 1.0,
                                         jnp.zeros((L,), f32))
        return 0
      lax.fori_loop(0, nsz // L, hbody, 0)
      pltpu.sync_copy(w_1.at[pl.ds(0, nsz)], h_out.at[c, pl.ds(nb + noff, nsz)])

    for arr in (acc_s, acc_c):
      for noff, nsz in nchunks:
        pltpu.make_async_copy(w_2.at[pl.ds(0, nsz)],
                              arr.at[pl.ds(nb + noff, nsz)], sem_1).wait()
    plsc.subcore_barrier()

    pltpu.sync_copy(h_out.at[c], h_table)

    tbase = wid * e_t

    def start_loads(b, st):
      sbuf, wbuf, dbuf, sem = st
      pltpu.async_copy(src_hbm.at[pl.ds(b, C)], sbuf, sem)
      pltpu.async_copy(w_hbm.at[pl.ds(b, C)], wbuf, sem)
      pltpu.async_copy(dst_hbm.at[pl.ds(b, C)], dbuf, sem)

    def wait_loads(b, st):
      sbuf, wbuf, dbuf, sem = st
      pltpu.make_async_copy(src_hbm.at[pl.ds(b, C)], sbuf, sem).wait()
      pltpu.make_async_copy(w_hbm.at[pl.ds(b, C)], wbuf, sem).wait()
      pltpu.make_async_copy(dst_hbm.at[pl.ds(b, C)], dbuf, sem).wait()

    def compute(st, cs):
      sbuf, wbuf, _, _ = st

      def grp(i, _):
        for u in range(4):
          o = i * 4 * L + u * L
          sv = sbuf[pl.ds(o, L)]
          hv = plsc.load_gather(h_table, [sv])
          wv = wbuf[pl.ds(o, L)]
          wbuf[pl.ds(o, L)] = hv * wv
        return 0
      lax.fori_loop(0, cs // (4 * L), grp, 0)

    def fire(st):
      _, wbuf, dbuf, sem = st
      pltpu.async_copy(wbuf, acc_s.at[dbuf], sem, add=True)
      pltpu.async_copy(ones_v, acc_c.at[dbuf], sem, add=True)

    def drain(st):
      _, wbuf, dbuf, sem = st
      pltpu.make_async_copy(wbuf, acc_s.at[dbuf], sem).wait()
      pltpu.make_async_copy(ones_v, acc_c.at[dbuf], sem).wait()

    if pipelined:
      start_loads(tbase, sets[0])
      start_loads(tbase + C, sets[1])
      start_loads(tbase + 2 * C, sets[2])
      wait_loads(tbase, sets[0])
      compute(sets[0], C)
      fire(sets[0])
      start_loads(tbase + 3 * C, sets[3])
      wait_loads(tbase + C, sets[1])
      compute(sets[1], C)
      fire(sets[1])

      def quad(k4, _):
        for u in range(NSETS):
          k = 2 + u
          b = tbase + (4 * k4 + k) * C
          P = sets[k % NSETS]
          SD = sets[u]
          drain(SD)
          start_loads(b + 2 * C, SD)
          wait_loads(b, P)
          compute(P, C)
          fire(P)
        return 0
      lax.fori_loop(0, (nfull - 2) // NSETS, quad, 0)

      drain(sets[(nfull - 2) % NSETS])
      drain(sets[(nfull - 1) % NSETS])
      wait_loads(tbase + nfull * C, sets[nfull % NSETS])
      wait_loads(tbase + (nfull + 1) * C, sets[(nfull + 1) % NSETS])
      done = nfull * C
    else:
      done = 0

    def chunk_sync(sref, dref, wref, b, cs):
      pltpu.sync_copy(sref.at[pl.ds(b, cs)], src_0.at[pl.ds(0, cs)])
      pltpu.sync_copy(wref.at[pl.ds(b, cs)], w_0.at[pl.ds(0, cs)])
      pltpu.sync_copy(dref.at[pl.ds(b, cs)], di_0.at[pl.ds(0, cs)])
      if cs == C:
        compute(sets[0], C)
        fire(sets[0])
        drain(sets[0])
      else:
        nrows = cs // 128

        def row(j, _):
          for k in range(128 // L):
            o = j * 128 + k * L
            sv = src_0[pl.ds(o, L)]
            hv = plsc.load_gather(h_table, [sv])
            wv = w_0[pl.ds(o, L)]
            w_0[pl.ds(o, L)] = hv * wv
            pstage[j, pl.ds(k * L, L)] = di_0[pl.ds(o, L)]
          return 0
        lax.fori_loop(0, nrows, row, 0)

        def fire_r(j, _):
          pltpu.async_copy(w_0.at[pl.ds(j * 128, 128)],
                           acc_s.at[pstage.at[j]], sem_s, add=True)
          pltpu.async_copy(ones_v.at[pl.ds(0, 128)],
                           acc_c.at[pstage.at[j]], sem_s, add=True)
          return 0
        lax.fori_loop(0, nrows, fire_r, 0)

        def drain_r(j, _):
          pltpu.make_async_copy(w_0.at[pl.ds(j * 128, 128)],
                                acc_s.at[pstage.at[j]], sem_s).wait()
          pltpu.make_async_copy(ones_v.at[pl.ds(0, 128)],
                                acc_c.at[pstage.at[j]], sem_s).wait()
          return 0
        lax.fori_loop(0, nrows, drain_r, 0)

    def piece_sizes(total):
      sizes = []
      left = total
      while left > 0:
        cs = min(C, left)
        if cs < C:
          cs = min(PROWS * 128, cs)
        sizes.append(cs)
        left -= cs
      return sizes

    off = done
    for cs in piece_sizes(e_t - done):
      chunk_sync(src_hbm, dst_hbm, w_hbm, tbase + off, cs)
      off += cs

    if tailp:
      trows = tailp // 128
      for q in range((trows + NW - 1) // NW):
        rid = wid + NW * q

        @pl.when(rid < trows)
        def _():
          chunk_sync(tsrc_hbm, tdst_hbm, tw_hbm, rid * 128, 128)

    plsc.subcore_barrier()

    for noff, nsz in nchunks:
      pltpu.async_copy(acc_s.at[pl.ds(nb + noff, nsz)],
                       s_out.at[c, pl.ds(nb + noff, nsz)], sem_s)
      pltpu.async_copy(acc_c.at[pl.ds(nb + noff, nsz)],
                       c_out.at[c, pl.ds(nb + noff, nsz)], sem_s)
    for noff, nsz in nchunks:
      pltpu.make_async_copy(acc_s.at[pl.ds(nb + noff, nsz)],
                            s_out.at[c, pl.ds(nb + noff, nsz)], sem_s).wait()
      pltpu.make_async_copy(acc_c.at[pl.ds(nb + noff, nsz)],
                            c_out.at[c, pl.ds(nb + noff, nsz)], sem_s).wait()

  i32 = jnp.int32
  return pl.kernel(
      body,
      out_type=(
          jax.ShapeDtypeStruct((NC, n_pad), f32),
          jax.ShapeDtypeStruct((NC, n_pad), f32),
          jax.ShapeDtypeStruct((NC, n_pad), f32),
      ),
      mesh=plsc.VectorSubcoreMesh(core_axis_name="c", subcore_axis_name="s"),
      scratch_types=[
          pltpu.VMEM((n_tbl,), f32),
          pltpu.VMEM((C,), i32), pltpu.VMEM((C,), i32),
          pltpu.VMEM((C,), i32), pltpu.VMEM((C,), i32),
          pltpu.VMEM((C,), f32), pltpu.VMEM((C,), f32),
          pltpu.VMEM((C,), f32), pltpu.VMEM((C,), f32),
          pltpu.VMEM((C,), i32), pltpu.VMEM((C,), i32),
          pltpu.VMEM((C,), i32), pltpu.VMEM((C,), i32),
          pltpu.VMEM((PROWS, 128), i32),
          pltpu.VMEM((C,), f32),
          pltpu.VMEM_SHARED((n_pad,), f32),
          pltpu.VMEM_SHARED((n_pad,), f32),
          pltpu.SemaphoreType.DMA, pltpu.SemaphoreType.DMA,
          pltpu.SemaphoreType.DMA, pltpu.SemaphoreType.DMA,
          pltpu.SemaphoreType.DMA,
      ],
      compiler_params=pltpu.CompilerParams(needs_layout_passes=False),
  )


def _combine_body(s_ref, c_ref, o_ref):
  sv = s_ref[0] + s_ref[1]
  cv = c_ref[0] + c_ref[1]
  o_ref[...] = sv / jnp.maximum(cv, 1.0)


def kernel(x, w, src, dst, anchors):
  n = x.shape[0]
  t = w.shape[0]
  a = anchors.shape[0]
  n_pad = ((n + 1023) // 1024) * 1024

  e_t = (t // (NW * 128)) * 128
  full = NW * e_t
  tail = t - full
  tailp = ((tail + 127) // 128) * 128

  if tailp:
    padn = tailp - tail
    tsrc = jnp.concatenate([src[full:], jnp.zeros((padn,), jnp.int32)])
    tdst = jnp.concatenate([dst[full:], jnp.full((padn,), n, jnp.int32)])
    tw = jnp.concatenate([w[full:], jnp.zeros((padn,), jnp.float32)])
  else:
    tsrc = jnp.zeros((128,), jnp.int32)
    tdst = jnp.full((128,), n, jnp.int32)
    tw = jnp.zeros((128,), jnp.float32)

  sc_fn = _sc_kernel_fn(n, n_pad, t, a, tailp)
  s_part, c_part, _ = sc_fn(x, w, src, dst, anchors, tsrc, tdst, tw)

  nr = n_pad // 128
  out = pl.pallas_call(
      _combine_body,
      out_shape=jax.ShapeDtypeStruct((nr, 128), jnp.float32),
  )(s_part.reshape(NC, nr, 128), c_part.reshape(NC, nr, 128))

  h_o = out.reshape(n_pad)[:n]
  return (h_o, x)

# --- scband reference (transcript-rebuilt; emitter-appended) ---
"""Pipeline reference for scband-neighbor-agg-layer-7069516169828 (READ-ONLY COPY).

The authoritative reference and input builder live on the scoring server;
editing this copy changes nothing except your own understanding.
"""

import jax, jax.numpy as jnp
import numpy as np

N = 100000   # ent_num / n_nodes
T = 6400000  # n_triples (avg_degree=64)
R = 500      # n_relations
A = 4096     # n_anchors


def setup_inputs(seed: int = 0) -> dict:
    key = jax.random.key(seed)
    k1, k2, k3, k4, k5, k6 = jax.random.split(key, 6)
    # kg_triples = (src, rel, dst)
    src_t = jax.random.randint(k1, (T,), 0, N, dtype=jnp.int32)
    dst_t = jax.random.randint(k2, (T,), 0, N, dtype=jnp.int32)
    rel = jax.random.randint(k3, (T,), 0, R, dtype=jnp.int32)
    # init tensors passed to __init__
    edge_weights = jax.random.uniform(k4, (R,), dtype=jnp.float32)
    node_weights = jax.random.uniform(k5, (N,), dtype=jnp.float32)
    # graph construction as in __init__: triple edges then self-loop edges over kg_entities=arange(N)
    max_w = jnp.max(edge_weights) + 0.5
    self_idx = jnp.arange(N, dtype=jnp.int32)
    src = jnp.concatenate([src_t, self_idx])
    dst = jnp.concatenate([dst_t, self_idx])
    w = jnp.concatenate([edge_weights[rel], jnp.full((N,), max_w, dtype=jnp.float32)])
    # ndata['x'] = node_weights[kg_entities] = node_weights (kg_entities covers all nodes)
    x = node_weights
    anchors = jax.random.randint(k6, (A,), 0, N, dtype=jnp.int32)
    return {"x": x, "w": w, "src": src, "dst": dst, "anchors": anchors}


def reference(x, w, src, dst, anchors):
    n = x.shape[0]
    # h = zeros; h[anchors] = 1; h[anchors] += x[anchors]
    h = jnp.zeros((n,), dtype=x.dtype)
    h = h.at[anchors].set(1.0)
    h = h.at[anchors].add(x[anchors])
    # update_all(u_mul_e('h','w','m'), mean('m','o'))
    m = h[src] * w
    s = jax.ops.segment_sum(m, dst, num_segments=n)
    cnt = jax.ops.segment_sum(jnp.ones_like(w), dst, num_segments=n)
    h_o = s / jnp.maximum(cnt, 1.0)  # every node has a self-loop -> cnt >= 1
    return (h_o, x)

if __name__ == "__main__":
    import jax
    _d = setup_inputs()
    print(jax.jit(kernel)(*tuple(_d.values())))

</pallas_src>

<mosaic_0001>
#map = affine_map<(d0, d1) -> (0)>
#map1 = affine_map<(d0, d1) -> (0, 0)>
module attributes {stable_mosaic.version = 14 : i64} {
  func.func @body(%arg0: i32, %arg1: i32, %arg2: memref<100000xf32, #tpu.memory_space<hbm>>, %arg3: memref<6500000xf32, #tpu.memory_space<hbm>>, %arg4: memref<6500000xi32, #tpu.memory_space<hbm>>, %arg5: memref<6500000xi32, #tpu.memory_space<hbm>>, %arg6: memref<4096xi32, #tpu.memory_space<hbm>>, %arg7: memref<3840xi32, #tpu.memory_space<hbm>>, %arg8: memref<3840xi32, #tpu.memory_space<hbm>>, %arg9: memref<3840xf32, #tpu.memory_space<hbm>>, %arg10: memref<2x100352xf32, #tpu.memory_space<hbm>>, %arg11: memref<2x100352xf32, #tpu.memory_space<hbm>>, %arg12: memref<2x100352xf32, #tpu.memory_space<hbm>>, %arg13: memref<100352xf32, #tpu.memory_space<vmem>>, %arg14: memref<1280xi32, #tpu.memory_space<vmem>>, %arg15: memref<1280xi32, #tpu.memory_space<vmem>>, %arg16: memref<1280xi32, #tpu.memory_space<vmem>>, %arg17: memref<1280xi32, #tpu.memory_space<vmem>>, %arg18: memref<1280xf32, #tpu.memory_space<vmem>>, %arg19: memref<1280xf32, #tpu.memory_space<vmem>>, %arg20: memref<1280xf32, #tpu.memory_space<vmem>>, %arg21: memref<1280xf32, #tpu.memory_space<vmem>>, %arg22: memref<1280xi32, #tpu.memory_space<vmem>>, %arg23: memref<1280xi32, #tpu.memory_space<vmem>>, %arg24: memref<1280xi32, #tpu.memory_space<vmem>>, %arg25: memref<1280xi32, #tpu.memory_space<vmem>>, %arg26: memref<4x128xi32, #tpu.memory_space<vmem>>, %arg27: memref<1280xf32, #tpu.memory_space<vmem>>, %arg28: memref<100352xf32, #tpu.memory_space<vmem_shared>>, %arg29: memref<100352xf32, #tpu.memory_space<vmem_shared>>, %arg30: memref<!tpu.dma_semaphore, #tpu.memory_space<semaphore_mem>>, %arg31: memref<!tpu.dma_semaphore, #tpu.memory_space<semaphore_mem>>, %arg32: memref<!tpu.dma_semaphore, #tpu.memory_space<semaphore_mem>>, %arg33: memref<!tpu.dma_semaphore, #tpu.memory_space<semaphore_mem>>, %arg34: memref<!tpu.dma_semaphore, #tpu.memory_space<semaphore_mem>>) attributes {dimension_semantics = [#tpu.dimension_semantics<core_parallel>, #tpu.dimension_semantics<subcore_parallel>], iteration_bounds = array<i64: 2, 16>, scalar_prefetch = 0 : i64, scratch_operands = 22 : i64, tpu.core_type = #tpu.core_type<sc_vector_subcore>, window_params = [{transform_indices = #map}, {transform_indices = #map}, {transform_indices = #map}, {transform_indices = #map}, {transform_indices = #map}, {transform_indices = #map}, {transform_indices = #map}, {transform_indices = #map}, {transform_indices = #map1}, {transform_indices = #map1}, {transform_indices = #map1}]} {
    %mul3A = arith.constant 16 : i32
    %mul3A_0 = arith.muli %arg0, %mul3A : i32
    %add3A = arith.addi %mul3A_0, %arg1 : i32
    %mul3A_1 = arith.constant 6272 : i32
    %mul3A_2 = arith.muli %arg1, %mul3A_1 : i32
    %scan3A = arith.constant 0 : i32
    %scan3A_3 = arith.constant 0 : i32
    %scan3A_4 = arith.constant 80 : i32
    %scan3A_5 = arith.addi %scan3A_3, %scan3A_4 : i32
    %scan3A_6 = arith.constant 1 : i32
    %scan3A_7 = scf.for %scan3A_936 = %scan3A_3 to %scan3A_5 step %scan3A_6 iter_args(%scan3A_937 = %scan3A) -> (i32)  : i32 {
      %broadcast_in_dim3A = arith.constant 1.000000e+00 : f32
      %broadcast_in_dim3A_938 = vector.broadcast %broadcast_in_dim3A : f32 to vector<16xf32>
      %mul3A_939 = arith.constant 16 : i32
      %mul3A_940 = arith.muli %scan3A_936, %mul3A_939 : i32
      %swap3A = arith.index_cast %mul3A_940 : i32 to index
      %swap3A_941 = tpu.vector_load %arg27[%swap3A] {strides = array<i32>} : memref<1280xf32, #tpu.memory_space<vmem>>, vector<16xf32>,
      tpu.vector_store %arg27[%swap3A], %broadcast_in_dim3A_938 {strides = array<i32>} : memref<1280xf32, #tpu.memory_space<vmem>>, vector<16xf32>,
      %scan3A_942 = arith.constant 0 : i32
      scf.yield %scan3A_942 : i32
    }
    %scan3A_8 = arith.constant 80 : i32
    %scan3A_9 = arith.constant 0 : i32
    %scan3A_10 = arith.constant 0 : i32
    %scan3A_11 = arith.constant 80 : i32
    %scan3A_12 = arith.addi %scan3A_10, %scan3A_11 : i32
    %scan3A_13 = arith.constant 1 : i32
    %scan3A_14 = scf.for %scan3A_936 = %scan3A_10 to %scan3A_12 step %scan3A_13 iter_args(%scan3A_937 = %scan3A_9) -> (i32)  : i32 {
      %broadcast_in_dim3A = arith.constant 0.000000e+00 : f32
      %broadcast_in_dim3A_938 = vector.broadcast %broadcast_in_dim3A : f32 to vector<16xf32>
      %mul3A_939 = arith.constant 16 : i32
      %mul3A_940 = arith.muli %scan3A_936, %mul3A_939 : i32
      %swap3A = arith.index_cast %mul3A_940 : i32 to index
      %swap3A_941 = tpu.vector_load %arg20[%swap3A] {strides = array<i32>} : memref<1280xf32, #tpu.memory_space<vmem>>, vector<16xf32>,
      tpu.vector_store %arg20[%swap3A], %broadcast_in_dim3A_938 {strides = array<i32>} : memref<1280xf32, #tpu.memory_space<vmem>>, vector<16xf32>,
      %scan3A_942 = arith.constant 0 : i32
      scf.yield %scan3A_942 : i32
    }
    %scan3A_15 = arith.constant 80 : i32
    %add3A_16 = arith.constant 0 : i32
    %add3A_17 = arith.addi %mul3A_2, %add3A_16 : i32
    %dma_start3A = arith.constant 0 : i32
    %dma_start3A_18 = tpu.memref_slice %arg20[%dma_start3A] : memref<1280xf32, #tpu.memory_space<vmem>> -> memref<1280xf32, #tpu.memory_space<vmem>>
    %dma_start3A_19 = tpu.memref_slice %arg28[%add3A_17] : memref<100352xf32, #tpu.memory_space<vmem_shared>> -> memref<1280xf32, #tpu.memory_space<vmem_shared>>
    %dma_start3A_20 = tpu.memref_slice %arg28[%add3A_17] : memref<100352xf32, #tpu.memory_space<vmem_shared>> -> memref<1280xf32, #tpu.memory_space<vmem_shared>>
    %dma_start3A_21 = arith.constant 0 : i32
    %dma_start3A_22 = tpu.memref_slice %arg20[%dma_start3A_21] : memref<1280xf32, #tpu.memory_space<vmem>> -> memref<1280xf32, #tpu.memory_space<vmem>>
    tpu.enqueue_dma source(%dma_start3A_22 : memref<1280xf32, #tpu.memory_space<vmem>>) target(%dma_start3A_20 : memref<1280xf32, #tpu.memory_space<vmem_shared>>) target_semaphore(%arg34 : memref<!tpu.dma_semaphore, #tpu.memory_space<semaphore_mem>>)
    %add3A_23 = arith.constant 1280 : i32
    %add3A_24 = arith.addi %mul3A_2, %add3A_23 : i32
    %dma_start3A_25 = arith.constant 0 : i32
    %dma_start3A_26 = tpu.memref_slice %arg20[%dma_start3A_25] : memref<1280xf32, #tpu.memory_space<vmem>> -> memref<1280xf32, #tpu.memory_space<vmem>>
    %dma_start3A_27 = tpu.memref_slice %arg28[%add3A_24] : memref<100352xf32, #tpu.memory_space<vmem_shared>> -> memref<1280xf32, #tpu.memory_space<vmem_shared>>
    %dma_start3A_28 = tpu.memref_slice %arg28[%add3A_24] : memref<100352xf32, #tpu.memory_space<vmem_shared>> -> memref<1280xf32, #tpu.memory_space<vmem_shared>>
    %dma_start3A_29 = arith.constant 0 : i32
    %dma_start3A_30 = tpu.memref_slice %arg20[%dma_start3A_29] : memref<1280xf32, #tpu.memory_space<vmem>> -> memref<1280xf32, #tpu.memory_space<vmem>>
    tpu.enqueue_dma source(%dma_start3A_30 : memref<1280xf32, #tpu.memory_space<vmem>>) target(%dma_start3A_28 : memref<1280xf32, #tpu.memory_space<vmem_shared>>) target_semaphore(%arg34 : memref<!tpu.dma_semaphore, #tpu.memory_space<semaphore_mem>>)
    %add3A_31 = arith.constant 2560 : i32
    %add3A_32 = arith.addi %mul3A_2, %add3A_31 : i32
    %dma_start3A_33 = arith.constant 0 : i32
    %dma_start3A_34 = tpu.memref_slice %arg20[%dma_start3A_33] : memref<1280xf32, #tpu.memory_space<vmem>> -> memref<1280xf32, #tpu.memory_space<vmem>>
    %dma_start3A_35 = tpu.memref_slice %arg28[%add3A_32] : memref<100352xf32, #tpu.memory_space<vmem_shared>> -> memref<1280xf32, #tpu.memory_space<vmem_shared>>
    %dma_start3A_36 = tpu.memref_slice %arg28[%add3A_32] : memref<100352xf32, #tpu.memory_space<vmem_shared>> -> memref<1280xf32, #tpu.memory_space<vmem_shared>>
    %dma_start3A_37 = arith.constant 0 : i32
    %dma_start3A_38 = tpu.memref_slice %arg20[%dma_start3A_37] : memref<1280xf32, #tpu.memory_space<vmem>> -> memref<1280xf32, #tpu.memory_space<vmem>>
    tpu.enqueue_dma source(%dma_start3A_38 : memref<1280xf32, #tpu.memory_space<vmem>>) target(%dma_start3A_36 : memref<1280xf32, #tpu.memory_space<vmem_shared>>) target_semaphore(%arg34 : memref<!tpu.dma_semaphore, #tpu.memory_space<semaphore_mem>>)
    %add3A_39 = arith.constant 3840 : i32
    %add3A_40 = arith.addi %mul3A_2, %add3A_39 : i32
    %dma_start3A_41 = arith.constant 0 : i32
    %dma_start3A_42 = tpu.memref_slice %arg20[%dma_start3A_41] : memref<1280xf32, #tpu.memory_space<vmem>> -> memref<1280xf32, #tpu.memory_space<vmem>>
    %dma_start3A_43 = tpu.memref_slice %arg28[%add3A_40] : memref<100352xf32, #tpu.memory_space<vmem_shared>> -> memref<1280xf32, #tpu.memory_space<vmem_shared>>
    %dma_start3A_44 = tpu.memref_slice %arg28[%add3A_40] : memref<100352xf32, #tpu.memory_space<vmem_shared>> -> memref<1280xf32, #tpu.memory_space<vmem_shared>>
    %dma_start3A_45 = arith.constant 0 : i32
    %dma_start3A_46 = tpu.memref_slice %arg20[%dma_start3A_45] : memref<1280xf32, #tpu.memory_space<vmem>> -> memref<1280xf32, #tpu.memory_space<vmem>>
    tpu.enqueue_dma source(%dma_start3A_46 : memref<1280xf32, #tpu.memory_space<vmem>>) target(%dma_start3A_44 : memref<1280xf32, #tpu.memory_space<vmem_shared>>) target_semaphore(%arg34 : memref<!tpu.dma_semaphore, #tpu.memory_space<semaphore_mem>>)
    %add3A_47 = arith.constant 5120 : i32
    %add3A_48 = arith.addi %mul3A_2, %add3A_47 : i32
    %dma_start3A_49 = arith.constant 0 : i32
    %dma_start3A_50 = tpu.memref_slice %arg20[%dma_start3A_49] : memref<1280xf32, #tpu.memory_space<vmem>> -> memref<1152xf32, #tpu.memory_space<vmem>>
    %dma_start3A_51 = tpu.memref_slice %arg28[%add3A_48] : memref<100352xf32, #tpu.memory_space<vmem_shared>> -> memref<1152xf32, #tpu.memory_space<vmem_shared>>
    %dma_start3A_52 = tpu.memref_slice %arg28[%add3A_48] : memref<100352xf32, #tpu.memory_space<vmem_shared>> -> memref<1152xf32, #tpu.memory_space<vmem_shared>>
    %dma_start3A_53 = arith.constant 0 : i32
    %dma_start3A_54 = tpu.memref_slice %arg20[%dma_start3A_53] : memref<1280xf32, #tpu.memory_space<vmem>> -> memref<1152xf32, #tpu.memory_space<vmem>>
    tpu.enqueue_dma source(%dma_start3A_54 : memref<1152xf32, #tpu.memory_space<vmem>>) target(%dma_start3A_52 : memref<1152xf32, #tpu.memory_space<vmem_shared>>) target_semaphore(%arg34 : memref<!tpu.dma_semaphore, #tpu.memory_space<semaphore_mem>>)
    %add3A_55 = arith.constant 0 : i32
    %add3A_56 = arith.addi %mul3A_2, %add3A_55 : i32
    %dma_start3A_57 = arith.constant 0 : i32
    %dma_start3A_58 = tpu.memref_slice %arg20[%dma_start3A_57] : memref<1280xf32, #tpu.memory_space<vmem>> -> memref<1280xf32, #tpu.memory_space<vmem>>
    %dma_start3A_59 = tpu.memref_slice %arg29[%add3A_56] : memref<100352xf32, #tpu.memory_space<vmem_shared>> -> memref<1280xf32, #tpu.memory_space<vmem_shared>>
    %dma_start3A_60 = tpu.memref_slice %arg29[%add3A_56] : memref<100352xf32, #tpu.memory_space<vmem_shared>> -> memref<1280xf32, #tpu.memory_space<vmem_shared>>
    %dma_start3A_61 = arith.constant 0 : i32
    %dma_start3A_62 = tpu.memref_slice %arg20[%dma_start3A_61] : memref<1280xf32, #tpu.memory_space<vmem>> -> memref<1280xf32, #tpu.memory_space<vmem>>
    tpu.enqueue_dma source(%dma_start3A_62 : memref<1280xf32, #tpu.memory_space<vmem>>) target(%dma_start3A_60 : memref<1280xf32, #tpu.memory_space<vmem_shared>>) target_semaphore(%arg34 : memref<!tpu.dma_semaphore, #tpu.memory_space<semaphore_mem>>)
    %add3A_63 = arith.constant 1280 : i32
    %add3A_64 = arith.addi %mul3A_2, %add3A_63 : i32
    %dma_start3A_65 = arith.constant 0 : i32
    %dma_start3A_66 = tpu.memref_slice %arg20[%dma_start3A_65] : memref<1280xf32, #tpu.memory_space<vmem>> -> memref<1280xf32, #tpu.memory_space<vmem>>
    %dma_start3A_67 = tpu.memref_slice %arg29[%add3A_64] : memref<100352xf32, #tpu.memory_space<vmem_shared>> -> memref<1280xf32, #tpu.memory_space<vmem_shared>>
    %dma_start3A_68 = tpu.memref_slice %arg29[%add3A_64] : memref<100352xf32, #tpu.memory_space<vmem_shared>> -> memref<1280xf32, #tpu.memory_space<vmem_shared>>
    %dma_start3A_69 = arith.constant 0 : i32
    %dma_start3A_70 = tpu.memref_slice %arg20[%dma_start3A_69] : memref<1280xf32, #tpu.memory_space<vmem>> -> memref<1280xf32, #tpu.memory_space<vmem>>
    tpu.enqueue_dma source(%dma_start3A_70 : memref<1280xf32, #tpu.memory_space<vmem>>) target(%dma_start3A_68 : memref<1280xf32, #tpu.memory_space<vmem_shared>>) target_semaphore(%arg34 : memref<!tpu.dma_semaphore, #tpu.memory_space<semaphore_mem>>)
    %add3A_71 = arith.constant 2560 : i32
    %add3A_72 = arith.addi %mul3A_2, %add3A_71 : i32
    %dma_start3A_73 = arith.constant 0 : i32
    %dma_start3A_74 = tpu.memref_slice %arg20[%dma_start3A_73] : memref<1280xf32, #tpu.memory_space<vmem>> -> memref<1280xf32, #tpu.memory_space<vmem>>
    %dma_start3A_75 = tpu.memref_slice %arg29[%add3A_72] : memref<100352xf32, #tpu.memory_space<vmem_shared>> -> memref<1280xf32, #tpu.memory_space<vmem_shared>>
    %dma_start3A_76 = tpu.memref_slice %arg29[%add3A_72] : memref<100352xf32, #tpu.memory_space<vmem_shared>> -> memref<1280xf32, #tpu.memory_space<vmem_shared>>
    %dma_start3A_77 = arith.constant 0 : i32
    %dma_start3A_78 = tpu.memref_slice %arg20[%dma_start3A_77] : memref<1280xf32, #tpu.memory_space<vmem>> -> memref<1280xf32, #tpu.memory_space<vmem>>
    tpu.enqueue_dma source(%dma_start3A_78 : memref<1280xf32, #tpu.memory_space<vmem>>) target(%dma_start3A_76 : memref<1280xf32, #tpu.memory_space<vmem_shared>>) target_semaphore(%arg34 : memref<!tpu.dma_semaphore, #tpu.memory_space<semaphore_mem>>)
    %add3A_79 = arith.constant 3840 : i32
    %add3A_80 = arith.addi %mul3A_2, %add3A_79 : i32
    %dma_start3A_81 = arith.constant 0 : i32
    %dma_start3A_82 = tpu.memref_slice %arg20[%dma_start3A_81] : memref<1280xf32, #tpu.memory_space<vmem>> -> memref<1280xf32, #tpu.memory_space<vmem>>
    %dma_start3A_83 = tpu.memref_slice %arg29[%add3A_80] : memref<100352xf32, #tpu.memory_space<vmem_shared>> -> memref<1280xf32, #tpu.memory_space<vmem_shared>>
    %dma_start3A_84 = tpu.memref_slice %arg29[%add3A_80] : memref<100352xf32, #tpu.memory_space<vmem_shared>> -> memref<1280xf32, #tpu.memory_space<vmem_shared>>
    %dma_start3A_85 = arith.constant 0 : i32
    %dma_start3A_86 = tpu.memref_slice %arg20[%dma_start3A_85] : memref<1280xf32, #tpu.memory_space<vmem>> -> memref<1280xf32, #tpu.memory_space<vmem>>
    tpu.enqueue_dma source(%dma_start3A_86 : memref<1280xf32, #tpu.memory_space<vmem>>) target(%dma_start3A_84 : memref<1280xf32, #tpu.memory_space<vmem_shared>>) target_semaphore(%arg34 : memref<!tpu.dma_semaphore, #tpu.memory_space<semaphore_mem>>)
    %add3A_87 = arith.constant 5120 : i32
    %add3A_88 = arith.addi %mul3A_2, %add3A_87 : i32
    %dma_start3A_89 = arith.constant 0 : i32
    %dma_start3A_90 = tpu.memref_slice %arg20[%dma_start3A_89] : memref<1280xf32, #tpu.memory_space<vmem>> -> memref<1152xf32, #tpu.memory_space<vmem>>
    %dma_start3A_91 = tpu.memref_slice %arg29[%add3A_88] : memref<100352xf32, #tpu.memory_space<vmem_shared>> -> memref<1152xf32, #tpu.memory_space<vmem_shared>>
    %dma_start3A_92 = tpu.memref_slice %arg29[%add3A_88] : memref<100352xf32, #tpu.memory_space<vmem_shared>> -> memref<1152xf32, #tpu.memory_space<vmem_shared>>
    %dma_start3A_93 = arith.constant 0 : i32
    %dma_start3A_94 = tpu.memref_slice %arg20[%dma_start3A_93] : memref<1280xf32, #tpu.memory_space<vmem>> -> memref<1152xf32, #tpu.memory_space<vmem>>
    tpu.enqueue_dma source(%dma_start3A_94 : memref<1152xf32, #tpu.memory_space<vmem>>) target(%dma_start3A_92 : memref<1152xf32, #tpu.memory_space<vmem_shared>>) target_semaphore(%arg34 : memref<!tpu.dma_semaphore, #tpu.memory_space<semaphore_mem>>)
    %add3A_95 = arith.constant 0 : i32
    %add3A_96 = arith.addi %mul3A_2, %add3A_95 : i32
    %dma_wait3A = arith.constant 0 : i32
    %dma_wait3A_97 = tpu.memref_slice %arg20[%dma_wait3A] : memref<1280xf32, #tpu.memory_space<vmem>> -> memref<1280xf32, #tpu.memory_space<vmem>>
    %dma_wait3A_98 = tpu.memref_slice %arg28[%add3A_96] : memref<100352xf32, #tpu.memory_space<vmem_shared>> -> memref<1280xf32, #tpu.memory_space<vmem_shared>>
    %dma_wait3A_99 = tpu.memref_slice %arg28[%add3A_96] : memref<100352xf32, #tpu.memory_space<vmem_shared>> -> memref<1280xf32, #tpu.memory_space<vmem_shared>>
    %dma_wait3A_100 = arith.constant 0 : i32
    %dma_wait3A_101 = tpu.memref_slice %arg20[%dma_wait3A_100] : memref<1280xf32, #tpu.memory_space<vmem>> -> memref<1280xf32, #tpu.memory_space<vmem>>
    tpu.wait_dma2 semaphore(%arg34 : memref<!tpu.dma_semaphore, #tpu.memory_space<semaphore_mem>>) src(%dma_wait3A_101 : memref<1280xf32, #tpu.memory_space<vmem>>) dst(%dma_wait3A_99 : memref<1280xf32, #tpu.memory_space<vmem_shared>>)
    %add3A_102 = arith.constant 1280 : i32
    %add3A_103 = arith.addi %mul3A_2, %add3A_102 : i32
    %dma_wait3A_104 = arith.constant 0 : i32
    %dma_wait3A_105 = tpu.memref_slice %arg20[%dma_wait3A_104] : memref<1280xf32, #tpu.memory_space<vmem>> -> memref<1280xf32, #tpu.memory_space<vmem>>
    %dma_wait3A_106 = tpu.memref_slice %arg28[%add3A_103] : memref<100352xf32, #tpu.memory_space<vmem_shared>> -> memref<1280xf32, #tpu.memory_space<vmem_shared>>
    %dma_wait3A_107 = tpu.memref_slice %arg28[%add3A_103] : memref<100352xf32, #tpu.memory_space<vmem_shared>> -> memref<1280xf32, #tpu.memory_space<vmem_shared>>
    %dma_wait3A_108 = arith.constant 0 : i32
    %dma_wait3A_109 = tpu.memref_slice %arg20[%dma_wait3A_108] : memref<1280xf32, #tpu.memory_space<vmem>> -> memref<1280xf32, #tpu.memory_space<vmem>>
    tpu.wait_dma2 semaphore(%arg34 : memref<!tpu.dma_semaphore, #tpu.memory_space<semaphore_mem>>) src(%dma_wait3A_109 : memref<1280xf32, #tpu.memory_space<vmem>>) dst(%dma_wait3A_107 : memref<1280xf32, #tpu.memory_space<vmem_shared>>)
    %add3A_110 = arith.constant 2560 : i32
    %add3A_111 = arith.addi %mul3A_2, %add3A_110 : i32
    %dma_wait3A_112 = arith.constant 0 : i32
    %dma_wait3A_113 = tpu.memref_slice %arg20[%dma_wait3A_112] : memref<1280xf32, #tpu.memory_space<vmem>> -> memref<1280xf32, #tpu.memory_space<vmem>>
    %dma_wait3A_114 = tpu.memref_slice %arg28[%add3A_111] : memref<100352xf32, #tpu.memory_space<vmem_shared>> -> memref<1280xf32, #tpu.memory_space<vmem_shared>>
    %dma_wait3A_115 = tpu.memref_slice %arg28[%add3A_111] : memref<100352xf32, #tpu.memory_space<vmem_shared>> -> memref<1280xf32, #tpu.memory_space<vmem_shared>>
    %dma_wait3A_116 = arith.constant 0 : i32
    %dma_wait3A_117 = tpu.memref_slice %arg20[%dma_wait3A_116] : memref<1280xf32, #tpu.memory_space<vmem>> -> memref<1280xf32, #tpu.memory_space<vmem>>
    tpu.wait_dma2 semaphore(%arg34 : memref<!tpu.dma_semaphore, #tpu.memory_space<semaphore_mem>>) src(%dma_wait3A_117 : memref<1280xf32, #tpu.memory_space<vmem>>) dst(%dma_wait3A_115 : memref<1280xf32, #tpu.memory_space<vmem_shared>>)
    %add3A_118 = arith.constant 3840 : i32
    %add3A_119 = arith.addi %mul3A_2, %add3A_118 : i32
    %dma_wait3A_120 = arith.constant 0 : i32
    %dma_wait3A_121 = tpu.memref_slice %arg20[%dma_wait3A_120] : memref<1280xf32, #tpu.memory_space<vmem>> -> memref<1280xf32, #tpu.memory_space<vmem>>
    %dma_wait3A_122 = tpu.memref_slice %arg28[%add3A_119] : memref<100352xf32, #tpu.memory_space<vmem_shared>> -> memref<1280xf32, #tpu.memory_space<vmem_shared>>
    %dma_wait3A_123 = tpu.memref_slice %arg28[%add3A_119] : memref<100352xf32, #tpu.memory_space<vmem_shared>> -> memref<1280xf32, #tpu.memory_space<vmem_shared>>
    %dma_wait3A_124 = arith.constant 0 : i32
    %dma_wait3A_125 = tpu.memref_slice %arg20[%dma_wait3A_124] : memref<1280xf32, #tpu.memory_space<vmem>> -> memref<1280xf32, #tpu.memory_space<vmem>>
    tpu.wait_dma2 semaphore(%arg34 : memref<!tpu.dma_semaphore, #tpu.memory_space<semaphore_mem>>) src(%dma_wait3A_125 : memref<1280xf32, #tpu.memory_space<vmem>>) dst(%dma_wait3A_123 : memref<1280xf32, #tpu.memory_space<vmem_shared>>)
    %add3A_126 = arith.constant 5120 : i32
    %add3A_127 = arith.addi %mul3A_2, %add3A_126 : i32
    %dma_wait3A_128 = arith.constant 0 : i32
    %dma_wait3A_129 = tpu.memref_slice %arg20[%dma_wait3A_128] : memref<1280xf32, #tpu.memory_space<vmem>> -> memref<1152xf32, #tpu.memory_space<vmem>>
    %dma_wait3A_130 = tpu.memref_slice %arg28[%add3A_127] : memref<100352xf32, #tpu.memory_space<vmem_shared>> -> memref<1152xf32, #tpu.memory_space<vmem_shared>>
    %dma_wait3A_131 = tpu.memref_slice %arg28[%add3A_127] : memref<100352xf32, #tpu.memory_space<vmem_shared>> -> memref<1152xf32, #tpu.memory_space<vmem_shared>>
    %dma_wait3A_132 = arith.constant 0 : i32
    %dma_wait3A_133 = tpu.memref_slice %arg20[%dma_wait3A_132] : memref<1280xf32, #tpu.memory_space<vmem>> -> memref<1152xf32, #tpu.memory_space<vmem>>
    tpu.wait_dma2 semaphore(%arg34 : memref<!tpu.dma_semaphore, #tpu.memory_space<semaphore_mem>>) src(%dma_wait3A_133 : memref<1152xf32, #tpu.memory_space<vmem>>) dst(%dma_wait3A_131 : memref<1152xf32, #tpu.memory_space<vmem_shared>>)
    %add3A_134 = arith.constant 0 : i32
    %add3A_135 = arith.addi %mul3A_2, %add3A_134 : i32
    %dma_wait3A_136 = arith.constant 0 : i32
    %dma_wait3A_137 = tpu.memref_slice %arg20[%dma_wait3A_136] : memref<1280xf32, #tpu.memory_space<vmem>> -> memref<1280xf32, #tpu.memory_space<vmem>>
    %dma_wait3A_138 = tpu.memref_slice %arg29[%add3A_135] : memref<100352xf32, #tpu.memory_space<vmem_shared>> -> memref<1280xf32, #tpu.memory_space<vmem_shared>>
    %dma_wait3A_139 = tpu.memref_slice %arg29[%add3A_135] : memref<100352xf32, #tpu.memory_space<vmem_shared>> -> memref<1280xf32, #tpu.memory_space<vmem_shared>>
    %dma_wait3A_140 = arith.constant 0 : i32
    %dma_wait3A_141 = tpu.memref_slice %arg20[%dma_wait3A_140] : memref<1280xf32, #tpu.memory_space<vmem>> -> memref<1280xf32, #tpu.memory_space<vmem>>
    tpu.wait_dma2 semaphore(%arg34 : memref<!tpu.dma_semaphore, #tpu.memory_space<semaphore_mem>>) src(%dma_wait3A_141 : memref<1280xf32, #tpu.memory_space<vmem>>) dst(%dma_wait3A_139 : memref<1280xf32, #tpu.memory_space<vmem_shared>>)
    %add3A_142 = arith.constant 1280 : i32
    %add3A_143 = arith.addi %mul3A_2, %add3A_142 : i32
    %dma_wait3A_144 = arith.constant 0 : i32
    %dma_wait3A_145 = tpu.memref_slice %arg20[%dma_wait3A_144] : memref<1280xf32, #tpu.memory_space<vmem>> -> memref<1280xf32, #tpu.memory_space<vmem>>
    %dma_wait3A_146 = tpu.memref_slice %arg29[%add3A_143] : memref<100352xf32, #tpu.memory_space<vmem_shared>> -> memref<1280xf32, #tpu.memory_space<vmem_shared>>
    %dma_wait3A_147 = tpu.memref_slice %arg29[%add3A_143] : memref<100352xf32, #tpu.memory_space<vmem_shared>> -> memref<1280xf32, #tpu.memory_space<vmem_shared>>
    %dma_wait3A_148 = arith.constant 0 : i32
    %dma_wait3A_149 = tpu.memref_slice %arg20[%dma_wait3A_148] : memref<1280xf32, #tpu.memory_space<vmem>> -> memref<1280xf32, #tpu.memory_space<vmem>>
    tpu.wait_dma2 semaphore(%arg34 : memref<!tpu.dma_semaphore, #tpu.memory_space<semaphore_mem>>) src(%dma_wait3A_149 : memref<1280xf32, #tpu.memory_space<vmem>>) dst(%dma_wait3A_147 : memref<1280xf32, #tpu.memory_space<vmem_shared>>)
    %add3A_150 = arith.constant 2560 : i32
    %add3A_151 = arith.addi %mul3A_2, %add3A_150 : i32
    %dma_wait3A_152 = arith.constant 0 : i32
    %dma_wait3A_153 = tpu.memref_slice %arg20[%dma_wait3A_152] : memref<1280xf32, #tpu.memory_space<vmem>> -> memref<1280xf32, #tpu.memory_space<vmem>>
    %dma_wait3A_154 = tpu.memref_slice %arg29[%add3A_151] : memref<100352xf32, #tpu.memory_space<vmem_shared>> -> memref<1280xf32, #tpu.memory_space<vmem_shared>>
    %dma_wait3A_155 = tpu.memref_slice %arg29[%add3A_151] : memref<100352xf32, #tpu.memory_space<vmem_shared>> -> memref<1280xf32, #tpu.memory_space<vmem_shared>>
    %dma_wait3A_156 = arith.constant 0 : i32
    %dma_wait3A_157 = tpu.memref_slice %arg20[%dma_wait3A_156] : memref<1280xf32, #tpu.memory_space<vmem>> -> memref<1280xf32, #tpu.memory_space<vmem>>
    tpu.wait_dma2 semaphore(%arg34 : memref<!tpu.dma_semaphore, #tpu.memory_space<semaphore_mem>>) src(%dma_wait3A_157 : memref<1280xf32, #tpu.memory_space<vmem>>) dst(%dma_wait3A_155 : memref<1280xf32, #tpu.memory_space<vmem_shared>>)
    %add3A_158 = arith.constant 3840 : i32
    %add3A_159 = arith.addi %mul3A_2, %add3A_158 : i32
    %dma_wait3A_160 = arith.constant 0 : i32
    %dma_wait3A_161 = tpu.memref_slice %arg20[%dma_wait3A_160] : memref<1280xf32, #tpu.memory_space<vmem>> -> memref<1280xf32, #tpu.memory_space<vmem>>
    %dma_wait3A_162 = tpu.memref_slice %arg29[%add3A_159] : memref<100352xf32, #tpu.memory_space<vmem_shared>> -> memref<1280xf32, #tpu.memory_space<vmem_shared>>
    %dma_wait3A_163 = tpu.memref_slice %arg29[%add3A_159] : memref<100352xf32, #tpu.memory_space<vmem_shared>> -> memref<1280xf32, #tpu.memory_space<vmem_shared>>
    %dma_wait3A_164 = arith.constant 0 : i32
    %dma_wait3A_165 = tpu.memref_slice %arg20[%dma_wait3A_164] : memref<1280xf32, #tpu.memory_space<vmem>> -> memref<1280xf32, #tpu.memory_space<vmem>>
    tpu.wait_dma2 semaphore(%arg34 : memref<!tpu.dma_semaphore, #tpu.memory_space<semaphore_mem>>) src(%dma_wait3A_165 : memref<1280xf32, #tpu.memory_space<vmem>>) dst(%dma_wait3A_163 : memref<1280xf32, #tpu.memory_space<vmem_shared>>)
    %add3A_166 = arith.constant 5120 : i32
    %add3A_167 = arith.addi %mul3A_2, %add3A_166 : i32
    %dma_wait3A_168 = arith.constant 0 : i32
    %dma_wait3A_169 = tpu.memref_slice %arg20[%dma_wait3A_168] : memref<1280xf32, #tpu.memory_space<vmem>> -> memref<1152xf32, #tpu.memory_space<vmem>>
    %dma_wait3A_170 = tpu.memref_slice %arg29[%add3A_167] : memref<100352xf32, #tpu.memory_space<vmem_shared>> -> memref<1152xf32, #tpu.memory_space<vmem_shared>>
    %dma_wait3A_171 = tpu.memref_slice %arg29[%add3A_167] : memref<100352xf32, #tpu.memory_space<vmem_shared>> -> memref<1152xf32, #tpu.memory_space<vmem_shared>>
    %dma_wait3A_172 = arith.constant 0 : i32
    %dma_wait3A_173 = tpu.memref_slice %arg20[%dma_wait3A_172] : memref<1280xf32, #tpu.memory_space<vmem>> -> memref<1152xf32, #tpu.memory_space<vmem>>
    tpu.wait_dma2 semaphore(%arg34 : memref<!tpu.dma_semaphore, #tpu.memory_space<semaphore_mem>>) src(%dma_wait3A_173 : memref<1152xf32, #tpu.memory_space<vmem>>) dst(%dma_wait3A_171 : memref<1152xf32, #tpu.memory_space<vmem_shared>>)
    %barrier3A = arith.constant 0 : index
    tpu.barrier barrier_id(%barrier3A)
    %mul3A_174 = arith.constant 256 : i32
    %mul3A_175 = arith.muli %arg1, %mul3A_174 : i32
    %add3A_176 = arith.constant 0 : i32
    %add3A_177 = arith.addi %mul3A_175, %add3A_176 : i32
    %run_scoped3A = arith.constant 0 : i32
    "tpu.region"() ({
      %run_scoped3A_936 = tpu.sem_alloc : memref<!tpu.dma_semaphore, #tpu.memory_space<semaphore_mem>>
      %dma_start3A_937 = arith.constant 0 : i32
      %dma_start3A_938 = tpu.memref_slice %arg26[%run_scoped3A, %dma_start3A_937] : memref<4x128xi32, #tpu.memory_space<vmem>> -> memref<1x128xi32, #tpu.memory_space<vmem>>
      %dma_start3A_939 = tpu.memref_squeeze %dma_start3A_938 : memref<1x128xi32, #tpu.memory_space<vmem>> -> memref<128xi32, #tpu.memory_space<vmem>>
      %dma_start3A_940 = tpu.memref_slice %arg6[%add3A_177] : memref<4096xi32, #tpu.memory_space<hbm>> -> memref<128xi32, #tpu.memory_space<hbm>>
      %dma_start3A_941 = arith.constant 0 : i32
      %dma_start3A_942 = tpu.memref_slice %arg26[%run_scoped3A, %dma_start3A_941] : memref<4x128xi32, #tpu.memory_space<vmem>> -> memref<1x128xi32, #tpu.memory_space<vmem>>
      %dma_start3A_943 = tpu.memref_squeeze %dma_start3A_942 : memref<1x128xi32, #tpu.memory_space<vmem>> -> memref<128xi32, #tpu.memory_space<vmem>>
      %dma_start3A_944 = tpu.memref_slice %arg6[%add3A_177] : memref<4096xi32, #tpu.memory_space<hbm>> -> memref<128xi32, #tpu.memory_space<hbm>>
      tpu.enqueue_dma source(%dma_start3A_944 : memref<128xi32, #tpu.memory_space<hbm>>) target(%dma_start3A_943 : memref<128xi32, #tpu.memory_space<vmem>>) target_semaphore(%run_scoped3A_936 : memref<!tpu.dma_semaphore, #tpu.memory_space<semaphore_mem>>)
      %dma_wait3A_945 = arith.constant 0 : i32
      %dma_wait3A_946 = tpu.memref_slice %arg26[%run_scoped3A, %dma_wait3A_945] : memref<4x128xi32, #tpu.memory_space<vmem>> -> memref<1x128xi32, #tpu.memory_space<vmem>>
      %dma_wait3A_947 = tpu.memref_squeeze %dma_wait3A_946 : memref<1x128xi32, #tpu.memory_space<vmem>> -> memref<128xi32, #tpu.memory_space<vmem>>
      %dma_wait3A_948 = tpu.memref_slice %arg6[%add3A_177] : memref<4096xi32, #tpu.memory_space<hbm>> -> memref<128xi32, #tpu.memory_space<hbm>>
      %dma_wait3A_949 = arith.constant 0 : i32
      %dma_wait3A_950 = tpu.memref_slice %arg26[%run_scoped3A, %dma_wait3A_949] : memref<4x128xi32, #tpu.memory_space<vmem>> -> memref<1x128xi32, #tpu.memory_space<vmem>>
      %dma_wait3A_951 = tpu.memref_squeeze %dma_wait3A_950 : memref<1x128xi32, #tpu.memory_space<vmem>> -> memref<128xi32, #tpu.memory_space<vmem>>
      %dma_wait3A_952 = tpu.memref_slice %arg6[%add3A_177] : memref<4096xi32, #tpu.memory_space<hbm>> -> memref<128xi32, #tpu.memory_space<hbm>>
      tpu.wait_dma2 semaphore(%run_scoped3A_936 : memref<!tpu.dma_semaphore, #tpu.memory_space<semaphore_mem>>) src(%dma_wait3A_952 : memref<128xi32, #tpu.memory_space<hbm>>) dst(%dma_wait3A_951 : memref<128xi32, #tpu.memory_space<vmem>>)
      tpu.yield
    }) : () -> ()
    %mul3A_178 = arith.constant 256 : i32
    %mul3A_179 = arith.muli %arg1, %mul3A_178 : i32
    %add3A_180 = arith.constant 128 : i32
    %add3A_181 = arith.addi %mul3A_179, %add3A_180 : i32
    %run_scoped3A_182 = arith.constant 1 : i32
    "tpu.region"() ({
      %run_scoped3A_936 = tpu.sem_alloc : memref<!tpu.dma_semaphore, #tpu.memory_space<semaphore_mem>>
      %dma_start3A_937 = arith.constant 0 : i32
      %dma_start3A_938 = tpu.memref_slice %arg26[%run_scoped3A_182, %dma_start3A_937] : memref<4x128xi32, #tpu.memory_space<vmem>> -> memref<1x128xi32, #tpu.memory_space<vmem>>
      %dma_start3A_939 = tpu.memref_squeeze %dma_start3A_938 : memref<1x128xi32, #tpu.memory_space<vmem>> -> memref<128xi32, #tpu.memory_space<vmem>>
      %dma_start3A_940 = tpu.memref_slice %arg6[%add3A_181] : memref<4096xi32, #tpu.memory_space<hbm>> -> memref<128xi32, #tpu.memory_space<hbm>>
      %dma_start3A_941 = arith.constant 0 : i32
      %dma_start3A_942 = tpu.memref_slice %arg26[%run_scoped3A_182, %dma_start3A_941] : memref<4x128xi32, #tpu.memory_space<vmem>> -> memref<1x128xi32, #tpu.memory_space<vmem>>
      %dma_start3A_943 = tpu.memref_squeeze %dma_start3A_942 : memref<1x128xi32, #tpu.memory_space<vmem>> -> memref<128xi32, #tpu.memory_space<vmem>>
      %dma_start3A_944 = tpu.memref_slice %arg6[%add3A_181] : memref<4096xi32, #tpu.memory_space<hbm>> -> memref<128xi32, #tpu.memory_space<hbm>>
      tpu.enqueue_dma source(%dma_start3A_944 : memref<128xi32, #tpu.memory_space<hbm>>) target(%dma_start3A_943 : memref<128xi32, #tpu.memory_space<vmem>>) target_semaphore(%run_scoped3A_936 : memref<!tpu.dma_semaphore, #tpu.memory_space<semaphore_mem>>)
      %dma_wait3A_945 = arith.constant 0 : i32
      %dma_wait3A_946 = tpu.memref_slice %arg26[%run_scoped3A_182, %dma_wait3A_945] : memref<4x128xi32, #tpu.memory_space<vmem>> -> memref<1x128xi32, #tpu.memory_space<vmem>>
      %dma_wait3A_947 = tpu.memref_squeeze %dma_wait3A_946 : memref<1x128xi32, #tpu.memory_space<vmem>> -> memref<128xi32, #tpu.memory_space<vmem>>
      %dma_wait3A_948 = tpu.memref_slice %arg6[%add3A_181] : memref<4096xi32, #tpu.memory_space<hbm>> -> memref<128xi32, #tpu.memory_space<hbm>>
      %dma_wait3A_949 = arith.constant 0 : i32
      %dma_wait3A_950 = tpu.memref_slice %arg26[%run_scoped3A_182, %dma_wait3A_949] : memref<4x128xi32, #tpu.memory_space<vmem>> -> memref<1x128xi32, #tpu.memory_space<vmem>>
      %dma_wait3A_951 = tpu.memref_squeeze %dma_wait3A_950 : memref<1x128xi32, #tpu.memory_space<vmem>> -> memref<128xi32, #tpu.memory_space<vmem>>
      %dma_wait3A_952 = tpu.memref_slice %arg6[%add3A_181] : memref<4096xi32, #tpu.memory_space<hbm>> -> memref<128xi32, #tpu.memory_space<hbm>>
      tpu.wait_dma2 semaphore(%run_scoped3A_936 : memref<!tpu.dma_semaphore, #tpu.memory_space<semaphore_mem>>) src(%dma_wait3A_952 : memref<128xi32, #tpu.memory_space<hbm>>) dst(%dma_wait3A_951 : memref<128xi32, #tpu.memory_space<vmem>>)
      tpu.yield
    }) : () -> ()
    %dma_start3A_183 = arith.constant 0 : i32
    %dma_start3A_184 = arith.constant 0 : i32
    %dma_start3A_185 = tpu.memref_slice %arg21[%dma_start3A_184] : memref<1280xf32, #tpu.memory_space<vmem>> -> memref<128xf32, #tpu.memory_space<vmem>>
    %dma_start3A_186 = arith.constant 0 : i32
    %dma_start3A_187 = tpu.memref_slice %arg26[%dma_start3A_183, %dma_start3A_186] : memref<4x128xi32, #tpu.memory_space<vmem>> -> memref<1x128xi32, #tpu.memory_space<vmem>>
    %dma_start3A_188 = tpu.memref_squeeze %dma_start3A_187 : memref<1x128xi32, #tpu.memory_space<vmem>> -> memref<128xi32, #tpu.memory_space<vmem>>
    %dma_start3A_189 = arith.constant 0 : i32
    %dma_start3A_190 = tpu.memref_slice %arg2[%dma_start3A_189] : memref<100000xf32, #tpu.memory_space<hbm>> -> memref<100000xf32, #tpu.memory_space<hbm>>
    tpu.enqueue_indirect_dma source(%dma_start3A_190 : memref<100000xf32, #tpu.memory_space<hbm>>) target(%dma_start3A_185 : memref<128xf32, #tpu.memory_space<vmem>>) offsets(%dma_start3A_188 : memref<128xi32, #tpu.memory_space<vmem>>) semaphore(%arg34 : memref<!tpu.dma_semaphore, #tpu.memory_space<semaphore_mem>>)
    %dma_start3A_191 = arith.constant 1 : i32
    %dma_start3A_192 = arith.constant 128 : i32
    %dma_start3A_193 = tpu.memref_slice %arg21[%dma_start3A_192] : memref<1280xf32, #tpu.memory_space<vmem>> -> memref<128xf32, #tpu.memory_space<vmem>>
    %dma_start3A_194 = arith.constant 0 : i32
    %dma_start3A_195 = tpu.memref_slice %arg26[%dma_start3A_191, %dma_start3A_194] : memref<4x128xi32, #tpu.memory_space<vmem>> -> memref<1x128xi32, #tpu.memory_space<vmem>>
    %dma_start3A_196 = tpu.memref_squeeze %dma_start3A_195 : memref<1x128xi32, #tpu.memory_space<vmem>> -> memref<128xi32, #tpu.memory_space<vmem>>
    %dma_start3A_197 = arith.constant 0 : i32
    %dma_start3A_198 = tpu.memref_slice %arg2[%dma_start3A_197] : memref<100000xf32, #tpu.memory_space<hbm>> -> memref<100000xf32, #tpu.memory_space<hbm>>
    tpu.enqueue_indirect_dma source(%dma_start3A_198 : memref<100000xf32, #tpu.memory_space<hbm>>) target(%dma_start3A_193 : memref<128xf32, #tpu.memory_space<vmem>>) offsets(%dma_start3A_196 : memref<128xi32, #tpu.memory_space<vmem>>) semaphore(%arg34 : memref<!tpu.dma_semaphore, #tpu.memory_space<semaphore_mem>>)
    %dma_wait3A_199 = arith.constant 0 : i32
    %dma_wait3A_200 = arith.constant 0 : i32
    %dma_wait3A_201 = tpu.memref_slice %arg21[%dma_wait3A_200] : memref<1280xf32, #tpu.memory_space<vmem>> -> memref<128xf32, #tpu.memory_space<vmem>>
    %dma_wait3A_202 = arith.constant 0 : i32
    %dma_wait3A_203 = tpu.memref_slice %arg26[%dma_wait3A_199, %dma_wait3A_202] : memref<4x128xi32, #tpu.memory_space<vmem>> -> memref<1x128xi32, #tpu.memory_space<vmem>>
    %dma_wait3A_204 = tpu.memref_squeeze %dma_wait3A_203 : memref<1x128xi32, #tpu.memory_space<vmem>> -> memref<128xi32, #tpu.memory_space<vmem>>
    %dma_wait3A_205 = arith.constant 0 : i32
    %dma_wait3A_206 = tpu.memref_slice %arg2[%dma_wait3A_205] : memref<100000xf32, #tpu.memory_space<hbm>> -> memref<100000xf32, #tpu.memory_space<hbm>>
    tpu.wait_indirect_dma semaphore(%arg34 : memref<!tpu.dma_semaphore, #tpu.memory_space<semaphore_mem>>) src(%dma_wait3A_206 : memref<100000xf32, #tpu.memory_space<hbm>>) dst(%dma_wait3A_201 : memref<128xf32, #tpu.memory_space<vmem>>)
    %dma_wait3A_207 = arith.constant 1 : i32
    %dma_wait3A_208 = arith.constant 128 : i32
    %dma_wait3A_209 = tpu.memref_slice %arg21[%dma_wait3A_208] : memref<1280xf32, #tpu.memory_space<vmem>> -> memref<128xf32, #tpu.memory_space<vmem>>
    %dma_wait3A_210 = arith.constant 0 : i32
    %dma_wait3A_211 = tpu.memref_slice %arg26[%dma_wait3A_207, %dma_wait3A_210] : memref<4x128xi32, #tpu.memory_space<vmem>> -> memref<1x128xi32, #tpu.memory_space<vmem>>
    %dma_wait3A_212 = tpu.memref_squeeze %dma_wait3A_211 : memref<1x128xi32, #tpu.memory_space<vmem>> -> memref<128xi32, #tpu.memory_space<vmem>>
    %dma_wait3A_213 = arith.constant 0 : i32
    %dma_wait3A_214 = tpu.memref_slice %arg2[%dma_wait3A_213] : memref<100000xf32, #tpu.memory_space<hbm>> -> memref<100000xf32, #tpu.memory_space<hbm>>
    tpu.wait_indirect_dma semaphore(%arg34 : memref<!tpu.dma_semaphore, #tpu.memory_space<semaphore_mem>>) src(%dma_wait3A_214 : memref<100000xf32, #tpu.memory_space<hbm>>) dst(%dma_wait3A_209 : memref<128xf32, #tpu.memory_space<vmem>>)
    %dma_start3A_215 = arith.constant 0 : i32
    %dma_start3A_216 = arith.constant 0 : i32
    %dma_start3A_217 = tpu.memref_slice %arg21[%dma_start3A_216] : memref<1280xf32, #tpu.memory_space<vmem>> -> memref<128xf32, #tpu.memory_space<vmem>>
    %dma_start3A_218 = arith.constant 0 : i32
    %dma_start3A_219 = tpu.memref_slice %arg26[%dma_start3A_215, %dma_start3A_218] : memref<4x128xi32, #tpu.memory_space<vmem>> -> memref<1x128xi32, #tpu.memory_space<vmem>>
    %dma_start3A_220 = tpu.memref_squeeze %dma_start3A_219 : memref<1x128xi32, #tpu.memory_space<vmem>> -> memref<128xi32, #tpu.memory_space<vmem>>
    %dma_start3A_221 = arith.constant 0 : i32
    %dma_start3A_222 = tpu.memref_slice %arg28[%dma_start3A_221] : memref<100352xf32, #tpu.memory_space<vmem_shared>> -> memref<100352xf32, #tpu.memory_space<vmem_shared>>
    tpu.enqueue_indirect_dma source(%dma_start3A_217 : memref<128xf32, #tpu.memory_space<vmem>>) target(%dma_start3A_222 : memref<100352xf32, #tpu.memory_space<vmem_shared>>) offsets(%dma_start3A_220 : memref<128xi32, #tpu.memory_space<vmem>>) semaphore(%arg34 : memref<!tpu.dma_semaphore, #tpu.memory_space<semaphore_mem>>) {add = true}
    %dma_start3A_223 = arith.constant 0 : i32
    %dma_start3A_224 = arith.constant 0 : i32
    %dma_start3A_225 = tpu.memref_slice %arg27[%dma_start3A_224] : memref<1280xf32, #tpu.memory_space<vmem>> -> memref<128xf32, #tpu.memory_space<vmem>>
    %dma_start3A_226 = arith.constant 0 : i32
    %dma_start3A_227 = tpu.memref_slice %arg26[%dma_start3A_223, %dma_start3A_226] : memref<4x128xi32, #tpu.memory_space<vmem>> -> memref<1x128xi32, #tpu.memory_space<vmem>>
    %dma_start3A_228 = tpu.memref_squeeze %dma_start3A_227 : memref<1x128xi32, #tpu.memory_space<vmem>> -> memref<128xi32, #tpu.memory_space<vmem>>
    %dma_start3A_229 = arith.constant 0 : i32
    %dma_start3A_230 = tpu.memref_slice %arg29[%dma_start3A_229] : memref<100352xf32, #tpu.memory_space<vmem_shared>> -> memref<100352xf32, #tpu.memory_space<vmem_shared>>
    tpu.enqueue_indirect_dma source(%dma_start3A_225 : memref<128xf32, #tpu.memory_space<vmem>>) target(%dma_start3A_230 : memref<100352xf32, #tpu.memory_space<vmem_shared>>) offsets(%dma_start3A_228 : memref<128xi32, #tpu.memory_space<vmem>>) semaphore(%arg34 : memref<!tpu.dma_semaphore, #tpu.memory_space<semaphore_mem>>) {add = true}
    %dma_start3A_231 = arith.constant 1 : i32
    %dma_start3A_232 = arith.constant 128 : i32
    %dma_start3A_233 = tpu.memref_slice %arg21[%dma_start3A_232] : memref<1280xf32, #tpu.memory_space<vmem>> -> memref<128xf32, #tpu.memory_space<vmem>>
    %dma_start3A_234 = arith.constant 0 : i32
    %dma_start3A_235 = tpu.memref_slice %arg26[%dma_start3A_231, %dma_start3A_234] : memref<4x128xi32, #tpu.memory_space<vmem>> -> memref<1x128xi32, #tpu.memory_space<vmem>>
    %dma_start3A_236 = tpu.memref_squeeze %dma_start3A_235 : memref<1x128xi32, #tpu.memory_space<vmem>> -> memref<128xi32, #tpu.memory_space<vmem>>
    %dma_start3A_237 = arith.constant 0 : i32
    %dma_start3A_238 = tpu.memref_slice %arg28[%dma_start3A_237] : memref<100352xf32, #tpu.memory_space<vmem_shared>> -> memref<100352xf32, #tpu.memory_space<vmem_shared>>
    tpu.enqueue_indirect_dma source(%dma_start3A_233 : memref<128xf32, #tpu.memory_space<vmem>>) target(%dma_start3A_238 : memref<100352xf32, #tpu.memory_space<vmem_shared>>) offsets(%dma_start3A_236 : memref<128xi32, #tpu.memory_space<vmem>>) semaphore(%arg34 : memref<!tpu.dma_semaphore, #tpu.memory_space<semaphore_mem>>) {add = true}
    %dma_start3A_239 = arith.constant 1 : i32
    %dma_start3A_240 = arith.constant 0 : i32
    %dma_start3A_241 = tpu.memref_slice %arg27[%dma_start3A_240] : memref<1280xf32, #tpu.memory_space<vmem>> -> memref<128xf32, #tpu.memory_space<vmem>>
    %dma_start3A_242 = arith.constant 0 : i32
    %dma_start3A_243 = tpu.memref_slice %arg26[%dma_start3A_239, %dma_start3A_242] : memref<4x128xi32, #tpu.memory_space<vmem>> -> memref<1x128xi32, #tpu.memory_space<vmem>>
    %dma_start3A_244 = tpu.memref_squeeze %dma_start3A_243 : memref<1x128xi32, #tpu.memory_space<vmem>> -> memref<128xi32, #tpu.memory_space<vmem>>
    %dma_start3A_245 = arith.constant 0 : i32
    %dma_start3A_246 = tpu.memref_slice %arg29[%dma_start3A_245] : memref<100352xf32, #tpu.memory_space<vmem_shared>> -> memref<100352xf32, #tpu.memory_space<vmem_shared>>
    tpu.enqueue_indirect_dma source(%dma_start3A_241 : memref<128xf32, #tpu.memory_space<vmem>>) target(%dma_start3A_246 : memref<100352xf32, #tpu.memory_space<vmem_shared>>) offsets(%dma_start3A_244 : memref<128xi32, #tpu.memory_space<vmem>>) semaphore(%arg34 : memref<!tpu.dma_semaphore, #tpu.memory_space<semaphore_mem>>) {add = true}
    %dma_wait3A_247 = arith.constant 0 : i32
    %dma_wait3A_248 = arith.constant 0 : i32
    %dma_wait3A_249 = tpu.memref_slice %arg21[%dma_wait3A_248] : memref<1280xf32, #tpu.memory_space<vmem>> -> memref<128xf32, #tpu.memory_space<vmem>>
    %dma_wait3A_250 = arith.constant 0 : i32
    %dma_wait3A_251 = tpu.memref_slice %arg26[%dma_wait3A_247, %dma_wait3A_250] : memref<4x128xi32, #tpu.memory_space<vmem>> -> memref<1x128xi32, #tpu.memory_space<vmem>>
    %dma_wait3A_252 = tpu.memref_squeeze %dma_wait3A_251 : memref<1x128xi32, #tpu.memory_space<vmem>> -> memref<128xi32, #tpu.memory_space<vmem>>
    %dma_wait3A_253 = arith.constant 0 : i32
    %dma_wait3A_254 = tpu.memref_slice %arg28[%dma_wait3A_253] : memref<100352xf32, #tpu.memory_space<vmem_shared>> -> memref<100352xf32, #tpu.memory_space<vmem_shared>>
    tpu.wait_indirect_dma semaphore(%arg34 : memref<!tpu.dma_semaphore, #tpu.memory_space<semaphore_mem>>) src(%dma_wait3A_249 : memref<128xf32, #tpu.memory_space<vmem>>) dst(%dma_wait3A_254 : memref<100352xf32, #tpu.memory_space<vmem_shared>>)
    %dma_wait3A_255 = arith.constant 0 : i32
    %dma_wait3A_256 = arith.constant 0 : i32
    %dma_wait3A_257 = tpu.memref_slice %arg27[%dma_wait3A_256] : memref<1280xf32, #tpu.memory_space<vmem>> -> memref<128xf32, #tpu.memory_space<vmem>>
    %dma_wait3A_258 = arith.constant 0 : i32
    %dma_wait3A_259 = tpu.memref_slice %arg26[%dma_wait3A_255, %dma_wait3A_258] : memref<4x128xi32, #tpu.memory_space<vmem>> -> memref<1x128xi32, #tpu.memory_space<vmem>>
    %dma_wait3A_260 = tpu.memref_squeeze %dma_wait3A_259 : memref<1x128xi32, #tpu.memory_space<vmem>> -> memref<128xi32, #tpu.memory_space<vmem>>
    %dma_wait3A_261 = arith.constant 0 : i32
    %dma_wait3A_262 = tpu.memref_slice %arg29[%dma_wait3A_261] : memref<100352xf32, #tpu.memory_space<vmem_shared>> -> memref<100352xf32, #tpu.memory_space<vmem_shared>>
    tpu.wait_indirect_dma semaphore(%arg34 : memref<!tpu.dma_semaphore, #tpu.memory_space<semaphore_mem>>) src(%dma_wait3A_257 : memref<128xf32, #tpu.memory_space<vmem>>) dst(%dma_wait3A_262 : memref<100352xf32, #tpu.memory_space<vmem_shared>>)
    %dma_wait3A_263 = arith.constant 1 : i32
    %dma_wait3A_264 = arith.constant 128 : i32
    %dma_wait3A_265 = tpu.memref_slice %arg21[%dma_wait3A_264] : memref<1280xf32, #tpu.memory_space<vmem>> -> memref<128xf32, #tpu.memory_space<vmem>>
    %dma_wait3A_266 = arith.constant 0 : i32
    %dma_wait3A_267 = tpu.memref_slice %arg26[%dma_wait3A_263, %dma_wait3A_266] : memref<4x128xi32, #tpu.memory_space<vmem>> -> memref<1x128xi32, #tpu.memory_space<vmem>>
    %dma_wait3A_268 = tpu.memref_squeeze %dma_wait3A_267 : memref<1x128xi32, #tpu.memory_space<vmem>> -> memref<128xi32, #tpu.memory_space<vmem>>
    %dma_wait3A_269 = arith.constant 0 : i32
    %dma_wait3A_270 = tpu.memref_slice %arg28[%dma_wait3A_269] : memref<100352xf32, #tpu.memory_space<vmem_shared>> -> memref<100352xf32, #tpu.memory_space<vmem_shared>>
    tpu.wait_indirect_dma semaphore(%arg34 : memref<!tpu.dma_semaphore, #tpu.memory_space<semaphore_mem>>) src(%dma_wait3A_265 : memref<128xf32, #tpu.memory_space<vmem>>) dst(%dma_wait3A_270 : memref<100352xf32, #tpu.memory_space<vmem_shared>>)
    %dma_wait3A_271 = arith.constant 1 : i32
    %dma_wait3A_272 = arith.constant 0 : i32
    %dma_wait3A_273 = tpu.memref_slice %arg27[%dma_wait3A_272] : memref<1280xf32, #tpu.memory_space<vmem>> -> memref<128xf32, #tpu.memory_space<vmem>>
    %dma_wait3A_274 = arith.constant 0 : i32
    %dma_wait3A_275 = tpu.memref_slice %arg26[%dma_wait3A_271, %dma_wait3A_274] : memref<4x128xi32, #tpu.memory_space<vmem>> -> memref<1x128xi32, #tpu.memory_space<vmem>>
    %dma_wait3A_276 = tpu.memref_squeeze %dma_wait3A_275 : memref<1x128xi32, #tpu.memory_space<vmem>> -> memref<128xi32, #tpu.memory_space<vmem>>
    %dma_wait3A_277 = arith.constant 0 : i32
    %dma_wait3A_278 = tpu.memref_slice %arg29[%dma_wait3A_277] : memref<100352xf32, #tpu.memory_space<vmem_shared>> -> memref<100352xf32, #tpu.memory_space<vmem_shared>>
    tpu.wait_indirect_dma semaphore(%arg34 : memref<!tpu.dma_semaphore, #tpu.memory_space<semaphore_mem>>) src(%dma_wait3A_273 : memref<128xf32, #tpu.memory_space<vmem>>) dst(%dma_wait3A_278 : memref<100352xf32, #tpu.memory_space<vmem_shared>>)
    %barrier3A_279 = arith.constant 0 : index
    tpu.barrier barrier_id(%barrier3A_279)
    %add3A_280 = arith.constant 0 : i32
    %add3A_281 = arith.addi %mul3A_2, %add3A_280 : i32
    %dma_start3A_282 = arith.constant 0 : i32
    %dma_start3A_283 = tpu.memref_slice %arg18[%dma_start3A_282] : memref<1280xf32, #tpu.memory_space<vmem>> -> memref<1280xf32, #tpu.memory_space<vmem>>
    %dma_start3A_284 = tpu.memref_slice %arg29[%add3A_281] : memref<100352xf32, #tpu.memory_space<vmem_shared>> -> memref<1280xf32, #tpu.memory_space<vmem_shared>>
    %dma_start3A_285 = arith.constant 0 : i32
    %dma_start3A_286 = tpu.memref_slice %arg18[%dma_start3A_285] : memref<1280xf32, #tpu.memory_space<vmem>> -> memref<1280xf32, #tpu.memory_space<vmem>>
    %dma_start3A_287 = tpu.memref_slice %arg29[%add3A_281] : memref<100352xf32, #tpu.memory_space<vmem_shared>> -> memref<1280xf32, #tpu.memory_space<vmem_shared>>
    tpu.enqueue_dma source(%dma_start3A_287 : memref<1280xf32, #tpu.memory_space<vmem_shared>>) target(%dma_start3A_286 : memref<1280xf32, #tpu.memory_space<vmem>>) target_semaphore(%arg34 : memref<!tpu.dma_semaphore, #tpu.memory_space<semaphore_mem>>)
    %add3A_288 = arith.constant 0 : i32
    %add3A_289 = arith.addi %mul3A_2, %add3A_288 : i32
    %dma_start3A_290 = arith.constant 0 : i32
    %dma_start3A_291 = tpu.memref_slice %arg19[%dma_start3A_290] : memref<1280xf32, #tpu.memory_space<vmem>> -> memref<1280xf32, #tpu.memory_space<vmem>>
    %dma_start3A_292 = tpu.memref_slice %arg28[%add3A_289] : memref<100352xf32, #tpu.memory_space<vmem_shared>> -> memref<1280xf32, #tpu.memory_space<vmem_shared>>
    %dma_start3A_293 = arith.constant 0 : i32
    %dma_start3A_294 = tpu.memref_slice %arg19[%dma_start3A_293] : memref<1280xf32, #tpu.memory_space<vmem>> -> memref<1280xf32, #tpu.memory_space<vmem>>
    %dma_start3A_295 = tpu.memref_slice %arg28[%add3A_289] : memref<100352xf32, #tpu.memory_space<vmem_shared>> -> memref<1280xf32, #tpu.memory_space<vmem_shared>>
    tpu.enqueue_dma source(%dma_start3A_295 : memref<1280xf32, #tpu.memory_space<vmem_shared>>) target(%dma_start3A_294 : memref<1280xf32, #tpu.memory_space<vmem>>) target_semaphore(%arg34 : memref<!tpu.dma_semaphore, #tpu.memory_space<semaphore_mem>>)
    %add3A_296 = arith.constant 0 : i32
    %add3A_297 = arith.addi %mul3A_2, %add3A_296 : i32
    %dma_wait3A_298 = arith.constant 0 : i32
    %dma_wait3A_299 = tpu.memref_slice %arg18[%dma_wait3A_298] : memref<1280xf32, #tpu.memory_space<vmem>> -> memref<1280xf32, #tpu.memory_space<vmem>>
    %dma_wait3A_300 = tpu.memref_slice %arg29[%add3A_297] : memref<100352xf32, #tpu.memory_space<vmem_shared>> -> memref<1280xf32, #tpu.memory_space<vmem_shared>>
    %dma_wait3A_301 = arith.constant 0 : i32
    %dma_wait3A_302 = tpu.memref_slice %arg18[%dma_wait3A_301] : memref<1280xf32, #tpu.memory_space<vmem>> -> memref<1280xf32, #tpu.memory_space<vmem>>
    %dma_wait3A_303 = tpu.memref_slice %arg29[%add3A_297] : memref<100352xf32, #tpu.memory_space<vmem_shared>> -> memref<1280xf32, #tpu.memory_space<vmem_shared>>
    tpu.wait_dma2 semaphore(%arg34 : memref<!tpu.dma_semaphore, #tpu.memory_space<semaphore_mem>>) src(%dma_wait3A_303 : memref<1280xf32, #tpu.memory_space<vmem_shared>>) dst(%dma_wait3A_302 : memref<1280xf32, #tpu.memory_space<vmem>>)
    %add3A_304 = arith.constant 0 : i32
    %add3A_305 = arith.addi %mul3A_2, %add3A_304 : i32
    %dma_wait3A_306 = arith.constant 0 : i32
    %dma_wait3A_307 = tpu.memref_slice %arg19[%dma_wait3A_306] : memref<1280xf32, #tpu.memory_space<vmem>> -> memref<1280xf32, #tpu.memory_space<vmem>>
    %dma_wait3A_308 = tpu.memref_slice %arg28[%add3A_305] : memref<100352xf32, #tpu.memory_space<vmem_shared>> -> memref<1280xf32, #tpu.memory_space<vmem_shared>>
    %dma_wait3A_309 = arith.constant 0 : i32
    %dma_wait3A_310 = tpu.memref_slice %arg19[%dma_wait3A_309] : memref<1280xf32, #tpu.memory_space<vmem>> -> memref<1280xf32, #tpu.memory_space<vmem>>
    %dma_wait3A_311 = tpu.memref_slice %arg28[%add3A_305] : memref<100352xf32, #tpu.memory_space<vmem_shared>> -> memref<1280xf32, #tpu.memory_space<vmem_shared>>
    tpu.wait_dma2 semaphore(%arg34 : memref<!tpu.dma_semaphore, #tpu.memory_space<semaphore_mem>>) src(%dma_wait3A_311 : memref<1280xf32, #tpu.memory_space<vmem_shared>>) dst(%dma_wait3A_310 : memref<1280xf32, #tpu.memory_space<vmem>>)
    %add3A_312 = arith.constant 0 : i32
    %add3A_313 = arith.addi %mul3A_2, %add3A_312 : i32
    %dma_start3A_314 = arith.constant 0 : i32
    %dma_start3A_315 = tpu.memref_slice %arg20[%dma_start3A_314] : memref<1280xf32, #tpu.memory_space<vmem>> -> memref<1280xf32, #tpu.memory_space<vmem>>
    %dma_start3A_316 = tpu.memref_slice %arg28[%add3A_313] : memref<100352xf32, #tpu.memory_space<vmem_shared>> -> memref<1280xf32, #tpu.memory_space<vmem_shared>>
    %dma_start3A_317 = tpu.memref_slice %arg28[%add3A_313] : memref<100352xf32, #tpu.memory_space<vmem_shared>> -> memref<1280xf32, #tpu.memory_space<vmem_shared>>
    %dma_start3A_318 = arith.constant 0 : i32
    %dma_start3A_319 = tpu.memref_slice %arg20[%dma_start3A_318] : memref<1280xf32, #tpu.memory_space<vmem>> -> memref<1280xf32, #tpu.memory_space<vmem>>
    tpu.enqueue_dma source(%dma_start3A_319 : memref<1280xf32, #tpu.memory_space<vmem>>) target(%dma_start3A_317 : memref<1280xf32, #tpu.memory_space<vmem_shared>>) target_semaphore(%arg31 : memref<!tpu.dma_semaphore, #tpu.memory_space<semaphore_mem>>)
    %add3A_320 = arith.constant 0 : i32
    %add3A_321 = arith.addi %mul3A_2, %add3A_320 : i32
    %dma_start3A_322 = arith.constant 0 : i32
    %dma_start3A_323 = tpu.memref_slice %arg20[%dma_start3A_322] : memref<1280xf32, #tpu.memory_space<vmem>> -> memref<1280xf32, #tpu.memory_space<vmem>>
    %dma_start3A_324 = tpu.memref_slice %arg29[%add3A_321] : memref<100352xf32, #tpu.memory_space<vmem_shared>> -> memref<1280xf32, #tpu.memory_space<vmem_shared>>
    %dma_start3A_325 = tpu.memref_slice %arg29[%add3A_321] : memref<100352xf32, #tpu.memory_space<vmem_shared>> -> memref<1280xf32, #tpu.memory_space<vmem_shared>>
    %dma_start3A_326 = arith.constant 0 : i32
    %dma_start3A_327 = tpu.memref_slice %arg20[%dma_start3A_326] : memref<1280xf32, #tpu.memory_space<vmem>> -> memref<1280xf32, #tpu.memory_space<vmem>>
    tpu.enqueue_dma source(%dma_start3A_327 : memref<1280xf32, #tpu.memory_space<vmem>>) target(%dma_start3A_325 : memref<1280xf32, #tpu.memory_space<vmem_shared>>) target_semaphore(%arg31 : memref<!tpu.dma_semaphore, #tpu.memory_space<semaphore_mem>>)
    %scan3A_328 = arith.constant 0 : i32
    %scan3A_329 = arith.constant 0 : i32
    %scan3A_330 = arith.constant 80 : i32
    %scan3A_331 = arith.addi %scan3A_329, %scan3A_330 : i32
    %scan3A_332 = arith.constant 1 : i32
    %scan3A_333 = scf.for %scan3A_936 = %scan3A_329 to %scan3A_331 step %scan3A_332 iter_args(%scan3A_937 = %scan3A_328) -> (i32)  : i32 {
      %mul3A_938 = arith.constant 16 : i32
      %mul3A_939 = arith.muli %scan3A_936, %mul3A_938 : i32
      %get3A = arith.index_cast %mul3A_939 : i32 to index
      %get3A_940 = tpu.vector_load %arg18[%get3A] {strides = array<i32>} : memref<1280xf32, #tpu.memory_space<vmem>>, vector<16xf32>,
      %mul3A_941 = arith.constant 16 : i32
      %mul3A_942 = arith.muli %scan3A_936, %mul3A_941 : i32
      %get3A_943 = arith.index_cast %mul3A_942 : i32 to index
      %get3A_944 = tpu.vector_load %arg19[%get3A_943] {strides = array<i32>} : memref<1280xf32, #tpu.memory_space<vmem>>, vector<16xf32>,
      %gt3A = arith.constant 0.000000e+00 : f32
      %gt3A_945 = vector.broadcast %gt3A : f32 to vector<16xf32>
      %gt3A_946 = arith.cmpf ogt, %get3A_940, %gt3A_945 : vector<16xf32>
      %add3A_947 = arith.constant 1.000000e+00 : f32
      %add3A_948 = vector.broadcast %add3A_947 : f32 to vector<16xf32>
      %add3A_949 = arith.addf %get3A_944, %add3A_948 : vector<16xf32>
      %broadcast_in_dim3A = arith.constant 0.000000e+00 : f32
      %broadcast_in_dim3A_950 = vector.broadcast %broadcast_in_dim3A : f32 to vector<16xf32>
      %select_n3A = arith.select %gt3A_946, %add3A_949, %broadcast_in_dim3A_950 : vector<16xi1>, vector<16xf32>
      %mul3A_951 = arith.constant 16 : i32
      %mul3A_952 = arith.muli %scan3A_936, %mul3A_951 : i32
      %swap3A = arith.index_cast %mul3A_952 : i32 to index
      %swap3A_953 = tpu.vector_load %arg19[%swap3A] {strides = array<i32>} : memref<1280xf32, #tpu.memory_space<vmem>>, vector<16xf32>,
      tpu.vector_store %arg19[%swap3A], %select_n3A {strides = array<i32>} : memref<1280xf32, #tpu.memory_space<vmem>>, vector<16xf32>,
      %scan3A_954 = arith.constant 0 : i32
      scf.yield %scan3A_954 : i32
    }
    %scan3A_334 = arith.constant 80 : i32
    %add3A_335 = arith.constant 0 : i32
    %add3A_336 = arith.addi %mul3A_2, %add3A_335 : i32
    "tpu.region"() ({
      %run_scoped3A_936 = tpu.sem_alloc : memref<!tpu.dma_semaphore, #tpu.memory_space<semaphore_mem>>
      %dma_start3A_937 = arith.constant 0 : i32
      %dma_start3A_938 = tpu.memref_slice %arg19[%dma_start3A_937] : memref<1280xf32, #tpu.memory_space<vmem>> -> memref<1280xf32, #tpu.memory_space<vmem>>
      %dma_start3A_939 = tpu.memref_slice %arg12[%arg0, %add3A_336] : memref<2x100352xf32, #tpu.memory_space<hbm>> -> memref<1x1280xf32, #tpu.memory_space<hbm>>
      %dma_start3A_940 = tpu.memref_squeeze %dma_start3A_939 : memref<1x1280xf32, #tpu.memory_space<hbm>> -> memref<1280xf32, #tpu.memory_space<hbm>>
      %dma_start3A_941 = tpu.memref_slice %arg12[%arg0, %add3A_336] : memref<2x100352xf32, #tpu.memory_space<hbm>> -> memref<1x1280xf32, #tpu.memory_space<hbm>>
      %dma_start3A_942 = tpu.memref_squeeze %dma_start3A_941 : memref<1x1280xf32, #tpu.memory_space<hbm>> -> memref<1280xf32, #tpu.memory_space<hbm>>
      %dma_start3A_943 = arith.constant 0 : i32
      %dma_start3A_944 = tpu.memref_slice %arg19[%dma_start3A_943] : memref<1280xf32, #tpu.memory_space<vmem>> -> memref<1280xf32, #tpu.memory_space<vmem>>
      tpu.enqueue_dma source(%dma_start3A_944 : memref<1280xf32, #tpu.memory_space<vmem>>) target(%dma_start3A_942 : memref<1280xf32, #tpu.memory_space<hbm>>) target_semaphore(%run_scoped3A_936 : memref<!tpu.dma_semaphore, #tpu.memory_space<semaphore_mem>>)
      %dma_wait3A_945 = arith.constant 0 : i32
      %dma_wait3A_946 = tpu.memref_slice %arg19[%dma_wait3A_945] : memref<1280xf32, #tpu.memory_space<vmem>> -> memref<1280xf32, #tpu.memory_space<vmem>>
      %dma_wait3A_947 = tpu.memref_slice %arg12[%arg0, %add3A_336] : memref<2x100352xf32, #tpu.memory_space<hbm>> -> memref<1x1280xf32, #tpu.memory_space<hbm>>
      %dma_wait3A_948 = tpu.memref_squeeze %dma_wait3A_947 : memref<1x1280xf32, #tpu.memory_space<hbm>> -> memref<1280xf32, #tpu.memory_space<hbm>>
      %dma_wait3A_949 = tpu.memref_slice %arg12[%arg0, %add3A_336] : memref<2x100352xf32, #tpu.memory_space<hbm>> -> memref<1x1280xf32, #tpu.memory_space<hbm>>
      %dma_wait3A_950 = tpu.memref_squeeze %dma_wait3A_949 : memref<1x1280xf32, #tpu.memory_space<hbm>> -> memref<1280xf32, #tpu.memory_space<hbm>>
      %dma_wait3A_951 = arith.constant 0 : i32
      %dma_wait3A_952 = tpu.memref_slice %arg19[%dma_wait3A_951] : memref<1280xf32, #tpu.memory_space<vmem>> -> memref<1280xf32, #tpu.memory_space<vmem>>
      tpu.wait_dma2 semaphore(%run_scoped3A_936 : memref<!tpu.dma_semaphore, #tpu.memory_space<semaphore_mem>>) src(%dma_wait3A_952 : memref<1280xf32, #tpu.memory_space<vmem>>) dst(%dma_wait3A_950 : memref<1280xf32, #tpu.memory_space<hbm>>)
      tpu.yield
    }) : () -> ()
    %add3A_337 = arith.constant 1280 : i32
    %add3A_338 = arith.addi %mul3A_2, %add3A_337 : i32
    %dma_start3A_339 = arith.constant 0 : i32
    %dma_start3A_340 = tpu.memref_slice %arg18[%dma_start3A_339] : memref<1280xf32, #tpu.memory_space<vmem>> -> memref<1280xf32, #tpu.memory_space<vmem>>
    %dma_start3A_341 = tpu.memref_slice %arg29[%add3A_338] : memref<100352xf32, #tpu.memory_space<vmem_shared>> -> memref<1280xf32, #tpu.memory_space<vmem_shared>>
    %dma_start3A_342 = arith.constant 0 : i32
    %dma_start3A_343 = tpu.memref_slice %arg18[%dma_start3A_342] : memref<1280xf32, #tpu.memory_space<vmem>> -> memref<1280xf32, #tpu.memory_space<vmem>>
    %dma_start3A_344 = tpu.memref_slice %arg29[%add3A_338] : memref<100352xf32, #tpu.memory_space<vmem_shared>> -> memref<1280xf32, #tpu.memory_space<vmem_shared>>
    tpu.enqueue_dma source(%dma_start3A_344 : memref<1280xf32, #tpu.memory_space<vmem_shared>>) target(%dma_start3A_343 : memref<1280xf32, #tpu.memory_space<vmem>>) target_semaphore(%arg34 : memref<!tpu.dma_semaphore, #tpu.memory_space<semaphore_mem>>)
    %add3A_345 = arith.constant 1280 : i32
    %add3A_346 = arith.addi %mul3A_2, %add3A_345 : i32
    %dma_start3A_347 = arith.constant 0 : i32
    %dma_start3A_348 = tpu.memref_slice %arg19[%dma_start3A_347] : memref<1280xf32, #tpu.memory_space<vmem>> -> memref<1280xf32, #tpu.memory_space<vmem>>
    %dma_start3A_349 = tpu.memref_slice %arg28[%add3A_346] : memref<100352xf32, #tpu.memory_space<vmem_shared>> -> memref<1280xf32, #tpu.memory_space<vmem_shared>>
    %dma_start3A_350 = arith.constant 0 : i32
    %dma_start3A_351 = tpu.memref_slice %arg19[%dma_start3A_350] : memref<1280xf32, #tpu.memory_space<vmem>> -> memref<1280xf32, #tpu.memory_space<vmem>>
    %dma_start3A_352 = tpu.memref_slice %arg28[%add3A_346] : memref<100352xf32, #tpu.memory_space<vmem_shared>> -> memref<1280xf32, #tpu.memory_space<vmem_shared>>
    tpu.enqueue_dma source(%dma_start3A_352 : memref<1280xf32, #tpu.memory_space<vmem_shared>>) target(%dma_start3A_351 : memref<1280xf32, #tpu.memory_space<vmem>>) target_semaphore(%arg34 : memref<!tpu.dma_semaphore, #tpu.memory_space<semaphore_mem>>)
    %add3A_353 = arith.constant 1280 : i32
    %add3A_354 = arith.addi %mul3A_2, %add3A_353 : i32
    %dma_wait3A_355 = arith.constant 0 : i32
    %dma_wait3A_356 = tpu.memref_slice %arg18[%dma_wait3A_355] : memref<1280xf32, #tpu.memory_space<vmem>> -> memref<1280xf32, #tpu.memory_space<vmem>>
    %dma_wait3A_357 = tpu.memref_slice %arg29[%add3A_354] : memref<100352xf32, #tpu.memory_space<vmem_shared>> -> memref<1280xf32, #tpu.memory_space<vmem_shared>>
    %dma_wait3A_358 = arith.constant 0 : i32
    %dma_wait3A_359 = tpu.memref_slice %arg18[%dma_wait3A_358] : memref<1280xf32, #tpu.memory_space<vmem>> -> memref<1280xf32, #tpu.memory_space<vmem>>
    %dma_wait3A_360 = tpu.memref_slice %arg29[%add3A_354] : memref<100352xf32, #tpu.memory_space<vmem_shared>> -> memref<1280xf32, #tpu.memory_space<vmem_shared>>
    tpu.wait_dma2 semaphore(%arg34 : memref<!tpu.dma_semaphore, #tpu.memory_space<semaphore_mem>>) src(%dma_wait3A_360 : memref<1280xf32, #tpu.memory_space<vmem_shared>>) dst(%dma_wait3A_359 : memref<1280xf32, #tpu.memory_space<vmem>>)
    %add3A_361 = arith.constant 1280 : i32
    %add3A_362 = arith.addi %mul3A_2, %add3A_361 : i32
    %dma_wait3A_363 = arith.constant 0 : i32
    %dma_wait3A_364 = tpu.memref_slice %arg19[%dma_wait3A_363] : memref<1280xf32, #tpu.memory_space<vmem>> -> memref<1280xf32, #tpu.memory_space<vmem>>
    %dma_wait3A_365 = tpu.memref_slice %arg28[%add3A_362] : memref<100352xf32, #tpu.memory_space<vmem_shared>> -> memref<1280xf32, #tpu.memory_space<vmem_shared>>
    %dma_wait3A_366 = arith.constant 0 : i32
    %dma_wait3A_367 = tpu.memref_slice %arg19[%dma_wait3A_366] : memref<1280xf32, #tpu.memory_space<vmem>> -> memref<1280xf32, #tpu.memory_space<vmem>>
    %dma_wait3A_368 = tpu.memref_slice %arg28[%add3A_362] : memref<100352xf32, #tpu.memory_space<vmem_shared>> -> memref<1280xf32, #tpu.memory_space<vmem_shared>>
    tpu.wait_dma2 semaphore(%arg34 : memref<!tpu.dma_semaphore, #tpu.memory_space<semaphore_mem>>) src(%dma_wait3A_368 : memref<1280xf32, #tpu.memory_space<vmem_shared>>) dst(%dma_wait3A_367 : memref<1280xf32, #tpu.memory_space<vmem>>)
    %add3A_369 = arith.constant 1280 : i32
    %add3A_370 = arith.addi %mul3A_2, %add3A_369 : i32
    %dma_start3A_371 = arith.constant 0 : i32
    %dma_start3A_372 = tpu.memref_slice %arg20[%dma_start3A_371] : memref<1280xf32, #tpu.memory_space<vmem>> -> memref<1280xf32, #tpu.memory_space<vmem>>
    %dma_start3A_373 = tpu.memref_slice %arg28[%add3A_370] : memref<100352xf32, #tpu.memory_space<vmem_shared>> -> memref<1280xf32, #tpu.memory_space<vmem_shared>>
    %dma_start3A_374 = tpu.memref_slice %arg28[%add3A_370] : memref<100352xf32, #tpu.memory_space<vmem_shared>> -> memref<1280xf32, #tpu.memory_space<vmem_shared>>
    %dma_start3A_375 = arith.constant 0 : i32
    %dma_start3A_376 = tpu.memref_slice %arg20[%dma_start3A_375] : memref<1280xf32, #tpu.memory_space<vmem>> -> memref<1280xf32, #tpu.memory_space<vmem>>
    tpu.enqueue_dma source(%dma_start3A_376 : memref<1280xf32, #tpu.memory_space<vmem>>) target(%dma_start3A_374 : memref<1280xf32, #tpu.memory_space<vmem_shared>>) target_semaphore(%arg31 : memref<!tpu.dma_semaphore, #tpu.memory_space<semaphore_mem>>)
    %add3A_377 = arith.constant 1280 : i32
    %add3A_378 = arith.addi %mul3A_2, %add3A_377 : i32
    %dma_start3A_379 = arith.constant 0 : i32
    %dma_start3A_380 = tpu.memref_slice %arg20[%dma_start3A_379] : memref<1280xf32, #tpu.memory_space<vmem>> -> memref<1280xf32, #tpu.memory_space<vmem>>
    %dma_start3A_381 = tpu.memref_slice %arg29[%add3A_378] : memref<100352xf32, #tpu.memory_space<vmem_shared>> -> memref<1280xf32, #tpu.memory_space<vmem_shared>>
    %dma_start3A_382 = tpu.memref_slice %arg29[%add3A_378] : memref<100352xf32, #tpu.memory_space<vmem_shared>> -> memref<1280xf32, #tpu.memory_space<vmem_shared>>
    %dma_start3A_383 = arith.constant 0 : i32
    %dma_start3A_384 = tpu.memref_slice %arg20[%dma_start3A_383] : memref<1280xf32, #tpu.memory_space<vmem>> -> memref<1280xf32, #tpu.memory_space<vmem>>
    tpu.enqueue_dma source(%dma_start3A_384 : memref<1280xf32, #tpu.memory_space<vmem>>) target(%dma_start3A_382 : memref<1280xf32, #tpu.memory_space<vmem_shared>>) target_semaphore(%arg31 : memref<!tpu.dma_semaphore, #tpu.memory_space<semaphore_mem>>)
    %scan3A_385 = arith.constant 0 : i32
    %scan3A_386 = arith.constant 0 : i32
    %scan3A_387 = arith.constant 80 : i32
    %scan3A_388 = arith.addi %scan3A_386, %scan3A_387 : i32
    %scan3A_389 = arith.constant 1 : i32
    %scan3A_390 = scf.for %scan3A_936 = %scan3A_386 to %scan3A_388 step %scan3A_389 iter_args(%scan3A_937 = %scan3A_385) -> (i32)  : i32 {
      %mul3A_938 = arith.constant 16 : i32
      %mul3A_939 = arith.muli %scan3A_936, %mul3A_938 : i32
      %get3A = arith.index_cast %mul3A_939 : i32 to index
      %get3A_940 = tpu.vector_load %arg18[%get3A] {strides = array<i32>} : memref<1280xf32, #tpu.memory_space<vmem>>, vector<16xf32>,
      %mul3A_941 = arith.constant 16 : i32
      %mul3A_942 = arith.muli %scan3A_936, %mul3A_941 : i32
      %get3A_943 = arith.index_cast %mul3A_942 : i32 to index
      %get3A_944 = tpu.vector_load %arg19[%get3A_943] {strides = array<i32>} : memref<1280xf32, #tpu.memory_space<vmem>>, vector<16xf32>,
      %gt3A = arith.constant 0.000000e+00 : f32
      %gt3A_945 = vector.broadcast %gt3A : f32 to vector<16xf32>
      %gt3A_946 = arith.cmpf ogt, %get3A_940, %gt3A_945 : vector<16xf32>
      %add3A_947 = arith.constant 1.000000e+00 : f32
      %add3A_948 = vector.broadcast %add3A_947 : f32 to vector<16xf32>
      %add3A_949 = arith.addf %get3A_944, %add3A_948 : vector<16xf32>
      %broadcast_in_dim3A = arith.constant 0.000000e+00 : f32
      %broadcast_in_dim3A_950 = vector.broadcast %broadcast_in_dim3A : f32 to vector<16xf32>
      %select_n3A = arith.select %gt3A_946, %add3A_949, %broadcast_in_dim3A_950 : vector<16xi1>, vector<16xf32>
      %mul3A_951 = arith.constant 16 : i32
      %mul3A_952 = arith.muli %scan3A_936, %mul3A_951 : i32
      %swap3A = arith.index_cast %mul3A_952 : i32 to index
      %swap3A_953 = tpu.vector_load %arg19[%swap3A] {strides = array<i32>} : memref<1280xf32, #tpu.memory_space<vmem>>, vector<16xf32>,
      tpu.vector_store %arg19[%swap3A], %select_n3A {strides = array<i32>} : memref<1280xf32, #tpu.memory_space<vmem>>, vector<16xf32>,
      %scan3A_954 = arith.constant 0 : i32
      scf.yield %scan3A_954 : i32
    }
    %scan3A_391 = arith.constant 80 : i32
    %add3A_392 = arith.constant 1280 : i32
    %add3A_393 = arith.addi %mul3A_2, %add3A_392 : i32
    "tpu.region"() ({
      %run_scoped3A_936 = tpu.sem_alloc : memref<!tpu.dma_semaphore, #tpu.memory_space<semaphore_mem>>
      %dma_start3A_937 = arith.constant 0 : i32
      %dma_start3A_938 = tpu.memref_slice %arg19[%dma_start3A_937] : memref<1280xf32, #tpu.memory_space<vmem>> -> memref<1280xf32, #tpu.memory_space<vmem>>
      %dma_start3A_939 = tpu.memref_slice %arg12[%arg0, %add3A_393] : memref<2x100352xf32, #tpu.memory_space<hbm>> -> memref<1x1280xf32, #tpu.memory_space<hbm>>
      %dma_start3A_940 = tpu.memref_squeeze %dma_start3A_939 : memref<1x1280xf32, #tpu.memory_space<hbm>> -> memref<1280xf32, #tpu.memory_space<hbm>>
      %dma_start3A_941 = tpu.memref_slice %arg12[%arg0, %add3A_393] : memref<2x100352xf32, #tpu.memory_space<hbm>> -> memref<1x1280xf32, #tpu.memory_space<hbm>>
      %dma_start3A_942 = tpu.memref_squeeze %dma_start3A_941 : memref<1x1280xf32, #tpu.memory_space<hbm>> -> memref<1280xf32, #tpu.memory_space<hbm>>
      %dma_start3A_943 = arith.constant 0 : i32
      %dma_start3A_944 = tpu.memref_slice %arg19[%dma_start3A_943] : memref<1280xf32, #tpu.memory_space<vmem>> -> memref<1280xf32, #tpu.memory_space<vmem>>
      tpu.enqueue_dma source(%dma_start3A_944 : memref<1280xf32, #tpu.memory_space<vmem>>) target(%dma_start3A_942 : memref<1280xf32, #tpu.memory_space<hbm>>) target_semaphore(%run_scoped3A_936 : memref<!tpu.dma_semaphore, #tpu.memory_space<semaphore_mem>>)
      %dma_wait3A_945 = arith.constant 0 : i32
      %dma_wait3A_946 = tpu.memref_slice %arg19[%dma_wait3A_945] : memref<1280xf32, #tpu.memory_space<vmem>> -> memref<1280xf32, #tpu.memory_space<vmem>>
      %dma_wait3A_947 = tpu.memref_slice %arg12[%arg0, %add3A_393] : memref<2x100352xf32, #tpu.memory_space<hbm>> -> memref<1x1280xf32, #tpu.memory_space<hbm>>
      %dma_wait3A_948 = tpu.memref_squeeze %dma_wait3A_947 : memref<1x1280xf32, #tpu.memory_space<hbm>> -> memref<1280xf32, #tpu.memory_space<hbm>>
      %dma_wait3A_949 = tpu.memref_slice %arg12[%arg0, %add3A_393] : memref<2x100352xf32, #tpu.memory_space<hbm>> -> memref<1x1280xf32, #tpu.memory_space<hbm>>
      %dma_wait3A_950 = tpu.memref_squeeze %dma_wait3A_949 : memref<1x1280xf32, #tpu.memory_space<hbm>> -> memref<1280xf32, #tpu.memory_space<hbm>>
      %dma_wait3A_951 = arith.constant 0 : i32
      %dma_wait3A_952 = tpu.memref_slice %arg19[%dma_wait3A_951] : memref<1280xf32, #tpu.memory_space<vmem>> -> memref<1280xf32, #tpu.memory_space<vmem>>
      tpu.wait_dma2 semaphore(%run_scoped3A_936 : memref<!tpu.dma_semaphore, #tpu.memory_space<semaphore_mem>>) src(%dma_wait3A_952 : memref<1280xf32, #tpu.memory_space<vmem>>) dst(%dma_wait3A_950 : memref<1280xf32, #tpu.memory_space<hbm>>)
      tpu.yield
    }) : () -> ()
    %add3A_394 = arith.constant 2560 : i32
    %add3A_395 = arith.addi %mul3A_2, %add3A_394 : i32
    %dma_start3A_396 = arith.constant 0 : i32
    %dma_start3A_397 = tpu.memref_slice %arg18[%dma_start3A_396] : memref<1280xf32, #tpu.memory_space<vmem>> -> memref<1280xf32, #tpu.memory_space<vmem>>
    %dma_start3A_398 = tpu.memref_slice %arg29[%add3A_395] : memref<100352xf32, #tpu.memory_space<vmem_shared>> -> memref<1280xf32, #tpu.memory_space<vmem_shared>>
    %dma_start3A_399 = arith.constant 0 : i32
    %dma_start3A_400 = tpu.memref_slice %arg18[%dma_start3A_399] : memref<1280xf32, #tpu.memory_space<vmem>> -> memref<1280xf32, #tpu.memory_space<vmem>>
    %dma_start3A_401 = tpu.memref_slice %arg29[%add3A_395] : memref<100352xf32, #tpu.memory_space<vmem_shared>> -> memref<1280xf32, #tpu.memory_space<vmem_shared>>
    tpu.enqueue_dma source(%dma_start3A_401 : memref<1280xf32, #tpu.memory_space<vmem_shared>>) target(%dma_start3A_400 : memref<1280xf32, #tpu.memory_space<vmem>>) target_semaphore(%arg34 : memref<!tpu.dma_semaphore, #tpu.memory_space<semaphore_mem>>)
    %add3A_402 = arith.constant 2560 : i32
    %add3A_403 = arith.addi %mul3A_2, %add3A_402 : i32
    %dma_start3A_404 = arith.constant 0 : i32
    %dma_start3A_405 = tpu.memref_slice %arg19[%dma_start3A_404] : memref<1280xf32, #tpu.memory_space<vmem>> -> memref<1280xf32, #tpu.memory_space<vmem>>
    %dma_start3A_406 = tpu.memref_slice %arg28[%add3A_403] : memref<100352xf32, #tpu.memory_space<vmem_shared>> -> memref<1280xf32, #tpu.memory_space<vmem_shared>>
    %dma_start3A_407 = arith.constant 0 : i32
    %dma_start3A_408 = tpu.memref_slice %arg19[%dma_start3A_407] : memref<1280xf32, #tpu.memory_space<vmem>> -> memref<1280xf32, #tpu.memory_space<vmem>>
    %dma_start3A_409 = tpu.memref_slice %arg28[%add3A_403] : memref<100352xf32, #tpu.memory_space<vmem_shared>> -> memref<1280xf32, #tpu.memory_space<vmem_shared>>
    tpu.enqueue_dma source(%dma_start3A_409 : memref<1280xf32, #tpu.memory_space<vmem_shared>>) target(%dma_start3A_408 : memref<1280xf32, #tpu.memory_space<vmem>>) target_semaphore(%arg34 : memref<!tpu.dma_semaphore, #tpu.memory_space<semaphore_mem>>)
    %add3A_410 = arith.constant 2560 : i32
    %add3A_411 = arith.addi %mul3A_2, %add3A_410 : i32
    %dma_wait3A_412 = arith.constant 0 : i32
    %dma_wait3A_413 = tpu.memref_slice %arg18[%dma_wait3A_412] : memref<1280xf32, #tpu.memory_space<vmem>> -> memref<1280xf32, #tpu.memory_space<vmem>>
    %dma_wait3A_414 = tpu.memref_slice %arg29[%add3A_411] : memref<100352xf32, #tpu.memory_space<vmem_shared>> -> memref<1280xf32, #tpu.memory_space<vmem_shared>>
    %dma_wait3A_415 = arith.constant 0 : i32
    %dma_wait3A_416 = tpu.memref_slice %arg18[%dma_wait3A_415] : memref<1280xf32, #tpu.memory_space<vmem>> -> memref<1280xf32, #tpu.memory_space<vmem>>
    %dma_wait3A_417 = tpu.memref_slice %arg29[%add3A_411] : memref<100352xf32, #tpu.memory_space<vmem_shared>> -> memref<1280xf32, #tpu.memory_space<vmem_shared>>
    tpu.wait_dma2 semaphore(%arg34 : memref<!tpu.dma_semaphore, #tpu.memory_space<semaphore_mem>>) src(%dma_wait3A_417 : memref<1280xf32, #tpu.memory_space<vmem_shared>>) dst(%dma_wait3A_416 : memref<1280xf32, #tpu.memory_space<vmem>>)
    %add3A_418 = arith.constant 2560 : i32
    %add3A_419 = arith.addi %mul3A_2, %add3A_418 : i32
    %dma_wait3A_420 = arith.constant 0 : i32
    %dma_wait3A_421 = tpu.memref_slice %arg19[%dma_wait3A_420] : memref<1280xf32, #tpu.memory_space<vmem>> -> memref<1280xf32, #tpu.memory_space<vmem>>
    %dma_wait3A_422 = tpu.memref_slice %arg28[%add3A_419] : memref<100352xf32, #tpu.memory_space<vmem_shared>> -> memref<1280xf32, #tpu.memory_space<vmem_shared>>
    %dma_wait3A_423 = arith.constant 0 : i32
    %dma_wait3A_424 = tpu.memref_slice %arg19[%dma_wait3A_423] : memref<1280xf32, #tpu.memory_space<vmem>> -> memref<1280xf32, #tpu.memory_space<vmem>>
    %dma_wait3A_425 = tpu.memref_slice %arg28[%add3A_419] : memref<100352xf32, #tpu.memory_space<vmem_shared>> -> memref<1280xf32, #tpu.memory_space<vmem_shared>>
    tpu.wait_dma2 semaphore(%arg34 : memref<!tpu.dma_semaphore, #tpu.memory_space<semaphore_mem>>) src(%dma_wait3A_425 : memref<1280xf32, #tpu.memory_space<vmem_shared>>) dst(%dma_wait3A_424 : memref<1280xf32, #tpu.memory_space<vmem>>)
    %add3A_426 = arith.constant 2560 : i32
    %add3A_427 = arith.addi %mul3A_2, %add3A_426 : i32
    %dma_start3A_428 = arith.constant 0 : i32
    %dma_start3A_429 = tpu.memref_slice %arg20[%dma_start3A_428] : memref<1280xf32, #tpu.memory_space<vmem>> -> memref<1280xf32, #tpu.memory_space<vmem>>
    %dma_start3A_430 = tpu.memref_slice %arg28[%add3A_427] : memref<100352xf32, #tpu.memory_space<vmem_shared>> -> memref<1280xf32, #tpu.memory_space<vmem_shared>>
    %dma_start3A_431 = tpu.memref_slice %arg28[%add3A_427] : memref<100352xf32, #tpu.memory_space<vmem_shared>> -> memref<1280xf32, #tpu.memory_space<vmem_shared>>
    %dma_start3A_432 = arith.constant 0 : i32
    %dma_start3A_433 = tpu.memref_slice %arg20[%dma_start3A_432] : memref<1280xf32, #tpu.memory_space<vmem>> -> memref<1280xf32, #tpu.memory_space<vmem>>
    tpu.enqueue_dma source(%dma_start3A_433 : memref<1280xf32, #tpu.memory_space<vmem>>) target(%dma_start3A_431 : memref<1280xf32, #tpu.memory_space<vmem_shared>>) target_semaphore(%arg31 : memref<!tpu.dma_semaphore, #tpu.memory_space<semaphore_mem>>)
    %add3A_434 = arith.constant 2560 : i32
    %add3A_435 = arith.addi %mul3A_2, %add3A_434 : i32
    %dma_start3A_436 = arith.constant 0 : i32
    %dma_start3A_437 = tpu.memref_slice %arg20[%dma_start3A_436] : memref<1280xf32, #tpu.memory_space<vmem>> -> memref<1280xf32, #tpu.memory_space<vmem>>
    %dma_start3A_438 = tpu.memref_slice %arg29[%add3A_435] : memref<100352xf32, #tpu.memory_space<vmem_shared>> -> memref<1280xf32, #tpu.memory_space<vmem_shared>>
    %dma_start3A_439 = tpu.memref_slice %arg29[%add3A_435] : memref<100352xf32, #tpu.memory_space<vmem_shared>> -> memref<1280xf32, #tpu.memory_space<vmem_shared>>
    %dma_start3A_440 = arith.constant 0 : i32
    %dma_start3A_441 = tpu.memref_slice %arg20[%dma_start3A_440] : memref<1280xf32, #tpu.memory_space<vmem>> -> memref<1280xf32, #tpu.memory_space<vmem>>
    tpu.enqueue_dma source(%dma_start3A_441 : memref<1280xf32, #tpu.memory_space<vmem>>) target(%dma_start3A_439 : memref<1280xf32, #tpu.memory_space<vmem_shared>>) target_semaphore(%arg31 : memref<!tpu.dma_semaphore, #tpu.memory_space<semaphore_mem>>)
    %scan3A_442 = arith.constant 0 : i32
    %scan3A_443 = arith.constant 0 : i32
    %scan3A_444 = arith.constant 80 : i32
    %scan3A_445 = arith.addi %scan3A_443, %scan3A_444 : i32
    %scan3A_446 = arith.constant 1 : i32
    %scan3A_447 = scf.for %scan3A_936 = %scan3A_443 to %scan3A_445 step %scan3A_446 iter_args(%scan3A_937 = %scan3A_442) -> (i32)  : i32 {
      %mul3A_938 = arith.constant 16 : i32
      %mul3A_939 = arith.muli %scan3A_936, %mul3A_938 : i32
      %get3A = arith.index_cast %mul3A_939 : i32 to index
      %get3A_940 = tpu.vector_load %arg18[%get3A] {strides = array<i32>} : memref<1280xf32, #tpu.memory_space<vmem>>, vector<16xf32>,
      %mul3A_941 = arith.constant 16 : i32
      %mul3A_942 = arith.muli %scan3A_936, %mul3A_941 : i32
      %get3A_943 = arith.index_cast %mul3A_942 : i32 to index
      %get3A_944 = tpu.vector_load %arg19[%get3A_943] {strides = array<i32>} : memref<1280xf32, #tpu.memory_space<vmem>>, vector<16xf32>,
      %gt3A = arith.constant 0.000000e+00 : f32
      %gt3A_945 = vector.broadcast %gt3A : f32 to vector<16xf32>
      %gt3A_946 = arith.cmpf ogt, %get3A_940, %gt3A_945 : vector<16xf32>
      %add3A_947 = arith.constant 1.000000e+00 : f32
      %add3A_948 = vector.broadcast %add3A_947 : f32 to vector<16xf32>
      %add3A_949 = arith.addf %get3A_944, %add3A_948 : vector<16xf32>
      %broadcast_in_dim3A = arith.constant 0.000000e+00 : f32
      %broadcast_in_dim3A_950 = vector.broadcast %broadcast_in_dim3A : f32 to vector<16xf32>
      %select_n3A = arith.select %gt3A_946, %add3A_949, %broadcast_in_dim3A_950 : vector<16xi1>, vector<16xf32>
      %mul3A_951 = arith.constant 16 : i32
      %mul3A_952 = arith.muli %scan3A_936, %mul3A_951 : i32
      %swap3A = arith.index_cast %mul3A_952 : i32 to index
      %swap3A_953 = tpu.vector_load %arg19[%swap3A] {strides = array<i32>} : memref<1280xf32, #tpu.memory_space<vmem>>, vector<16xf32>,
      tpu.vector_store %arg19[%swap3A], %select_n3A {strides = array<i32>} : memref<1280xf32, #tpu.memory_space<vmem>>, vector<16xf32>,
      %scan3A_954 = arith.constant 0 : i32
      scf.yield %scan3A_954 : i32
    }
    %scan3A_448 = arith.constant 80 : i32
    %add3A_449 = arith.constant 2560 : i32
    %add3A_450 = arith.addi %mul3A_2, %add3A_449 : i32
    "tpu.region"() ({
      %run_scoped3A_936 = tpu.sem_alloc : memref<!tpu.dma_semaphore, #tpu.memory_space<semaphore_mem>>
      %dma_start3A_937 = arith.constant 0 : i32
      %dma_start3A_938 = tpu.memref_slice %arg19[%dma_start3A_937] : memref<1280xf32, #tpu.memory_space<vmem>> -> memref<1280xf32, #tpu.memory_space<vmem>>
      %dma_start3A_939 = tpu.memref_slice %arg12[%arg0, %add3A_450] : memref<2x100352xf32, #tpu.memory_space<hbm>> -> memref<1x1280xf32, #tpu.memory_space<hbm>>
      %dma_start3A_940 = tpu.memref_squeeze %dma_start3A_939 : memref<1x1280xf32, #tpu.memory_space<hbm>> -> memref<1280xf32, #tpu.memory_space<hbm>>
      %dma_start3A_941 = tpu.memref_slice %arg12[%arg0, %add3A_450] : memref<2x100352xf32, #tpu.memory_space<hbm>> -> memref<1x1280xf32, #tpu.memory_space<hbm>>
      %dma_start3A_942 = tpu.memref_squeeze %dma_start3A_941 : memref<1x1280xf32, #tpu.memory_space<hbm>> -> memref<1280xf32, #tpu.memory_space<hbm>>
      %dma_start3A_943 = arith.constant 0 : i32
      %dma_start3A_944 = tpu.memref_slice %arg19[%dma_start3A_943] : memref<1280xf32, #tpu.memory_space<vmem>> -> memref<1280xf32, #tpu.memory_space<vmem>>
      tpu.enqueue_dma source(%dma_start3A_944 : memref<1280xf32, #tpu.memory_space<vmem>>) target(%dma_start3A_942 : memref<1280xf32, #tpu.memory_space<hbm>>) target_semaphore(%run_scoped3A_936 : memref<!tpu.dma_semaphore, #tpu.memory_space<semaphore_mem>>)
      %dma_wait3A_945 = arith.constant 0 : i32
      %dma_wait3A_946 = tpu.memref_slice %arg19[%dma_wait3A_945] : memref<1280xf32, #tpu.memory_space<vmem>> -> memref<1280xf32, #tpu.memory_space<vmem>>
      %dma_wait3A_947 = tpu.memref_slice %arg12[%arg0, %add3A_450] : memref<2x100352xf32, #tpu.memory_space<hbm>> -> memref<1x1280xf32, #tpu.memory_space<hbm>>
      %dma_wait3A_948 = tpu.memref_squeeze %dma_wait3A_947 : memref<1x1280xf32, #tpu.memory_space<hbm>> -> memref<1280xf32, #tpu.memory_space<hbm>>
      %dma_wait3A_949 = tpu.memref_slice %arg12[%arg0, %add3A_450] : memref<2x100352xf32, #tpu.memory_space<hbm>> -> memref<1x1280xf32, #tpu.memory_space<hbm>>
      %dma_wait3A_950 = tpu.memref_squeeze %dma_wait3A_949 : memref<1x1280xf32, #tpu.memory_space<hbm>> -> memref<1280xf32, #tpu.memory_space<hbm>>
      %dma_wait3A_951 = arith.constant 0 : i32
      %dma_wait3A_952 = tpu.memref_slice %arg19[%dma_wait3A_951] : memref<1280xf32, #tpu.memory_space<vmem>> -> memref<1280xf32, #tpu.memory_space<vmem>>
      tpu.wait_dma2 semaphore(%run_scoped3A_936 : memref<!tpu.dma_semaphore, #tpu.memory_space<semaphore_mem>>) src(%dma_wait3A_952 : memref<1280xf32, #tpu.memory_space<vmem>>) dst(%dma_wait3A_950 : memref<1280xf32, #tpu.memory_space<hbm>>)
      tpu.yield
    }) : () -> ()
    %add3A_451 = arith.constant 3840 : i32
    %add3A_452 = arith.addi %mul3A_2, %add3A_451 : i32
    %dma_start3A_453 = arith.constant 0 : i32
    %dma_start3A_454 = tpu.memref_slice %arg18[%dma_start3A_453] : memref<1280xf32, #tpu.memory_space<vmem>> -> memref<1280xf32, #tpu.memory_space<vmem>>
    %dma_start3A_455 = tpu.memref_slice %arg29[%add3A_452] : memref<100352xf32, #tpu.memory_space<vmem_shared>> -> memref<1280xf32, #tpu.memory_space<vmem_shared>>
    %dma_start3A_456 = arith.constant 0 : i32
    %dma_start3A_457 = tpu.memref_slice %arg18[%dma_start3A_456] : memref<1280xf32, #tpu.memory_space<vmem>> -> memref<1280xf32, #tpu.memory_space<vmem>>
    %dma_start3A_458 = tpu.memref_slice %arg29[%add3A_452] : memref<100352xf32, #tpu.memory_space<vmem_shared>> -> memref<1280xf32, #tpu.memory_space<vmem_shared>>
    tpu.enqueue_dma source(%dma_start3A_458 : memref<1280xf32, #tpu.memory_space<vmem_shared>>) target(%dma_start3A_457 : memref<1280xf32, #tpu.memory_space<vmem>>) target_semaphore(%arg34 : memref<!tpu.dma_semaphore, #tpu.memory_space<semaphore_mem>>)
    %add3A_459 = arith.constant 3840 : i32
    %add3A_460 = arith.addi %mul3A_2, %add3A_459 : i32
    %dma_start3A_461 = arith.constant 0 : i32
    %dma_start3A_462 = tpu.memref_slice %arg19[%dma_start3A_461] : memref<1280xf32, #tpu.memory_space<vmem>> -> memref<1280xf32, #tpu.memory_space<vmem>>
    %dma_start3A_463 = tpu.memref_slice %arg28[%add3A_460] : memref<100352xf32, #tpu.memory_space<vmem_shared>> -> memref<1280xf32, #tpu.memory_space<vmem_shared>>
    %dma_start3A_464 = arith.constant 0 : i32
    %dma_start3A_465 = tpu.memref_slice %arg19[%dma_start3A_464] : memref<1280xf32, #tpu.memory_space<vmem>> -> memref<1280xf32, #tpu.memory_space<vmem>>
    %dma_start3A_466 = tpu.memref_slice %arg28[%add3A_460] : memref<100352xf32, #tpu.memory_space<vmem_shared>> -> memref<1280xf32, #tpu.memory_space<vmem_shared>>
    tpu.enqueue_dma source(%dma_start3A_466 : memref<1280xf32, #tpu.memory_space<vmem_shared>>) target(%dma_start3A_465 : memref<1280xf32, #tpu.memory_space<vmem>>) target_semaphore(%arg34 : memref<!tpu.dma_semaphore, #tpu.memory_space<semaphore_mem>>)
    %add3A_467 = arith.constant 3840 : i32
    %add3A_468 = arith.addi %mul3A_2, %add3A_467 : i32
    %dma_wait3A_469 = arith.constant 0 : i32
    %dma_wait3A_470 = tpu.memref_slice %arg18[%dma_wait3A_469] : memref<1280xf32, #tpu.memory_space<vmem>> -> memref<1280xf32, #tpu.memory_space<vmem>>
    %dma_wait3A_471 = tpu.memref_slice %arg29[%add3A_468] : memref<100352xf32, #tpu.memory_space<vmem_shared>> -> memref<1280xf32, #tpu.memory_space<vmem_shared>>
    %dma_wait3A_472 = arith.constant 0 : i32
    %dma_wait3A_473 = tpu.memref_slice %arg18[%dma_wait3A_472] : memref<1280xf32, #tpu.memory_space<vmem>> -> memref<1280xf32, #tpu.memory_space<vmem>>
    %dma_wait3A_474 = tpu.memref_slice %arg29[%add3A_468] : memref<100352xf32, #tpu.memory_space<vmem_shared>> -> memref<1280xf32, #tpu.memory_space<vmem_shared>>
    tpu.wait_dma2 semaphore(%arg34 : memref<!tpu.dma_semaphore, #tpu.memory_space<semaphore_mem>>) src(%dma_wait3A_474 : memref<1280xf32, #tpu.memory_space<vmem_shared>>) dst(%dma_wait3A_473 : memref<1280xf32, #tpu.memory_space<vmem>>)
    %add3A_475 = arith.constant 3840 : i32
    %add3A_476 = arith.addi %mul3A_2, %add3A_475 : i32
    %dma_wait3A_477 = arith.constant 0 : i32
    %dma_wait3A_478 = tpu.memref_slice %arg19[%dma_wait3A_477] : memref<1280xf32, #tpu.memory_space<vmem>> -> memref<1280xf32, #tpu.memory_space<vmem>>
    %dma_wait3A_479 = tpu.memref_slice %arg28[%add3A_476] : memref<100352xf32, #tpu.memory_space<vmem_shared>> -> memref<1280xf32, #tpu.memory_space<vmem_shared>>
    %dma_wait3A_480 = arith.constant 0 : i32
    %dma_wait3A_481 = tpu.memref_slice %arg19[%dma_wait3A_480] : memref<1280xf32, #tpu.memory_space<vmem>> -> memref<1280xf32, #tpu.memory_space<vmem>>
    %dma_wait3A_482 = tpu.memref_slice %arg28[%add3A_476] : memref<100352xf32, #tpu.memory_space<vmem_shared>> -> memref<1280xf32, #tpu.memory_space<vmem_shared>>
    tpu.wait_dma2 semaphore(%arg34 : memref<!tpu.dma_semaphore, #tpu.memory_space<semaphore_mem>>) src(%dma_wait3A_482 : memref<1280xf32, #tpu.memory_space<vmem_shared>>) dst(%dma_wait3A_481 : memref<1280xf32, #tpu.memory_space<vmem>>)
    %add3A_483 = arith.constant 3840 : i32
    %add3A_484 = arith.addi %mul3A_2, %add3A_483 : i32
    %dma_start3A_485 = arith.constant 0 : i32
    %dma_start3A_486 = tpu.memref_slice %arg20[%dma_start3A_485] : memref<1280xf32, #tpu.memory_space<vmem>> -> memref<1280xf32, #tpu.memory_space<vmem>>
    %dma_start3A_487 = tpu.memref_slice %arg28[%add3A_484] : memref<100352xf32, #tpu.memory_space<vmem_shared>> -> memref<1280xf32, #tpu.memory_space<vmem_shared>>
    %dma_start3A_488 = tpu.memref_slice %arg28[%add3A_484] : memref<100352xf32, #tpu.memory_space<vmem_shared>> -> memref<1280xf32, #tpu.memory_space<vmem_shared>>
    %dma_start3A_489 = arith.constant 0 : i32
    %dma_start3A_490 = tpu.memref_slice %arg20[%dma_start3A_489] : memref<1280xf32, #tpu.memory_space<vmem>> -> memref<1280xf32, #tpu.memory_space<vmem>>
    tpu.enqueue_dma source(%dma_start3A_490 : memref<1280xf32, #tpu.memory_space<vmem>>) target(%dma_start3A_488 : memref<1280xf32, #tpu.memory_space<vmem_shared>>) target_semaphore(%arg31 : memref<!tpu.dma_semaphore, #tpu.memory_space<semaphore_mem>>)
    %add3A_491 = arith.constant 3840 : i32
    %add3A_492 = arith.addi %mul3A_2, %add3A_491 : i32
    %dma_start3A_493 = arith.constant 0 : i32
    %dma_start3A_494 = tpu.memref_slice %arg20[%dma_start3A_493] : memref<1280xf32, #tpu.memory_space<vmem>> -> memref<1280xf32, #tpu.memory_space<vmem>>
    %dma_start3A_495 = tpu.memref_slice %arg29[%add3A_492] : memref<100352xf32, #tpu.memory_space<vmem_shared>> -> memref<1280xf32, #tpu.memory_space<vmem_shared>>
    %dma_start3A_496 = tpu.memref_slice %arg29[%add3A_492] : memref<100352xf32, #tpu.memory_space<vmem_shared>> -> memref<1280xf32, #tpu.memory_space<vmem_shared>>
    %dma_start3A_497 = arith.constant 0 : i32
    %dma_start3A_498 = tpu.memref_slice %arg20[%dma_start3A_497] : memref<1280xf32, #tpu.memory_space<vmem>> -> memref<1280xf32, #tpu.memory_space<vmem>>
    tpu.enqueue_dma source(%dma_start3A_498 : memref<1280xf32, #tpu.memory_space<vmem>>) target(%dma_start3A_496 : memref<1280xf32, #tpu.memory_space<vmem_shared>>) target_semaphore(%arg31 : memref<!tpu.dma_semaphore, #tpu.memory_space<semaphore_mem>>)
    %scan3A_499 = arith.constant 0 : i32
    %scan3A_500 = arith.constant 0 : i32
    %scan3A_501 = arith.constant 80 : i32
    %scan3A_502 = arith.addi %scan3A_500, %scan3A_501 : i32
    %scan3A_503 = arith.constant 1 : i32
    %scan3A_504 = scf.for %scan3A_936 = %scan3A_500 to %scan3A_502 step %scan3A_503 iter_args(%scan3A_937 = %scan3A_499) -> (i32)  : i32 {
      %mul3A_938 = arith.constant 16 : i32
      %mul3A_939 = arith.muli %scan3A_936, %mul3A_938 : i32
      %get3A = arith.index_cast %mul3A_939 : i32 to index
      %get3A_940 = tpu.vector_load %arg18[%get3A] {strides = array<i32>} : memref<1280xf32, #tpu.memory_space<vmem>>, vector<16xf32>,
      %mul3A_941 = arith.constant 16 : i32
      %mul3A_942 = arith.muli %scan3A_936, %mul3A_941 : i32
      %get3A_943 = arith.index_cast %mul3A_942 : i32 to index
      %get3A_944 = tpu.vector_load %arg19[%get3A_943] {strides = array<i32>} : memref<1280xf32, #tpu.memory_space<vmem>>, vector<16xf32>,
      %gt3A = arith.constant 0.000000e+00 : f32
      %gt3A_945 = vector.broadcast %gt3A : f32 to vector<16xf32>
      %gt3A_946 = arith.cmpf ogt, %get3A_940, %gt3A_945 : vector<16xf32>
      %add3A_947 = arith.constant 1.000000e+00 : f32
      %add3A_948 = vector.broadcast %add3A_947 : f32 to vector<16xf32>
      %add3A_949 = arith.addf %get3A_944, %add3A_948 : vector<16xf32>
      %broadcast_in_dim3A = arith.constant 0.000000e+00 : f32
      %broadcast_in_dim3A_950 = vector.broadcast %broadcast_in_dim3A : f32 to vector<16xf32>
      %select_n3A = arith.select %gt3A_946, %add3A_949, %broadcast_in_dim3A_950 : vector<16xi1>, vector<16xf32>
      %mul3A_951 = arith.constant 16 : i32
      %mul3A_952 = arith.muli %scan3A_936, %mul3A_951 : i32
      %swap3A = arith.index_cast %mul3A_952 : i32 to index
      %swap3A_953 = tpu.vector_load %arg19[%swap3A] {strides = array<i32>} : memref<1280xf32, #tpu.memory_space<vmem>>, vector<16xf32>,
      tpu.vector_store %arg19[%swap3A], %select_n3A {strides = array<i32>} : memref<1280xf32, #tpu.memory_space<vmem>>, vector<16xf32>,
      %scan3A_954 = arith.constant 0 : i32
      scf.yield %scan3A_954 : i32
    }
    %scan3A_505 = arith.constant 80 : i32
    %add3A_506 = arith.constant 3840 : i32
    %add3A_507 = arith.addi %mul3A_2, %add3A_506 : i32
    "tpu.region"() ({
      %run_scoped3A_936 = tpu.sem_alloc : memref<!tpu.dma_semaphore, #tpu.memory_space<semaphore_mem>>
      %dma_start3A_937 = arith.constant 0 : i32
      %dma_start3A_938 = tpu.memref_slice %arg19[%dma_start3A_937] : memref<1280xf32, #tpu.memory_space<vmem>> -> memref<1280xf32, #tpu.memory_space<vmem>>
      %dma_start3A_939 = tpu.memref_slice %arg12[%arg0, %add3A_507] : memref<2x100352xf32, #tpu.memory_space<hbm>> -> memref<1x1280xf32, #tpu.memory_space<hbm>>
      %dma_start3A_940 = tpu.memref_squeeze %dma_start3A_939 : memref<1x1280xf32, #tpu.memory_space<hbm>> -> memref<1280xf32, #tpu.memory_space<hbm>>
      %dma_start3A_941 = tpu.memref_slice %arg12[%arg0, %add3A_507] : memref<2x100352xf32, #tpu.memory_space<hbm>> -> memref<1x1280xf32, #tpu.memory_space<hbm>>
      %dma_start3A_942 = tpu.memref_squeeze %dma_start3A_941 : memref<1x1280xf32, #tpu.memory_space<hbm>> -> memref<1280xf32, #tpu.memory_space<hbm>>
      %dma_start3A_943 = arith.constant 0 : i32
      %dma_start3A_944 = tpu.memref_slice %arg19[%dma_start3A_943] : memref<1280xf32, #tpu.memory_space<vmem>> -> memref<1280xf32, #tpu.memory_space<vmem>>
      tpu.enqueue_dma source(%dma_start3A_944 : memref<1280xf32, #tpu.memory_space<vmem>>) target(%dma_start3A_942 : memref<1280xf32, #tpu.memory_space<hbm>>) target_semaphore(%run_scoped3A_936 : memref<!tpu.dma_semaphore, #tpu.memory_space<semaphore_mem>>)
      %dma_wait3A_945 = arith.constant 0 : i32
      %dma_wait3A_946 = tpu.memref_slice %arg19[%dma_wait3A_945] : memref<1280xf32, #tpu.memory_space<vmem>> -> memref<1280xf32, #tpu.memory_space<vmem>>
      %dma_wait3A_947 = tpu.memref_slice %arg12[%arg0, %add3A_507] : memref<2x100352xf32, #tpu.memory_space<hbm>> -> memref<1x1280xf32, #tpu.memory_space<hbm>>
      %dma_wait3A_948 = tpu.memref_squeeze %dma_wait3A_947 : memref<1x1280xf32, #tpu.memory_space<hbm>> -> memref<1280xf32, #tpu.memory_space<hbm>>
      %dma_wait3A_949 = tpu.memref_slice %arg12[%arg0, %add3A_507] : memref<2x100352xf32, #tpu.memory_space<hbm>> -> memref<1x1280xf32, #tpu.memory_space<hbm>>
      %dma_wait3A_950 = tpu.memref_squeeze %dma_wait3A_949 : memref<1x1280xf32, #tpu.memory_space<hbm>> -> memref<1280xf32, #tpu.memory_space<hbm>>
      %dma_wait3A_951 = arith.constant 0 : i32
      %dma_wait3A_952 = tpu.memref_slice %arg19[%dma_wait3A_951] : memref<1280xf32, #tpu.memory_space<vmem>> -> memref<1280xf32, #tpu.memory_space<vmem>>
      tpu.wait_dma2 semaphore(%run_scoped3A_936 : memref<!tpu.dma_semaphore, #tpu.memory_space<semaphore_mem>>) src(%dma_wait3A_952 : memref<1280xf32, #tpu.memory_space<vmem>>) dst(%dma_wait3A_950 : memref<1280xf32, #tpu.memory_space<hbm>>)
      tpu.yield
    }) : () -> ()
    %add3A_508 = arith.constant 5120 : i32
    %add3A_509 = arith.addi %mul3A_2, %add3A_508 : i32
    %dma_start3A_510 = arith.constant 0 : i32
    %dma_start3A_511 = tpu.memref_slice %arg18[%dma_start3A_510] : memref<1280xf32, #tpu.memory_space<vmem>> -> memref<1152xf32, #tpu.memory_space<vmem>>
    %dma_start3A_512 = tpu.memref_slice %arg29[%add3A_509] : memref<100352xf32, #tpu.memory_space<vmem_shared>> -> memref<1152xf32, #tpu.memory_space<vmem_shared>>
    %dma_start3A_513 = arith.constant 0 : i32
    %dma_start3A_514 = tpu.memref_slice %arg18[%dma_start3A_513] : memref<1280xf32, #tpu.memory_space<vmem>> -> memref<1152xf32, #tpu.memory_space<vmem>>
    %dma_start3A_515 = tpu.memref_slice %arg29[%add3A_509] : memref<100352xf32, #tpu.memory_space<vmem_shared>> -> memref<1152xf32, #tpu.memory_space<vmem_shared>>
    tpu.enqueue_dma source(%dma_start3A_515 : memref<1152xf32, #tpu.memory_space<vmem_shared>>) target(%dma_start3A_514 : memref<1152xf32, #tpu.memory_space<vmem>>) target_semaphore(%arg34 : memref<!tpu.dma_semaphore, #tpu.memory_space<semaphore_mem>>)
    %add3A_516 = arith.constant 5120 : i32
    %add3A_517 = arith.addi %mul3A_2, %add3A_516 : i32
    %dma_start3A_518 = arith.constant 0 : i32
    %dma_start3A_519 = tpu.memref_slice %arg19[%dma_start3A_518] : memref<1280xf32, #tpu.memory_space<vmem>> -> memref<1152xf32, #tpu.memory_space<vmem>>
    %dma_start3A_520 = tpu.memref_slice %arg28[%add3A_517] : memref<100352xf32, #tpu.memory_space<vmem_shared>> -> memref<1152xf32, #tpu.memory_space<vmem_shared>>
    %dma_start3A_521 = arith.constant 0 : i32
    %dma_start3A_522 = tpu.memref_slice %arg19[%dma_start3A_521] : memref<1280xf32, #tpu.memory_space<vmem>> -> memref<1152xf32, #tpu.memory_space<vmem>>
    %dma_start3A_523 = tpu.memref_slice %arg28[%add3A_517] : memref<100352xf32, #tpu.memory_space<vmem_shared>> -> memref<1152xf32, #tpu.memory_space<vmem_shared>>
    tpu.enqueue_dma source(%dma_start3A_523 : memref<1152xf32, #tpu.memory_space<vmem_shared>>) target(%dma_start3A_522 : memref<1152xf32, #tpu.memory_space<vmem>>) target_semaphore(%arg34 : memref<!tpu.dma_semaphore, #tpu.memory_space<semaphore_mem>>)
    %add3A_524 = arith.constant 5120 : i32
    %add3A_525 = arith.addi %mul3A_2, %add3A_524 : i32
    %dma_wait3A_526 = arith.constant 0 : i32
    %dma_wait3A_527 = tpu.memref_slice %arg18[%dma_wait3A_526] : memref<1280xf32, #tpu.memory_space<vmem>> -> memref<1152xf32, #tpu.memory_space<vmem>>
    %dma_wait3A_528 = tpu.memref_slice %arg29[%add3A_525] : memref<100352xf32, #tpu.memory_space<vmem_shared>> -> memref<1152xf32, #tpu.memory_space<vmem_shared>>
    %dma_wait3A_529 = arith.constant 0 : i32
    %dma_wait3A_530 = tpu.memref_slice %arg18[%dma_wait3A_529] : memref<1280xf32, #tpu.memory_space<vmem>> -> memref<1152xf32, #tpu.memory_space<vmem>>
    %dma_wait3A_531 = tpu.memref_slice %arg29[%add3A_525] : memref<100352xf32, #tpu.memory_space<vmem_shared>> -> memref<1152xf32, #tpu.memory_space<vmem_shared>>
    tpu.wait_dma2 semaphore(%arg34 : memref<!tpu.dma_semaphore, #tpu.memory_space<semaphore_mem>>) src(%dma_wait3A_531 : memref<1152xf32, #tpu.memory_space<vmem_shared>>) dst(%dma_wait3A_530 : memref<1152xf32, #tpu.memory_space<vmem>>)
    %add3A_532 = arith.constant 5120 : i32
    %add3A_533 = arith.addi %mul3A_2, %add3A_532 : i32
    %dma_wait3A_534 = arith.constant 0 : i32
    %dma_wait3A_535 = tpu.memref_slice %arg19[%dma_wait3A_534] : memref<1280xf32, #tpu.memory_space<vmem>> -> memref<1152xf32, #tpu.memory_space<vmem>>
    %dma_wait3A_536 = tpu.memref_slice %arg28[%add3A_533] : memref<100352xf32, #tpu.memory_space<vmem_shared>> -> memref<1152xf32, #tpu.memory_space<vmem_shared>>
    %dma_wait3A_537 = arith.constant 0 : i32
    %dma_wait3A_538 = tpu.memref_slice %arg19[%dma_wait3A_537] : memref<1280xf32, #tpu.memory_space<vmem>> -> memref<1152xf32, #tpu.memory_space<vmem>>
    %dma_wait3A_539 = tpu.memref_slice %arg28[%add3A_533] : memref<100352xf32, #tpu.memory_space<vmem_shared>> -> memref<1152xf32, #tpu.memory_space<vmem_shared>>
    tpu.wait_dma2 semaphore(%arg34 : memref<!tpu.dma_semaphore, #tpu.memory_space<semaphore_mem>>) src(%dma_wait3A_539 : memref<1152xf32, #tpu.memory_space<vmem_shared>>) dst(%dma_wait3A_538 : memref<1152xf32, #tpu.memory_space<vmem>>)
    %add3A_540 = arith.constant 5120 : i32
    %add3A_541 = arith.addi %mul3A_2, %add3A_540 : i32
    %dma_start3A_542 = arith.constant 0 : i32
    %dma_start3A_543 = tpu.memref_slice %arg20[%dma_start3A_542] : memref<1280xf32, #tpu.memory_space<vmem>> -> memref<1152xf32, #tpu.memory_space<vmem>>
    %dma_start3A_544 = tpu.memref_slice %arg28[%add3A_541] : memref<100352xf32, #tpu.memory_space<vmem_shared>> -> memref<1152xf32, #tpu.memory_space<vmem_shared>>
    %dma_start3A_545 = tpu.memref_slice %arg28[%add3A_541] : memref<100352xf32, #tpu.memory_space<vmem_shared>> -> memref<1152xf32, #tpu.memory_space<vmem_shared>>
    %dma_start3A_546 = arith.constant 0 : i32
    %dma_start3A_547 = tpu.memref_slice %arg20[%dma_start3A_546] : memref<1280xf32, #tpu.memory_space<vmem>> -> memref<1152xf32, #tpu.memory_space<vmem>>
    tpu.enqueue_dma source(%dma_start3A_547 : memref<1152xf32, #tpu.memory_space<vmem>>) target(%dma_start3A_545 : memref<1152xf32, #tpu.memory_space<vmem_shared>>) target_semaphore(%arg31 : memref<!tpu.dma_semaphore, #tpu.memory_space<semaphore_mem>>)
    %add3A_548 = arith.constant 5120 : i32
    %add3A_549 = arith.addi %mul3A_2, %add3A_548 : i32
    %dma_start3A_550 = arith.constant 0 : i32
    %dma_start3A_551 = tpu.memref_slice %arg20[%dma_start3A_550] : memref<1280xf32, #tpu.memory_space<vmem>> -> memref<1152xf32, #tpu.memory_space<vmem>>
    %dma_start3A_552 = tpu.memref_slice %arg29[%add3A_549] : memref<100352xf32, #tpu.memory_space<vmem_shared>> -> memref<1152xf32, #tpu.memory_space<vmem_shared>>
    %dma_start3A_553 = tpu.memref_slice %arg29[%add3A_549] : memref<100352xf32, #tpu.memory_space<vmem_shared>> -> memref<1152xf32, #tpu.memory_space<vmem_shared>>
    %dma_start3A_554 = arith.constant 0 : i32
    %dma_start3A_555 = tpu.memref_slice %arg20[%dma_start3A_554] : memref<1280xf32, #tpu.memory_space<vmem>> -> memref<1152xf32, #tpu.memory_space<vmem>>
    tpu.enqueue_dma source(%dma_start3A_555 : memref<1152xf32, #tpu.memory_space<vmem>>) target(%dma_start3A_553 : memref<1152xf32, #tpu.memory_space<vmem_shared>>) target_semaphore(%arg31 : memref<!tpu.dma_semaphore, #tpu.memory_space<semaphore_mem>>)
    %scan3A_556 = arith.constant 0 : i32
    %scan3A_557 = arith.constant 0 : i32
    %scan3A_558 = arith.constant 72 : i32
    %scan3A_559 = arith.addi %scan3A_557, %scan3A_558 : i32
    %scan3A_560 = arith.constant 1 : i32
    %scan3A_561 = scf.for %scan3A_936 = %scan3A_557 to %scan3A_559 step %scan3A_560 iter_args(%scan3A_937 = %scan3A_556) -> (i32)  : i32 {
      %mul3A_938 = arith.constant 16 : i32
      %mul3A_939 = arith.muli %scan3A_936, %mul3A_938 : i32
      %get3A = arith.index_cast %mul3A_939 : i32 to index
      %get3A_940 = tpu.vector_load %arg18[%get3A] {strides = array<i32>} : memref<1280xf32, #tpu.memory_space<vmem>>, vector<16xf32>,
      %mul3A_941 = arith.constant 16 : i32
      %mul3A_942 = arith.muli %scan3A_936, %mul3A_941 : i32
      %get3A_943 = arith.index_cast %mul3A_942 : i32 to index
      %get3A_944 = tpu.vector_load %arg19[%get3A_943] {strides = array<i32>} : memref<1280xf32, #tpu.memory_space<vmem>>, vector<16xf32>,
      %gt3A = arith.constant 0.000000e+00 : f32
      %gt3A_945 = vector.broadcast %gt3A : f32 to vector<16xf32>
      %gt3A_946 = arith.cmpf ogt, %get3A_940, %gt3A_945 : vector<16xf32>
      %add3A_947 = arith.constant 1.000000e+00 : f32
      %add3A_948 = vector.broadcast %add3A_947 : f32 to vector<16xf32>
      %add3A_949 = arith.addf %get3A_944, %add3A_948 : vector<16xf32>
      %broadcast_in_dim3A = arith.constant 0.000000e+00 : f32
      %broadcast_in_dim3A_950 = vector.broadcast %broadcast_in_dim3A : f32 to vector<16xf32>
      %select_n3A = arith.select %gt3A_946, %add3A_949, %broadcast_in_dim3A_950 : vector<16xi1>, vector<16xf32>
      %mul3A_951 = arith.constant 16 : i32
      %mul3A_952 = arith.muli %scan3A_936, %mul3A_951 : i32
      %swap3A = arith.index_cast %mul3A_952 : i32 to index
      %swap3A_953 = tpu.vector_load %arg19[%swap3A] {strides = array<i32>} : memref<1280xf32, #tpu.memory_space<vmem>>, vector<16xf32>,
      tpu.vector_store %arg19[%swap3A], %select_n3A {strides = array<i32>} : memref<1280xf32, #tpu.memory_space<vmem>>, vector<16xf32>,
      %scan3A_954 = arith.constant 0 : i32
      scf.yield %scan3A_954 : i32
    }
    %scan3A_562 = arith.constant 72 : i32
    %add3A_563 = arith.constant 5120 : i32
    %add3A_564 = arith.addi %mul3A_2, %add3A_563 : i32
    "tpu.region"() ({
      %run_scoped3A_936 = tpu.sem_alloc : memref<!tpu.dma_semaphore, #tpu.memory_space<semaphore_mem>>
      %dma_start3A_937 = arith.constant 0 : i32
      %dma_start3A_938 = tpu.memref_slice %arg19[%dma_start3A_937] : memref<1280xf32, #tpu.memory_space<vmem>> -> memref<1152xf32, #tpu.memory_space<vmem>>
      %dma_start3A_939 = tpu.memref_slice %arg12[%arg0, %add3A_564] : memref<2x100352xf32, #tpu.memory_space<hbm>> -> memref<1x1152xf32, #tpu.memory_space<hbm>>
      %dma_start3A_940 = tpu.memref_squeeze %dma_start3A_939 : memref<1x1152xf32, #tpu.memory_space<hbm>> -> memref<1152xf32, #tpu.memory_space<hbm>>
      %dma_start3A_941 = tpu.memref_slice %arg12[%arg0, %add3A_564] : memref<2x100352xf32, #tpu.memory_space<hbm>> -> memref<1x1152xf32, #tpu.memory_space<hbm>>
      %dma_start3A_942 = tpu.memref_squeeze %dma_start3A_941 : memref<1x1152xf32, #tpu.memory_space<hbm>> -> memref<1152xf32, #tpu.memory_space<hbm>>
      %dma_start3A_943 = arith.constant 0 : i32
      %dma_start3A_944 = tpu.memref_slice %arg19[%dma_start3A_943] : memref<1280xf32, #tpu.memory_space<vmem>> -> memref<1152xf32, #tpu.memory_space<vmem>>
      tpu.enqueue_dma source(%dma_start3A_944 : memref<1152xf32, #tpu.memory_space<vmem>>) target(%dma_start3A_942 : memref<1152xf32, #tpu.memory_space<hbm>>) target_semaphore(%run_scoped3A_936 : memref<!tpu.dma_semaphore, #tpu.memory_space<semaphore_mem>>)
      %dma_wait3A_945 = arith.constant 0 : i32
      %dma_wait3A_946 = tpu.memref_slice %arg19[%dma_wait3A_945] : memref<1280xf32, #tpu.memory_space<vmem>> -> memref<1152xf32, #tpu.memory_space<vmem>>
      %dma_wait3A_947 = tpu.memref_slice %arg12[%arg0, %add3A_564] : memref<2x100352xf32, #tpu.memory_space<hbm>> -> memref<1x1152xf32, #tpu.memory_space<hbm>>
      %dma_wait3A_948 = tpu.memref_squeeze %dma_wait3A_947 : memref<1x1152xf32, #tpu.memory_space<hbm>> -> memref<1152xf32, #tpu.memory_space<hbm>>
      %dma_wait3A_949 = tpu.memref_slice %arg12[%arg0, %add3A_564] : memref<2x100352xf32, #tpu.memory_space<hbm>> -> memref<1x1152xf32, #tpu.memory_space<hbm>>
      %dma_wait3A_950 = tpu.memref_squeeze %dma_wait3A_949 : memref<1x1152xf32, #tpu.memory_space<hbm>> -> memref<1152xf32, #tpu.memory_space<hbm>>
      %dma_wait3A_951 = arith.constant 0 : i32
      %dma_wait3A_952 = tpu.memref_slice %arg19[%dma_wait3A_951] : memref<1280xf32, #tpu.memory_space<vmem>> -> memref<1152xf32, #tpu.memory_space<vmem>>
      tpu.wait_dma2 semaphore(%run_scoped3A_936 : memref<!tpu.dma_semaphore, #tpu.memory_space<semaphore_mem>>) src(%dma_wait3A_952 : memref<1152xf32, #tpu.memory_space<vmem>>) dst(%dma_wait3A_950 : memref<1152xf32, #tpu.memory_space<hbm>>)
      tpu.yield
    }) : () -> ()
    %add3A_565 = arith.constant 0 : i32
    %add3A_566 = arith.addi %mul3A_2, %add3A_565 : i32
    %dma_wait3A_567 = arith.constant 0 : i32
    %dma_wait3A_568 = tpu.memref_slice %arg20[%dma_wait3A_567] : memref<1280xf32, #tpu.memory_space<vmem>> -> memref<1280xf32, #tpu.memory_space<vmem>>
    %dma_wait3A_569 = tpu.memref_slice %arg28[%add3A_566] : memref<100352xf32, #tpu.memory_space<vmem_shared>> -> memref<1280xf32, #tpu.memory_space<vmem_shared>>
    %dma_wait3A_570 = tpu.memref_slice %arg28[%add3A_566] : memref<100352xf32, #tpu.memory_space<vmem_shared>> -> memref<1280xf32, #tpu.memory_space<vmem_shared>>
    %dma_wait3A_571 = arith.constant 0 : i32
    %dma_wait3A_572 = tpu.memref_slice %arg20[%dma_wait3A_571] : memref<1280xf32, #tpu.memory_space<vmem>> -> memref<1280xf32, #tpu.memory_space<vmem>>
    tpu.wait_dma2 semaphore(%arg31 : memref<!tpu.dma_semaphore, #tpu.memory_space<semaphore_mem>>) src(%dma_wait3A_572 : memref<1280xf32, #tpu.memory_space<vmem>>) dst(%dma_wait3A_570 : memref<1280xf32, #tpu.memory_space<vmem_shared>>)
    %add3A_573 = arith.constant 1280 : i32
    %add3A_574 = arith.addi %mul3A_2, %add3A_573 : i32
    %dma_wait3A_575 = arith.constant 0 : i32
    %dma_wait3A_576 = tpu.memref_slice %arg20[%dma_wait3A_575] : memref<1280xf32, #tpu.memory_space<vmem>> -> memref<1280xf32, #tpu.memory_space<vmem>>
    %dma_wait3A_577 = tpu.memref_slice %arg28[%add3A_574] : memref<100352xf32, #tpu.memory_space<vmem_shared>> -> memref<1280xf32, #tpu.memory_space<vmem_shared>>
    %dma_wait3A_578 = tpu.memref_slice %arg28[%add3A_574] : memref<100352xf32, #tpu.memory_space<vmem_shared>> -> memref<1280xf32, #tpu.memory_space<vmem_shared>>
    %dma_wait3A_579 = arith.constant 0 : i32
    %dma_wait3A_580 = tpu.memref_slice %arg20[%dma_wait3A_579] : memref<1280xf32, #tpu.memory_space<vmem>> -> memref<1280xf32, #tpu.memory_space<vmem>>
    tpu.wait_dma2 semaphore(%arg31 : memref<!tpu.dma_semaphore, #tpu.memory_space<semaphore_mem>>) src(%dma_wait3A_580 : memref<1280xf32, #tpu.memory_space<vmem>>) dst(%dma_wait3A_578 : memref<1280xf32, #tpu.memory_space<vmem_shared>>)
    %add3A_581 = arith.constant 2560 : i32
    %add3A_582 = arith.addi %mul3A_2, %add3A_581 : i32
    %dma_wait3A_583 = arith.constant 0 : i32
    %dma_wait3A_584 = tpu.memref_slice %arg20[%dma_wait3A_583] : memref<1280xf32, #tpu.memory_space<vmem>> -> memref<1280xf32, #tpu.memory_space<vmem>>
    %dma_wait3A_585 = tpu.memref_slice %arg28[%add3A_582] : memref<100352xf32, #tpu.memory_space<vmem_shared>> -> memref<1280xf32, #tpu.memory_space<vmem_shared>>
    %dma_wait3A_586 = tpu.memref_slice %arg28[%add3A_582] : memref<100352xf32, #tpu.memory_space<vmem_shared>> -> memref<1280xf32, #tpu.memory_space<vmem_shared>>
    %dma_wait3A_587 = arith.constant 0 : i32
    %dma_wait3A_588 = tpu.memref_slice %arg20[%dma_wait3A_587] : memref<1280xf32, #tpu.memory_space<vmem>> -> memref<1280xf32, #tpu.memory_space<vmem>>
    tpu.wait_dma2 semaphore(%arg31 : memref<!tpu.dma_semaphore, #tpu.memory_space<semaphore_mem>>) src(%dma_wait3A_588 : memref<1280xf32, #tpu.memory_space<vmem>>) dst(%dma_wait3A_586 : memref<1280xf32, #tpu.memory_space<vmem_shared>>)
    %add3A_589 = arith.constant 3840 : i32
    %add3A_590 = arith.addi %mul3A_2, %add3A_589 : i32
    %dma_wait3A_591 = arith.constant 0 : i32
    %dma_wait3A_592 = tpu.memref_slice %arg20[%dma_wait3A_591] : memref<1280xf32, #tpu.memory_space<vmem>> -> memref<1280xf32, #tpu.memory_space<vmem>>
    %dma_wait3A_593 = tpu.memref_slice %arg28[%add3A_590] : memref<100352xf32, #tpu.memory_space<vmem_shared>> -> memref<1280xf32, #tpu.memory_space<vmem_shared>>
    %dma_wait3A_594 = tpu.memref_slice %arg28[%add3A_590] : memref<100352xf32, #tpu.memory_space<vmem_shared>> -> memref<1280xf32, #tpu.memory_space<vmem_shared>>
    %dma_wait3A_595 = arith.constant 0 : i32
    %dma_wait3A_596 = tpu.memref_slice %arg20[%dma_wait3A_595] : memref<1280xf32, #tpu.memory_space<vmem>> -> memref<1280xf32, #tpu.memory_space<vmem>>
    tpu.wait_dma2 semaphore(%arg31 : memref<!tpu.dma_semaphore, #tpu.memory_space<semaphore_mem>>) src(%dma_wait3A_596 : memref<1280xf32, #tpu.memory_space<vmem>>) dst(%dma_wait3A_594 : memref<1280xf32, #tpu.memory_space<vmem_shared>>)
    %add3A_597 = arith.constant 5120 : i32
    %add3A_598 = arith.addi %mul3A_2, %add3A_597 : i32
    %dma_wait3A_599 = arith.constant 0 : i32
    %dma_wait3A_600 = tpu.memref_slice %arg20[%dma_wait3A_599] : memref<1280xf32, #tpu.memory_space<vmem>> -> memref<1152xf32, #tpu.memory_space<vmem>>
    %dma_wait3A_601 = tpu.memref_slice %arg28[%add3A_598] : memref<100352xf32, #tpu.memory_space<vmem_shared>> -> memref<1152xf32, #tpu.memory_space<vmem_shared>>
    %dma_wait3A_602 = tpu.memref_slice %arg28[%add3A_598] : memref<100352xf32, #tpu.memory_space<vmem_shared>> -> memref<1152xf32, #tpu.memory_space<vmem_shared>>
    %dma_wait3A_603 = arith.constant 0 : i32
    %dma_wait3A_604 = tpu.memref_slice %arg20[%dma_wait3A_603] : memref<1280xf32, #tpu.memory_space<vmem>> -> memref<1152xf32, #tpu.memory_space<vmem>>
    tpu.wait_dma2 semaphore(%arg31 : memref<!tpu.dma_semaphore, #tpu.memory_space<semaphore_mem>>) src(%dma_wait3A_604 : memref<1152xf32, #tpu.memory_space<vmem>>) dst(%dma_wait3A_602 : memref<1152xf32, #tpu.memory_space<vmem_shared>>)
    %add3A_605 = arith.constant 0 : i32
    %add3A_606 = arith.addi %mul3A_2, %add3A_605 : i32
    %dma_wait3A_607 = arith.constant 0 : i32
    %dma_wait3A_608 = tpu.memref_slice %arg20[%dma_wait3A_607] : memref<1280xf32, #tpu.memory_space<vmem>> -> memref<1280xf32, #tpu.memory_space<vmem>>
    %dma_wait3A_609 = tpu.memref_slice %arg29[%add3A_606] : memref<100352xf32, #tpu.memory_space<vmem_shared>> -> memref<1280xf32, #tpu.memory_space<vmem_shared>>
    %dma_wait3A_610 = tpu.memref_slice %arg29[%add3A_606] : memref<100352xf32, #tpu.memory_space<vmem_shared>> -> memref<1280xf32, #tpu.memory_space<vmem_shared>>
    %dma_wait3A_611 = arith.constant 0 : i32
    %dma_wait3A_612 = tpu.memref_slice %arg20[%dma_wait3A_611] : memref<1280xf32, #tpu.memory_space<vmem>> -> memref<1280xf32, #tpu.memory_space<vmem>>
    tpu.wait_dma2 semaphore(%arg31 : memref<!tpu.dma_semaphore, #tpu.memory_space<semaphore_mem>>) src(%dma_wait3A_612 : memref<1280xf32, #tpu.memory_space<vmem>>) dst(%dma_wait3A_610 : memref<1280xf32, #tpu.memory_space<vmem_shared>>)
    %add3A_613 = arith.constant 1280 : i32
    %add3A_614 = arith.addi %mul3A_2, %add3A_613 : i32
    %dma_wait3A_615 = arith.constant 0 : i32
    %dma_wait3A_616 = tpu.memref_slice %arg20[%dma_wait3A_615] : memref<1280xf32, #tpu.memory_space<vmem>> -> memref<1280xf32, #tpu.memory_space<vmem>>
    %dma_wait3A_617 = tpu.memref_slice %arg29[%add3A_614] : memref<100352xf32, #tpu.memory_space<vmem_shared>> -> memref<1280xf32, #tpu.memory_space<vmem_shared>>
    %dma_wait3A_618 = tpu.memref_slice %arg29[%add3A_614] : memref<100352xf32, #tpu.memory_space<vmem_shared>> -> memref<1280xf32, #tpu.memory_space<vmem_shared>>
    %dma_wait3A_619 = arith.constant 0 : i32
    %dma_wait3A_620 = tpu.memref_slice %arg20[%dma_wait3A_619] : memref<1280xf32, #tpu.memory_space<vmem>> -> memref<1280xf32, #tpu.memory_space<vmem>>
    tpu.wait_dma2 semaphore(%arg31 : memref<!tpu.dma_semaphore, #tpu.memory_space<semaphore_mem>>) src(%dma_wait3A_620 : memref<1280xf32, #tpu.memory_space<vmem>>) dst(%dma_wait3A_618 : memref<1280xf32, #tpu.memory_space<vmem_shared>>)
    %add3A_621 = arith.constant 2560 : i32
    %add3A_622 = arith.addi %mul3A_2, %add3A_621 : i32
    %dma_wait3A_623 = arith.constant 0 : i32
    %dma_wait3A_624 = tpu.memref_slice %arg20[%dma_wait3A_623] : memref<1280xf32, #tpu.memory_space<vmem>> -> memref<1280xf32, #tpu.memory_space<vmem>>
    %dma_wait3A_625 = tpu.memref_slice %arg29[%add3A_622] : memref<100352xf32, #tpu.memory_space<vmem_shared>> -> memref<1280xf32, #tpu.memory_space<vmem_shared>>
    %dma_wait3A_626 = tpu.memref_slice %arg29[%add3A_622] : memref<100352xf32, #tpu.memory_space<vmem_shared>> -> memref<1280xf32, #tpu.memory_space<vmem_shared>>
    %dma_wait3A_627 = arith.constant 0 : i32
    %dma_wait3A_628 = tpu.memref_slice %arg20[%dma_wait3A_627] : memref<1280xf32, #tpu.memory_space<vmem>> -> memref<1280xf32, #tpu.memory_space<vmem>>
    tpu.wait_dma2 semaphore(%arg31 : memref<!tpu.dma_semaphore, #tpu.memory_space<semaphore_mem>>) src(%dma_wait3A_628 : memref<1280xf32, #tpu.memory_space<vmem>>) dst(%dma_wait3A_626 : memref<1280xf32, #tpu.memory_space<vmem_shared>>)
    %add3A_629 = arith.constant 3840 : i32
    %add3A_630 = arith.addi %mul3A_2, %add3A_629 : i32
    %dma_wait3A_631 = arith.constant 0 : i32
    %dma_wait3A_632 = tpu.memref_slice %arg20[%dma_wait3A_631] : memref<1280xf32, #tpu.memory_space<vmem>> -> memref<1280xf32, #tpu.memory_space<vmem>>
    %dma_wait3A_633 = tpu.memref_slice %arg29[%add3A_630] : memref<100352xf32, #tpu.memory_space<vmem_shared>> -> memref<1280xf32, #tpu.memory_space<vmem_shared>>
    %dma_wait3A_634 = tpu.memref_slice %arg29[%add3A_630] : memref<100352xf32, #tpu.memory_space<vmem_shared>> -> memref<1280xf32, #tpu.memory_space<vmem_shared>>
    %dma_wait3A_635 = arith.constant 0 : i32
    %dma_wait3A_636 = tpu.memref_slice %arg20[%dma_wait3A_635] : memref<1280xf32, #tpu.memory_space<vmem>> -> memref<1280xf32, #tpu.memory_space<vmem>>
    tpu.wait_dma2 semaphore(%arg31 : memref<!tpu.dma_semaphore, #tpu.memory_space<semaphore_mem>>) src(%dma_wait3A_636 : memref<1280xf32, #tpu.memory_space<vmem>>) dst(%dma_wait3A_634 : memref<1280xf32, #tpu.memory_space<vmem_shared>>)
    %add3A_637 = arith.constant 5120 : i32
    %add3A_638 = arith.addi %mul3A_2, %add3A_637 : i32
    %dma_wait3A_639 = arith.constant 0 : i32
    %dma_wait3A_640 = tpu.memref_slice %arg20[%dma_wait3A_639] : memref<1280xf32, #tpu.memory_space<vmem>> -> memref<1152xf32, #tpu.memory_space<vmem>>
    %dma_wait3A_641 = tpu.memref_slice %arg29[%add3A_638] : memref<100352xf32, #tpu.memory_space<vmem_shared>> -> memref<1152xf32, #tpu.memory_space<vmem_shared>>
    %dma_wait3A_642 = tpu.memref_slice %arg29[%add3A_638] : memref<100352xf32, #tpu.memory_space<vmem_shared>> -> memref<1152xf32, #tpu.memory_space<vmem_shared>>
    %dma_wait3A_643 = arith.constant 0 : i32
    %dma_wait3A_644 = tpu.memref_slice %arg20[%dma_wait3A_643] : memref<1280xf32, #tpu.memory_space<vmem>> -> memref<1152xf32, #tpu.memory_space<vmem>>
    tpu.wait_dma2 semaphore(%arg31 : memref<!tpu.dma_semaphore, #tpu.memory_space<semaphore_mem>>) src(%dma_wait3A_644 : memref<1152xf32, #tpu.memory_space<vmem>>) dst(%dma_wait3A_642 : memref<1152xf32, #tpu.memory_space<vmem_shared>>)
    %barrier3A_645 = arith.constant 0 : index
    tpu.barrier barrier_id(%barrier3A_645)
    "tpu.region"() ({
      %run_scoped3A_936 = tpu.sem_alloc : memref<!tpu.dma_semaphore, #tpu.memory_space<semaphore_mem>>
      %dma_start3A_937 = arith.constant 0 : i32
      %dma_start3A_938 = tpu.memref_slice %arg12[%arg0, %dma_start3A_937] : memref<2x100352xf32, #tpu.memory_space<hbm>> -> memref<1x100352xf32, #tpu.memory_space<hbm>>
      %dma_start3A_939 = tpu.memref_squeeze %dma_start3A_938 : memref<1x100352xf32, #tpu.memory_space<hbm>> -> memref<100352xf32, #tpu.memory_space<hbm>>
      %dma_start3A_940 = arith.constant 0 : i32
      %dma_start3A_941 = tpu.memref_slice %arg12[%arg0, %dma_start3A_940] : memref<2x100352xf32, #tpu.memory_space<hbm>> -> memref<1x100352xf32, #tpu.memory_space<hbm>>
      %dma_start3A_942 = tpu.memref_squeeze %dma_start3A_941 : memref<1x100352xf32, #tpu.memory_space<hbm>> -> memref<100352xf32, #tpu.memory_space<hbm>>
      tpu.enqueue_dma source(%dma_start3A_942 : memref<100352xf32, #tpu.memory_space<hbm>>) target(%arg13 : memref<100352xf32, #tpu.memory_space<vmem>>) target_semaphore(%run_scoped3A_936 : memref<!tpu.dma_semaphore, #tpu.memory_space<semaphore_mem>>)
      %dma_wait3A_943 = arith.constant 0 : i32
      %dma_wait3A_944 = tpu.memref_slice %arg12[%arg0, %dma_wait3A_943] : memref<2x100352xf32, #tpu.memory_space<hbm>> -> memref<1x100352xf32, #tpu.memory_space<hbm>>
      %dma_wait3A_945 = tpu.memref_squeeze %dma_wait3A_944 : memref<1x100352xf32, #tpu.memory_space<hbm>> -> memref<100352xf32, #tpu.memory_space<hbm>>
      %dma_wait3A_946 = arith.constant 0 : i32
      %dma_wait3A_947 = tpu.memref_slice %arg12[%arg0, %dma_wait3A_946] : memref<2x100352xf32, #tpu.memory_space<hbm>> -> memref<1x100352xf32, #tpu.memory_space<hbm>>
      %dma_wait3A_948 = tpu.memref_squeeze %dma_wait3A_947 : memref<1x100352xf32, #tpu.memory_space<hbm>> -> memref<100352xf32, #tpu.memory_space<hbm>>
      tpu.wait_dma2 semaphore(%run_scoped3A_936 : memref<!tpu.dma_semaphore, #tpu.memory_space<semaphore_mem>>) src(%dma_wait3A_948 : memref<100352xf32, #tpu.memory_space<hbm>>) dst(%arg13 : memref<100352xf32, #tpu.memory_space<vmem>>)
      tpu.yield
    }) : () -> ()
    %mul3A_646 = arith.constant 203008 : i32
    %mul3A_647 = arith.muli %add3A, %mul3A_646 : i32
    %dma_start3A_648 = tpu.memref_slice %arg4[%mul3A_647] : memref<6500000xi32, #tpu.memory_space<hbm>> -> memref<1280xi32, #tpu.memory_space<hbm>>
    %dma_start3A_649 = tpu.memref_slice %arg4[%mul3A_647] : memref<6500000xi32, #tpu.memory_space<hbm>> -> memref<1280xi32, #tpu.memory_space<hbm>>
    tpu.enqueue_dma source(%dma_start3A_649 : memref<1280xi32, #tpu.memory_space<hbm>>) target(%arg14 : memref<1280xi32, #tpu.memory_space<vmem>>) target_semaphore(%arg30 : memref<!tpu.dma_semaphore, #tpu.memory_space<semaphore_mem>>)
    %dma_start3A_650 = tpu.memref_slice %arg3[%mul3A_647] : memref<6500000xf32, #tpu.memory_space<hbm>> -> memref<1280xf32, #tpu.memory_space<hbm>>
    %dma_start3A_651 = tpu.memref_slice %arg3[%mul3A_647] : memref<6500000xf32, #tpu.memory_space<hbm>> -> memref<1280xf32, #tpu.memory_space<hbm>>
    tpu.enqueue_dma source(%dma_start3A_651 : memref<1280xf32, #tpu.memory_space<hbm>>) target(%arg18 : memref<1280xf32, #tpu.memory_space<vmem>>) target_semaphore(%arg30 : memref<!tpu.dma_semaphore, #tpu.memory_space<semaphore_mem>>)
    %dma_start3A_652 = tpu.memref_slice %arg5[%mul3A_647] : memref<6500000xi32, #tpu.memory_space<hbm>> -> memref<1280xi32, #tpu.memory_space<hbm>>
    %dma_start3A_653 = tpu.memref_slice %arg5[%mul3A_647] : memref<6500000xi32, #tpu.memory_space<hbm>> -> memref<1280xi32, #tpu.memory_space<hbm>>
    tpu.enqueue_dma source(%dma_start3A_653 : memref<1280xi32, #tpu.memory_space<hbm>>) target(%arg22 : memref<1280xi32, #tpu.memory_space<vmem>>) target_semaphore(%arg30 : memref<!tpu.dma_semaphore, #tpu.memory_space<semaphore_mem>>)
    %add3A_654 = arith.constant 1280 : i32
    %add3A_655 = arith.addi %mul3A_647, %add3A_654 : i32
    %dma_start3A_656 = tpu.memref_slice %arg4[%add3A_655] : memref<6500000xi32, #tpu.memory_space<hbm>> -> memref<1280xi32, #tpu.memory_space<hbm>>
    %dma_start3A_657 = tpu.memref_slice %arg4[%add3A_655] : memref<6500000xi32, #tpu.memory_space<hbm>> -> memref<1280xi32, #tpu.memory_space<hbm>>
    tpu.enqueue_dma source(%dma_start3A_657 : memref<1280xi32, #tpu.memory_space<hbm>>) target(%arg15 : memref<1280xi32, #tpu.memory_space<vmem>>) target_semaphore(%arg31 : memref<!tpu.dma_semaphore, #tpu.memory_space<semaphore_mem>>)
    %dma_start3A_658 = tpu.memref_slice %arg3[%add3A_655] : memref<6500000xf32, #tpu.memory_space<hbm>> -> memref<1280xf32, #tpu.memory_space<hbm>>
    %dma_start3A_659 = tpu.memref_slice %arg3[%add3A_655] : memref<6500000xf32, #tpu.memory_space<hbm>> -> memref<1280xf32, #tpu.memory_space<hbm>>
    tpu.enqueue_dma source(%dma_start3A_659 : memref<1280xf32, #tpu.memory_space<hbm>>) target(%arg19 : memref<1280xf32, #tpu.memory_space<vmem>>) target_semaphore(%arg31 : memref<!tpu.dma_semaphore, #tpu.memory_space<semaphore_mem>>)
    %dma_start3A_660 = tpu.memref_slice %arg5[%add3A_655] : memref<6500000xi32, #tpu.memory_space<hbm>> -> memref<1280xi32, #tpu.memory_space<hbm>>
    %dma_start3A_661 = tpu.memref_slice %arg5[%add3A_655] : memref<6500000xi32, #tpu.memory_space<hbm>> -> memref<1280xi32, #tpu.memory_space<hbm>>
    tpu.enqueue_dma source(%dma_start3A_661 : memref<1280xi32, #tpu.memory_space<hbm>>) target(%arg23 : memref<1280xi32, #tpu.memory_space<vmem>>) target_semaphore(%arg31 : memref<!tpu.dma_semaphore, #tpu.memory_space<semaphore_mem>>)
    %add3A_662 = arith.constant 2560 : i32
    %add3A_663 = arith.addi %mul3A_647, %add3A_662 : i32
    %dma_start3A_664 = tpu.memref_slice %arg4[%add3A_663] : memref<6500000xi32, #tpu.memory_space<hbm>> -> memref<1280xi32, #tpu.memory_space<hbm>>
    %dma_start3A_665 = tpu.memref_slice %arg4[%add3A_663] : memref<6500000xi32, #tpu.memory_space<hbm>> -> memref<1280xi32, #tpu.memory_space<hbm>>
    tpu.enqueue_dma source(%dma_start3A_665 : memref<1280xi32, #tpu.memory_space<hbm>>) target(%arg16 : memref<1280xi32, #tpu.memory_space<vmem>>) target_semaphore(%arg32 : memref<!tpu.dma_semaphore, #tpu.memory_space<semaphore_mem>>)
    %dma_start3A_666 = tpu.memref_slice %arg3[%add3A_663] : memref<6500000xf32, #tpu.memory_space<hbm>> -> memref<1280xf32, #tpu.memory_space<hbm>>
    %dma_start3A_667 = tpu.memref_slice %arg3[%add3A_663] : memref<6500000xf32, #tpu.memory_space<hbm>> -> memref<1280xf32, #tpu.memory_space<hbm>>
    tpu.enqueue_dma source(%dma_start3A_667 : memref<1280xf32, #tpu.memory_space<hbm>>) target(%arg20 : memref<1280xf32, #tpu.memory_space<vmem>>) target_semaphore(%arg32 : memref<!tpu.dma_semaphore, #tpu.memory_space<semaphore_mem>>)
    %dma_start3A_668 = tpu.memref_slice %arg5[%add3A_663] : memref<6500000xi32, #tpu.memory_space<hbm>> -> memref<1280xi32, #tpu.memory_space<hbm>>
    %dma_start3A_669 = tpu.memref_slice %arg5[%add3A_663] : memref<6500000xi32, #tpu.memory_space<hbm>> -> memref<1280xi32, #tpu.memory_space<hbm>>
    tpu.enqueue_dma source(%dma_start3A_669 : memref<1280xi32, #tpu.memory_space<hbm>>) target(%arg24 : memref<1280xi32, #tpu.memory_space<vmem>>) target_semaphore(%arg32 : memref<!tpu.dma_semaphore, #tpu.memory_space<semaphore_mem>>)
    %dma_wait3A_670 = tpu.memref_slice %arg4[%mul3A_647] : memref<6500000xi32, #tpu.memory_space<hbm>> -> memref<1280xi32, #tpu.memory_space<hbm>>
    %dma_wait3A_671 = tpu.memref_slice %arg4[%mul3A_647] : memref<6500000xi32, #tpu.memory_space<hbm>> -> memref<1280xi32, #tpu.memory_space<hbm>>
    tpu.wait_dma2 semaphore(%arg30 : memref<!tpu.dma_semaphore, #tpu.memory_space<semaphore_mem>>) src(%dma_wait3A_671 : memref<1280xi32, #tpu.memory_space<hbm>>) dst(%arg14 : memref<1280xi32, #tpu.memory_space<vmem>>)
    %dma_wait3A_672 = tpu.memref_slice %arg3[%mul3A_647] : memref<6500000xf32, #tpu.memory_space<hbm>> -> memref<1280xf32, #tpu.memory_space<hbm>>
    %dma_wait3A_673 = tpu.memref_slice %arg3[%mul3A_647] : memref<6500000xf32, #tpu.memory_space<hbm>> -> memref<1280xf32, #tpu.memory_space<hbm>>
    tpu.wait_dma2 semaphore(%arg30 : memref<!tpu.dma_semaphore, #tpu.memory_space<semaphore_mem>>) src(%dma_wait3A_673 : memref<1280xf32, #tpu.memory_space<hbm>>) dst(%arg18 : memref<1280xf32, #tpu.memory_space<vmem>>)
    %dma_wait3A_674 = tpu.memref_slice %arg5[%mul3A_647] : memref<6500000xi32, #tpu.memory_space<hbm>> -> memref<1280xi32, #tpu.memory_space<hbm>>
    %dma_wait3A_675 = tpu.memref_slice %arg5[%mul3A_647] : memref<6500000xi32, #tpu.memory_space<hbm>> -> memref<1280xi32, #tpu.memory_space<hbm>>
    tpu.wait_dma2 semaphore(%arg30 : memref<!tpu.dma_semaphore, #tpu.memory_space<semaphore_mem>>) src(%dma_wait3A_675 : memref<1280xi32, #tpu.memory_space<hbm>>) dst(%arg22 : memref<1280xi32, #tpu.memory_space<vmem>>)
    %scan3A_676 = arith.constant 0 : i32
    %scan3A_677 = arith.constant 0 : i32
    %scan3A_678 = arith.constant 20 : i32
    %scan3A_679 = arith.addi %scan3A_677, %scan3A_678 : i32
    %scan3A_680 = arith.constant 1 : i32
    %scan3A_681 = scf.for %scan3A_936 = %scan3A_677 to %scan3A_679 step %scan3A_680 iter_args(%scan3A_937 = %scan3A_676) -> (i32)  : i32 {
      %mul3A_938 = arith.constant 4 : i32
      %mul3A_939 = arith.muli %scan3A_936, %mul3A_938 : i32
      %mul3A_940 = arith.constant 16 : i32
      %mul3A_941 = arith.muli %mul3A_939, %mul3A_940 : i32
      %add3A_942 = arith.constant 0 : i32
      %add3A_943 = arith.addi %mul3A_941, %add3A_942 : i32
      %get3A = arith.index_cast %add3A_943 : i32 to index
      %get3A_944 = tpu.vector_load %arg14[%get3A] {strides = array<i32>} : memref<1280xi32, #tpu.memory_space<vmem>>, vector<16xi32>,
      %gather3A = tpu.vector_load_idx %arg13[%get3A_944] : memref<100352xf32, #tpu.memory_space<vmem>>[vector<16xi32>], vector<16xf32>,
      %get3A_945 = arith.index_cast %add3A_943 : i32 to index
      %get3A_946 = tpu.vector_load %arg18[%get3A_945] {strides = array<i32>} : memref<1280xf32, #tpu.memory_space<vmem>>, vector<16xf32>,
      %mul3A_947 = arith.mulf %gather3A, %get3A_946 : vector<16xf32>
      %swap3A = arith.index_cast %add3A_943 : i32 to index
      %swap3A_948 = tpu.vector_load %arg18[%swap3A] {strides = array<i32>} : memref<1280xf32, #tpu.memory_space<vmem>>, vector<16xf32>,
      tpu.vector_store %arg18[%swap3A], %mul3A_947 {strides = array<i32>} : memref<1280xf32, #tpu.memory_space<vmem>>, vector<16xf32>,
      %mul3A_949 = arith.constant 4 : i32
      %mul3A_950 = arith.muli %scan3A_936, %mul3A_949 : i32
      %mul3A_951 = arith.constant 16 : i32
      %mul3A_952 = arith.muli %mul3A_950, %mul3A_951 : i32
      %add3A_953 = arith.constant 16 : i32
      %add3A_954 = arith.addi %mul3A_952, %add3A_953 : i32
      %get3A_955 = arith.index_cast %add3A_954 : i32 to index
      %get3A_956 = tpu.vector_load %arg14[%get3A_955] {strides = array<i32>} : memref<1280xi32, #tpu.memory_space<vmem>>, vector<16xi32>,
      %gather3A_957 = tpu.vector_load_idx %arg13[%get3A_956] : memref<100352xf32, #tpu.memory_space<vmem>>[vector<16xi32>], vector<16xf32>,
      %get3A_958 = arith.index_cast %add3A_954 : i32 to index
      %get3A_959 = tpu.vector_load %arg18[%get3A_958] {strides = array<i32>} : memref<1280xf32, #tpu.memory_space<vmem>>, vector<16xf32>,
      %mul3A_960 = arith.mulf %gather3A_957, %get3A_959 : vector<16xf32>
      %swap3A_961 = arith.index_cast %add3A_954 : i32 to index
      %swap3A_962 = tpu.vector_load %arg18[%swap3A_961] {strides = array<i32>} : memref<1280xf32, #tpu.memory_space<vmem>>, vector<16xf32>,
      tpu.vector_store %arg18[%swap3A_961], %mul3A_960 {strides = array<i32>} : memref<1280xf32, #tpu.memory_space<vmem>>, vector<16xf32>,
      %mul3A_963 = arith.constant 4 : i32
      %mul3A_964 = arith.muli %scan3A_936, %mul3A_963 : i32
      %mul3A_965 = arith.constant 16 : i32
      %mul3A_966 = arith.muli %mul3A_964, %mul3A_965 : i32
      %add3A_967 = arith.constant 32 : i32
      %add3A_968 = arith.addi %mul3A_966, %add3A_967 : i32
      %get3A_969 = arith.index_cast %add3A_968 : i32 to index
      %get3A_970 = tpu.vector_load %arg14[%get3A_969] {strides = array<i32>} : memref<1280xi32, #tpu.memory_space<vmem>>, vector<16xi32>,
      %gather3A_971 = tpu.vector_load_idx %arg13[%get3A_970] : memref<100352xf32, #tpu.memory_space<vmem>>[vector<16xi32>], vector<16xf32>,
      %get3A_972 = arith.index_cast %add3A_968 : i32 to index
      %get3A_973 = tpu.vector_load %arg18[%get3A_972] {strides = array<i32>} : memref<1280xf32, #tpu.memory_space<vmem>>, vector<16xf32>,
      %mul3A_974 = arith.mulf %gather3A_971, %get3A_973 : vector<16xf32>
      %swap3A_975 = arith.index_cast %add3A_968 : i32 to index
      %swap3A_976 = tpu.vector_load %arg18[%swap3A_975] {strides = array<i32>} : memref<1280xf32, #tpu.memory_space<vmem>>, vector<16xf32>,
      tpu.vector_store %arg18[%swap3A_975], %mul3A_974 {strides = array<i32>} : memref<1280xf32, #tpu.memory_space<vmem>>, vector<16xf32>,
      %mul3A_977 = arith.constant 4 : i32
      %mul3A_978 = arith.muli %scan3A_936, %mul3A_977 : i32
      %mul3A_979 = arith.constant 16 : i32
      %mul3A_980 = arith.muli %mul3A_978, %mul3A_979 : i32
      %add3A_981 = arith.constant 48 : i32
      %add3A_982 = arith.addi %mul3A_980, %add3A_981 : i32
      %get3A_983 = arith.index_cast %add3A_982 : i32 to index
      %get3A_984 = tpu.vector_load %arg14[%get3A_983] {strides = array<i32>} : memref<1280xi32, #tpu.memory_space<vmem>>, vector<16xi32>,
      %gather3A_985 = tpu.vector_load_idx %arg13[%get3A_984] : memref<100352xf32, #tpu.memory_space<vmem>>[vector<16xi32>], vector<16xf32>,
      %get3A_986 = arith.index_cast %add3A_982 : i32 to index
      %get3A_987 = tpu.vector_load %arg18[%get3A_986] {strides = array<i32>} : memref<1280xf32, #tpu.memory_space<vmem>>, vector<16xf32>,
      %mul3A_988 = arith.mulf %gather3A_985, %get3A_987 : vector<16xf32>
      %swap3A_989 = arith.index_cast %add3A_982 : i32 to index
      %swap3A_990 = tpu.vector_load %arg18[%swap3A_989] {strides = array<i32>} : memref<1280xf32, #tpu.memory_space<vmem>>, vector<16xf32>,
      tpu.vector_store %arg18[%swap3A_989], %mul3A_988 {strides = array<i32>} : memref<1280xf32, #tpu.memory_space<vmem>>, vector<16xf32>,
      %scan3A_991 = arith.constant 0 : i32
      scf.yield %scan3A_991 : i32
    }
    %scan3A_682 = arith.constant 20 : i32
    %dma_start3A_683 = arith.constant 0 : i32
    %dma_start3A_684 = tpu.memref_slice %arg28[%dma_start3A_683] : memref<100352xf32, #tpu.memory_space<vmem_shared>> -> memref<100352xf32, #tpu.memory_space<vmem_shared>>
    tpu.enqueue_indirect_dma source(%arg18 : memref<1280xf32, #tpu.memory_space<vmem>>) target(%dma_start3A_684 : memref<100352xf32, #tpu.memory_space<vmem_shared>>) offsets(%arg22 : memref<1280xi32, #tpu.memory_space<vmem>>) semaphore(%arg30 : memref<!tpu.dma_semaphore, #tpu.memory_space<semaphore_mem>>) {add = true}
    %dma_start3A_685 = arith.constant 0 : i32
    %dma_start3A_686 = tpu.memref_slice %arg29[%dma_start3A_685] : memref<100352xf32, #tpu.memory_space<vmem_shared>> -> memref<100352xf32, #tpu.memory_space<vmem_shared>>
    tpu.enqueue_indirect_dma source(%arg27 : memref<1280xf32, #tpu.memory_space<vmem>>) target(%dma_start3A_686 : memref<100352xf32, #tpu.memory_space<vmem_shared>>) offsets(%arg22 : memref<1280xi32, #tpu.memory_space<vmem>>) semaphore(%arg30 : memref<!tpu.dma_semaphore, #tpu.memory_space<semaphore_mem>>) {add = true}
    %add3A_687 = arith.constant 3840 : i32
    %add3A_688 = arith.addi %mul3A_647, %add3A_687 : i32
    %dma_start3A_689 = tpu.memref_slice %arg4[%add3A_688] : memref<6500000xi32, #tpu.memory_space<hbm>> -> memref<1280xi32, #tpu.memory_space<hbm>>
    %dma_start3A_690 = tpu.memref_slice %arg4[%add3A_688] : memref<6500000xi32, #tpu.memory_space<hbm>> -> memref<1280xi32, #tpu.memory_space<hbm>>
    tpu.enqueue_dma source(%dma_start3A_690 : memref<1280xi32, #tpu.memory_space<hbm>>) target(%arg17 : memref<1280xi32, #tpu.memory_space<vmem>>) target_semaphore(%arg33 : memref<!tpu.dma_semaphore, #tpu.memory_space<semaphore_mem>>)
    %dma_start3A_691 = tpu.memref_slice %arg3[%add3A_688] : memref<6500000xf32, #tpu.memory_space<hbm>> -> memref<1280xf32, #tpu.memory_space<hbm>>
    %dma_start3A_692 = tpu.memref_slice %arg3[%add3A_688] : memref<6500000xf32, #tpu.memory_space<hbm>> -> memref<1280xf32, #tpu.memory_space<hbm>>
    tpu.enqueue_dma source(%dma_start3A_692 : memref<1280xf32, #tpu.memory_space<hbm>>) target(%arg21 : memref<1280xf32, #tpu.memory_space<vmem>>) target_semaphore(%arg33 : memref<!tpu.dma_semaphore, #tpu.memory_space<semaphore_mem>>)
    %dma_start3A_693 = tpu.memref_slice %arg5[%add3A_688] : memref<6500000xi32, #tpu.memory_space<hbm>> -> memref<1280xi32, #tpu.memory_space<hbm>>
    %dma_start3A_694 = tpu.memref_slice %arg5[%add3A_688] : memref<6500000xi32, #tpu.memory_space<hbm>> -> memref<1280xi32, #tpu.memory_space<hbm>>
    tpu.enqueue_dma source(%dma_start3A_694 : memref<1280xi32, #tpu.memory_space<hbm>>) target(%arg25 : memref<1280xi32, #tpu.memory_space<vmem>>) target_semaphore(%arg33 : memref<!tpu.dma_semaphore, #tpu.memory_space<semaphore_mem>>)
    %add3A_695 = arith.constant 1280 : i32
    %add3A_696 = arith.addi %mul3A_647, %add3A_695 : i32
    %dma_wait3A_697 = tpu.memref_slice %arg4[%add3A_696] : memref<6500000xi32, #tpu.memory_space<hbm>> -> memref<1280xi32, #tpu.memory_space<hbm>>
    %dma_wait3A_698 = tpu.memref_slice %arg4[%add3A_696] : memref<6500000xi32, #tpu.memory_space<hbm>> -> memref<1280xi32, #tpu.memory_space<hbm>>
    tpu.wait_dma2 semaphore(%arg31 : memref<!tpu.dma_semaphore, #tpu.memory_space<semaphore_mem>>) src(%dma_wait3A_698 : memref<1280xi32, #tpu.memory_space<hbm>>) dst(%arg15 : memref<1280xi32, #tpu.memory_space<vmem>>)
    %dma_wait3A_699 = tpu.memref_slice %arg3[%add3A_696] : memref<6500000xf32, #tpu.memory_space<hbm>> -> memref<1280xf32, #tpu.memory_space<hbm>>
    %dma_wait3A_700 = tpu.memref_slice %arg3[%add3A_696] : memref<6500000xf32, #tpu.memory_space<hbm>> -> memref<1280xf32, #tpu.memory_space<hbm>>
    tpu.wait_dma2 semaphore(%arg31 : memref<!tpu.dma_semaphore, #tpu.memory_space<semaphore_mem>>) src(%dma_wait3A_700 : memref<1280xf32, #tpu.memory_space<hbm>>) dst(%arg19 : memref<1280xf32, #tpu.memory_space<vmem>>)
    %dma_wait3A_701 = tpu.memref_slice %arg5[%add3A_696] : memref<6500000xi32, #tpu.memory_space<hbm>> -> memref<1280xi32, #tpu.memory_space<hbm>>
    %dma_wait3A_702 = tpu.memref_slice %arg5[%add3A_696] : memref<6500000xi32, #tpu.memory_space<hbm>> -> memref<1280xi32, #tpu.memory_space<hbm>>
    tpu.wait_dma2 semaphore(%arg31 : memref<!tpu.dma_semaphore, #tpu.memory_space<semaphore_mem>>) src(%dma_wait3A_702 : memref<1280xi32, #tpu.memory_space<hbm>>) dst(%arg23 : memref<1280xi32, #tpu.memory_space<vmem>>)
    %scan3A_703 = arith.constant 0 : i32
    %scan3A_704 = arith.constant 0 : i32
    %scan3A_705 = arith.constant 20 : i32
    %scan3A_706 = arith.addi %scan3A_704, %scan3A_705 : i32
    %scan3A_707 = arith.constant 1 : i32
    %scan3A_708 = scf.for %scan3A_936 = %scan3A_704 to %scan3A_706 step %scan3A_707 iter_args(%scan3A_937 = %scan3A_703) -> (i32)  : i32 {
      %mul3A_938 = arith.constant 4 : i32
      %mul3A_939 = arith.muli %scan3A_936, %mul3A_938 : i32
      %mul3A_940 = arith.constant 16 : i32
      %mul3A_941 = arith.muli %mul3A_939, %mul3A_940 : i32
      %add3A_942 = arith.constant 0 : i32
      %add3A_943 = arith.addi %mul3A_941, %add3A_942 : i32
      %get3A = arith.index_cast %add3A_943 : i32 to index
      %get3A_944 = tpu.vector_load %arg15[%get3A] {strides = array<i32>} : memref<1280xi32, #tpu.memory_space<vmem>>, vector<16xi32>,
      %gather3A = tpu.vector_load_idx %arg13[%get3A_944] : memref<100352xf32, #tpu.memory_space<vmem>>[vector<16xi32>], vector<16xf32>,
      %get3A_945 = arith.index_cast %add3A_943 : i32 to index
      %get3A_946 = tpu.vector_load %arg19[%get3A_945] {strides = array<i32>} : memref<1280xf32, #tpu.memory_space<vmem>>, vector<16xf32>,
      %mul3A_947 = arith.mulf %gather3A, %get3A_946 : vector<16xf32>
      %swap3A = arith.index_cast %add3A_943 : i32 to index
      %swap3A_948 = tpu.vector_load %arg19[%swap3A] {strides = array<i32>} : memref<1280xf32, #tpu.memory_space<vmem>>, vector<16xf32>,
      tpu.vector_store %arg19[%swap3A], %mul3A_947 {strides = array<i32>} : memref<1280xf32, #tpu.memory_space<vmem>>, vector<16xf32>,
      %mul3A_949 = arith.constant 4 : i32
      %mul3A_950 = arith.muli %scan3A_936, %mul3A_949 : i32
      %mul3A_951 = arith.constant 16 : i32
      %mul3A_952 = arith.muli %mul3A_950, %mul3A_951 : i32
      %add3A_953 = arith.constant 16 : i32
      %add3A_954 = arith.addi %mul3A_952, %add3A_953 : i32
      %get3A_955 = arith.index_cast %add3A_954 : i32 to index
      %get3A_956 = tpu.vector_load %arg15[%get3A_955] {strides = array<i32>} : memref<1280xi32, #tpu.memory_space<vmem>>, vector<16xi32>,
      %gather3A_957 = tpu.vector_load_idx %arg13[%get3A_956] : memref<100352xf32, #tpu.memory_space<vmem>>[vector<16xi32>], vector<16xf32>,
      %get3A_958 = arith.index_cast %add3A_954 : i32 to index
      %get3A_959 = tpu.vector_load %arg19[%get3A_958] {strides = array<i32>} : memref<1280xf32, #tpu.memory_space<vmem>>, vector<16xf32>,
      %mul3A_960 = arith.mulf %gather3A_957, %get3A_959 : vector<16xf32>
      %swap3A_961 = arith.index_cast %add3A_954 : i32 to index
      %swap3A_962 = tpu.vector_load %arg19[%swap3A_961] {strides = array<i32>} : memref<1280xf32, #tpu.memory_space<vmem>>, vector<16xf32>,
      tpu.vector_store %arg19[%swap3A_961], %mul3A_960 {strides = array<i32>} : memref<1280xf32, #tpu.memory_space<vmem>>, vector<16xf32>,
      %mul3A_963 = arith.constant 4 : i32
      %mul3A_964 = arith.muli %scan3A_936, %mul3A_963 : i32
      %mul3A_965 = arith.constant 16 : i32
      %mul3A_966 = arith.muli %mul3A_964, %mul3A_965 : i32
      %add3A_967 = arith.constant 32 : i32
      %add3A_968 = arith.addi %mul3A_966, %add3A_967 : i32
      %get3A_969 = arith.index_cast %add3A_968 : i32 to index
      %get3A_970 = tpu.vector_load %arg15[%get3A_969] {strides = array<i32>} : memref<1280xi32, #tpu.memory_space<vmem>>, vector<16xi32>,
      %gather3A_971 = tpu.vector_load_idx %arg13[%get3A_970] : memref<100352xf32, #tpu.memory_space<vmem>>[vector<16xi32>], vector<16xf32>,
      %get3A_972 = arith.index_cast %add3A_968 : i32 to index
      %get3A_973 = tpu.vector_load %arg19[%get3A_972] {strides = array<i32>} : memref<1280xf32, #tpu.memory_space<vmem>>, vector<16xf32>,
      %mul3A_974 = arith.mulf %gather3A_971, %get3A_973 : vector<16xf32>
      %swap3A_975 = arith.index_cast %add3A_968 : i32 to index
      %swap3A_976 = tpu.vector_load %arg19[%swap3A_975] {strides = array<i32>} : memref<1280xf32, #tpu.memory_space<vmem>>, vector<16xf32>,
      tpu.vector_store %arg19[%swap3A_975], %mul3A_974 {strides = array<i32>} : memref<1280xf32, #tpu.memory_space<vmem>>, vector<16xf32>,
      %mul3A_977 = arith.constant 4 : i32
      %mul3A_978 = arith.muli %scan3A_936, %mul3A_977 : i32
      %mul3A_979 = arith.constant 16 : i32
      %mul3A_980 = arith.muli %mul3A_978, %mul3A_979 : i32
      %add3A_981 = arith.constant 48 : i32
      %add3A_982 = arith.addi %mul3A_980, %add3A_981 : i32
      %get3A_983 = arith.index_cast %add3A_982 : i32 to index
      %get3A_984 = tpu.vector_load %arg15[%get3A_983] {strides = array<i32>} : memref<1280xi32, #tpu.memory_space<vmem>>, vector<16xi32>,
      %gather3A_985 = tpu.vector_load_idx %arg13[%get3A_984] : memref<100352xf32, #tpu.memory_space<vmem>>[vector<16xi32>], vector<16xf32>,
      %get3A_986 = arith.index_cast %add3A_982 : i32 to index
      %get3A_987 = tpu.vector_load %arg19[%get3A_986] {strides = array<i32>} : memref<1280xf32, #tpu.memory_space<vmem>>, vector<16xf32>,
      %mul3A_988 = arith.mulf %gather3A_985, %get3A_987 : vector<16xf32>
      %swap3A_989 = arith.index_cast %add3A_982 : i32 to index
      %swap3A_990 = tpu.vector_load %arg19[%swap3A_989] {strides = array<i32>} : memref<1280xf32, #tpu.memory_space<vmem>>, vector<16xf32>,
      tpu.vector_store %arg19[%swap3A_989], %mul3A_988 {strides = array<i32>} : memref<1280xf32, #tpu.memory_space<vmem>>, vector<16xf32>,
      %scan3A_991 = arith.constant 0 : i32
      scf.yield %scan3A_991 : i32
    }
    %scan3A_709 = arith.constant 20 : i32
    %dma_start3A_710 = arith.constant 0 : i32
    %dma_start3A_711 = tpu.memref_slice %arg28[%dma_start3A_710] : memref<100352xf32, #tpu.memory_space<vmem_shared>> -> memref<100352xf32, #tpu.memory_space<vmem_shared>>
    tpu.enqueue_indirect_dma source(%arg19 : memref<1280xf32, #tpu.memory_space<vmem>>) target(%dma_start3A_711 : memref<100352xf32, #tpu.memory_space<vmem_shared>>) offsets(%arg23 : memref<1280xi32, #tpu.memory_space<vmem>>) semaphore(%arg31 : memref<!tpu.dma_semaphore, #tpu.memory_space<semaphore_mem>>) {add = true}
    %dma_start3A_712 = arith.constant 0 : i32
    %dma_start3A_713 = tpu.memref_slice %arg29[%dma_start3A_712] : memref<100352xf32, #tpu.memory_space<vmem_shared>> -> memref<100352xf32, #tpu.memory_space<vmem_shared>>
    tpu.enqueue_indirect_dma source(%arg27 : memref<1280xf32, #tpu.memory_space<vmem>>) target(%dma_start3A_713 : memref<100352xf32, #tpu.memory_space<vmem_shared>>) offsets(%arg23 : memref<1280xi32, #tpu.memory_space<vmem>>) semaphore(%arg31 : memref<!tpu.dma_semaphore, #tpu.memory_space<semaphore_mem>>) {add = true}
    %scan3A_714 = arith.constant 0 : i32
    %scan3A_715 = arith.constant 0 : i32
    %scan3A_716 = arith.constant 39 : i32
    %scan3A_717 = arith.addi %scan3A_715, %scan3A_716 : i32
    %scan3A_718 = arith.constant 1 : i32
    %scan3A_719 = scf.for %scan3A_936 = %scan3A_715 to %scan3A_717 step %scan3A_718 iter_args(%scan3A_937 = %scan3A_714) -> (i32)  : i32 {
      %mul3A_938 = arith.constant 4 : i32
      %mul3A_939 = arith.muli %mul3A_938, %scan3A_936 : i32
      %add3A_940 = arith.constant 2 : i32
      %add3A_941 = arith.addi %mul3A_939, %add3A_940 : i32
      %mul3A_942 = arith.constant 1280 : i32
      %mul3A_943 = arith.muli %add3A_941, %mul3A_942 : i32
      %add3A_944 = arith.addi %mul3A_647, %mul3A_943 : i32
      %dma_wait3A_945 = arith.constant 0 : i32
      %dma_wait3A_946 = tpu.memref_slice %arg28[%dma_wait3A_945] : memref<100352xf32, #tpu.memory_space<vmem_shared>> -> memref<100352xf32, #tpu.memory_space<vmem_shared>>
      tpu.wait_indirect_dma semaphore(%arg30 : memref<!tpu.dma_semaphore, #tpu.memory_space<semaphore_mem>>) src(%arg18 : memref<1280xf32, #tpu.memory_space<vmem>>) dst(%dma_wait3A_946 : memref<100352xf32, #tpu.memory_space<vmem_shared>>)
      %dma_wait3A_947 = arith.constant 0 : i32
      %dma_wait3A_948 = tpu.memref_slice %arg29[%dma_wait3A_947] : memref<100352xf32, #tpu.memory_space<vmem_shared>> -> memref<100352xf32, #tpu.memory_space<vmem_shared>>
      tpu.wait_indirect_dma semaphore(%arg30 : memref<!tpu.dma_semaphore, #tpu.memory_space<semaphore_mem>>) src(%arg27 : memref<1280xf32, #tpu.memory_space<vmem>>) dst(%dma_wait3A_948 : memref<100352xf32, #tpu.memory_space<vmem_shared>>)
      %add3A_949 = arith.constant 2560 : i32
      %add3A_950 = arith.addi %add3A_944, %add3A_949 : i32
      %dma_start3A_951 = tpu.memref_slice %arg4[%add3A_950] : memref<6500000xi32, #tpu.memory_space<hbm>> -> memref<1280xi32, #tpu.memory_space<hbm>>
      %dma_start3A_952 = tpu.memref_slice %arg4[%add3A_950] : memref<6500000xi32, #tpu.memory_space<hbm>> -> memref<1280xi32, #tpu.memory_space<hbm>>
      tpu.enqueue_dma source(%dma_start3A_952 : memref<1280xi32, #tpu.memory_space<hbm>>) target(%arg14 : memref<1280xi32, #tpu.memory_space<vmem>>) target_semaphore(%arg30 : memref<!tpu.dma_semaphore, #tpu.memory_space<semaphore_mem>>)
      %dma_start3A_953 = tpu.memref_slice %arg3[%add3A_950] : memref<6500000xf32, #tpu.memory_space<hbm>> -> memref<1280xf32, #tpu.memory_space<hbm>>
      %dma_start3A_954 = tpu.memref_slice %arg3[%add3A_950] : memref<6500000xf32, #tpu.memory_space<hbm>> -> memref<1280xf32, #tpu.memory_space<hbm>>
      tpu.enqueue_dma source(%dma_start3A_954 : memref<1280xf32, #tpu.memory_space<hbm>>) target(%arg18 : memref<1280xf32, #tpu.memory_space<vmem>>) target_semaphore(%arg30 : memref<!tpu.dma_semaphore, #tpu.memory_space<semaphore_mem>>)
      %dma_start3A_955 = tpu.memref_slice %arg5[%add3A_950] : memref<6500000xi32, #tpu.memory_space<hbm>> -> memref<1280xi32, #tpu.memory_space<hbm>>
      %dma_start3A_956 = tpu.memref_slice %arg5[%add3A_950] : memref<6500000xi32, #tpu.memory_space<hbm>> -> memref<1280xi32, #tpu.memory_space<hbm>>
      tpu.enqueue_dma source(%dma_start3A_956 : memref<1280xi32, #tpu.memory_space<hbm>>) target(%arg22 : memref<1280xi32, #tpu.memory_space<vmem>>) target_semaphore(%arg30 : memref<!tpu.dma_semaphore, #tpu.memory_space<semaphore_mem>>)
      %dma_wait3A_957 = tpu.memref_slice %arg4[%add3A_944] : memref<6500000xi32, #tpu.memory_space<hbm>> -> memref<1280xi32, #tpu.memory_space<hbm>>
      %dma_wait3A_958 = tpu.memref_slice %arg4[%add3A_944] : memref<6500000xi32, #tpu.memory_space<hbm>> -> memref<1280xi32, #tpu.memory_space<hbm>>
      tpu.wait_dma2 semaphore(%arg32 : memref<!tpu.dma_semaphore, #tpu.memory_space<semaphore_mem>>) src(%dma_wait3A_958 : memref<1280xi32, #tpu.memory_space<hbm>>) dst(%arg16 : memref<1280xi32, #tpu.memory_space<vmem>>)
      %dma_wait3A_959 = tpu.memref_slice %arg3[%add3A_944] : memref<6500000xf32, #tpu.memory_space<hbm>> -> memref<1280xf32, #tpu.memory_space<hbm>>
      %dma_wait3A_960 = tpu.memref_slice %arg3[%add3A_944] : memref<6500000xf32, #tpu.memory_space<hbm>> -> memref<1280xf32, #tpu.memory_space<hbm>>
      tpu.wait_dma2 semaphore(%arg32 : memref<!tpu.dma_semaphore, #tpu.memory_space<semaphore_mem>>) src(%dma_wait3A_960 : memref<1280xf32, #tpu.memory_space<hbm>>) dst(%arg20 : memref<1280xf32, #tpu.memory_space<vmem>>)
      %dma_wait3A_961 = tpu.memref_slice %arg5[%add3A_944] : memref<6500000xi32, #tpu.memory_space<hbm>> -> memref<1280xi32, #tpu.memory_space<hbm>>
      %dma_wait3A_962 = tpu.memref_slice %arg5[%add3A_944] : memref<6500000xi32, #tpu.memory_space<hbm>> -> memref<1280xi32, #tpu.memory_space<hbm>>
      tpu.wait_dma2 semaphore(%arg32 : memref<!tpu.dma_semaphore, #tpu.memory_space<semaphore_mem>>) src(%dma_wait3A_962 : memref<1280xi32, #tpu.memory_space<hbm>>) dst(%arg24 : memref<1280xi32, #tpu.memory_space<vmem>>)
      %scan3A_963 = arith.constant 0 : i32
      %scan3A_964 = arith.constant 0 : i32
      %scan3A_965 = arith.constant 20 : i32
      %scan3A_966 = arith.addi %scan3A_964, %scan3A_965 : i32
      %scan3A_967 = arith.constant 1 : i32
      %scan3A_968 = scf.for %scan3A_1083 = %scan3A_964 to %scan3A_966 step %scan3A_967 iter_args(%scan3A_1084 = %scan3A_963) -> (i32)  : i32 {
        %mul3A_1085 = arith.constant 4 : i32
        %mul3A_1086 = arith.muli %scan3A_1083, %mul3A_1085 : i32
        %mul3A_1087 = arith.constant 16 : i32
        %mul3A_1088 = arith.muli %mul3A_1086, %mul3A_1087 : i32
        %add3A_1089 = arith.constant 0 : i32
        %add3A_1090 = arith.addi %mul3A_1088, %add3A_1089 : i32
        %get3A = arith.index_cast %add3A_1090 : i32 to index
        %get3A_1091 = tpu.vector_load %arg16[%get3A] {strides = array<i32>} : memref<1280xi32, #tpu.memory_space<vmem>>, vector<16xi32>,
        %gather3A = tpu.vector_load_idx %arg13[%get3A_1091] : memref<100352xf32, #tpu.memory_space<vmem>>[vector<16xi32>], vector<16xf32>,
        %get3A_1092 = arith.index_cast %add3A_1090 : i32 to index
        %get3A_1093 = tpu.vector_load %arg20[%get3A_1092] {strides = array<i32>} : memref<1280xf32, #tpu.memory_space<vmem>>, vector<16xf32>,
        %mul3A_1094 = arith.mulf %gather3A, %get3A_1093 : vector<16xf32>
        %swap3A = arith.index_cast %add3A_1090 : i32 to index
        %swap3A_1095 = tpu.vector_load %arg20[%swap3A] {strides = array<i32>} : memref<1280xf32, #tpu.memory_space<vmem>>, vector<16xf32>,
        tpu.vector_store %arg20[%swap3A], %mul3A_1094 {strides = array<i32>} : memref<1280xf32, #tpu.memory_space<vmem>>, vector<16xf32>,
        %mul3A_1096 = arith.constant 4 : i32
        %mul3A_1097 = arith.muli %scan3A_1083, %mul3A_1096 : i32
        %mul3A_1098 = arith.constant 16 : i32
        %mul3A_1099 = arith.muli %mul3A_1097, %mul3A_1098 : i32
        %add3A_1100 = arith.constant 16 : i32
        %add3A_1101 = arith.addi %mul3A_1099, %add3A_1100 : i32
        %get3A_1102 = arith.index_cast %add3A_1101 : i32 to index
        %get3A_1103 = tpu.vector_load %arg16[%get3A_1102] {strides = array<i32>} : memref<1280xi32, #tpu.memory_space<vmem>>, vector<16xi32>,
        %gather3A_1104 = tpu.vector_load_idx %arg13[%get3A_1103] : memref<100352xf32, #tpu.memory_space<vmem>>[vector<16xi32>], vector<16xf32>,
        %get3A_1105 = arith.index_cast %add3A_1101 : i32 to index
        %get3A_1106 = tpu.vector_load %arg20[%get3A_1105] {strides = array<i32>} : memref<1280xf32, #tpu.memory_space<vmem>>, vector<16xf32>,
        %mul3A_1107 = arith.mulf %gather3A_1104, %get3A_1106 : vector<16xf32>
        %swap3A_1108 = arith.index_cast %add3A_1101 : i32 to index
        %swap3A_1109 = tpu.vector_load %arg20[%swap3A_1108] {strides = array<i32>} : memref<1280xf32, #tpu.memory_space<vmem>>, vector<16xf32>,
        tpu.vector_store %arg20[%swap3A_1108], %mul3A_1107 {strides = array<i32>} : memref<1280xf32, #tpu.memory_space<vmem>>, vector<16xf32>,
        %mul3A_1110 = arith.constant 4 : i32
        %mul3A_1111 = arith.muli %scan3A_1083, %mul3A_1110 : i32
        %mul3A_1112 = arith.constant 16 : i32
        %mul3A_1113 = arith.muli %mul3A_1111, %mul3A_1112 : i32
        %add3A_1114 = arith.constant 32 : i32
        %add3A_1115 = arith.addi %mul3A_1113, %add3A_1114 : i32
        %get3A_1116 = arith.index_cast %add3A_1115 : i32 to index
        %get3A_1117 = tpu.vector_load %arg16[%get3A_1116] {strides = array<i32>} : memref<1280xi32, #tpu.memory_space<vmem>>, vector<16xi32>,
        %gather3A_1118 = tpu.vector_load_idx %arg13[%get3A_1117] : memref<100352xf32, #tpu.memory_space<vmem>>[vector<16xi32>], vector<16xf32>,
        %get3A_1119 = arith.index_cast %add3A_1115 : i32 to index
        %get3A_1120 = tpu.vector_load %arg20[%get3A_1119] {strides = array<i32>} : memref<1280xf32, #tpu.memory_space<vmem>>, vector<16xf32>,
        %mul3A_1121 = arith.mulf %gather3A_1118, %get3A_1120 : vector<16xf32>
        %swap3A_1122 = arith.index_cast %add3A_1115 : i32 to index
        %swap3A_1123 = tpu.vector_load %arg20[%swap3A_1122] {strides = array<i32>} : memref<1280xf32, #tpu.memory_space<vmem>>, vector<16xf32>,
        tpu.vector_store %arg20[%swap3A_1122], %mul3A_1121 {strides = array<i32>} : memref<1280xf32, #tpu.memory_space<vmem>>, vector<16xf32>,
        %mul3A_1124 = arith.constant 4 : i32
        %mul3A_1125 = arith.muli %scan3A_1083, %mul3A_1124 : i32
        %mul3A_1126 = arith.constant 16 : i32
        %mul3A_1127 = arith.muli %mul3A_1125, %mul3A_1126 : i32
        %add3A_1128 = arith.constant 48 : i32
        %add3A_1129 = arith.addi %mul3A_1127, %add3A_1128 : i32
        %get3A_1130 = arith.index_cast %add3A_1129 : i32 to index
        %get3A_1131 = tpu.vector_load %arg16[%get3A_1130] {strides = array<i32>} : memref<1280xi32, #tpu.memory_space<vmem>>, vector<16xi32>,
        %gather3A_1132 = tpu.vector_load_idx %arg13[%get3A_1131] : memref<100352xf32, #tpu.memory_space<vmem>>[vector<16xi32>], vector<16xf32>,
        %get3A_1133 = arith.index_cast %add3A_1129 : i32 to index
        %get3A_1134 = tpu.vector_load %arg20[%get3A_1133] {strides = array<i32>} : memref<1280xf32, #tpu.memory_space<vmem>>, vector<16xf32>,
        %mul3A_1135 = arith.mulf %gather3A_1132, %get3A_1134 : vector<16xf32>
        %swap3A_1136 = arith.index_cast %add3A_1129 : i32 to index
        %swap3A_1137 = tpu.vector_load %arg20[%swap3A_1136] {strides = array<i32>} : memref<1280xf32, #tpu.memory_space<vmem>>, vector<16xf32>,
        tpu.vector_store %arg20[%swap3A_1136], %mul3A_1135 {strides = array<i32>} : memref<1280xf32, #tpu.memory_space<vmem>>, vector<16xf32>,
        %scan3A_1138 = arith.constant 0 : i32
        scf.yield %scan3A_1138 : i32
      }
      %scan3A_969 = arith.constant 20 : i32
      %dma_start3A_970 = arith.constant 0 : i32
      %dma_start3A_971 = tpu.memref_slice %arg28[%dma_start3A_970] : memref<100352xf32, #tpu.memory_space<vmem_shared>> -> memref<100352xf32, #tpu.memory_space<vmem_shared>>
      tpu.enqueue_indirect_dma source(%arg20 : memref<1280xf32, #tpu.memory_space<vmem>>) target(%dma_start3A_971 : memref<100352xf32, #tpu.memory_space<vmem_shared>>) offsets(%arg24 : memref<1280xi32, #tpu.memory_space<vmem>>) semaphore(%arg32 : memref<!tpu.dma_semaphore, #tpu.memory_space<semaphore_mem>>) {add = true}
      %dma_start3A_972 = arith.constant 0 : i32
      %dma_start3A_973 = tpu.memref_slice %arg29[%dma_start3A_972] : memref<100352xf32, #tpu.memory_space<vmem_shared>> -> memref<100352xf32, #tpu.memory_space<vmem_shared>>
      tpu.enqueue_indirect_dma source(%arg27 : memref<1280xf32, #tpu.memory_space<vmem>>) target(%dma_start3A_973 : memref<100352xf32, #tpu.memory_space<vmem_shared>>) offsets(%arg24 : memref<1280xi32, #tpu.memory_space<vmem>>) semaphore(%arg32 : memref<!tpu.dma_semaphore, #tpu.memory_space<semaphore_mem>>) {add = true}
      %mul3A_974 = arith.constant 4 : i32
      %mul3A_975 = arith.muli %mul3A_974, %scan3A_936 : i32
      %add3A_976 = arith.constant 3 : i32
      %add3A_977 = arith.addi %mul3A_975, %add3A_976 : i32
      %mul3A_978 = arith.constant 1280 : i32
      %mul3A_979 = arith.muli %add3A_977, %mul3A_978 : i32
      %add3A_980 = arith.addi %mul3A_647, %mul3A_979 : i32
      %dma_wait3A_981 = arith.constant 0 : i32
      %dma_wait3A_982 = tpu.memref_slice %arg28[%dma_wait3A_981] : memref<100352xf32, #tpu.memory_space<vmem_shared>> -> memref<100352xf32, #tpu.memory_space<vmem_shared>>
      tpu.wait_indirect_dma semaphore(%arg31 : memref<!tpu.dma_semaphore, #tpu.memory_space<semaphore_mem>>) src(%arg19 : memref<1280xf32, #tpu.memory_space<vmem>>) dst(%dma_wait3A_982 : memref<100352xf32, #tpu.memory_space<vmem_shared>>)
      %dma_wait3A_983 = arith.constant 0 : i32
      %dma_wait3A_984 = tpu.memref_slice %arg29[%dma_wait3A_983] : memref<100352xf32, #tpu.memory_space<vmem_shared>> -> memref<100352xf32, #tpu.memory_space<vmem_shared>>
      tpu.wait_indirect_dma semaphore(%arg31 : memref<!tpu.dma_semaphore, #tpu.memory_space<semaphore_mem>>) src(%arg27 : memref<1280xf32, #tpu.memory_space<vmem>>) dst(%dma_wait3A_984 : memref<100352xf32, #tpu.memory_space<vmem_shared>>)
      %add3A_985 = arith.constant 2560 : i32
      %add3A_986 = arith.addi %add3A_980, %add3A_985 : i32
      %dma_start3A_987 = tpu.memref_slice %arg4[%add3A_986] : memref<6500000xi32, #tpu.memory_space<hbm>> -> memref<1280xi32, #tpu.memory_space<hbm>>
      %dma_start3A_988 = tpu.memref_slice %arg4[%add3A_986] : memref<6500000xi32, #tpu.memory_space<hbm>> -> memref<1280xi32, #tpu.memory_space<hbm>>
      tpu.enqueue_dma source(%dma_start3A_988 : memref<1280xi32, #tpu.memory_space<hbm>>) target(%arg15 : memref<1280xi32, #tpu.memory_space<vmem>>) target_semaphore(%arg31 : memref<!tpu.dma_semaphore, #tpu.memory_space<semaphore_mem>>)
      %dma_start3A_989 = tpu.memref_slice %arg3[%add3A_986] : memref<6500000xf32, #tpu.memory_space<hbm>> -> memref<1280xf32, #tpu.memory_space<hbm>>
      %dma_start3A_990 = tpu.memref_slice %arg3[%add3A_986] : memref<6500000xf32, #tpu.memory_space<hbm>> -> memref<1280xf32, #tpu.memory_space<hbm>>
      tpu.enqueue_dma source(%dma_start3A_990 : memref<1280xf32, #tpu.memory_space<hbm>>) target(%arg19 : memref<1280xf32, #tpu.memory_space<vmem>>) target_semaphore(%arg31 : memref<!tpu.dma_semaphore, #tpu.memory_space<semaphore_mem>>)
      %dma_start3A_991 = tpu.memref_slice %arg5[%add3A_986] : memref<6500000xi32, #tpu.memory_space<hbm>> -> memref<1280xi32, #tpu.memory_space<hbm>>
      %dma_start3A_992 = tpu.memref_slice %arg5[%add3A_986] : memref<6500000xi32, #tpu.memory_space<hbm>> -> memref<1280xi32, #tpu.memory_space<hbm>>
      tpu.enqueue_dma source(%dma_start3A_992 : memref<1280xi32, #tpu.memory_space<hbm>>) target(%arg23 : memref<1280xi32, #tpu.memory_space<vmem>>) target_semaphore(%arg31 : memref<!tpu.dma_semaphore, #tpu.memory_space<semaphore_mem>>)
      %dma_wait3A_993 = tpu.memref_slice %arg4[%add3A_980] : memref<6500000xi32, #tpu.memory_space<hbm>> -> memref<1280xi32, #tpu.memory_space<hbm>>
      %dma_wait3A_994 = tpu.memref_slice %arg4[%add3A_980] : memref<6500000xi32, #tpu.memory_space<hbm>> -> memref<1280xi32, #tpu.memory_space<hbm>>
      tpu.wait_dma2 semaphore(%arg33 : memref<!tpu.dma_semaphore, #tpu.memory_space<semaphore_mem>>) src(%dma_wait3A_994 : memref<1280xi32, #tpu.memory_space<hbm>>) dst(%arg17 : memref<1280xi32, #tpu.memory_space<vmem>>)
      %dma_wait3A_995 = tpu.memref_slice %arg3[%add3A_980] : memref<6500000xf32, #tpu.memory_space<hbm>> -> memref<1280xf32, #tpu.memory_space<hbm>>
      %dma_wait3A_996 = tpu.memref_slice %arg3[%add3A_980] : memref<6500000xf32, #tpu.memory_space<hbm>> -> memref<1280xf32, #tpu.memory_space<hbm>>
      tpu.wait_dma2 semaphore(%arg33 : memref<!tpu.dma_semaphore, #tpu.memory_space<semaphore_mem>>) src(%dma_wait3A_996 : memref<1280xf32, #tpu.memory_space<hbm>>) dst(%arg21 : memref<1280xf32, #tpu.memory_space<vmem>>)
      %dma_wait3A_997 = tpu.memref_slice %arg5[%add3A_980] : memref<6500000xi32, #tpu.memory_space<hbm>> -> memref<1280xi32, #tpu.memory_space<hbm>>
      %dma_wait3A_998 = tpu.memref_slice %arg5[%add3A_980] : memref<6500000xi32, #tpu.memory_space<hbm>> -> memref<1280xi32, #tpu.memory_space<hbm>>
      tpu.wait_dma2 semaphore(%arg33 : memref<!tpu.dma_semaphore, #tpu.memory_space<semaphore_mem>>) src(%dma_wait3A_998 : memref<1280xi32, #tpu.memory_space<hbm>>) dst(%arg25 : memref<1280xi32, #tpu.memory_space<vmem>>)
      %scan3A_999 = arith.constant 0 : i32
      %scan3A_1000 = arith.constant 0 : i32
      %scan3A_1001 = arith.constant 20 : i32
      %scan3A_1002 = arith.addi %scan3A_1000, %scan3A_1001 : i32
      %scan3A_1003 = arith.constant 1 : i32
      %scan3A_1004 = scf.for %scan3A_1083 = %scan3A_1000 to %scan3A_1002 step %scan3A_1003 iter_args(%scan3A_1084 = %scan3A_999) -> (i32)  : i32 {
        %mul3A_1085 = arith.constant 4 : i32
        %mul3A_1086 = arith.muli %scan3A_1083, %mul3A_1085 : i32
        %mul3A_1087 = arith.constant 16 : i32
        %mul3A_1088 = arith.muli %mul3A_1086, %mul3A_1087 : i32
        %add3A_1089 = arith.constant 0 : i32
        %add3A_1090 = arith.addi %mul3A_1088, %add3A_1089 : i32
        %get3A = arith.index_cast %add3A_1090 : i32 to index
        %get3A_1091 = tpu.vector_load %arg17[%get3A] {strides = array<i32>} : memref<1280xi32, #tpu.memory_space<vmem>>, vector<16xi32>,
        %gather3A = tpu.vector_load_idx %arg13[%get3A_1091] : memref<100352xf32, #tpu.memory_space<vmem>>[vector<16xi32>], vector<16xf32>,
        %get3A_1092 = arith.index_cast %add3A_1090 : i32 to index
        %get3A_1093 = tpu.vector_load %arg21[%get3A_1092] {strides = array<i32>} : memref<1280xf32, #tpu.memory_space<vmem>>, vector<16xf32>,
        %mul3A_1094 = arith.mulf %gather3A, %get3A_1093 : vector<16xf32>
        %swap3A = arith.index_cast %add3A_1090 : i32 to index
        %swap3A_1095 = tpu.vector_load %arg21[%swap3A] {strides = array<i32>} : memref<1280xf32, #tpu.memory_space<vmem>>, vector<16xf32>,
        tpu.vector_store %arg21[%swap3A], %mul3A_1094 {strides = array<i32>} : memref<1280xf32, #tpu.memory_space<vmem>>, vector<16xf32>,
        %mul3A_1096 = arith.constant 4 : i32
        %mul3A_1097 = arith.muli %scan3A_1083, %mul3A_1096 : i32
        %mul3A_1098 = arith.constant 16 : i32
        %mul3A_1099 = arith.muli %mul3A_1097, %mul3A_1098 : i32
        %add3A_1100 = arith.constant 16 : i32
        %add3A_1101 = arith.addi %mul3A_1099, %add3A_1100 : i32
        %get3A_1102 = arith.index_cast %add3A_1101 : i32 to index
        %get3A_1103 = tpu.vector_load %arg17[%get3A_1102] {strides = array<i32>} : memref<1280xi32, #tpu.memory_space<vmem>>, vector<16xi32>,
        %gather3A_1104 = tpu.vector_load_idx %arg13[%get3A_1103] : memref<100352xf32, #tpu.memory_space<vmem>>[vector<16xi32>], vector<16xf32>,
        %get3A_1105 = arith.index_cast %add3A_1101 : i32 to index
        %get3A_1106 = tpu.vector_load %arg21[%get3A_1105] {strides = array<i32>} : memref<1280xf32, #tpu.memory_space<vmem>>, vector<16xf32>,
        %mul3A_1107 = arith.mulf %gather3A_1104, %get3A_1106 : vector<16xf32>
        %swap3A_1108 = arith.index_cast %add3A_1101 : i32 to index
        %swap3A_1109 = tpu.vector_load %arg21[%swap3A_1108] {strides = array<i32>} : memref<1280xf32, #tpu.memory_space<vmem>>, vector<16xf32>,
        tpu.vector_store %arg21[%swap3A_1108], %mul3A_1107 {strides = array<i32>} : memref<1280xf32, #tpu.memory_space<vmem>>, vector<16xf32>,
        %mul3A_1110 = arith.constant 4 : i32
        %mul3A_1111 = arith.muli %scan3A_1083, %mul3A_1110 : i32
        %mul3A_1112 = arith.constant 16 : i32
        %mul3A_1113 = arith.muli %mul3A_1111, %mul3A_1112 : i32
        %add3A_1114 = arith.constant 32 : i32
        %add3A_1115 = arith.addi %mul3A_1113, %add3A_1114 : i32
        %get3A_1116 = arith.index_cast %add3A_1115 : i32 to index
        %get3A_1117 = tpu.vector_load %arg17[%get3A_1116] {strides = array<i32>} : memref<1280xi32, #tpu.memory_space<vmem>>, vector<16xi32>,
        %gather3A_1118 = tpu.vector_load_idx %arg13[%get3A_1117] : memref<100352xf32, #tpu.memory_space<vmem>>[vector<16xi32>], vector<16xf32>,
        %get3A_1119 = arith.index_cast %add3A_1115 : i32 to index
        %get3A_1120 = tpu.vector_load %arg21[%get3A_1119] {strides = array<i32>} : memref<1280xf32, #tpu.memory_space<vmem>>, vector<16xf32>,
        %mul3A_1121 = arith.mulf %gather3A_1118, %get3A_1120 : vector<16xf32>
        %swap3A_1122 = arith.index_cast %add3A_1115 : i32 to index
        %swap3A_1123 = tpu.vector_load %arg21[%swap3A_1122] {strides = array<i32>} : memref<1280xf32, #tpu.memory_space<vmem>>, vector<16xf32>,
        tpu.vector_store %arg21[%swap3A_1122], %mul3A_1121 {strides = array<i32>} : memref<1280xf32, #tpu.memory_space<vmem>>, vector<16xf32>,
        %mul3A_1124 = arith.constant 4 : i32
        %mul3A_1125 = arith.muli %scan3A_1083, %mul3A_1124 : i32
        %mul3A_1126 = arith.constant 16 : i32
        %mul3A_1127 = arith.muli %mul3A_1125, %mul3A_1126 : i32
        %add3A_1128 = arith.constant 48 : i32
        %add3A_1129 = arith.addi %mul3A_1127, %add3A_1128 : i32
        %get3A_1130 = arith.index_cast %add3A_1129 : i32 to index
        %get3A_1131 = tpu.vector_load %arg17[%get3A_1130] {strides = array<i32>} : memref<1280xi32, #tpu.memory_space<vmem>>, vector<16xi32>,
        %gather3A_1132 = tpu.vector_load_idx %arg13[%get3A_1131] : memref<100352xf32, #tpu.memory_space<vmem>>[vector<16xi32>], vector<16xf32>,
        %get3A_1133 = arith.index_cast %add3A_1129 : i32 to index
        %get3A_1134 = tpu.vector_load %arg21[%get3A_1133] {strides = array<i32>} : memref<1280xf32, #tpu.memory_space<vmem>>, vector<16xf32>,
        %mul3A_1135 = arith.mulf %gather3A_1132, %get3A_1134 : vector<16xf32>
        %swap3A_1136 = arith.index_cast %add3A_1129 : i32 to index
        %swap3A_1137 = tpu.vector_load %arg21[%swap3A_1136] {strides = array<i32>} : memref<1280xf32, #tpu.memory_space<vmem>>, vector<16xf32>,
        tpu.vector_store %arg21[%swap3A_1136], %mul3A_1135 {strides = array<i32>} : memref<1280xf32, #tpu.memory_space<vmem>>, vector<16xf32>,
        %scan3A_1138 = arith.constant 0 : i32
        scf.yield %scan3A_1138 : i32
      }
      %scan3A_1005 = arith.constant 20 : i32
      %dma_start3A_1006 = arith.constant 0 : i32
      %dma_start3A_1007 = tpu.memref_slice %arg28[%dma_start3A_1006] : memref<100352xf32, #tpu.memory_space<vmem_shared>> -> memref<100352xf32, #tpu.memory_space<vmem_shared>>
      tpu.enqueue_indirect_dma source(%arg21 : memref<1280xf32, #tpu.memory_space<vmem>>) target(%dma_start3A_1007 : memref<100352xf32, #tpu.memory_space<vmem_shared>>) offsets(%arg25 : memref<1280xi32, #tpu.memory_space<vmem>>) semaphore(%arg33 : memref<!tpu.dma_semaphore, #tpu.memory_space<semaphore_mem>>) {add = true}
      %dma_start3A_1008 = arith.constant 0 : i32
      %dma_start3A_1009 = tpu.memref_slice %arg29[%dma_start3A_1008] : memref<100352xf32, #tpu.memory_space<vmem_shared>> -> memref<100352xf32, #tpu.memory_space<vmem_shared>>
      tpu.enqueue_indirect_dma source(%arg27 : memref<1280xf32, #tpu.memory_space<vmem>>) target(%dma_start3A_1009 : memref<100352xf32, #tpu.memory_space<vmem_shared>>) offsets(%arg25 : memref<1280xi32, #tpu.memory_space<vmem>>) semaphore(%arg33 : memref<!tpu.dma_semaphore, #tpu.memory_space<semaphore_mem>>) {add = true}
      %mul3A_1010 = arith.constant 4 : i32
      %mul3A_1011 = arith.muli %mul3A_1010, %scan3A_936 : i32
      %add3A_1012 = arith.constant 4 : i32
      %add3A_1013 = arith.addi %mul3A_1011, %add3A_1012 : i32
      %mul3A_1014 = arith.constant 1280 : i32
      %mul3A_1015 = arith.muli %add3A_1013, %mul3A_1014 : i32
      %add3A_1016 = arith.addi %mul3A_647, %mul3A_1015 : i32
      %dma_wait3A_1017 = arith.constant 0 : i32
      %dma_wait3A_1018 = tpu.memref_slice %arg28[%dma_wait3A_1017] : memref<100352xf32, #tpu.memory_space<vmem_shared>> -> memref<100352xf32, #tpu.memory_space<vmem_shared>>
      tpu.wait_indirect_dma semaphore(%arg32 : memref<!tpu.dma_semaphore, #tpu.memory_space<semaphore_mem>>) src(%arg20 : memref<1280xf32, #tpu.memory_space<vmem>>) dst(%dma_wait3A_1018 : memref<100352xf32, #tpu.memory_space<vmem_shared>>)
      %dma_wait3A_1019 = arith.constant 0 : i32
      %dma_wait3A_1020 = tpu.memref_slice %arg29[%dma_wait3A_1019] : memref<100352xf32, #tpu.memory_space<vmem_shared>> -> memref<100352xf32, #tpu.memory_space<vmem_shared>>
      tpu.wait_indirect_dma semaphore(%arg32 : memref<!tpu.dma_semaphore, #tpu.memory_space<semaphore_mem>>) src(%arg27 : memref<1280xf32, #tpu.memory_space<vmem>>) dst(%dma_wait3A_1020 : memref<100352xf32, #tpu.memory_space<vmem_shared>>)
      %add3A_1021 = arith.constant 2560 : i32
      %add3A_1022 = arith.addi %add3A_1016, %add3A_1021 : i32
      %dma_start3A_1023 = tpu.memref_slice %arg4[%add3A_1022] : memref<6500000xi32, #tpu.memory_space<hbm>> -> memref<1280xi32, #tpu.memory_space<hbm>>
      %dma_start3A_1024 = tpu.memref_slice %arg4[%add3A_1022] : memref<6500000xi32, #tpu.memory_space<hbm>> -> memref<1280xi32, #tpu.memory_space<hbm>>
      tpu.enqueue_dma source(%dma_start3A_1024 : memref<1280xi32, #tpu.memory_space<hbm>>) target(%arg16 : memref<1280xi32, #tpu.memory_space<vmem>>) target_semaphore(%arg32 : memref<!tpu.dma_semaphore, #tpu.memory_space<semaphore_mem>>)
      %dma_start3A_1025 = tpu.memref_slice %arg3[%add3A_1022] : memref<6500000xf32, #tpu.memory_space<hbm>> -> memref<1280xf32, #tpu.memory_space<hbm>>
      %dma_start3A_1026 = tpu.memref_slice %arg3[%add3A_1022] : memref<6500000xf32, #tpu.memory_space<hbm>> -> memref<1280xf32, #tpu.memory_space<hbm>>
      tpu.enqueue_dma source(%dma_start3A_1026 : memref<1280xf32, #tpu.memory_space<hbm>>) target(%arg20 : memref<1280xf32, #tpu.memory_space<vmem>>) target_semaphore(%arg32 : memref<!tpu.dma_semaphore, #tpu.memory_space<semaphore_mem>>)
      %dma_start3A_1027 = tpu.memref_slice %arg5[%add3A_1022] : memref<6500000xi32, #tpu.memory_space<hbm>> -> memref<1280xi32, #tpu.memory_space<hbm>>
      %dma_start3A_1028 = tpu.memref_slice %arg5[%add3A_1022] : memref<6500000xi32, #tpu.memory_space<hbm>> -> memref<1280xi32, #tpu.memory_space<hbm>>
      tpu.enqueue_dma source(%dma_start3A_1028 : memref<1280xi32, #tpu.memory_space<hbm>>) target(%arg24 : memref<1280xi32, #tpu.memory_space<vmem>>) target_semaphore(%arg32 : memref<!tpu.dma_semaphore, #tpu.memory_space<semaphore_mem>>)
      %dma_wait3A_1029 = tpu.memref_slice %arg4[%add3A_1016] : memref<6500000xi32, #tpu.memory_space<hbm>> -> memref<1280xi32, #tpu.memory_space<hbm>>
      %dma_wait3A_1030 = tpu.memref_slice %arg4[%add3A_1016] : memref<6500000xi32, #tpu.memory_space<hbm>> -> memref<1280xi32, #tpu.memory_space<hbm>>
      tpu.wait_dma2 semaphore(%arg30 : memref<!tpu.dma_semaphore, #tpu.memory_space<semaphore_mem>>) src(%dma_wait3A_1030 : memref<1280xi32, #tpu.memory_space<hbm>>) dst(%arg14 : memref<1280xi32, #tpu.memory_space<vmem>>)
      %dma_wait3A_1031 = tpu.memref_slice %arg3[%add3A_1016] : memref<6500000xf32, #tpu.memory_space<hbm>> -> memref<1280xf32, #tpu.memory_space<hbm>>
      %dma_wait3A_1032 = tpu.memref_slice %arg3[%add3A_1016] : memref<6500000xf32, #tpu.memory_space<hbm>> -> memref<1280xf32, #tpu.memory_space<hbm>>
      tpu.wait_dma2 semaphore(%arg30 : memref<!tpu.dma_semaphore, #tpu.memory_space<semaphore_mem>>) src(%dma_wait3A_1032 : memref<1280xf32, #tpu.memory_space<hbm>>) dst(%arg18 : memref<1280xf32, #tpu.memory_space<vmem>>)
      %dma_wait3A_1033 = tpu.memref_slice %arg5[%add3A_1016] : memref<6500000xi32, #tpu.memory_space<hbm>> -> memref<1280xi32, #tpu.memory_space<hbm>>
      %dma_wait3A_1034 = tpu.memref_slice %arg5[%add3A_1016] : memref<6500000xi32, #tpu.memory_space<hbm>> -> memref<1280xi32, #tpu.memory_space<hbm>>
      tpu.wait_dma2 semaphore(%arg30 : memref<!tpu.dma_semaphore, #tpu.memory_space<semaphore_mem>>) src(%dma_wait3A_1034 : memref<1280xi32, #tpu.memory_space<hbm>>) dst(%arg22 : memref<1280xi32, #tpu.memory_space<vmem>>)
      %scan3A_1035 = arith.constant 0 : i32
      %scan3A_1036 = arith.constant 0 : i32
      %scan3A_1037 = arith.constant 20 : i32
      %scan3A_1038 = arith.addi %scan3A_1036, %scan3A_1037 : i32
      %scan3A_1039 = arith.constant 1 : i32
      %scan3A_1040 = scf.for %scan3A_1083 = %scan3A_1036 to %scan3A_1038 step %scan3A_1039 iter_args(%scan3A_1084 = %scan3A_1035) -> (i32)  : i32 {
        %mul3A_1085 = arith.constant 4 : i32
        %mul3A_1086 = arith.muli %scan3A_1083, %mul3A_1085 : i32
        %mul3A_1087 = arith.constant 16 : i32
        %mul3A_1088 = arith.muli %mul3A_1086, %mul3A_1087 : i32
        %add3A_1089 = arith.constant 0 : i32
        %add3A_1090 = arith.addi %mul3A_1088, %add3A_1089 : i32
        %get3A = arith.index_cast %add3A_1090 : i32 to index
        %get3A_1091 = tpu.vector_load %arg14[%get3A] {strides = array<i32>} : memref<1280xi32, #tpu.memory_space<vmem>>, vector<16xi32>,
        %gather3A = tpu.vector_load_idx %arg13[%get3A_1091] : memref<100352xf32, #tpu.memory_space<vmem>>[vector<16xi32>], vector<16xf32>,
        %get3A_1092 = arith.index_cast %add3A_1090 : i32 to index
        %get3A_1093 = tpu.vector_load %arg18[%get3A_1092] {strides = array<i32>} : memref<1280xf32, #tpu.memory_space<vmem>>, vector<16xf32>,
        %mul3A_1094 = arith.mulf %gather3A, %get3A_1093 : vector<16xf32>
        %swap3A = arith.index_cast %add3A_1090 : i32 to index
        %swap3A_1095 = tpu.vector_load %arg18[%swap3A] {strides = array<i32>} : memref<1280xf32, #tpu.memory_space<vmem>>, vector<16xf32>,
        tpu.vector_store %arg18[%swap3A], %mul3A_1094 {strides = array<i32>} : memref<1280xf32, #tpu.memory_space<vmem>>, vector<16xf32>,
        %mul3A_1096 = arith.constant 4 : i32
        %mul3A_1097 = arith.muli %scan3A_1083, %mul3A_1096 : i32
        %mul3A_1098 = arith.constant 16 : i32
        %mul3A_1099 = arith.muli %mul3A_1097, %mul3A_1098 : i32
        %add3A_1100 = arith.constant 16 : i32
        %add3A_1101 = arith.addi %mul3A_1099, %add3A_1100 : i32
        %get3A_1102 = arith.index_cast %add3A_1101 : i32 to index
        %get3A_1103 = tpu.vector_load %arg14[%get3A_1102] {strides = array<i32>} : memref<1280xi32, #tpu.memory_space<vmem>>, vector<16xi32>,
        %gather3A_1104 = tpu.vector_load_idx %arg13[%get3A_1103] : memref<100352xf32, #tpu.memory_space<vmem>>[vector<16xi32>], vector<16xf32>,
        %get3A_1105 = arith.index_cast %add3A_1101 : i32 to index
        %get3A_1106 = tpu.vector_load %arg18[%get3A_1105] {strides = array<i32>} : memref<1280xf32, #tpu.memory_space<vmem>>, vector<16xf32>,
        %mul3A_1107 = arith.mulf %gather3A_1104, %get3A_1106 : vector<16xf32>
        %swap3A_1108 = arith.index_cast %add3A_1101 : i32 to index
        %swap3A_1109 = tpu.vector_load %arg18[%swap3A_1108] {strides = array<i32>} : memref<1280xf32, #tpu.memory_space<vmem>>, vector<16xf32>,
        tpu.vector_store %arg18[%swap3A_1108], %mul3A_1107 {strides = array<i32>} : memref<1280xf32, #tpu.memory_space<vmem>>, vector<16xf32>,
        %mul3A_1110 = arith.constant 4 : i32
        %mul3A_1111 = arith.muli %scan3A_1083, %mul3A_1110 : i32
        %mul3A_1112 = arith.constant 16 : i32
        %mul3A_1113 = arith.muli %mul3A_1111, %mul3A_1112 : i32
        %add3A_1114 = arith.constant 32 : i32
        %add3A_1115 = arith.addi %mul3A_1113, %add3A_1114 : i32
        %get3A_1116 = arith.index_cast %add3A_1115 : i32 to index
        %get3A_1117 = tpu.vector_load %arg14[%get3A_1116] {strides = array<i32>} : memref<1280xi32, #tpu.memory_space<vmem>>, vector<16xi32>,
        %gather3A_1118 = tpu.vector_load_idx %arg13[%get3A_1117] : memref<100352xf32, #tpu.memory_space<vmem>>[vector<16xi32>], vector<16xf32>,
        %get3A_1119 = arith.index_cast %add3A_1115 : i32 to index
        %get3A_1120 = tpu.vector_load %arg18[%get3A_1119] {strides = array<i32>} : memref<1280xf32, #tpu.memory_space<vmem>>, vector<16xf32>,
        %mul3A_1121 = arith.mulf %gather3A_1118, %get3A_1120 : vector<16xf32>
        %swap3A_1122 = arith.index_cast %add3A_1115 : i32 to index
        %swap3A_1123 = tpu.vector_load %arg18[%swap3A_1122] {strides = array<i32>} : memref<1280xf32, #tpu.memory_space<vmem>>, vector<16xf32>,
        tpu.vector_store %arg18[%swap3A_1122], %mul3A_1121 {strides = array<i32>} : memref<1280xf32, #tpu.memory_space<vmem>>, vector<16xf32>,
        %mul3A_1124 = arith.constant 4 : i32
        %mul3A_1125 = arith.muli %scan3A_1083, %mul3A_1124 : i32
        %mul3A_1126 = arith.constant 16 : i32
        %mul3A_1127 = arith.muli %mul3A_1125, %mul3A_1126 : i32
        %add3A_1128 = arith.constant 48 : i32
        %add3A_1129 = arith.addi %mul3A_1127, %add3A_1128 : i32
        %get3A_1130 = arith.index_cast %add3A_1129 : i32 to index
        %get3A_1131 = tpu.vector_load %arg14[%get3A_1130] {strides = array<i32>} : memref<1280xi32, #tpu.memory_space<vmem>>, vector<16xi32>,
        %gather3A_1132 = tpu.vector_load_idx %arg13[%get3A_1131] : memref<100352xf32, #tpu.memory_space<vmem>>[vector<16xi32>], vector<16xf32>,
        %get3A_1133 = arith.index_cast %add3A_1129 : i32 to index
        %get3A_1134 = tpu.vector_load %arg18[%get3A_1133] {strides = array<i32>} : memref<1280xf32, #tpu.memory_space<vmem>>, vector<16xf32>,
        %mul3A_1135 = arith.mulf %gather3A_1132, %get3A_1134 : vector<16xf32>
        %swap3A_1136 = arith.index_cast %add3A_1129 : i32 to index
        %swap3A_1137 = tpu.vector_load %arg18[%swap3A_1136] {strides = array<i32>} : memref<1280xf32, #tpu.memory_space<vmem>>, vector<16xf32>,
        tpu.vector_store %arg18[%swap3A_1136], %mul3A_1135 {strides = array<i32>} : memref<1280xf32, #tpu.memory_space<vmem>>, vector<16xf32>,
        %scan3A_1138 = arith.constant 0 : i32
        scf.yield %scan3A_1138 : i32
      }
      %scan3A_1041 = arith.constant 20 : i32
      %dma_start3A_1042 = arith.constant 0 : i32
      %dma_start3A_1043 = tpu.memref_slice %arg28[%dma_start3A_1042] : memref<100352xf32, #tpu.memory_space<vmem_shared>> -> memref<100352xf32, #tpu.memory_space<vmem_shared>>
      tpu.enqueue_indirect_dma source(%arg18 : memref<1280xf32, #tpu.memory_space<vmem>>) target(%dma_start3A_1043 : memref<100352xf32, #tpu.memory_space<vmem_shared>>) offsets(%arg22 : memref<1280xi32, #tpu.memory_space<vmem>>) semaphore(%arg30 : memref<!tpu.dma_semaphore, #tpu.memory_space<semaphore_mem>>) {add = true}
      %dma_start3A_1044 = arith.constant 0 : i32
      %dma_start3A_1045 = tpu.memref_slice %arg29[%dma_start3A_1044] : memref<100352xf32, #tpu.memory_space<vmem_shared>> -> memref<100352xf32, #tpu.memory_space<vmem_shared>>
      tpu.enqueue_indirect_dma source(%arg27 : memref<1280xf32, #tpu.memory_space<vmem>>) target(%dma_start3A_1045 : memref<100352xf32, #tpu.memory_space<vmem_shared>>) offsets(%arg22 : memref<1280xi32, #tpu.memory_space<vmem>>) semaphore(%arg30 : memref<!tpu.dma_semaphore, #tpu.memory_space<semaphore_mem>>) {add = true}
      %mul3A_1046 = arith.constant 4 : i32
      %mul3A_1047 = arith.muli %mul3A_1046, %scan3A_936 : i32
      %add3A_1048 = arith.constant 5 : i32
      %add3A_1049 = arith.addi %mul3A_1047, %add3A_1048 : i32
      %mul3A_1050 = arith.constant 1280 : i32
      %mul3A_1051 = arith.muli %add3A_1049, %mul3A_1050 : i32
      %add3A_1052 = arith.addi %mul3A_647, %mul3A_1051 : i32
      %dma_wait3A_1053 = arith.constant 0 : i32
      %dma_wait3A_1054 = tpu.memref_slice %arg28[%dma_wait3A_1053] : memref<100352xf32, #tpu.memory_space<vmem_shared>> -> memref<100352xf32, #tpu.memory_space<vmem_shared>>
      tpu.wait_indirect_dma semaphore(%arg33 : memref<!tpu.dma_semaphore, #tpu.memory_space<semaphore_mem>>) src(%arg21 : memref<1280xf32, #tpu.memory_space<vmem>>) dst(%dma_wait3A_1054 : memref<100352xf32, #tpu.memory_space<vmem_shared>>)
      %dma_wait3A_1055 = arith.constant 0 : i32
      %dma_wait3A_1056 = tpu.memref_slice %arg29[%dma_wait3A_1055] : memref<100352xf32, #tpu.memory_space<vmem_shared>> -> memref<100352xf32, #tpu.memory_space<vmem_shared>>
      tpu.wait_indirect_dma semaphore(%arg33 : memref<!tpu.dma_semaphore, #tpu.memory_space<semaphore_mem>>) src(%arg27 : memref<1280xf32, #tpu.memory_space<vmem>>) dst(%dma_wait3A_1056 : memref<100352xf32, #tpu.memory_space<vmem_shared>>)
      %add3A_1057 = arith.constant 2560 : i32
      %add3A_1058 = arith.addi %add3A_1052, %add3A_1057 : i32
      %dma_start3A_1059 = tpu.memref_slice %arg4[%add3A_1058] : memref<6500000xi32, #tpu.memory_space<hbm>> -> memref<1280xi32, #tpu.memory_space<hbm>>
      %dma_start3A_1060 = tpu.memref_slice %arg4[%add3A_1058] : memref<6500000xi32, #tpu.memory_space<hbm>> -> memref<1280xi32, #tpu.memory_space<hbm>>
      tpu.enqueue_dma source(%dma_start3A_1060 : memref<1280xi32, #tpu.memory_space<hbm>>) target(%arg17 : memref<1280xi32, #tpu.memory_space<vmem>>) target_semaphore(%arg33 : memref<!tpu.dma_semaphore, #tpu.memory_space<semaphore_mem>>)
      %dma_start3A_1061 = tpu.memref_slice %arg3[%add3A_1058] : memref<6500000xf32, #tpu.memory_space<hbm>> -> memref<1280xf32, #tpu.memory_space<hbm>>
      %dma_start3A_1062 = tpu.memref_slice %arg3[%add3A_1058] : memref<6500000xf32, #tpu.memory_space<hbm>> -> memref<1280xf32, #tpu.memory_space<hbm>>
      tpu.enqueue_dma source(%dma_start3A_1062 : memref<1280xf32, #tpu.memory_space<hbm>>) target(%arg21 : memref<1280xf32, #tpu.memory_space<vmem>>) target_semaphore(%arg33 : memref<!tpu.dma_semaphore, #tpu.memory_space<semaphore_mem>>)
      %dma_start3A_1063 = tpu.memref_slice %arg5[%add3A_1058] : memref<6500000xi32, #tpu.memory_space<hbm>> -> memref<1280xi32, #tpu.memory_space<hbm>>
      %dma_start3A_1064 = tpu.memref_slice %arg5[%add3A_1058] : memref<6500000xi32, #tpu.memory_space<hbm>> -> memref<1280xi32, #tpu.memory_space<hbm>>
      tpu.enqueue_dma source(%dma_start3A_1064 : memref<1280xi32, #tpu.memory_space<hbm>>) target(%arg25 : memref<1280xi32, #tpu.memory_space<vmem>>) target_semaphore(%arg33 : memref<!tpu.dma_semaphore, #tpu.memory_space<semaphore_mem>>)
      %dma_wait3A_1065 = tpu.memref_slice %arg4[%add3A_1052] : memref<6500000xi32, #tpu.memory_space<hbm>> -> memref<1280xi32, #tpu.memory_space<hbm>>
      %dma_wait3A_1066 = tpu.memref_slice %arg4[%add3A_1052] : memref<6500000xi32, #tpu.memory_space<hbm>> -> memref<1280xi32, #tpu.memory_space<hbm>>
      tpu.wait_dma2 semaphore(%arg31 : memref<!tpu.dma_semaphore, #tpu.memory_space<semaphore_mem>>) src(%dma_wait3A_1066 : memref<1280xi32, #tpu.memory_space<hbm>>) dst(%arg15 : memref<1280xi32, #tpu.memory_space<vmem>>)
      %dma_wait3A_1067 = tpu.memref_slice %arg3[%add3A_1052] : memref<6500000xf32, #tpu.memory_space<hbm>> -> memref<1280xf32, #tpu.memory_space<hbm>>
      %dma_wait3A_1068 = tpu.memref_slice %arg3[%add3A_1052] : memref<6500000xf32, #tpu.memory_space<hbm>> -> memref<1280xf32, #tpu.memory_space<hbm>>
      tpu.wait_dma2 semaphore(%arg31 : memref<!tpu.dma_semaphore, #tpu.memory_space<semaphore_mem>>) src(%dma_wait3A_1068 : memref<1280xf32, #tpu.memory_space<hbm>>) dst(%arg19 : memref<1280xf32, #tpu.memory_space<vmem>>)
      %dma_wait3A_1069 = tpu.memref_slice %arg5[%add3A_1052] : memref<6500000xi32, #tpu.memory_space<hbm>> -> memref<1280xi32, #tpu.memory_space<hbm>>
      %dma_wait3A_1070 = tpu.memref_slice %arg5[%add3A_1052] : memref<6500000xi32, #tpu.memory_space<hbm>> -> memref<1280xi32, #tpu.memory_space<hbm>>
      tpu.wait_dma2 semaphore(%arg31 : memref<!tpu.dma_semaphore, #tpu.memory_space<semaphore_mem>>) src(%dma_wait3A_1070 : memref<1280xi32, #tpu.memory_space<hbm>>) dst(%arg23 : memref<1280xi32, #tpu.memory_space<vmem>>)
      %scan3A_1071 = arith.constant 0 : i32
      %scan3A_1072 = arith.constant 0 : i32
      %scan3A_1073 = arith.constant 20 : i32
      %scan3A_1074 = arith.addi %scan3A_1072, %scan3A_1073 : i32
      %scan3A_1075 = arith.constant 1 : i32
      %scan3A_1076 = scf.for %scan3A_1083 = %scan3A_1072 to %scan3A_1074 step %scan3A_1075 iter_args(%scan3A_1084 = %scan3A_1071) -> (i32)  : i32 {
        %mul3A_1085 = arith.constant 4 : i32
        %mul3A_1086 = arith.muli %scan3A_1083, %mul3A_1085 : i32
        %mul3A_1087 = arith.constant 16 : i32
        %mul3A_1088 = arith.muli %mul3A_1086, %mul3A_1087 : i32
        %add3A_1089 = arith.constant 0 : i32
        %add3A_1090 = arith.addi %mul3A_1088, %add3A_1089 : i32
        %get3A = arith.index_cast %add3A_1090 : i32 to index
        %get3A_1091 = tpu.vector_load %arg15[%get3A] {strides = array<i32>} : memref<1280xi32, #tpu.memory_space<vmem>>, vector<16xi32>,
        %gather3A = tpu.vector_load_idx %arg13[%get3A_1091] : memref<100352xf32, #tpu.memory_space<vmem>>[vector<16xi32>], vector<16xf32>,
        %get3A_1092 = arith.index_cast %add3A_1090 : i32 to index
        %get3A_1093 = tpu.vector_load %arg19[%get3A_1092] {strides = array<i32>} : memref<1280xf32, #tpu.memory_space<vmem>>, vector<16xf32>,
        %mul3A_1094 = arith.mulf %gather3A, %get3A_1093 : vector<16xf32>
        %swap3A = arith.index_cast %add3A_1090 : i32 to index
        %swap3A_1095 = tpu.vector_load %arg19[%swap3A] {strides = array<i32>} : memref<1280xf32, #tpu.memory_space<vmem>>, vector<16xf32>,
        tpu.vector_store %arg19[%swap3A], %mul3A_1094 {strides = array<i32>} : memref<1280xf32, #tpu.memory_space<vmem>>, vector<16xf32>,
        %mul3A_1096 = arith.constant 4 : i32
        %mul3A_1097 = arith.muli %scan3A_1083, %mul3A_1096 : i32
        %mul3A_1098 = arith.constant 16 : i32
        %mul3A_1099 = arith.muli %mul3A_1097, %mul3A_1098 : i32
        %add3A_1100 = arith.constant 16 : i32
        %add3A_1101 = arith.addi %mul3A_1099, %add3A_1100 : i32
        %get3A_1102 = arith.index_cast %add3A_1101 : i32 to index
        %get3A_1103 = tpu.vector_load %arg15[%get3A_1102] {strides = array<i32>} : memref<1280xi32, #tpu.memory_space<vmem>>, vector<16xi32>,
        %gather3A_1104 = tpu.vector_load_idx %arg13[%get3A_1103] : memref<100352xf32, #tpu.memory_space<vmem>>[vector<16xi32>], vector<16xf32>,
        %get3A_1105 = arith.index_cast %add3A_1101 : i32 to index
        %get3A_1106 = tpu.vector_load %arg19[%get3A_1105] {strides = array<i32>} : memref<1280xf32, #tpu.memory_space<vmem>>, vector<16xf32>,
        %mul3A_1107 = arith.mulf %gather3A_1104, %get3A_1106 : vector<16xf32>
        %swap3A_1108 = arith.index_cast %add3A_1101 : i32 to index
        %swap3A_1109 = tpu.vector_load %arg19[%swap3A_1108] {strides = array<i32>} : memref<1280xf32, #tpu.memory_space<vmem>>, vector<16xf32>,
        tpu.vector_store %arg19[%swap3A_1108], %mul3A_1107 {strides = array<i32>} : memref<1280xf32, #tpu.memory_space<vmem>>, vector<16xf32>,
        %mul3A_1110 = arith.constant 4 : i32
        %mul3A_1111 = arith.muli %scan3A_1083, %mul3A_1110 : i32
        %mul3A_1112 = arith.constant 16 : i32
        %mul3A_1113 = arith.muli %mul3A_1111, %mul3A_1112 : i32
        %add3A_1114 = arith.constant 32 : i32
        %add3A_1115 = arith.addi %mul3A_1113, %add3A_1114 : i32
        %get3A_1116 = arith.index_cast %add3A_1115 : i32 to index
        %get3A_1117 = tpu.vector_load %arg15[%get3A_1116] {strides = array<i32>} : memref<1280xi32, #tpu.memory_space<vmem>>, vector<16xi32>,
        %gather3A_1118 = tpu.vector_load_idx %arg13[%get3A_1117] : memref<100352xf32, #tpu.memory_space<vmem>>[vector<16xi32>], vector<16xf32>,
        %get3A_1119 = arith.index_cast %add3A_1115 : i32 to index
        %get3A_1120 = tpu.vector_load %arg19[%get3A_1119] {strides = array<i32>} : memref<1280xf32, #tpu.memory_space<vmem>>, vector<16xf32>,
        %mul3A_1121 = arith.mulf %gather3A_1118, %get3A_1120 : vector<16xf32>
        %swap3A_1122 = arith.index_cast %add3A_1115 : i32 to index
        %swap3A_1123 = tpu.vector_load %arg19[%swap3A_1122] {strides = array<i32>} : memref<1280xf32, #tpu.memory_space<vmem>>, vector<16xf32>,
        tpu.vector_store %arg19[%swap3A_1122], %mul3A_1121 {strides = array<i32>} : memref<1280xf32, #tpu.memory_space<vmem>>, vector<16xf32>,
        %mul3A_1124 = arith.constant 4 : i32
        %mul3A_1125 = arith.muli %scan3A_1083, %mul3A_1124 : i32
        %mul3A_1126 = arith.constant 16 : i32
        %mul3A_1127 = arith.muli %mul3A_1125, %mul3A_1126 : i32
        %add3A_1128 = arith.constant 48 : i32
        %add3A_1129 = arith.addi %mul3A_1127, %add3A_1128 : i32
        %get3A_1130 = arith.index_cast %add3A_1129 : i32 to index
        %get3A_1131 = tpu.vector_load %arg15[%get3A_1130] {strides = array<i32>} : memref<1280xi32, #tpu.memory_space<vmem>>, vector<16xi32>,
        %gather3A_1132 = tpu.vector_load_idx %arg13[%get3A_1131] : memref<100352xf32, #tpu.memory_space<vmem>>[vector<16xi32>], vector<16xf32>,
        %get3A_1133 = arith.index_cast %add3A_1129 : i32 to index
        %get3A_1134 = tpu.vector_load %arg19[%get3A_1133] {strides = array<i32>} : memref<1280xf32, #tpu.memory_space<vmem>>, vector<16xf32>,
        %mul3A_1135 = arith.mulf %gather3A_1132, %get3A_1134 : vector<16xf32>
        %swap3A_1136 = arith.index_cast %add3A_1129 : i32 to index
        %swap3A_1137 = tpu.vector_load %arg19[%swap3A_1136] {strides = array<i32>} : memref<1280xf32, #tpu.memory_space<vmem>>, vector<16xf32>,
        tpu.vector_store %arg19[%swap3A_1136], %mul3A_1135 {strides = array<i32>} : memref<1280xf32, #tpu.memory_space<vmem>>, vector<16xf32>,
        %scan3A_1138 = arith.constant 0 : i32
        scf.yield %scan3A_1138 : i32
      }
      %scan3A_1077 = arith.constant 20 : i32
      %dma_start3A_1078 = arith.constant 0 : i32
      %dma_start3A_1079 = tpu.memref_slice %arg28[%dma_start3A_1078] : memref<100352xf32, #tpu.memory_space<vmem_shared>> -> memref<100352xf32, #tpu.memory_space<vmem_shared>>
      tpu.enqueue_indirect_dma source(%arg19 : memref<1280xf32, #tpu.memory_space<vmem>>) target(%dma_start3A_1079 : memref<100352xf32, #tpu.memory_space<vmem_shared>>) offsets(%arg23 : memref<1280xi32, #tpu.memory_space<vmem>>) semaphore(%arg31 : memref<!tpu.dma_semaphore, #tpu.memory_space<semaphore_mem>>) {add = true}
      %dma_start3A_1080 = arith.constant 0 : i32
      %dma_start3A_1081 = tpu.memref_slice %arg29[%dma_start3A_1080] : memref<100352xf32, #tpu.memory_space<vmem_shared>> -> memref<100352xf32, #tpu.memory_space<vmem_shared>>
      tpu.enqueue_indirect_dma source(%arg27 : memref<1280xf32, #tpu.memory_space<vmem>>) target(%dma_start3A_1081 : memref<100352xf32, #tpu.memory_space<vmem_shared>>) offsets(%arg23 : memref<1280xi32, #tpu.memory_space<vmem>>) semaphore(%arg31 : memref<!tpu.dma_semaphore, #tpu.memory_space<semaphore_mem>>) {add = true}
      %scan3A_1082 = arith.constant 0 : i32
      scf.yield %scan3A_1082 : i32
    }
    %scan3A_720 = arith.constant 39 : i32
    %dma_wait3A_721 = arith.constant 0 : i32
    %dma_wait3A_722 = tpu.memref_slice %arg28[%dma_wait3A_721] : memref<100352xf32, #tpu.memory_space<vmem_shared>> -> memref<100352xf32, #tpu.memory_space<vmem_shared>>
    tpu.wait_indirect_dma semaphore(%arg30 : memref<!tpu.dma_semaphore, #tpu.memory_space<semaphore_mem>>) src(%arg18 : memref<1280xf32, #tpu.memory_space<vmem>>) dst(%dma_wait3A_722 : memref<100352xf32, #tpu.memory_space<vmem_shared>>)
    %dma_wait3A_723 = arith.constant 0 : i32
    %dma_wait3A_724 = tpu.memref_slice %arg29[%dma_wait3A_723] : memref<100352xf32, #tpu.memory_space<vmem_shared>> -> memref<100352xf32, #tpu.memory_space<vmem_shared>>
    tpu.wait_indirect_dma semaphore(%arg30 : memref<!tpu.dma_semaphore, #tpu.memory_space<semaphore_mem>>) src(%arg27 : memref<1280xf32, #tpu.memory_space<vmem>>) dst(%dma_wait3A_724 : memref<100352xf32, #tpu.memory_space<vmem_shared>>)
    %dma_wait3A_725 = arith.constant 0 : i32
    %dma_wait3A_726 = tpu.memref_slice %arg28[%dma_wait3A_725] : memref<100352xf32, #tpu.memory_space<vmem_shared>> -> memref<100352xf32, #tpu.memory_space<vmem_shared>>
    tpu.wait_indirect_dma semaphore(%arg31 : memref<!tpu.dma_semaphore, #tpu.memory_space<semaphore_mem>>) src(%arg19 : memref<1280xf32, #tpu.memory_space<vmem>>) dst(%dma_wait3A_726 : memref<100352xf32, #tpu.memory_space<vmem_shared>>)
    %dma_wait3A_727 = arith.constant 0 : i32
    %dma_wait3A_728 = tpu.memref_slice %arg29[%dma_wait3A_727] : memref<100352xf32, #tpu.memory_space<vmem_shared>> -> memref<100352xf32, #tpu.memory_space<vmem_shared>>
    tpu.wait_indirect_dma semaphore(%arg31 : memref<!tpu.dma_semaphore, #tpu.memory_space<semaphore_mem>>) src(%arg27 : memref<1280xf32, #tpu.memory_space<vmem>>) dst(%dma_wait3A_728 : memref<100352xf32, #tpu.memory_space<vmem_shared>>)
    %add3A_729 = arith.constant 202240 : i32
    %add3A_730 = arith.addi %mul3A_647, %add3A_729 : i32
    %dma_wait3A_731 = tpu.memref_slice %arg4[%add3A_730] : memref<6500000xi32, #tpu.memory_space<hbm>> -> memref<1280xi32, #tpu.memory_space<hbm>>
    %dma_wait3A_732 = tpu.memref_slice %arg4[%add3A_730] : memref<6500000xi32, #tpu.memory_space<hbm>> -> memref<1280xi32, #tpu.memory_space<hbm>>
    tpu.wait_dma2 semaphore(%arg32 : memref<!tpu.dma_semaphore, #tpu.memory_space<semaphore_mem>>) src(%dma_wait3A_732 : memref<1280xi32, #tpu.memory_space<hbm>>) dst(%arg16 : memref<1280xi32, #tpu.memory_space<vmem>>)
    %dma_wait3A_733 = tpu.memref_slice %arg3[%add3A_730] : memref<6500000xf32, #tpu.memory_space<hbm>> -> memref<1280xf32, #tpu.memory_space<hbm>>
    %dma_wait3A_734 = tpu.memref_slice %arg3[%add3A_730] : memref<6500000xf32, #tpu.memory_space<hbm>> -> memref<1280xf32, #tpu.memory_space<hbm>>
    tpu.wait_dma2 semaphore(%arg32 : memref<!tpu.dma_semaphore, #tpu.memory_space<semaphore_mem>>) src(%dma_wait3A_734 : memref<1280xf32, #tpu.memory_space<hbm>>) dst(%arg20 : memref<1280xf32, #tpu.memory_space<vmem>>)
    %dma_wait3A_735 = tpu.memref_slice %arg5[%add3A_730] : memref<6500000xi32, #tpu.memory_space<hbm>> -> memref<1280xi32, #tpu.memory_space<hbm>>
    %dma_wait3A_736 = tpu.memref_slice %arg5[%add3A_730] : memref<6500000xi32, #tpu.memory_space<hbm>> -> memref<1280xi32, #tpu.memory_space<hbm>>
    tpu.wait_dma2 semaphore(%arg32 : memref<!tpu.dma_semaphore, #tpu.memory_space<semaphore_mem>>) src(%dma_wait3A_736 : memref<1280xi32, #tpu.memory_space<hbm>>) dst(%arg24 : memref<1280xi32, #tpu.memory_space<vmem>>)
    %add3A_737 = arith.constant 203520 : i32
    %add3A_738 = arith.addi %mul3A_647, %add3A_737 : i32
    %dma_wait3A_739 = tpu.memref_slice %arg4[%add3A_738] : memref<6500000xi32, #tpu.memory_space<hbm>> -> memref<1280xi32, #tpu.memory_space<hbm>>
    %dma_wait3A_740 = tpu.memref_slice %arg4[%add3A_738] : memref<6500000xi32, #tpu.memory_space<hbm>> -> memref<1280xi32, #tpu.memory_space<hbm>>
    tpu.wait_dma2 semaphore(%arg33 : memref<!tpu.dma_semaphore, #tpu.memory_space<semaphore_mem>>) src(%dma_wait3A_740 : memref<1280xi32, #tpu.memory_space<hbm>>) dst(%arg17 : memref<1280xi32, #tpu.memory_space<vmem>>)
    %dma_wait3A_741 = tpu.memref_slice %arg3[%add3A_738] : memref<6500000xf32, #tpu.memory_space<hbm>> -> memref<1280xf32, #tpu.memory_space<hbm>>
    %dma_wait3A_742 = tpu.memref_slice %arg3[%add3A_738] : memref<6500000xf32, #tpu.memory_space<hbm>> -> memref<1280xf32, #tpu.memory_space<hbm>>
    tpu.wait_dma2 semaphore(%arg33 : memref<!tpu.dma_semaphore, #tpu.memory_space<semaphore_mem>>) src(%dma_wait3A_742 : memref<1280xf32, #tpu.memory_space<hbm>>) dst(%arg21 : memref<1280xf32, #tpu.memory_space<vmem>>)
    %dma_wait3A_743 = tpu.memref_slice %arg5[%add3A_738] : memref<6500000xi32, #tpu.memory_space<hbm>> -> memref<1280xi32, #tpu.memory_space<hbm>>
    %dma_wait3A_744 = tpu.memref_slice %arg5[%add3A_738] : memref<6500000xi32, #tpu.memory_space<hbm>> -> memref<1280xi32, #tpu.memory_space<hbm>>
    tpu.wait_dma2 semaphore(%arg33 : memref<!tpu.dma_semaphore, #tpu.memory_space<semaphore_mem>>) src(%dma_wait3A_744 : memref<1280xi32, #tpu.memory_space<hbm>>) dst(%arg25 : memref<1280xi32, #tpu.memory_space<vmem>>)
    %add3A_745 = arith.constant 202240 : i32
    %add3A_746 = arith.addi %mul3A_647, %add3A_745 : i32
    "tpu.region"() ({
      %run_scoped3A_936 = tpu.sem_alloc : memref<!tpu.dma_semaphore, #tpu.memory_space<semaphore_mem>>
      %dma_start3A_937 = arith.constant 0 : i32
      %dma_start3A_938 = tpu.memref_slice %arg14[%dma_start3A_937] : memref<1280xi32, #tpu.memory_space<vmem>> -> memref<512xi32, #tpu.memory_space<vmem>>
      %dma_start3A_939 = tpu.memref_slice %arg4[%add3A_746] : memref<6500000xi32, #tpu.memory_space<hbm>> -> memref<512xi32, #tpu.memory_space<hbm>>
      %dma_start3A_940 = arith.constant 0 : i32
      %dma_start3A_941 = tpu.memref_slice %arg14[%dma_start3A_940] : memref<1280xi32, #tpu.memory_space<vmem>> -> memref<512xi32, #tpu.memory_space<vmem>>
      %dma_start3A_942 = tpu.memref_slice %arg4[%add3A_746] : memref<6500000xi32, #tpu.memory_space<hbm>> -> memref<512xi32, #tpu.memory_space<hbm>>
      tpu.enqueue_dma source(%dma_start3A_942 : memref<512xi32, #tpu.memory_space<hbm>>) target(%dma_start3A_941 : memref<512xi32, #tpu.memory_space<vmem>>) target_semaphore(%run_scoped3A_936 : memref<!tpu.dma_semaphore, #tpu.memory_space<semaphore_mem>>)
      %dma_wait3A_943 = arith.constant 0 : i32
      %dma_wait3A_944 = tpu.memref_slice %arg14[%dma_wait3A_943] : memref<1280xi32, #tpu.memory_space<vmem>> -> memref<512xi32, #tpu.memory_space<vmem>>
      %dma_wait3A_945 = tpu.memref_slice %arg4[%add3A_746] : memref<6500000xi32, #tpu.memory_space<hbm>> -> memref<512xi32, #tpu.memory_space<hbm>>
      %dma_wait3A_946 = arith.constant 0 : i32
      %dma_wait3A_947 = tpu.memref_slice %arg14[%dma_wait3A_946] : memref<1280xi32, #tpu.memory_space<vmem>> -> memref<512xi32, #tpu.memory_space<vmem>>
      %dma_wait3A_948 = tpu.memref_slice %arg4[%add3A_746] : memref<6500000xi32, #tpu.memory_space<hbm>> -> memref<512xi32, #tpu.memory_space<hbm>>
      tpu.wait_dma2 semaphore(%run_scoped3A_936 : memref<!tpu.dma_semaphore, #tpu.memory_space<semaphore_mem>>) src(%dma_wait3A_948 : memref<512xi32, #tpu.memory_space<hbm>>) dst(%dma_wait3A_947 : memref<512xi32, #tpu.memory_space<vmem>>)
      tpu.yield
    }) : () -> ()
    "tpu.region"() ({
      %run_scoped3A_936 = tpu.sem_alloc : memref<!tpu.dma_semaphore, #tpu.memory_space<semaphore_mem>>
      %dma_start3A_937 = arith.constant 0 : i32
      %dma_start3A_938 = tpu.memref_slice %arg18[%dma_start3A_937] : memref<1280xf32, #tpu.memory_space<vmem>> -> memref<512xf32, #tpu.memory_space<vmem>>
      %dma_start3A_939 = tpu.memref_slice %arg3[%add3A_746] : memref<6500000xf32, #tpu.memory_space<hbm>> -> memref<512xf32, #tpu.memory_space<hbm>>
      %dma_start3A_940 = arith.constant 0 : i32
      %dma_start3A_941 = tpu.memref_slice %arg18[%dma_start3A_940] : memref<1280xf32, #tpu.memory_space<vmem>> -> memref<512xf32, #tpu.memory_space<vmem>>
      %dma_start3A_942 = tpu.memref_slice %arg3[%add3A_746] : memref<6500000xf32, #tpu.memory_space<hbm>> -> memref<512xf32, #tpu.memory_space<hbm>>
      tpu.enqueue_dma source(%dma_start3A_942 : memref<512xf32, #tpu.memory_space<hbm>>) target(%dma_start3A_941 : memref<512xf32, #tpu.memory_space<vmem>>) target_semaphore(%run_scoped3A_936 : memref<!tpu.dma_semaphore, #tpu.memory_space<semaphore_mem>>)
      %dma_wait3A_943 = arith.constant 0 : i32
      %dma_wait3A_944 = tpu.memref_slice %arg18[%dma_wait3A_943] : memref<1280xf32, #tpu.memory_space<vmem>> -> memref<512xf32, #tpu.memory_space<vmem>>
      %dma_wait3A_945 = tpu.memref_slice %arg3[%add3A_746] : memref<6500000xf32, #tpu.memory_space<hbm>> -> memref<512xf32, #tpu.memory_space<hbm>>
      %dma_wait3A_946 = arith.constant 0 : i32
      %dma_wait3A_947 = tpu.memref_slice %arg18[%dma_wait3A_946] : memref<1280xf32, #tpu.memory_space<vmem>> -> memref<512xf32, #tpu.memory_space<vmem>>
      %dma_wait3A_948 = tpu.memref_slice %arg3[%add3A_746] : memref<6500000xf32, #tpu.memory_space<hbm>> -> memref<512xf32, #tpu.memory_space<hbm>>
      tpu.wait_dma2 semaphore(%run_scoped3A_936 : memref<!tpu.dma_semaphore, #tpu.memory_space<semaphore_mem>>) src(%dma_wait3A_948 : memref<512xf32, #tpu.memory_space<hbm>>) dst(%dma_wait3A_947 : memref<512xf32, #tpu.memory_space<vmem>>)
      tpu.yield
    }) : () -> ()
    "tpu.region"() ({
      %run_scoped3A_936 = tpu.sem_alloc : memref<!tpu.dma_semaphore, #tpu.memory_space<semaphore_mem>>
      %dma_start3A_937 = arith.constant 0 : i32
      %dma_start3A_938 = tpu.memref_slice %arg22[%dma_start3A_937] : memref<1280xi32, #tpu.memory_space<vmem>> -> memref<512xi32, #tpu.memory_space<vmem>>
      %dma_start3A_939 = tpu.memref_slice %arg5[%add3A_746] : memref<6500000xi32, #tpu.memory_space<hbm>> -> memref<512xi32, #tpu.memory_space<hbm>>
      %dma_start3A_940 = arith.constant 0 : i32
      %dma_start3A_941 = tpu.memref_slice %arg22[%dma_start3A_940] : memref<1280xi32, #tpu.memory_space<vmem>> -> memref<512xi32, #tpu.memory_space<vmem>>
      %dma_start3A_942 = tpu.memref_slice %arg5[%add3A_746] : memref<6500000xi32, #tpu.memory_space<hbm>> -> memref<512xi32, #tpu.memory_space<hbm>>
      tpu.enqueue_dma source(%dma_start3A_942 : memref<512xi32, #tpu.memory_space<hbm>>) target(%dma_start3A_941 : memref<512xi32, #tpu.memory_space<vmem>>) target_semaphore(%run_scoped3A_936 : memref<!tpu.dma_semaphore, #tpu.memory_space<semaphore_mem>>)
      %dma_wait3A_943 = arith.constant 0 : i32
      %dma_wait3A_944 = tpu.memref_slice %arg22[%dma_wait3A_943] : memref<1280xi32, #tpu.memory_space<vmem>> -> memref<512xi32, #tpu.memory_space<vmem>>
      %dma_wait3A_945 = tpu.memref_slice %arg5[%add3A_746] : memref<6500000xi32, #tpu.memory_space<hbm>> -> memref<512xi32, #tpu.memory_space<hbm>>
      %dma_wait3A_946 = arith.constant 0 : i32
      %dma_wait3A_947 = tpu.memref_slice %arg22[%dma_wait3A_946] : memref<1280xi32, #tpu.memory_space<vmem>> -> memref<512xi32, #tpu.memory_space<vmem>>
      %dma_wait3A_948 = tpu.memref_slice %arg5[%add3A_746] : memref<6500000xi32, #tpu.memory_space<hbm>> -> memref<512xi32, #tpu.memory_space<hbm>>
      tpu.wait_dma2 semaphore(%run_scoped3A_936 : memref<!tpu.dma_semaphore, #tpu.memory_space<semaphore_mem>>) src(%dma_wait3A_948 : memref<512xi32, #tpu.memory_space<hbm>>) dst(%dma_wait3A_947 : memref<512xi32, #tpu.memory_space<vmem>>)
      tpu.yield
    }) : () -> ()
    %scan3A_747 = arith.constant 0 : i32
    %scan3A_748 = arith.constant 0 : i32
    %scan3A_749 = arith.constant 4 : i32
    %scan3A_750 = arith.addi %scan3A_748, %scan3A_749 : i32
    %scan3A_751 = arith.constant 1 : i32
    %scan3A_752 = scf.for %scan3A_936 = %scan3A_748 to %scan3A_750 step %scan3A_751 iter_args(%scan3A_937 = %scan3A_747) -> (i32)  : i32 {
      %mul3A_938 = arith.constant 128 : i32
      %mul3A_939 = arith.muli %scan3A_936, %mul3A_938 : i32
      %add3A_940 = arith.constant 0 : i32
      %add3A_941 = arith.addi %mul3A_939, %add3A_940 : i32
      %get3A = arith.index_cast %add3A_941 : i32 to index
      %get3A_942 = tpu.vector_load %arg14[%get3A] {strides = array<i32>} : memref<1280xi32, #tpu.memory_space<vmem>>, vector<16xi32>,
      %gather3A = tpu.vector_load_idx %arg13[%get3A_942] : memref<100352xf32, #tpu.memory_space<vmem>>[vector<16xi32>], vector<16xf32>,
      %get3A_943 = arith.index_cast %add3A_941 : i32 to index
      %get3A_944 = tpu.vector_load %arg18[%get3A_943] {strides = array<i32>} : memref<1280xf32, #tpu.memory_space<vmem>>, vector<16xf32>,
      %mul3A_945 = arith.mulf %gather3A, %get3A_944 : vector<16xf32>
      %swap3A = arith.index_cast %add3A_941 : i32 to index
      %swap3A_946 = tpu.vector_load %arg18[%swap3A] {strides = array<i32>} : memref<1280xf32, #tpu.memory_space<vmem>>, vector<16xf32>,
      tpu.vector_store %arg18[%swap3A], %mul3A_945 {strides = array<i32>} : memref<1280xf32, #tpu.memory_space<vmem>>, vector<16xf32>,
      %get3A_947 = arith.index_cast %add3A_941 : i32 to index
      %get3A_948 = tpu.vector_load %arg22[%get3A_947] {strides = array<i32>} : memref<1280xi32, #tpu.memory_space<vmem>>, vector<16xi32>,
      %swap3A_949 = arith.index_cast %scan3A_936 : i32 to index
      %swap3A_950 = arith.constant 0 : index
      %swap3A_951 = tpu.vector_load %arg26[%swap3A_949, %swap3A_950] {strides = array<i32>} : memref<4x128xi32, #tpu.memory_space<vmem>>, vector<16xi32>,
      tpu.vector_store %arg26[%swap3A_949, %swap3A_950], %get3A_948 {strides = array<i32>} : memref<4x128xi32, #tpu.memory_space<vmem>>, vector<16xi32>,
      %mul3A_952 = arith.constant 128 : i32
      %mul3A_953 = arith.muli %scan3A_936, %mul3A_952 : i32
      %add3A_954 = arith.constant 16 : i32
      %add3A_955 = arith.addi %mul3A_953, %add3A_954 : i32
      %get3A_956 = arith.index_cast %add3A_955 : i32 to index
      %get3A_957 = tpu.vector_load %arg14[%get3A_956] {strides = array<i32>} : memref<1280xi32, #tpu.memory_space<vmem>>, vector<16xi32>,
      %gather3A_958 = tpu.vector_load_idx %arg13[%get3A_957] : memref<100352xf32, #tpu.memory_space<vmem>>[vector<16xi32>], vector<16xf32>,
      %get3A_959 = arith.index_cast %add3A_955 : i32 to index
      %get3A_960 = tpu.vector_load %arg18[%get3A_959] {strides = array<i32>} : memref<1280xf32, #tpu.memory_space<vmem>>, vector<16xf32>,
      %mul3A_961 = arith.mulf %gather3A_958, %get3A_960 : vector<16xf32>
      %swap3A_962 = arith.index_cast %add3A_955 : i32 to index
      %swap3A_963 = tpu.vector_load %arg18[%swap3A_962] {strides = array<i32>} : memref<1280xf32, #tpu.memory_space<vmem>>, vector<16xf32>,
      tpu.vector_store %arg18[%swap3A_962], %mul3A_961 {strides = array<i32>} : memref<1280xf32, #tpu.memory_space<vmem>>, vector<16xf32>,
      %get3A_964 = arith.index_cast %add3A_955 : i32 to index
      %get3A_965 = tpu.vector_load %arg22[%get3A_964] {strides = array<i32>} : memref<1280xi32, #tpu.memory_space<vmem>>, vector<16xi32>,
      %swap3A_966 = arith.index_cast %scan3A_936 : i32 to index
      %swap3A_967 = arith.constant 16 : index
      %swap3A_968 = tpu.vector_load %arg26[%swap3A_966, %swap3A_967] {strides = array<i32>} : memref<4x128xi32, #tpu.memory_space<vmem>>, vector<16xi32>,
      tpu.vector_store %arg26[%swap3A_966, %swap3A_967], %get3A_965 {strides = array<i32>} : memref<4x128xi32, #tpu.memory_space<vmem>>, vector<16xi32>,
      %mul3A_969 = arith.constant 128 : i32
      %mul3A_970 = arith.muli %scan3A_936, %mul3A_969 : i32
      %add3A_971 = arith.constant 32 : i32
      %add3A_972 = arith.addi %mul3A_970, %add3A_971 : i32
      %get3A_973 = arith.index_cast %add3A_972 : i32 to index
      %get3A_974 = tpu.vector_load %arg14[%get3A_973] {strides = array<i32>} : memref<1280xi32, #tpu.memory_space<vmem>>, vector<16xi32>,
      %gather3A_975 = tpu.vector_load_idx %arg13[%get3A_974] : memref<100352xf32, #tpu.memory_space<vmem>>[vector<16xi32>], vector<16xf32>,
      %get3A_976 = arith.index_cast %add3A_972 : i32 to index
      %get3A_977 = tpu.vector_load %arg18[%get3A_976] {strides = array<i32>} : memref<1280xf32, #tpu.memory_space<vmem>>, vector<16xf32>,
      %mul3A_978 = arith.mulf %gather3A_975, %get3A_977 : vector<16xf32>
      %swap3A_979 = arith.index_cast %add3A_972 : i32 to index
      %swap3A_980 = tpu.vector_load %arg18[%swap3A_979] {strides = array<i32>} : memref<1280xf32, #tpu.memory_space<vmem>>, vector<16xf32>,
      tpu.vector_store %arg18[%swap3A_979], %mul3A_978 {strides = array<i32>} : memref<1280xf32, #tpu.memory_space<vmem>>, vector<16xf32>,
      %get3A_981 = arith.index_cast %add3A_972 : i32 to index
      %get3A_982 = tpu.vector_load %arg22[%get3A_981] {strides = array<i32>} : memref<1280xi32, #tpu.memory_space<vmem>>, vector<16xi32>,
      %swap3A_983 = arith.index_cast %scan3A_936 : i32 to index
      %swap3A_984 = arith.constant 32 : index
      %swap3A_985 = tpu.vector_load %arg26[%swap3A_983, %swap3A_984] {strides = array<i32>} : memref<4x128xi32, #tpu.memory_space<vmem>>, vector<16xi32>,
      tpu.vector_store %arg26[%swap3A_983, %swap3A_984], %get3A_982 {strides = array<i32>} : memref<4x128xi32, #tpu.memory_space<vmem>>, vector<16xi32>,
      %mul3A_986 = arith.constant 128 : i32
      %mul3A_987 = arith.muli %scan3A_936, %mul3A_986 : i32
      %add3A_988 = arith.constant 48 : i32
      %add3A_989 = arith.addi %mul3A_987, %add3A_988 : i32
      %get3A_990 = arith.index_cast %add3A_989 : i32 to index
      %get3A_991 = tpu.vector_load %arg14[%get3A_990] {strides = array<i32>} : memref<1280xi32, #tpu.memory_space<vmem>>, vector<16xi32>,
      %gather3A_992 = tpu.vector_load_idx %arg13[%get3A_991] : memref<100352xf32, #tpu.memory_space<vmem>>[vector<16xi32>], vector<16xf32>,
      %get3A_993 = arith.index_cast %add3A_989 : i32 to index
      %get3A_994 = tpu.vector_load %arg18[%get3A_993] {strides = array<i32>} : memref<1280xf32, #tpu.memory_space<vmem>>, vector<16xf32>,
      %mul3A_995 = arith.mulf %gather3A_992, %get3A_994 : vector<16xf32>
      %swap3A_996 = arith.index_cast %add3A_989 : i32 to index
      %swap3A_997 = tpu.vector_load %arg18[%swap3A_996] {strides = array<i32>} : memref<1280xf32, #tpu.memory_space<vmem>>, vector<16xf32>,
      tpu.vector_store %arg18[%swap3A_996], %mul3A_995 {strides = array<i32>} : memref<1280xf32, #tpu.memory_space<vmem>>, vector<16xf32>,
      %get3A_998 = arith.index_cast %add3A_989 : i32 to index
      %get3A_999 = tpu.vector_load %arg22[%get3A_998] {strides = array<i32>} : memref<1280xi32, #tpu.memory_space<vmem>>, vector<16xi32>,
      %swap3A_1000 = arith.index_cast %scan3A_936 : i32 to index
      %swap3A_1001 = arith.constant 48 : index
      %swap3A_1002 = tpu.vector_load %arg26[%swap3A_1000, %swap3A_1001] {strides = array<i32>} : memref<4x128xi32, #tpu.memory_space<vmem>>, vector<16xi32>,
      tpu.vector_store %arg26[%swap3A_1000, %swap3A_1001], %get3A_999 {strides = array<i32>} : memref<4x128xi32, #tpu.memory_space<vmem>>, vector<16xi32>,
      %mul3A_1003 = arith.constant 128 : i32
      %mul3A_1004 = arith.muli %scan3A_936, %mul3A_1003 : i32
      %add3A_1005 = arith.constant 64 : i32
      %add3A_1006 = arith.addi %mul3A_1004, %add3A_1005 : i32
      %get3A_1007 = arith.index_cast %add3A_1006 : i32 to index
      %get3A_1008 = tpu.vector_load %arg14[%get3A_1007] {strides = array<i32>} : memref<1280xi32, #tpu.memory_space<vmem>>, vector<16xi32>,
      %gather3A_1009 = tpu.vector_load_idx %arg13[%get3A_1008] : memref<100352xf32, #tpu.memory_space<vmem>>[vector<16xi32>], vector<16xf32>,
      %get3A_1010 = arith.index_cast %add3A_1006 : i32 to index
      %get3A_1011 = tpu.vector_load %arg18[%get3A_1010] {strides = array<i32>} : memref<1280xf32, #tpu.memory_space<vmem>>, vector<16xf32>,
      %mul3A_1012 = arith.mulf %gather3A_1009, %get3A_1011 : vector<16xf32>
      %swap3A_1013 = arith.index_cast %add3A_1006 : i32 to index
      %swap3A_1014 = tpu.vector_load %arg18[%swap3A_1013] {strides = array<i32>} : memref<1280xf32, #tpu.memory_space<vmem>>, vector<16xf32>,
      tpu.vector_store %arg18[%swap3A_1013], %mul3A_1012 {strides = array<i32>} : memref<1280xf32, #tpu.memory_space<vmem>>, vector<16xf32>,
      %get3A_1015 = arith.index_cast %add3A_1006 : i32 to index
      %get3A_1016 = tpu.vector_load %arg22[%get3A_1015] {strides = array<i32>} : memref<1280xi32, #tpu.memory_space<vmem>>, vector<16xi32>,
      %swap3A_1017 = arith.index_cast %scan3A_936 : i32 to index
      %swap3A_1018 = arith.constant 64 : index
      %swap3A_1019 = tpu.vector_load %arg26[%swap3A_1017, %swap3A_1018] {strides = array<i32>} : memref<4x128xi32, #tpu.memory_space<vmem>>, vector<16xi32>,
      tpu.vector_store %arg26[%swap3A_1017, %swap3A_1018], %get3A_1016 {strides = array<i32>} : memref<4x128xi32, #tpu.memory_space<vmem>>, vector<16xi32>,
      %mul3A_1020 = arith.constant 128 : i32
      %mul3A_1021 = arith.muli %scan3A_936, %mul3A_1020 : i32
      %add3A_1022 = arith.constant 80 : i32
      %add3A_1023 = arith.addi %mul3A_1021, %add3A_1022 : i32
      %get3A_1024 = arith.index_cast %add3A_1023 : i32 to index
      %get3A_1025 = tpu.vector_load %arg14[%get3A_1024] {strides = array<i32>} : memref<1280xi32, #tpu.memory_space<vmem>>, vector<16xi32>,
      %gather3A_1026 = tpu.vector_load_idx %arg13[%get3A_1025] : memref<100352xf32, #tpu.memory_space<vmem>>[vector<16xi32>], vector<16xf32>,
      %get3A_1027 = arith.index_cast %add3A_1023 : i32 to index
      %get3A_1028 = tpu.vector_load %arg18[%get3A_1027] {strides = array<i32>} : memref<1280xf32, #tpu.memory_space<vmem>>, vector<16xf32>,
      %mul3A_1029 = arith.mulf %gather3A_1026, %get3A_1028 : vector<16xf32>
      %swap3A_1030 = arith.index_cast %add3A_1023 : i32 to index
      %swap3A_1031 = tpu.vector_load %arg18[%swap3A_1030] {strides = array<i32>} : memref<1280xf32, #tpu.memory_space<vmem>>, vector<16xf32>,
      tpu.vector_store %arg18[%swap3A_1030], %mul3A_1029 {strides = array<i32>} : memref<1280xf32, #tpu.memory_space<vmem>>, vector<16xf32>,
      %get3A_1032 = arith.index_cast %add3A_1023 : i32 to index
      %get3A_1033 = tpu.vector_load %arg22[%get3A_1032] {strides = array<i32>} : memref<1280xi32, #tpu.memory_space<vmem>>, vector<16xi32>,
      %swap3A_1034 = arith.index_cast %scan3A_936 : i32 to index
      %swap3A_1035 = arith.constant 80 : index
      %swap3A_1036 = tpu.vector_load %arg26[%swap3A_1034, %swap3A_1035] {strides = array<i32>} : memref<4x128xi32, #tpu.memory_space<vmem>>, vector<16xi32>,
      tpu.vector_store %arg26[%swap3A_1034, %swap3A_1035], %get3A_1033 {strides = array<i32>} : memref<4x128xi32, #tpu.memory_space<vmem>>, vector<16xi32>,
      %mul3A_1037 = arith.constant 128 : i32
      %mul3A_1038 = arith.muli %scan3A_936, %mul3A_1037 : i32
      %add3A_1039 = arith.constant 96 : i32
      %add3A_1040 = arith.addi %mul3A_1038, %add3A_1039 : i32
      %get3A_1041 = arith.index_cast %add3A_1040 : i32 to index
      %get3A_1042 = tpu.vector_load %arg14[%get3A_1041] {strides = array<i32>} : memref<1280xi32, #tpu.memory_space<vmem>>, vector<16xi32>,
      %gather3A_1043 = tpu.vector_load_idx %arg13[%get3A_1042] : memref<100352xf32, #tpu.memory_space<vmem>>[vector<16xi32>], vector<16xf32>,
      %get3A_1044 = arith.index_cast %add3A_1040 : i32 to index
      %get3A_1045 = tpu.vector_load %arg18[%get3A_1044] {strides = array<i32>} : memref<1280xf32, #tpu.memory_space<vmem>>, vector<16xf32>,
      %mul3A_1046 = arith.mulf %gather3A_1043, %get3A_1045 : vector<16xf32>
      %swap3A_1047 = arith.index_cast %add3A_1040 : i32 to index
      %swap3A_1048 = tpu.vector_load %arg18[%swap3A_1047] {strides = array<i32>} : memref<1280xf32, #tpu.memory_space<vmem>>, vector<16xf32>,
      tpu.vector_store %arg18[%swap3A_1047], %mul3A_1046 {strides = array<i32>} : memref<1280xf32, #tpu.memory_space<vmem>>, vector<16xf32>,
      %get3A_1049 = arith.index_cast %add3A_1040 : i32 to index
      %get3A_1050 = tpu.vector_load %arg22[%get3A_1049] {strides = array<i32>} : memref<1280xi32, #tpu.memory_space<vmem>>, vector<16xi32>,
      %swap3A_1051 = arith.index_cast %scan3A_936 : i32 to index
      %swap3A_1052 = arith.constant 96 : index
      %swap3A_1053 = tpu.vector_load %arg26[%swap3A_1051, %swap3A_1052] {strides = array<i32>} : memref<4x128xi32, #tpu.memory_space<vmem>>, vector<16xi32>,
      tpu.vector_store %arg26[%swap3A_1051, %swap3A_1052], %get3A_1050 {strides = array<i32>} : memref<4x128xi32, #tpu.memory_space<vmem>>, vector<16xi32>,
      %mul3A_1054 = arith.constant 128 : i32
      %mul3A_1055 = arith.muli %scan3A_936, %mul3A_1054 : i32
      %add3A_1056 = arith.constant 112 : i32
      %add3A_1057 = arith.addi %mul3A_1055, %add3A_1056 : i32
      %get3A_1058 = arith.index_cast %add3A_1057 : i32 to index
      %get3A_1059 = tpu.vector_load %arg14[%get3A_1058] {strides = array<i32>} : memref<1280xi32, #tpu.memory_space<vmem>>, vector<16xi32>,
      %gather3A_1060 = tpu.vector_load_idx %arg13[%get3A_1059] : memref<100352xf32, #tpu.memory_space<vmem>>[vector<16xi32>], vector<16xf32>,
      %get3A_1061 = arith.index_cast %add3A_1057 : i32 to index
      %get3A_1062 = tpu.vector_load %arg18[%get3A_1061] {strides = array<i32>} : memref<1280xf32, #tpu.memory_space<vmem>>, vector<16xf32>,
      %mul3A_1063 = arith.mulf %gather3A_1060, %get3A_1062 : vector<16xf32>
      %swap3A_1064 = arith.index_cast %add3A_1057 : i32 to index
      %swap3A_1065 = tpu.vector_load %arg18[%swap3A_1064] {strides = array<i32>} : memref<1280xf32, #tpu.memory_space<vmem>>, vector<16xf32>,
      tpu.vector_store %arg18[%swap3A_1064], %mul3A_1063 {strides = array<i32>} : memref<1280xf32, #tpu.memory_space<vmem>>, vector<16xf32>,
      %get3A_1066 = arith.index_cast %add3A_1057 : i32 to index
      %get3A_1067 = tpu.vector_load %arg22[%get3A_1066] {strides = array<i32>} : memref<1280xi32, #tpu.memory_space<vmem>>, vector<16xi32>,
      %swap3A_1068 = arith.index_cast %scan3A_936 : i32 to index
      %swap3A_1069 = arith.constant 112 : index
      %swap3A_1070 = tpu.vector_load %arg26[%swap3A_1068, %swap3A_1069] {strides = array<i32>} : memref<4x128xi32, #tpu.memory_space<vmem>>, vector<16xi32>,
      tpu.vector_store %arg26[%swap3A_1068, %swap3A_1069], %get3A_1067 {strides = array<i32>} : memref<4x128xi32, #tpu.memory_space<vmem>>, vector<16xi32>,
      %scan3A_1071 = arith.constant 0 : i32
      scf.yield %scan3A_1071 : i32
    }
    %scan3A_753 = arith.constant 4 : i32
    %scan3A_754 = arith.constant 0 : i32
    %scan3A_755 = arith.constant 0 : i32
    %scan3A_756 = arith.constant 4 : i32
    %scan3A_757 = arith.addi %scan3A_755, %scan3A_756 : i32
    %scan3A_758 = arith.constant 1 : i32
    %scan3A_759 = scf.for %scan3A_936 = %scan3A_755 to %scan3A_757 step %scan3A_758 iter_args(%scan3A_937 = %scan3A_754) -> (i32)  : i32 {
      %mul3A_938 = arith.constant 128 : i32
      %mul3A_939 = arith.muli %scan3A_936, %mul3A_938 : i32
      %dma_start3A_940 = tpu.memref_slice %arg18[%mul3A_939] : memref<1280xf32, #tpu.memory_space<vmem>> -> memref<128xf32, #tpu.memory_space<vmem>>
      %dma_start3A_941 = arith.constant 0 : i32
      %dma_start3A_942 = tpu.memref_slice %arg26[%scan3A_936, %dma_start3A_941] : memref<4x128xi32, #tpu.memory_space<vmem>> -> memref<1x128xi32, #tpu.memory_space<vmem>>
      %dma_start3A_943 = tpu.memref_squeeze %dma_start3A_942 : memref<1x128xi32, #tpu.memory_space<vmem>> -> memref<128xi32, #tpu.memory_space<vmem>>
      %dma_start3A_944 = arith.constant 0 : i32
      %dma_start3A_945 = tpu.memref_slice %arg28[%dma_start3A_944] : memref<100352xf32, #tpu.memory_space<vmem_shared>> -> memref<100352xf32, #tpu.memory_space<vmem_shared>>
      tpu.enqueue_indirect_dma source(%dma_start3A_940 : memref<128xf32, #tpu.memory_space<vmem>>) target(%dma_start3A_945 : memref<100352xf32, #tpu.memory_space<vmem_shared>>) offsets(%dma_start3A_943 : memref<128xi32, #tpu.memory_space<vmem>>) semaphore(%arg34 : memref<!tpu.dma_semaphore, #tpu.memory_space<semaphore_mem>>) {add = true}
      %dma_start3A_946 = arith.constant 0 : i32
      %dma_start3A_947 = tpu.memref_slice %arg27[%dma_start3A_946] : memref<1280xf32, #tpu.memory_space<vmem>> -> memref<128xf32, #tpu.memory_space<vmem>>
      %dma_start3A_948 = arith.constant 0 : i32
      %dma_start3A_949 = tpu.memref_slice %arg26[%scan3A_936, %dma_start3A_948] : memref<4x128xi32, #tpu.memory_space<vmem>> -> memref<1x128xi32, #tpu.memory_space<vmem>>
      %dma_start3A_950 = tpu.memref_squeeze %dma_start3A_949 : memref<1x128xi32, #tpu.memory_space<vmem>> -> memref<128xi32, #tpu.memory_space<vmem>>
      %dma_start3A_951 = arith.constant 0 : i32
      %dma_start3A_952 = tpu.memref_slice %arg29[%dma_start3A_951] : memref<100352xf32, #tpu.memory_space<vmem_shared>> -> memref<100352xf32, #tpu.memory_space<vmem_shared>>
      tpu.enqueue_indirect_dma source(%dma_start3A_947 : memref<128xf32, #tpu.memory_space<vmem>>) target(%dma_start3A_952 : memref<100352xf32, #tpu.memory_space<vmem_shared>>) offsets(%dma_start3A_950 : memref<128xi32, #tpu.memory_space<vmem>>) semaphore(%arg34 : memref<!tpu.dma_semaphore, #tpu.memory_space<semaphore_mem>>) {add = true}
      %scan3A_953 = arith.constant 0 : i32
      scf.yield %scan3A_953 : i32
    }
    %scan3A_760 = arith.constant 4 : i32
    %scan3A_761 = arith.constant 0 : i32
    %scan3A_762 = arith.constant 0 : i32
    %scan3A_763 = arith.constant 4 : i32
    %scan3A_764 = arith.addi %scan3A_762, %scan3A_763 : i32
    %scan3A_765 = arith.constant 1 : i32
    %scan3A_766 = scf.for %scan3A_936 = %scan3A_762 to %scan3A_764 step %scan3A_765 iter_args(%scan3A_937 = %scan3A_761) -> (i32)  : i32 {
      %mul3A_938 = arith.constant 128 : i32
      %mul3A_939 = arith.muli %scan3A_936, %mul3A_938 : i32
      %dma_wait3A_940 = tpu.memref_slice %arg18[%mul3A_939] : memref<1280xf32, #tpu.memory_space<vmem>> -> memref<128xf32, #tpu.memory_space<vmem>>
      %dma_wait3A_941 = arith.constant 0 : i32
      %dma_wait3A_942 = tpu.memref_slice %arg26[%scan3A_936, %dma_wait3A_941] : memref<4x128xi32, #tpu.memory_space<vmem>> -> memref<1x128xi32, #tpu.memory_space<vmem>>
      %dma_wait3A_943 = tpu.memref_squeeze %dma_wait3A_942 : memref<1x128xi32, #tpu.memory_space<vmem>> -> memref<128xi32, #tpu.memory_space<vmem>>
      %dma_wait3A_944 = arith.constant 0 : i32
      %dma_wait3A_945 = tpu.memref_slice %arg28[%dma_wait3A_944] : memref<100352xf32, #tpu.memory_space<vmem_shared>> -> memref<100352xf32, #tpu.memory_space<vmem_shared>>
      tpu.wait_indirect_dma semaphore(%arg34 : memref<!tpu.dma_semaphore, #tpu.memory_space<semaphore_mem>>) src(%dma_wait3A_940 : memref<128xf32, #tpu.memory_space<vmem>>) dst(%dma_wait3A_945 : memref<100352xf32, #tpu.memory_space<vmem_shared>>)
      %dma_wait3A_946 = arith.constant 0 : i32
      %dma_wait3A_947 = tpu.memref_slice %arg27[%dma_wait3A_946] : memref<1280xf32, #tpu.memory_space<vmem>> -> memref<128xf32, #tpu.memory_space<vmem>>
      %dma_wait3A_948 = arith.constant 0 : i32
      %dma_wait3A_949 = tpu.memref_slice %arg26[%scan3A_936, %dma_wait3A_948] : memref<4x128xi32, #tpu.memory_space<vmem>> -> memref<1x128xi32, #tpu.memory_space<vmem>>
      %dma_wait3A_950 = tpu.memref_squeeze %dma_wait3A_949 : memref<1x128xi32, #tpu.memory_space<vmem>> -> memref<128xi32, #tpu.memory_space<vmem>>
      %dma_wait3A_951 = arith.constant 0 : i32
      %dma_wait3A_952 = tpu.memref_slice %arg29[%dma_wait3A_951] : memref<100352xf32, #tpu.memory_space<vmem_shared>> -> memref<100352xf32, #tpu.memory_space<vmem_shared>>
      tpu.wait_indirect_dma semaphore(%arg34 : memref<!tpu.dma_semaphore, #tpu.memory_space<semaphore_mem>>) src(%dma_wait3A_947 : memref<128xf32, #tpu.memory_space<vmem>>) dst(%dma_wait3A_952 : memref<100352xf32, #tpu.memory_space<vmem_shared>>)
      %scan3A_953 = arith.constant 0 : i32
      scf.yield %scan3A_953 : i32
    }
    %scan3A_767 = arith.constant 4 : i32
    %add3A_768 = arith.constant 202752 : i32
    %add3A_769 = arith.addi %mul3A_647, %add3A_768 : i32
    "tpu.region"() ({
      %run_scoped3A_936 = tpu.sem_alloc : memref<!tpu.dma_semaphore, #tpu.memory_space<semaphore_mem>>
      %dma_start3A_937 = arith.constant 0 : i32
      %dma_start3A_938 = tpu.memref_slice %arg14[%dma_start3A_937] : memref<1280xi32, #tpu.memory_space<vmem>> -> memref<256xi32, #tpu.memory_space<vmem>>
      %dma_start3A_939 = tpu.memref_slice %arg4[%add3A_769] : memref<6500000xi32, #tpu.memory_space<hbm>> -> memref<256xi32, #tpu.memory_space<hbm>>
      %dma_start3A_940 = arith.constant 0 : i32
      %dma_start3A_941 = tpu.memref_slice %arg14[%dma_start3A_940] : memref<1280xi32, #tpu.memory_space<vmem>> -> memref<256xi32, #tpu.memory_space<vmem>>
      %dma_start3A_942 = tpu.memref_slice %arg4[%add3A_769] : memref<6500000xi32, #tpu.memory_space<hbm>> -> memref<256xi32, #tpu.memory_space<hbm>>
      tpu.enqueue_dma source(%dma_start3A_942 : memref<256xi32, #tpu.memory_space<hbm>>) target(%dma_start3A_941 : memref<256xi32, #tpu.memory_space<vmem>>) target_semaphore(%run_scoped3A_936 : memref<!tpu.dma_semaphore, #tpu.memory_space<semaphore_mem>>)
      %dma_wait3A_943 = arith.constant 0 : i32
      %dma_wait3A_944 = tpu.memref_slice %arg14[%dma_wait3A_943] : memref<1280xi32, #tpu.memory_space<vmem>> -> memref<256xi32, #tpu.memory_space<vmem>>
      %dma_wait3A_945 = tpu.memref_slice %arg4[%add3A_769] : memref<6500000xi32, #tpu.memory_space<hbm>> -> memref<256xi32, #tpu.memory_space<hbm>>
      %dma_wait3A_946 = arith.constant 0 : i32
      %dma_wait3A_947 = tpu.memref_slice %arg14[%dma_wait3A_946] : memref<1280xi32, #tpu.memory_space<vmem>> -> memref<256xi32, #tpu.memory_space<vmem>>
      %dma_wait3A_948 = tpu.memref_slice %arg4[%add3A_769] : memref<6500000xi32, #tpu.memory_space<hbm>> -> memref<256xi32, #tpu.memory_space<hbm>>
      tpu.wait_dma2 semaphore(%run_scoped3A_936 : memref<!tpu.dma_semaphore, #tpu.memory_space<semaphore_mem>>) src(%dma_wait3A_948 : memref<256xi32, #tpu.memory_space<hbm>>) dst(%dma_wait3A_947 : memref<256xi32, #tpu.memory_space<vmem>>)
      tpu.yield
    }) : () -> ()
    "tpu.region"() ({
      %run_scoped3A_936 = tpu.sem_alloc : memref<!tpu.dma_semaphore, #tpu.memory_space<semaphore_mem>>
      %dma_start3A_937 = arith.constant 0 : i32
      %dma_start3A_938 = tpu.memref_slice %arg18[%dma_start3A_937] : memref<1280xf32, #tpu.memory_space<vmem>> -> memref<256xf32, #tpu.memory_space<vmem>>
      %dma_start3A_939 = tpu.memref_slice %arg3[%add3A_769] : memref<6500000xf32, #tpu.memory_space<hbm>> -> memref<256xf32, #tpu.memory_space<hbm>>
      %dma_start3A_940 = arith.constant 0 : i32
      %dma_start3A_941 = tpu.memref_slice %arg18[%dma_start3A_940] : memref<1280xf32, #tpu.memory_space<vmem>> -> memref<256xf32, #tpu.memory_space<vmem>>
      %dma_start3A_942 = tpu.memref_slice %arg3[%add3A_769] : memref<6500000xf32, #tpu.memory_space<hbm>> -> memref<256xf32, #tpu.memory_space<hbm>>
      tpu.enqueue_dma source(%dma_start3A_942 : memref<256xf32, #tpu.memory_space<hbm>>) target(%dma_start3A_941 : memref<256xf32, #tpu.memory_space<vmem>>) target_semaphore(%run_scoped3A_936 : memref<!tpu.dma_semaphore, #tpu.memory_space<semaphore_mem>>)
      %dma_wait3A_943 = arith.constant 0 : i32
      %dma_wait3A_944 = tpu.memref_slice %arg18[%dma_wait3A_943] : memref<1280xf32, #tpu.memory_space<vmem>> -> memref<256xf32, #tpu.memory_space<vmem>>
      %dma_wait3A_945 = tpu.memref_slice %arg3[%add3A_769] : memref<6500000xf32, #tpu.memory_space<hbm>> -> memref<256xf32, #tpu.memory_space<hbm>>
      %dma_wait3A_946 = arith.constant 0 : i32
      %dma_wait3A_947 = tpu.memref_slice %arg18[%dma_wait3A_946] : memref<1280xf32, #tpu.memory_space<vmem>> -> memref<256xf32, #tpu.memory_space<vmem>>
      %dma_wait3A_948 = tpu.memref_slice %arg3[%add3A_769] : memref<6500000xf32, #tpu.memory_space<hbm>> -> memref<256xf32, #tpu.memory_space<hbm>>
      tpu.wait_dma2 semaphore(%run_scoped3A_936 : memref<!tpu.dma_semaphore, #tpu.memory_space<semaphore_mem>>) src(%dma_wait3A_948 : memref<256xf32, #tpu.memory_space<hbm>>) dst(%dma_wait3A_947 : memref<256xf32, #tpu.memory_space<vmem>>)
      tpu.yield
    }) : () -> ()
    "tpu.region"() ({
      %run_scoped3A_936 = tpu.sem_alloc : memref<!tpu.dma_semaphore, #tpu.memory_space<semaphore_mem>>
      %dma_start3A_937 = arith.constant 0 : i32
      %dma_start3A_938 = tpu.memref_slice %arg22[%dma_start3A_937] : memref<1280xi32, #tpu.memory_space<vmem>> -> memref<256xi32, #tpu.memory_space<vmem>>
      %dma_start3A_939 = tpu.memref_slice %arg5[%add3A_769] : memref<6500000xi32, #tpu.memory_space<hbm>> -> memref<256xi32, #tpu.memory_space<hbm>>
      %dma_start3A_940 = arith.constant 0 : i32
      %dma_start3A_941 = tpu.memref_slice %arg22[%dma_start3A_940] : memref<1280xi32, #tpu.memory_space<vmem>> -> memref<256xi32, #tpu.memory_space<vmem>>
      %dma_start3A_942 = tpu.memref_slice %arg5[%add3A_769] : memref<6500000xi32, #tpu.memory_space<hbm>> -> memref<256xi32, #tpu.memory_space<hbm>>
      tpu.enqueue_dma source(%dma_start3A_942 : memref<256xi32, #tpu.memory_space<hbm>>) target(%dma_start3A_941 : memref<256xi32, #tpu.memory_space<vmem>>) target_semaphore(%run_scoped3A_936 : memref<!tpu.dma_semaphore, #tpu.memory_space<semaphore_mem>>)
      %dma_wait3A_943 = arith.constant 0 : i32
      %dma_wait3A_944 = tpu.memref_slice %arg22[%dma_wait3A_943] : memref<1280xi32, #tpu.memory_space<vmem>> -> memref<256xi32, #tpu.memory_space<vmem>>
      %dma_wait3A_945 = tpu.memref_slice %arg5[%add3A_769] : memref<6500000xi32, #tpu.memory_space<hbm>> -> memref<256xi32, #tpu.memory_space<hbm>>
      %dma_wait3A_946 = arith.constant 0 : i32
      %dma_wait3A_947 = tpu.memref_slice %arg22[%dma_wait3A_946] : memref<1280xi32, #tpu.memory_space<vmem>> -> memref<256xi32, #tpu.memory_space<vmem>>
      %dma_wait3A_948 = tpu.memref_slice %arg5[%add3A_769] : memref<6500000xi32, #tpu.memory_space<hbm>> -> memref<256xi32, #tpu.memory_space<hbm>>
      tpu.wait_dma2 semaphore(%run_scoped3A_936 : memref<!tpu.dma_semaphore, #tpu.memory_space<semaphore_mem>>) src(%dma_wait3A_948 : memref<256xi32, #tpu.memory_space<hbm>>) dst(%dma_wait3A_947 : memref<256xi32, #tpu.memory_space<vmem>>)
      tpu.yield
    }) : () -> ()
    %scan3A_770 = arith.constant 0 : i32
    %scan3A_771 = arith.constant 0 : i32
    %scan3A_772 = arith.constant 2 : i32
    %scan3A_773 = arith.addi %scan3A_771, %scan3A_772 : i32
    %scan3A_774 = arith.constant 1 : i32
    %scan3A_775 = scf.for %scan3A_936 = %scan3A_771 to %scan3A_773 step %scan3A_774 iter_args(%scan3A_937 = %scan3A_770) -> (i32)  : i32 {
      %mul3A_938 = arith.constant 128 : i32
      %mul3A_939 = arith.muli %scan3A_936, %mul3A_938 : i32
      %add3A_940 = arith.constant 0 : i32
      %add3A_941 = arith.addi %mul3A_939, %add3A_940 : i32
      %get3A = arith.index_cast %add3A_941 : i32 to index
      %get3A_942 = tpu.vector_load %arg14[%get3A] {strides = array<i32>} : memref<1280xi32, #tpu.memory_space<vmem>>, vector<16xi32>,
      %gather3A = tpu.vector_load_idx %arg13[%get3A_942] : memref<100352xf32, #tpu.memory_space<vmem>>[vector<16xi32>], vector<16xf32>,
      %get3A_943 = arith.index_cast %add3A_941 : i32 to index
      %get3A_944 = tpu.vector_load %arg18[%get3A_943] {strides = array<i32>} : memref<1280xf32, #tpu.memory_space<vmem>>, vector<16xf32>,
      %mul3A_945 = arith.mulf %gather3A, %get3A_944 : vector<16xf32>
      %swap3A = arith.index_cast %add3A_941 : i32 to index
      %swap3A_946 = tpu.vector_load %arg18[%swap3A] {strides = array<i32>} : memref<1280xf32, #tpu.memory_space<vmem>>, vector<16xf32>,
      tpu.vector_store %arg18[%swap3A], %mul3A_945 {strides = array<i32>} : memref<1280xf32, #tpu.memory_space<vmem>>, vector<16xf32>,
      %get3A_947 = arith.index_cast %add3A_941 : i32 to index
      %get3A_948 = tpu.vector_load %arg22[%get3A_947] {strides = array<i32>} : memref<1280xi32, #tpu.memory_space<vmem>>, vector<16xi32>,
      %swap3A_949 = arith.index_cast %scan3A_936 : i32 to index
      %swap3A_950 = arith.constant 0 : index
      %swap3A_951 = tpu.vector_load %arg26[%swap3A_949, %swap3A_950] {strides = array<i32>} : memref<4x128xi32, #tpu.memory_space<vmem>>, vector<16xi32>,
      tpu.vector_store %arg26[%swap3A_949, %swap3A_950], %get3A_948 {strides = array<i32>} : memref<4x128xi32, #tpu.memory_space<vmem>>, vector<16xi32>,
      %mul3A_952 = arith.constant 128 : i32
      %mul3A_953 = arith.muli %scan3A_936, %mul3A_952 : i32
      %add3A_954 = arith.constant 16 : i32
      %add3A_955 = arith.addi %mul3A_953, %add3A_954 : i32
      %get3A_956 = arith.index_cast %add3A_955 : i32 to index
      %get3A_957 = tpu.vector_load %arg14[%get3A_956] {strides = array<i32>} : memref<1280xi32, #tpu.memory_space<vmem>>, vector<16xi32>,
      %gather3A_958 = tpu.vector_load_idx %arg13[%get3A_957] : memref<100352xf32, #tpu.memory_space<vmem>>[vector<16xi32>], vector<16xf32>,
      %get3A_959 = arith.index_cast %add3A_955 : i32 to index
      %get3A_960 = tpu.vector_load %arg18[%get3A_959] {strides = array<i32>} : memref<1280xf32, #tpu.memory_space<vmem>>, vector<16xf32>,
      %mul3A_961 = arith.mulf %gather3A_958, %get3A_960 : vector<16xf32>
      %swap3A_962 = arith.index_cast %add3A_955 : i32 to index
      %swap3A_963 = tpu.vector_load %arg18[%swap3A_962] {strides = array<i32>} : memref<1280xf32, #tpu.memory_space<vmem>>, vector<16xf32>,
      tpu.vector_store %arg18[%swap3A_962], %mul3A_961 {strides = array<i32>} : memref<1280xf32, #tpu.memory_space<vmem>>, vector<16xf32>,
      %get3A_964 = arith.index_cast %add3A_955 : i32 to index
      %get3A_965 = tpu.vector_load %arg22[%get3A_964] {strides = array<i32>} : memref<1280xi32, #tpu.memory_space<vmem>>, vector<16xi32>,
      %swap3A_966 = arith.index_cast %scan3A_936 : i32 to index
      %swap3A_967 = arith.constant 16 : index
      %swap3A_968 = tpu.vector_load %arg26[%swap3A_966, %swap3A_967] {strides = array<i32>} : memref<4x128xi32, #tpu.memory_space<vmem>>, vector<16xi32>,
      tpu.vector_store %arg26[%swap3A_966, %swap3A_967], %get3A_965 {strides = array<i32>} : memref<4x128xi32, #tpu.memory_space<vmem>>, vector<16xi32>,
      %mul3A_969 = arith.constant 128 : i32
      %mul3A_970 = arith.muli %scan3A_936, %mul3A_969 : i32
      %add3A_971 = arith.constant 32 : i32
      %add3A_972 = arith.addi %mul3A_970, %add3A_971 : i32
      %get3A_973 = arith.index_cast %add3A_972 : i32 to index
      %get3A_974 = tpu.vector_load %arg14[%get3A_973] {strides = array<i32>} : memref<1280xi32, #tpu.memory_space<vmem>>, vector<16xi32>,
      %gather3A_975 = tpu.vector_load_idx %arg13[%get3A_974] : memref<100352xf32, #tpu.memory_space<vmem>>[vector<16xi32>], vector<16xf32>,
      %get3A_976 = arith.index_cast %add3A_972 : i32 to index
      %get3A_977 = tpu.vector_load %arg18[%get3A_976] {strides = array<i32>} : memref<1280xf32, #tpu.memory_space<vmem>>, vector<16xf32>,
      %mul3A_978 = arith.mulf %gather3A_975, %get3A_977 : vector<16xf32>
      %swap3A_979 = arith.index_cast %add3A_972 : i32 to index
      %swap3A_980 = tpu.vector_load %arg18[%swap3A_979] {strides = array<i32>} : memref<1280xf32, #tpu.memory_space<vmem>>, vector<16xf32>,
      tpu.vector_store %arg18[%swap3A_979], %mul3A_978 {strides = array<i32>} : memref<1280xf32, #tpu.memory_space<vmem>>, vector<16xf32>,
      %get3A_981 = arith.index_cast %add3A_972 : i32 to index
      %get3A_982 = tpu.vector_load %arg22[%get3A_981] {strides = array<i32>} : memref<1280xi32, #tpu.memory_space<vmem>>, vector<16xi32>,
      %swap3A_983 = arith.index_cast %scan3A_936 : i32 to index
      %swap3A_984 = arith.constant 32 : index
      %swap3A_985 = tpu.vector_load %arg26[%swap3A_983, %swap3A_984] {strides = array<i32>} : memref<4x128xi32, #tpu.memory_space<vmem>>, vector<16xi32>,
      tpu.vector_store %arg26[%swap3A_983, %swap3A_984], %get3A_982 {strides = array<i32>} : memref<4x128xi32, #tpu.memory_space<vmem>>, vector<16xi32>,
      %mul3A_986 = arith.constant 128 : i32
      %mul3A_987 = arith.muli %scan3A_936, %mul3A_986 : i32
      %add3A_988 = arith.constant 48 : i32
      %add3A_989 = arith.addi %mul3A_987, %add3A_988 : i32
      %get3A_990 = arith.index_cast %add3A_989 : i32 to index
      %get3A_991 = tpu.vector_load %arg14[%get3A_990] {strides = array<i32>} : memref<1280xi32, #tpu.memory_space<vmem>>, vector<16xi32>,
      %gather3A_992 = tpu.vector_load_idx %arg13[%get3A_991] : memref<100352xf32, #tpu.memory_space<vmem>>[vector<16xi32>], vector<16xf32>,
      %get3A_993 = arith.index_cast %add3A_989 : i32 to index
      %get3A_994 = tpu.vector_load %arg18[%get3A_993] {strides = array<i32>} : memref<1280xf32, #tpu.memory_space<vmem>>, vector<16xf32>,
      %mul3A_995 = arith.mulf %gather3A_992, %get3A_994 : vector<16xf32>
      %swap3A_996 = arith.index_cast %add3A_989 : i32 to index
      %swap3A_997 = tpu.vector_load %arg18[%swap3A_996] {strides = array<i32>} : memref<1280xf32, #tpu.memory_space<vmem>>, vector<16xf32>,
      tpu.vector_store %arg18[%swap3A_996], %mul3A_995 {strides = array<i32>} : memref<1280xf32, #tpu.memory_space<vmem>>, vector<16xf32>,
      %get3A_998 = arith.index_cast %add3A_989 : i32 to index
      %get3A_999 = tpu.vector_load %arg22[%get3A_998] {strides = array<i32>} : memref<1280xi32, #tpu.memory_space<vmem>>, vector<16xi32>,
      %swap3A_1000 = arith.index_cast %scan3A_936 : i32 to index
      %swap3A_1001 = arith.constant 48 : index
      %swap3A_1002 = tpu.vector_load %arg26[%swap3A_1000, %swap3A_1001] {strides = array<i32>} : memref<4x128xi32, #tpu.memory_space<vmem>>, vector<16xi32>,
      tpu.vector_store %arg26[%swap3A_1000, %swap3A_1001], %get3A_999 {strides = array<i32>} : memref<4x128xi32, #tpu.memory_space<vmem>>, vector<16xi32>,
      %mul3A_1003 = arith.constant 128 : i32
      %mul3A_1004 = arith.muli %scan3A_936, %mul3A_1003 : i32
      %add3A_1005 = arith.constant 64 : i32
      %add3A_1006 = arith.addi %mul3A_1004, %add3A_1005 : i32
      %get3A_1007 = arith.index_cast %add3A_1006 : i32 to index
      %get3A_1008 = tpu.vector_load %arg14[%get3A_1007] {strides = array<i32>} : memref<1280xi32, #tpu.memory_space<vmem>>, vector<16xi32>,
      %gather3A_1009 = tpu.vector_load_idx %arg13[%get3A_1008] : memref<100352xf32, #tpu.memory_space<vmem>>[vector<16xi32>], vector<16xf32>,
      %get3A_1010 = arith.index_cast %add3A_1006 : i32 to index
      %get3A_1011 = tpu.vector_load %arg18[%get3A_1010] {strides = array<i32>} : memref<1280xf32, #tpu.memory_space<vmem>>, vector<16xf32>,
      %mul3A_1012 = arith.mulf %gather3A_1009, %get3A_1011 : vector<16xf32>
      %swap3A_1013 = arith.index_cast %add3A_1006 : i32 to index
      %swap3A_1014 = tpu.vector_load %arg18[%swap3A_1013] {strides = array<i32>} : memref<1280xf32, #tpu.memory_space<vmem>>, vector<16xf32>,
      tpu.vector_store %arg18[%swap3A_1013], %mul3A_1012 {strides = array<i32>} : memref<1280xf32, #tpu.memory_space<vmem>>, vector<16xf32>,
      %get3A_1015 = arith.index_cast %add3A_1006 : i32 to index
      %get3A_1016 = tpu.vector_load %arg22[%get3A_1015] {strides = array<i32>} : memref<1280xi32, #tpu.memory_space<vmem>>, vector<16xi32>,
      %swap3A_1017 = arith.index_cast %scan3A_936 : i32 to index
      %swap3A_1018 = arith.constant 64 : index
      %swap3A_1019 = tpu.vector_load %arg26[%swap3A_1017, %swap3A_1018] {strides = array<i32>} : memref<4x128xi32, #tpu.memory_space<vmem>>, vector<16xi32>,
      tpu.vector_store %arg26[%swap3A_1017, %swap3A_1018], %get3A_1016 {strides = array<i32>} : memref<4x128xi32, #tpu.memory_space<vmem>>, vector<16xi32>,
      %mul3A_1020 = arith.constant 128 : i32
      %mul3A_1021 = arith.muli %scan3A_936, %mul3A_1020 : i32
      %add3A_1022 = arith.constant 80 : i32
      %add3A_1023 = arith.addi %mul3A_1021, %add3A_1022 : i32
      %get3A_1024 = arith.index_cast %add3A_1023 : i32 to index
      %get3A_1025 = tpu.vector_load %arg14[%get3A_1024] {strides = array<i32>} : memref<1280xi32, #tpu.memory_space<vmem>>, vector<16xi32>,
      %gather3A_1026 = tpu.vector_load_idx %arg13[%get3A_1025] : memref<100352xf32, #tpu.memory_space<vmem>>[vector<16xi32>], vector<16xf32>,
      %get3A_1027 = arith.index_cast %add3A_1023 : i32 to index
      %get3A_1028 = tpu.vector_load %arg18[%get3A_1027] {strides = array<i32>} : memref<1280xf32, #tpu.memory_space<vmem>>, vector<16xf32>,
      %mul3A_1029 = arith.mulf %gather3A_1026, %get3A_1028 : vector<16xf32>
      %swap3A_1030 = arith.index_cast %add3A_1023 : i32 to index
      %swap3A_1031 = tpu.vector_load %arg18[%swap3A_1030] {strides = array<i32>} : memref<1280xf32, #tpu.memory_space<vmem>>, vector<16xf32>,
      tpu.vector_store %arg18[%swap3A_1030], %mul3A_1029 {strides = array<i32>} : memref<1280xf32, #tpu.memory_space<vmem>>, vector<16xf32>,
      %get3A_1032 = arith.index_cast %add3A_1023 : i32 to index
      %get3A_1033 = tpu.vector_load %arg22[%get3A_1032] {strides = array<i32>} : memref<1280xi32, #tpu.memory_space<vmem>>, vector<16xi32>,
      %swap3A_1034 = arith.index_cast %scan3A_936 : i32 to index
      %swap3A_1035 = arith.constant 80 : index
      %swap3A_1036 = tpu.vector_load %arg26[%swap3A_1034, %swap3A_1035] {strides = array<i32>} : memref<4x128xi32, #tpu.memory_space<vmem>>, vector<16xi32>,
      tpu.vector_store %arg26[%swap3A_1034, %swap3A_1035], %get3A_1033 {strides = array<i32>} : memref<4x128xi32, #tpu.memory_space<vmem>>, vector<16xi32>,
      %mul3A_1037 = arith.constant 128 : i32
      %mul3A_1038 = arith.muli %scan3A_936, %mul3A_1037 : i32
      %add3A_1039 = arith.constant 96 : i32
      %add3A_1040 = arith.addi %mul3A_1038, %add3A_1039 : i32
      %get3A_1041 = arith.index_cast %add3A_1040 : i32 to index
      %get3A_1042 = tpu.vector_load %arg14[%get3A_1041] {strides = array<i32>} : memref<1280xi32, #tpu.memory_space<vmem>>, vector<16xi32>,
      %gather3A_1043 = tpu.vector_load_idx %arg13[%get3A_1042] : memref<100352xf32, #tpu.memory_space<vmem>>[vector<16xi32>], vector<16xf32>,
      %get3A_1044 = arith.index_cast %add3A_1040 : i32 to index
      %get3A_1045 = tpu.vector_load %arg18[%get3A_1044] {strides = array<i32>} : memref<1280xf32, #tpu.memory_space<vmem>>, vector<16xf32>,
      %mul3A_1046 = arith.mulf %gather3A_1043, %get3A_1045 : vector<16xf32>
      %swap3A_1047 = arith.index_cast %add3A_1040 : i32 to index
      %swap3A_1048 = tpu.vector_load %arg18[%swap3A_1047] {strides = array<i32>} : memref<1280xf32, #tpu.memory_space<vmem>>, vector<16xf32>,
      tpu.vector_store %arg18[%swap3A_1047], %mul3A_1046 {strides = array<i32>} : memref<1280xf32, #tpu.memory_space<vmem>>, vector<16xf32>,
      %get3A_1049 = arith.index_cast %add3A_1040 : i32 to index
      %get3A_1050 = tpu.vector_load %arg22[%get3A_1049] {strides = array<i32>} : memref<1280xi32, #tpu.memory_space<vmem>>, vector<16xi32>,
      %swap3A_1051 = arith.index_cast %scan3A_936 : i32 to index
      %swap3A_1052 = arith.constant 96 : index
      %swap3A_1053 = tpu.vector_load %arg26[%swap3A_1051, %swap3A_1052] {strides = array<i32>} : memref<4x128xi32, #tpu.memory_space<vmem>>, vector<16xi32>,
      tpu.vector_store %arg26[%swap3A_1051, %swap3A_1052], %get3A_1050 {strides = array<i32>} : memref<4x128xi32, #tpu.memory_space<vmem>>, vector<16xi32>,
      %mul3A_1054 = arith.constant 128 : i32
      %mul3A_1055 = arith.muli %scan3A_936, %mul3A_1054 : i32
      %add3A_1056 = arith.constant 112 : i32
      %add3A_1057 = arith.addi %mul3A_1055, %add3A_1056 : i32
      %get3A_1058 = arith.index_cast %add3A_1057 : i32 to index
      %get3A_1059 = tpu.vector_load %arg14[%get3A_1058] {strides = array<i32>} : memref<1280xi32, #tpu.memory_space<vmem>>, vector<16xi32>,
      %gather3A_1060 = tpu.vector_load_idx %arg13[%get3A_1059] : memref<100352xf32, #tpu.memory_space<vmem>>[vector<16xi32>], vector<16xf32>,
      %get3A_1061 = arith.index_cast %add3A_1057 : i32 to index
      %get3A_1062 = tpu.vector_load %arg18[%get3A_1061] {strides = array<i32>} : memref<1280xf32, #tpu.memory_space<vmem>>, vector<16xf32>,
      %mul3A_1063 = arith.mulf %gather3A_1060, %get3A_1062 : vector<16xf32>
      %swap3A_1064 = arith.index_cast %add3A_1057 : i32 to index
      %swap3A_1065 = tpu.vector_load %arg18[%swap3A_1064] {strides = array<i32>} : memref<1280xf32, #tpu.memory_space<vmem>>, vector<16xf32>,
      tpu.vector_store %arg18[%swap3A_1064], %mul3A_1063 {strides = array<i32>} : memref<1280xf32, #tpu.memory_space<vmem>>, vector<16xf32>,
      %get3A_1066 = arith.index_cast %add3A_1057 : i32 to index
      %get3A_1067 = tpu.vector_load %arg22[%get3A_1066] {strides = array<i32>} : memref<1280xi32, #tpu.memory_space<vmem>>, vector<16xi32>,
      %swap3A_1068 = arith.index_cast %scan3A_936 : i32 to index
      %swap3A_1069 = arith.constant 112 : index
      %swap3A_1070 = tpu.vector_load %arg26[%swap3A_1068, %swap3A_1069] {strides = array<i32>} : memref<4x128xi32, #tpu.memory_space<vmem>>, vector<16xi32>,
      tpu.vector_store %arg26[%swap3A_1068, %swap3A_1069], %get3A_1067 {strides = array<i32>} : memref<4x128xi32, #tpu.memory_space<vmem>>, vector<16xi32>,
      %scan3A_1071 = arith.constant 0 : i32
      scf.yield %scan3A_1071 : i32
    }
    %scan3A_776 = arith.constant 2 : i32
    %scan3A_777 = arith.constant 0 : i32
    %scan3A_778 = arith.constant 0 : i32
    %scan3A_779 = arith.constant 2 : i32
    %scan3A_780 = arith.addi %scan3A_778, %scan3A_779 : i32
    %scan3A_781 = arith.constant 1 : i32
    %scan3A_782 = scf.for %scan3A_936 = %scan3A_778 to %scan3A_780 step %scan3A_781 iter_args(%scan3A_937 = %scan3A_777) -> (i32)  : i32 {
      %mul3A_938 = arith.constant 128 : i32
      %mul3A_939 = arith.muli %scan3A_936, %mul3A_938 : i32
      %dma_start3A_940 = tpu.memref_slice %arg18[%mul3A_939] : memref<1280xf32, #tpu.memory_space<vmem>> -> memref<128xf32, #tpu.memory_space<vmem>>
      %dma_start3A_941 = arith.constant 0 : i32
      %dma_start3A_942 = tpu.memref_slice %arg26[%scan3A_936, %dma_start3A_941] : memref<4x128xi32, #tpu.memory_space<vmem>> -> memref<1x128xi32, #tpu.memory_space<vmem>>
      %dma_start3A_943 = tpu.memref_squeeze %dma_start3A_942 : memref<1x128xi32, #tpu.memory_space<vmem>> -> memref<128xi32, #tpu.memory_space<vmem>>
      %dma_start3A_944 = arith.constant 0 : i32
      %dma_start3A_945 = tpu.memref_slice %arg28[%dma_start3A_944] : memref<100352xf32, #tpu.memory_space<vmem_shared>> -> memref<100352xf32, #tpu.memory_space<vmem_shared>>
      tpu.enqueue_indirect_dma source(%dma_start3A_940 : memref<128xf32, #tpu.memory_space<vmem>>) target(%dma_start3A_945 : memref<100352xf32, #tpu.memory_space<vmem_shared>>) offsets(%dma_start3A_943 : memref<128xi32, #tpu.memory_space<vmem>>) semaphore(%arg34 : memref<!tpu.dma_semaphore, #tpu.memory_space<semaphore_mem>>) {add = true}
      %dma_start3A_946 = arith.constant 0 : i32
      %dma_start3A_947 = tpu.memref_slice %arg27[%dma_start3A_946] : memref<1280xf32, #tpu.memory_space<vmem>> -> memref<128xf32, #tpu.memory_space<vmem>>
      %dma_start3A_948 = arith.constant 0 : i32
      %dma_start3A_949 = tpu.memref_slice %arg26[%scan3A_936, %dma_start3A_948] : memref<4x128xi32, #tpu.memory_space<vmem>> -> memref<1x128xi32, #tpu.memory_space<vmem>>
      %dma_start3A_950 = tpu.memref_squeeze %dma_start3A_949 : memref<1x128xi32, #tpu.memory_space<vmem>> -> memref<128xi32, #tpu.memory_space<vmem>>
      %dma_start3A_951 = arith.constant 0 : i32
      %dma_start3A_952 = tpu.memref_slice %arg29[%dma_start3A_951] : memref<100352xf32, #tpu.memory_space<vmem_shared>> -> memref<100352xf32, #tpu.memory_space<vmem_shared>>
      tpu.enqueue_indirect_dma source(%dma_start3A_947 : memref<128xf32, #tpu.memory_space<vmem>>) target(%dma_start3A_952 : memref<100352xf32, #tpu.memory_space<vmem_shared>>) offsets(%dma_start3A_950 : memref<128xi32, #tpu.memory_space<vmem>>) semaphore(%arg34 : memref<!tpu.dma_semaphore, #tpu.memory_space<semaphore_mem>>) {add = true}
      %scan3A_953 = arith.constant 0 : i32
      scf.yield %scan3A_953 : i32
    }
    %scan3A_783 = arith.constant 2 : i32
    %scan3A_784 = arith.constant 0 : i32
    %scan3A_785 = arith.constant 0 : i32
    %scan3A_786 = arith.constant 2 : i32
    %scan3A_787 = arith.addi %scan3A_785, %scan3A_786 : i32
    %scan3A_788 = arith.constant 1 : i32
    %scan3A_789 = scf.for %scan3A_936 = %scan3A_785 to %scan3A_787 step %scan3A_788 iter_args(%scan3A_937 = %scan3A_784) -> (i32)  : i32 {
      %mul3A_938 = arith.constant 128 : i32
      %mul3A_939 = arith.muli %scan3A_936, %mul3A_938 : i32
      %dma_wait3A_940 = tpu.memref_slice %arg18[%mul3A_939] : memref<1280xf32, #tpu.memory_space<vmem>> -> memref<128xf32, #tpu.memory_space<vmem>>
      %dma_wait3A_941 = arith.constant 0 : i32
      %dma_wait3A_942 = tpu.memref_slice %arg26[%scan3A_936, %dma_wait3A_941] : memref<4x128xi32, #tpu.memory_space<vmem>> -> memref<1x128xi32, #tpu.memory_space<vmem>>
      %dma_wait3A_943 = tpu.memref_squeeze %dma_wait3A_942 : memref<1x128xi32, #tpu.memory_space<vmem>> -> memref<128xi32, #tpu.memory_space<vmem>>
      %dma_wait3A_944 = arith.constant 0 : i32
      %dma_wait3A_945 = tpu.memref_slice %arg28[%dma_wait3A_944] : memref<100352xf32, #tpu.memory_space<vmem_shared>> -> memref<100352xf32, #tpu.memory_space<vmem_shared>>
      tpu.wait_indirect_dma semaphore(%arg34 : memref<!tpu.dma_semaphore, #tpu.memory_space<semaphore_mem>>) src(%dma_wait3A_940 : memref<128xf32, #tpu.memory_space<vmem>>) dst(%dma_wait3A_945 : memref<100352xf32, #tpu.memory_space<vmem_shared>>)
      %dma_wait3A_946 = arith.constant 0 : i32
      %dma_wait3A_947 = tpu.memref_slice %arg27[%dma_wait3A_946] : memref<1280xf32, #tpu.memory_space<vmem>> -> memref<128xf32, #tpu.memory_space<vmem>>
      %dma_wait3A_948 = arith.constant 0 : i32
      %dma_wait3A_949 = tpu.memref_slice %arg26[%scan3A_936, %dma_wait3A_948] : memref<4x128xi32, #tpu.memory_space<vmem>> -> memref<1x128xi32, #tpu.memory_space<vmem>>
      %dma_wait3A_950 = tpu.memref_squeeze %dma_wait3A_949 : memref<1x128xi32, #tpu.memory_space<vmem>> -> memref<128xi32, #tpu.memory_space<vmem>>
      %dma_wait3A_951 = arith.constant 0 : i32
      %dma_wait3A_952 = tpu.memref_slice %arg29[%dma_wait3A_951] : memref<100352xf32, #tpu.memory_space<vmem_shared>> -> memref<100352xf32, #tpu.memory_space<vmem_shared>>
      tpu.wait_indirect_dma semaphore(%arg34 : memref<!tpu.dma_semaphore, #tpu.memory_space<semaphore_mem>>) src(%dma_wait3A_947 : memref<128xf32, #tpu.memory_space<vmem>>) dst(%dma_wait3A_952 : memref<100352xf32, #tpu.memory_space<vmem_shared>>)
      %scan3A_953 = arith.constant 0 : i32
      scf.yield %scan3A_953 : i32
    }
    %scan3A_790 = arith.constant 2 : i32
    %add3A_791 = arith.constant 0 : i32
    %add3A_792 = arith.addi %add3A, %add3A_791 : i32
    %lt3A = arith.constant 30 : i32
    %lt3A_793 = arith.cmpi slt, %add3A_792, %lt3A : i32
    %convert_element_type3A = arith.extui %lt3A_793 : i1 to i32
    %cond3A = arith.constant 0 : i32
    %cond3A_794 = arith.cmpi ne, %convert_element_type3A, %cond3A : i32
    scf.if %cond3A_794 {
      %mul3A_936 = arith.constant 128 : i32
      %mul3A_937 = arith.muli %add3A_792, %mul3A_936 : i32
      "tpu.region"() ({
        %run_scoped3A_1113 = tpu.sem_alloc : memref<!tpu.dma_semaphore, #tpu.memory_space<semaphore_mem>>
        %dma_start3A_1114 = arith.constant 0 : i32
        %dma_start3A_1115 = tpu.memref_slice %arg14[%dma_start3A_1114] : memref<1280xi32, #tpu.memory_space<vmem>> -> memref<128xi32, #tpu.memory_space<vmem>>
        %dma_start3A_1116 = tpu.memref_slice %arg7[%mul3A_937] : memref<3840xi32, #tpu.memory_space<hbm>> -> memref<128xi32, #tpu.memory_space<hbm>>
        %dma_start3A_1117 = arith.constant 0 : i32
        %dma_start3A_1118 = tpu.memref_slice %arg14[%dma_start3A_1117] : memref<1280xi32, #tpu.memory_space<vmem>> -> memref<128xi32, #tpu.memory_space<vmem>>
        %dma_start3A_1119 = tpu.memref_slice %arg7[%mul3A_937] : memref<3840xi32, #tpu.memory_space<hbm>> -> memref<128xi32, #tpu.memory_space<hbm>>
        tpu.enqueue_dma source(%dma_start3A_1119 : memref<128xi32, #tpu.memory_space<hbm>>) target(%dma_start3A_1118 : memref<128xi32, #tpu.memory_space<vmem>>) target_semaphore(%run_scoped3A_1113 : memref<!tpu.dma_semaphore, #tpu.memory_space<semaphore_mem>>)
        %dma_wait3A_1120 = arith.constant 0 : i32
        %dma_wait3A_1121 = tpu.memref_slice %arg14[%dma_wait3A_1120] : memref<1280xi32, #tpu.memory_space<vmem>> -> memref<128xi32, #tpu.memory_space<vmem>>
        %dma_wait3A_1122 = tpu.memref_slice %arg7[%mul3A_937] : memref<3840xi32, #tpu.memory_space<hbm>> -> memref<128xi32, #tpu.memory_space<hbm>>
        %dma_wait3A_1123 = arith.constant 0 : i32
        %dma_wait3A_1124 = tpu.memref_slice %arg14[%dma_wait3A_1123] : memref<1280xi32, #tpu.memory_space<vmem>> -> memref<128xi32, #tpu.memory_space<vmem>>
        %dma_wait3A_1125 = tpu.memref_slice %arg7[%mul3A_937] : memref<3840xi32, #tpu.memory_space<hbm>> -> memref<128xi32, #tpu.memory_space<hbm>>
        tpu.wait_dma2 semaphore(%run_scoped3A_1113 : memref<!tpu.dma_semaphore, #tpu.memory_space<semaphore_mem>>) src(%dma_wait3A_1125 : memref<128xi32, #tpu.memory_space<hbm>>) dst(%dma_wait3A_1124 : memref<128xi32, #tpu.memory_space<vmem>>)
        tpu.yield
      }) : () -> ()
      "tpu.region"() ({
        %run_scoped3A_1113 = tpu.sem_alloc : memref<!tpu.dma_semaphore, #tpu.memory_space<semaphore_mem>>
        %dma_start3A_1114 = arith.constant 0 : i32
        %dma_start3A_1115 = tpu.memref_slice %arg18[%dma_start3A_1114] : memref<1280xf32, #tpu.memory_space<vmem>> -> memref<128xf32, #tpu.memory_space<vmem>>
        %dma_start3A_1116 = tpu.memref_slice %arg9[%mul3A_937] : memref<3840xf32, #tpu.memory_space<hbm>> -> memref<128xf32, #tpu.memory_space<hbm>>
        %dma_start3A_1117 = arith.constant 0 : i32
        %dma_start3A_1118 = tpu.memref_slice %arg18[%dma_start3A_1117] : memref<1280xf32, #tpu.memory_space<vmem>> -> memref<128xf32, #tpu.memory_space<vmem>>
        %dma_start3A_1119 = tpu.memref_slice %arg9[%mul3A_937] : memref<3840xf32, #tpu.memory_space<hbm>> -> memref<128xf32, #tpu.memory_space<hbm>>
        tpu.enqueue_dma source(%dma_start3A_1119 : memref<128xf32, #tpu.memory_space<hbm>>) target(%dma_start3A_1118 : memref<128xf32, #tpu.memory_space<vmem>>) target_semaphore(%run_scoped3A_1113 : memref<!tpu.dma_semaphore, #tpu.memory_space<semaphore_mem>>)
        %dma_wait3A_1120 = arith.constant 0 : i32
        %dma_wait3A_1121 = tpu.memref_slice %arg18[%dma_wait3A_1120] : memref<1280xf32, #tpu.memory_space<vmem>> -> memref<128xf32, #tpu.memory_space<vmem>>
        %dma_wait3A_1122 = tpu.memref_slice %arg9[%mul3A_937] : memref<3840xf32, #tpu.memory_space<hbm>> -> memref<128xf32, #tpu.memory_space<hbm>>
        %dma_wait3A_1123 = arith.constant 0 : i32
        %dma_wait3A_1124 = tpu.memref_slice %arg18[%dma_wait3A_1123] : memref<1280xf32, #tpu.memory_space<vmem>> -> memref<128xf32, #tpu.memory_space<vmem>>
        %dma_wait3A_1125 = tpu.memref_slice %arg9[%mul3A_937] : memref<3840xf32, #tpu.memory_space<hbm>> -> memref<128xf32, #tpu.memory_space<hbm>>
        tpu.wait_dma2 semaphore(%run_scoped3A_1113 : memref<!tpu.dma_semaphore, #tpu.memory_space<semaphore_mem>>) src(%dma_wait3A_1125 : memref<128xf32, #tpu.memory_space<hbm>>) dst(%dma_wait3A_1124 : memref<128xf32, #tpu.memory_space<vmem>>)
        tpu.yield
      }) : () -> ()
      "tpu.region"() ({
        %run_scoped3A_1113 = tpu.sem_alloc : memref<!tpu.dma_semaphore, #tpu.memory_space<semaphore_mem>>
        %dma_start3A_1114 = arith.constant 0 : i32
        %dma_start3A_1115 = tpu.memref_slice %arg22[%dma_start3A_1114] : memref<1280xi32, #tpu.memory_space<vmem>> -> memref<128xi32, #tpu.memory_space<vmem>>
        %dma_start3A_1116 = tpu.memref_slice %arg8[%mul3A_937] : memref<3840xi32, #tpu.memory_space<hbm>> -> memref<128xi32, #tpu.memory_space<hbm>>
        %dma_start3A_1117 = arith.constant 0 : i32
        %dma_start3A_1118 = tpu.memref_slice %arg22[%dma_start3A_1117] : memref<1280xi32, #tpu.memory_space<vmem>> -> memref<128xi32, #tpu.memory_space<vmem>>
        %dma_start3A_1119 = tpu.memref_slice %arg8[%mul3A_937] : memref<3840xi32, #tpu.memory_space<hbm>> -> memref<128xi32, #tpu.memory_space<hbm>>
        tpu.enqueue_dma source(%dma_start3A_1119 : memref<128xi32, #tpu.memory_space<hbm>>) target(%dma_start3A_1118 : memref<128xi32, #tpu.memory_space<vmem>>) target_semaphore(%run_scoped3A_1113 : memref<!tpu.dma_semaphore, #tpu.memory_space<semaphore_mem>>)
        %dma_wait3A_1120 = arith.constant 0 : i32
        %dma_wait3A_1121 = tpu.memref_slice %arg22[%dma_wait3A_1120] : memref<1280xi32, #tpu.memory_space<vmem>> -> memref<128xi32, #tpu.memory_space<vmem>>
        %dma_wait3A_1122 = tpu.memref_slice %arg8[%mul3A_937] : memref<3840xi32, #tpu.memory_space<hbm>> -> memref<128xi32, #tpu.memory_space<hbm>>
        %dma_wait3A_1123 = arith.constant 0 : i32
        %dma_wait3A_1124 = tpu.memref_slice %arg22[%dma_wait3A_1123] : memref<1280xi32, #tpu.memory_space<vmem>> -> memref<128xi32, #tpu.memory_space<vmem>>
        %dma_wait3A_1125 = tpu.memref_slice %arg8[%mul3A_937] : memref<3840xi32, #tpu.memory_space<hbm>> -> memref<128xi32, #tpu.memory_space<hbm>>
        tpu.wait_dma2 semaphore(%run_scoped3A_1113 : memref<!tpu.dma_semaphore, #tpu.memory_space<semaphore_mem>>) src(%dma_wait3A_1125 : memref<128xi32, #tpu.memory_space<hbm>>) dst(%dma_wait3A_1124 : memref<128xi32, #tpu.memory_space<vmem>>)
        tpu.yield
      }) : () -> ()
      %scan3A_938 = arith.constant 0 : i32
      %scan3A_939 = arith.constant 0 : i32
      %mul3A_940 = arith.constant 128 : i32
      %mul3A_941 = arith.muli %scan3A_939, %mul3A_940 : i32
      %add3A_942 = arith.constant 0 : i32
      %add3A_943 = arith.addi %mul3A_941, %add3A_942 : i32
      %get3A = arith.index_cast %add3A_943 : i32 to index
      %get3A_944 = tpu.vector_load %arg14[%get3A] {strides = array<i32>} : memref<1280xi32, #tpu.memory_space<vmem>>, vector<16xi32>,
      %gather3A = tpu.vector_load_idx %arg13[%get3A_944] : memref<100352xf32, #tpu.memory_space<vmem>>[vector<16xi32>], vector<16xf32>,
      %get3A_945 = arith.index_cast %add3A_943 : i32 to index
      %get3A_946 = tpu.vector_load %arg18[%get3A_945] {strides = array<i32>} : memref<1280xf32, #tpu.memory_space<vmem>>, vector<16xf32>,
      %mul3A_947 = arith.mulf %gather3A, %get3A_946 : vector<16xf32>
      %swap3A = arith.index_cast %add3A_943 : i32 to index
      %swap3A_948 = tpu.vector_load %arg18[%swap3A] {strides = array<i32>} : memref<1280xf32, #tpu.memory_space<vmem>>, vector<16xf32>,
      tpu.vector_store %arg18[%swap3A], %mul3A_947 {strides = array<i32>} : memref<1280xf32, #tpu.memory_space<vmem>>, vector<16xf32>,
      %get3A_949 = arith.index_cast %add3A_943 : i32 to index
      %get3A_950 = tpu.vector_load %arg22[%get3A_949] {strides = array<i32>} : memref<1280xi32, #tpu.memory_space<vmem>>, vector<16xi32>,
      %swap3A_951 = arith.index_cast %scan3A_939 : i32 to index
      %swap3A_952 = arith.constant 0 : index
      %swap3A_953 = tpu.vector_load %arg26[%swap3A_951, %swap3A_952] {strides = array<i32>} : memref<4x128xi32, #tpu.memory_space<vmem>>, vector<16xi32>,
      tpu.vector_store %arg26[%swap3A_951, %swap3A_952], %get3A_950 {strides = array<i32>} : memref<4x128xi32, #tpu.memory_space<vmem>>, vector<16xi32>,
      %mul3A_954 = arith.constant 128 : i32
      %mul3A_955 = arith.muli %scan3A_939, %mul3A_954 : i32
      %add3A_956 = arith.constant 16 : i32
      %add3A_957 = arith.addi %mul3A_955, %add3A_956 : i32
      %get3A_958 = arith.index_cast %add3A_957 : i32 to index
      %get3A_959 = tpu.vector_load %arg14[%get3A_958] {strides = array<i32>} : memref<1280xi32, #tpu.memory_space<vmem>>, vector<16xi32>,
      %gather3A_960 = tpu.vector_load_idx %arg13[%get3A_959] : memref<100352xf32, #tpu.memory_space<vmem>>[vector<16xi32>], vector<16xf32>,
      %get3A_961 = arith.index_cast %add3A_957 : i32 to index
      %get3A_962 = tpu.vector_load %arg18[%get3A_961] {strides = array<i32>} : memref<1280xf32, #tpu.memory_space<vmem>>, vector<16xf32>,
      %mul3A_963 = arith.mulf %gather3A_960, %get3A_962 : vector<16xf32>
      %swap3A_964 = arith.index_cast %add3A_957 : i32 to index
      %swap3A_965 = tpu.vector_load %arg18[%swap3A_964] {strides = array<i32>} : memref<1280xf32, #tpu.memory_space<vmem>>, vector<16xf32>,
      tpu.vector_store %arg18[%swap3A_964], %mul3A_963 {strides = array<i32>} : memref<1280xf32, #tpu.memory_space<vmem>>, vector<16xf32>,
      %get3A_966 = arith.index_cast %add3A_957 : i32 to index
      %get3A_967 = tpu.vector_load %arg22[%get3A_966] {strides = array<i32>} : memref<1280xi32, #tpu.memory_space<vmem>>, vector<16xi32>,
      %swap3A_968 = arith.index_cast %scan3A_939 : i32 to index
      %swap3A_969 = arith.constant 16 : index
      %swap3A_970 = tpu.vector_load %arg26[%swap3A_968, %swap3A_969] {strides = array<i32>} : memref<4x128xi32, #tpu.memory_space<vmem>>, vector<16xi32>,
      tpu.vector_store %arg26[%swap3A_968, %swap3A_969], %get3A_967 {strides = array<i32>} : memref<4x128xi32, #tpu.memory_space<vmem>>, vector<16xi32>,
      %mul3A_971 = arith.constant 128 : i32
      %mul3A_972 = arith.muli %scan3A_939, %mul3A_971 : i32
      %add3A_973 = arith.constant 32 : i32
      %add3A_974 = arith.addi %mul3A_972, %add3A_973 : i32
      %get3A_975 = arith.index_cast %add3A_974 : i32 to index
      %get3A_976 = tpu.vector_load %arg14[%get3A_975] {strides = array<i32>} : memref<1280xi32, #tpu.memory_space<vmem>>, vector<16xi32>,
      %gather3A_977 = tpu.vector_load_idx %arg13[%get3A_976] : memref<100352xf32, #tpu.memory_space<vmem>>[vector<16xi32>], vector<16xf32>,
      %get3A_978 = arith.index_cast %add3A_974 : i32 to index
      %get3A_979 = tpu.vector_load %arg18[%get3A_978] {strides = array<i32>} : memref<1280xf32, #tpu.memory_space<vmem>>, vector<16xf32>,
      %mul3A_980 = arith.mulf %gather3A_977, %get3A_979 : vector<16xf32>
      %swap3A_981 = arith.index_cast %add3A_974 : i32 to index
      %swap3A_982 = tpu.vector_load %arg18[%swap3A_981] {strides = array<i32>} : memref<1280xf32, #tpu.memory_space<vmem>>, vector<16xf32>,
      tpu.vector_store %arg18[%swap3A_981], %mul3A_980 {strides = array<i32>} : memref<1280xf32, #tpu.memory_space<vmem>>, vector<16xf32>,
      %get3A_983 = arith.index_cast %add3A_974 : i32 to index
      %get3A_984 = tpu.vector_load %arg22[%get3A_983] {strides = array<i32>} : memref<1280xi32, #tpu.memory_space<vmem>>, vector<16xi32>,
      %swap3A_985 = arith.index_cast %scan3A_939 : i32 to index
      %swap3A_986 = arith.constant 32 : index
      %swap3A_987 = tpu.vector_load %arg26[%swap3A_985, %swap3A_986] {strides = array<i32>} : memref<4x128xi32, #tpu.memory_space<vmem>>, vector<16xi32>,
      tpu.vector_store %arg26[%swap3A_985, %swap3A_986], %get3A_984 {strides = array<i32>} : memref<4x128xi32, #tpu.memory_space<vmem>>, vector<16xi32>,
      %mul3A_988 = arith.constant 128 : i32
      %mul3A_989 = arith.muli %scan3A_939, %mul3A_988 : i32
      %add3A_990 = arith.constant 48 : i32
      %add3A_991 = arith.addi %mul3A_989, %add3A_990 : i32
      %get3A_992 = arith.index_cast %add3A_991 : i32 to index
      %get3A_993 = tpu.vector_load %arg14[%get3A_992] {strides = array<i32>} : memref<1280xi32, #tpu.memory_space<vmem>>, vector<16xi32>,
      %gather3A_994 = tpu.vector_load_idx %arg13[%get3A_993] : memref<100352xf32, #tpu.memory_space<vmem>>[vector<16xi32>], vector<16xf32>,
      %get3A_995 = arith.index_cast %add3A_991 : i32 to index
      %get3A_996 = tpu.vector_load %arg18[%get3A_995] {strides = array<i32>} : memref<1280xf32, #tpu.memory_space<vmem>>, vector<16xf32>,
      %mul3A_997 = arith.mulf %gather3A_994, %get3A_996 : vector<16xf32>
      %swap3A_998 = arith.index_cast %add3A_991 : i32 to index
      %swap3A_999 = tpu.vector_load %arg18[%swap3A_998] {strides = array<i32>} : memref<1280xf32, #tpu.memory_space<vmem>>, vector<16xf32>,
      tpu.vector_store %arg18[%swap3A_998], %mul3A_997 {strides = array<i32>} : memref<1280xf32, #tpu.memory_space<vmem>>, vector<16xf32>,
      %get3A_1000 = arith.index_cast %add3A_991 : i32 to index
      %get3A_1001 = tpu.vector_load %arg22[%get3A_1000] {strides = array<i32>} : memref<1280xi32, #tpu.memory_space<vmem>>, vector<16xi32>,
      %swap3A_1002 = arith.index_cast %scan3A_939 : i32 to index
      %swap3A_1003 = arith.constant 48 : index
      %swap3A_1004 = tpu.vector_load %arg26[%swap3A_1002, %swap3A_1003] {strides = array<i32>} : memref<4x128xi32, #tpu.memory_space<vmem>>, vector<16xi32>,
      tpu.vector_store %arg26[%swap3A_1002, %swap3A_1003], %get3A_1001 {strides = array<i32>} : memref<4x128xi32, #tpu.memory_space<vmem>>, vector<16xi32>,
      %mul3A_1005 = arith.constant 128 : i32
      %mul3A_1006 = arith.muli %scan3A_939, %mul3A_1005 : i32
      %add3A_1007 = arith.constant 64 : i32
      %add3A_1008 = arith.addi %mul3A_1006, %add3A_1007 : i32
      %get3A_1009 = arith.index_cast %add3A_1008 : i32 to index
      %get3A_1010 = tpu.vector_load %arg14[%get3A_1009] {strides = array<i32>} : memref<1280xi32, #tpu.memory_space<vmem>>, vector<16xi32>,
      %gather3A_1011 = tpu.vector_load_idx %arg13[%get3A_1010] : memref<100352xf32, #tpu.memory_space<vmem>>[vector<16xi32>], vector<16xf32>,
      %get3A_1012 = arith.index_cast %add3A_1008 : i32 to index
      %get3A_1013 = tpu.vector_load %arg18[%get3A_1012] {strides = array<i32>} : memref<1280xf32, #tpu.memory_space<vmem>>, vector<16xf32>,
      %mul3A_1014 = arith.mulf %gather3A_1011, %get3A_1013 : vector<16xf32>
      %swap3A_1015 = arith.index_cast %add3A_1008 : i32 to index
      %swap3A_1016 = tpu.vector_load %arg18[%swap3A_1015] {strides = array<i32>} : memref<1280xf32, #tpu.memory_space<vmem>>, vector<16xf32>,
      tpu.vector_store %arg18[%swap3A_1015], %mul3A_1014 {strides = array<i32>} : memref<1280xf32, #tpu.memory_space<vmem>>, vector<16xf32>,
      %get3A_1017 = arith.index_cast %add3A_1008 : i32 to index
      %get3A_1018 = tpu.vector_load %arg22[%get3A_1017] {strides = array<i32>} : memref<1280xi32, #tpu.memory_space<vmem>>, vector<16xi32>,
      %swap3A_1019 = arith.index_cast %scan3A_939 : i32 to index
      %swap3A_1020 = arith.constant 64 : index
      %swap3A_1021 = tpu.vector_load %arg26[%swap3A_1019, %swap3A_1020] {strides = array<i32>} : memref<4x128xi32, #tpu.memory_space<vmem>>, vector<16xi32>,
      tpu.vector_store %arg26[%swap3A_1019, %swap3A_1020], %get3A_1018 {strides = array<i32>} : memref<4x128xi32, #tpu.memory_space<vmem>>, vector<16xi32>,
      %mul3A_1022 = arith.constant 128 : i32
      %mul3A_1023 = arith.muli %scan3A_939, %mul3A_1022 : i32
      %add3A_1024 = arith.constant 80 : i32
      %add3A_1025 = arith.addi %mul3A_1023, %add3A_1024 : i32
      %get3A_1026 = arith.index_cast %add3A_1025 : i32 to index
      %get3A_1027 = tpu.vector_load %arg14[%get3A_1026] {strides = array<i32>} : memref<1280xi32, #tpu.memory_space<vmem>>, vector<16xi32>,
      %gather3A_1028 = tpu.vector_load_idx %arg13[%get3A_1027] : memref<100352xf32, #tpu.memory_space<vmem>>[vector<16xi32>], vector<16xf32>,
      %get3A_1029 = arith.index_cast %add3A_1025 : i32 to index
      %get3A_1030 = tpu.vector_load %arg18[%get3A_1029] {strides = array<i32>} : memref<1280xf32, #tpu.memory_space<vmem>>, vector<16xf32>,
      %mul3A_1031 = arith.mulf %gather3A_1028, %get3A_1030 : vector<16xf32>
      %swap3A_1032 = arith.index_cast %add3A_1025 : i32 to index
      %swap3A_1033 = tpu.vector_load %arg18[%swap3A_1032] {strides = array<i32>} : memref<1280xf32, #tpu.memory_space<vmem>>, vector<16xf32>,
      tpu.vector_store %arg18[%swap3A_1032], %mul3A_1031 {strides = array<i32>} : memref<1280xf32, #tpu.memory_space<vmem>>, vector<16xf32>,
      %get3A_1034 = arith.index_cast %add3A_1025 : i32 to index
      %get3A_1035 = tpu.vector_load %arg22[%get3A_1034] {strides = array<i32>} : memref<1280xi32, #tpu.memory_space<vmem>>, vector<16xi32>,
      %swap3A_1036 = arith.index_cast %scan3A_939 : i32 to index
      %swap3A_1037 = arith.constant 80 : index
      %swap3A_1038 = tpu.vector_load %arg26[%swap3A_1036, %swap3A_1037] {strides = array<i32>} : memref<4x128xi32, #tpu.memory_space<vmem>>, vector<16xi32>,
      tpu.vector_store %arg26[%swap3A_1036, %swap3A_1037], %get3A_1035 {strides = array<i32>} : memref<4x128xi32, #tpu.memory_space<vmem>>, vector<16xi32>,
      %mul3A_1039 = arith.constant 128 : i32
      %mul3A_1040 = arith.muli %scan3A_939, %mul3A_1039 : i32
      %add3A_1041 = arith.constant 96 : i32
      %add3A_1042 = arith.addi %mul3A_1040, %add3A_1041 : i32
      %get3A_1043 = arith.index_cast %add3A_1042 : i32 to index
      %get3A_1044 = tpu.vector_load %arg14[%get3A_1043] {strides = array<i32>} : memref<1280xi32, #tpu.memory_space<vmem>>, vector<16xi32>,
      %gather3A_1045 = tpu.vector_load_idx %arg13[%get3A_1044] : memref<100352xf32, #tpu.memory_space<vmem>>[vector<16xi32>], vector<16xf32>,
      %get3A_1046 = arith.index_cast %add3A_1042 : i32 to index
      %get3A_1047 = tpu.vector_load %arg18[%get3A_1046] {strides = array<i32>} : memref<1280xf32, #tpu.memory_space<vmem>>, vector<16xf32>,
      %mul3A_1048 = arith.mulf %gather3A_1045, %get3A_1047 : vector<16xf32>
      %swap3A_1049 = arith.index_cast %add3A_1042 : i32 to index
      %swap3A_1050 = tpu.vector_load %arg18[%swap3A_1049] {strides = array<i32>} : memref<1280xf32, #tpu.memory_space<vmem>>, vector<16xf32>,
      tpu.vector_store %arg18[%swap3A_1049], %mul3A_1048 {strides = array<i32>} : memref<1280xf32, #tpu.memory_space<vmem>>, vector<16xf32>,
      %get3A_1051 = arith.index_cast %add3A_1042 : i32 to index
      %get3A_1052 = tpu.vector_load %arg22[%get3A_1051] {strides = array<i32>} : memref<1280xi32, #tpu.memory_space<vmem>>, vector<16xi32>,
      %swap3A_1053 = arith.index_cast %scan3A_939 : i32 to index
      %swap3A_1054 = arith.constant 96 : index
      %swap3A_1055 = tpu.vector_load %arg26[%swap3A_1053, %swap3A_1054] {strides = array<i32>} : memref<4x128xi32, #tpu.memory_space<vmem>>, vector<16xi32>,
      tpu.vector_store %arg26[%swap3A_1053, %swap3A_1054], %get3A_1052 {strides = array<i32>} : memref<4x128xi32, #tpu.memory_space<vmem>>, vector<16xi32>,
      %mul3A_1056 = arith.constant 128 : i32
      %mul3A_1057 = arith.muli %scan3A_939, %mul3A_1056 : i32
      %add3A_1058 = arith.constant 112 : i32
      %add3A_1059 = arith.addi %mul3A_1057, %add3A_1058 : i32
      %get3A_1060 = arith.index_cast %add3A_1059 : i32 to index
      %get3A_1061 = tpu.vector_load %arg14[%get3A_1060] {strides = array<i32>} : memref<1280xi32, #tpu.memory_space<vmem>>, vector<16xi32>,
      %gather3A_1062 = tpu.vector_load_idx %arg13[%get3A_1061] : memref<100352xf32, #tpu.memory_space<vmem>>[vector<16xi32>], vector<16xf32>,
      %get3A_1063 = arith.index_cast %add3A_1059 : i32 to index
      %get3A_1064 = tpu.vector_load %arg18[%get3A_1063] {strides = array<i32>} : memref<1280xf32, #tpu.memory_space<vmem>>, vector<16xf32>,
      %mul3A_1065 = arith.mulf %gather3A_1062, %get3A_1064 : vector<16xf32>
      %swap3A_1066 = arith.index_cast %add3A_1059 : i32 to index
      %swap3A_1067 = tpu.vector_load %arg18[%swap3A_1066] {strides = array<i32>} : memref<1280xf32, #tpu.memory_space<vmem>>, vector<16xf32>,
      tpu.vector_store %arg18[%swap3A_1066], %mul3A_1065 {strides = array<i32>} : memref<1280xf32, #tpu.memory_space<vmem>>, vector<16xf32>,
      %get3A_1068 = arith.index_cast %add3A_1059 : i32 to index
      %get3A_1069 = tpu.vector_load %arg22[%get3A_1068] {strides = array<i32>} : memref<1280xi32, #tpu.memory_space<vmem>>, vector<16xi32>,
      %swap3A_1070 = arith.index_cast %scan3A_939 : i32 to index
      %swap3A_1071 = arith.constant 112 : index
      %swap3A_1072 = tpu.vector_load %arg26[%swap3A_1070, %swap3A_1071] {strides = array<i32>} : memref<4x128xi32, #tpu.memory_space<vmem>>, vector<16xi32>,
      tpu.vector_store %arg26[%swap3A_1070, %swap3A_1071], %get3A_1069 {strides = array<i32>} : memref<4x128xi32, #tpu.memory_space<vmem>>, vector<16xi32>,
      %scan3A_1073 = arith.constant 0 : i32
      %scan3A_1074 = arith.constant 1 : i32
      %scan3A_1075 = arith.constant 0 : i32
      %scan3A_1076 = arith.constant 0 : i32
      %mul3A_1077 = arith.constant 128 : i32
      %mul3A_1078 = arith.muli %scan3A_1076, %mul3A_1077 : i32
      %dma_start3A_1079 = tpu.memref_slice %arg18[%mul3A_1078] : memref<1280xf32, #tpu.memory_space<vmem>> -> memref<128xf32, #tpu.memory_space<vmem>>
      %dma_start3A_1080 = arith.constant 0 : i32
      %dma_start3A_1081 = tpu.memref_slice %arg26[%scan3A_1076, %dma_start3A_1080] : memref<4x128xi32, #tpu.memory_space<vmem>> -> memref<1x128xi32, #tpu.memory_space<vmem>>
      %dma_start3A_1082 = tpu.memref_squeeze %dma_start3A_1081 : memref<1x128xi32, #tpu.memory_space<vmem>> -> memref<128xi32, #tpu.memory_space<vmem>>
      %dma_start3A_1083 = arith.constant 0 : i32
      %dma_start3A_1084 = tpu.memref_slice %arg28[%dma_start3A_1083] : memref<100352xf32, #tpu.memory_space<vmem_shared>> -> memref<100352xf32, #tpu.memory_space<vmem_shared>>
      tpu.enqueue_indirect_dma source(%dma_start3A_1079 : memref<128xf32, #tpu.memory_space<vmem>>) target(%dma_start3A_1084 : memref<100352xf32, #tpu.memory_space<vmem_shared>>) offsets(%dma_start3A_1082 : memref<128xi32, #tpu.memory_space<vmem>>) semaphore(%arg34 : memref<!tpu.dma_semaphore, #tpu.memory_space<semaphore_mem>>) {add = true}
      %dma_start3A_1085 = arith.constant 0 : i32
      %dma_start3A_1086 = tpu.memref_slice %arg27[%dma_start3A_1085] : memref<1280xf32, #tpu.memory_space<vmem>> -> memref<128xf32, #tpu.memory_space<vmem>>
      %dma_start3A_1087 = arith.constant 0 : i32
      %dma_start3A_1088 = tpu.memref_slice %arg26[%scan3A_1076, %dma_start3A_1087] : memref<4x128xi32, #tpu.memory_space<vmem>> -> memref<1x128xi32, #tpu.memory_space<vmem>>
      %dma_start3A_1089 = tpu.memref_squeeze %dma_start3A_1088 : memref<1x128xi32, #tpu.memory_space<vmem>> -> memref<128xi32, #tpu.memory_space<vmem>>
      %dma_start3A_1090 = arith.constant 0 : i32
      %dma_start3A_1091 = tpu.memref_slice %arg29[%dma_start3A_1090] : memref<100352xf32, #tpu.memory_space<vmem_shared>> -> memref<100352xf32, #tpu.memory_space<vmem_shared>>
      tpu.enqueue_indirect_dma source(%dma_start3A_1086 : memref<128xf32, #tpu.memory_space<vmem>>) target(%dma_start3A_1091 : memref<100352xf32, #tpu.memory_space<vmem_shared>>) offsets(%dma_start3A_1089 : memref<128xi32, #tpu.memory_space<vmem>>) semaphore(%arg34 : memref<!tpu.dma_semaphore, #tpu.memory_space<semaphore_mem>>) {add = true}
      %scan3A_1092 = arith.constant 0 : i32
      %scan3A_1093 = arith.constant 1 : i32
      %scan3A_1094 = arith.constant 0 : i32
      %scan3A_1095 = arith.constant 0 : i32
      %mul3A_1096 = arith.constant 128 : i32
      %mul3A_1097 = arith.muli %scan3A_1095, %mul3A_1096 : i32
      %dma_wait3A_1098 = tpu.memref_slice %arg18[%mul3A_1097] : memref<1280xf32, #tpu.memory_space<vmem>> -> memref<128xf32, #tpu.memory_space<vmem>>
      %dma_wait3A_1099 = arith.constant 0 : i32
      %dma_wait3A_1100 = tpu.memref_slice %arg26[%scan3A_1095, %dma_wait3A_1099] : memref<4x128xi32, #tpu.memory_space<vmem>> -> memref<1x128xi32, #tpu.memory_space<vmem>>
      %dma_wait3A_1101 = tpu.memref_squeeze %dma_wait3A_1100 : memref<1x128xi32, #tpu.memory_space<vmem>> -> memref<128xi32, #tpu.memory_space<vmem>>
      %dma_wait3A_1102 = arith.constant 0 : i32
      %dma_wait3A_1103 = tpu.memref_slice %arg28[%dma_wait3A_1102] : memref<100352xf32, #tpu.memory_space<vmem_shared>> -> memref<100352xf32, #tpu.memory_space<vmem_shared>>
      tpu.wait_indirect_dma semaphore(%arg34 : memref<!tpu.dma_semaphore, #tpu.memory_space<semaphore_mem>>) src(%dma_wait3A_1098 : memref<128xf32, #tpu.memory_space<vmem>>) dst(%dma_wait3A_1103 : memref<100352xf32, #tpu.memory_space<vmem_shared>>)
      %dma_wait3A_1104 = arith.constant 0 : i32
      %dma_wait3A_1105 = tpu.memref_slice %arg27[%dma_wait3A_1104] : memref<1280xf32, #tpu.memory_space<vmem>> -> memref<128xf32, #tpu.memory_space<vmem>>
      %dma_wait3A_1106 = arith.constant 0 : i32
      %dma_wait3A_1107 = tpu.memref_slice %arg26[%scan3A_1095, %dma_wait3A_1106] : memref<4x128xi32, #tpu.memory_space<vmem>> -> memref<1x128xi32, #tpu.memory_space<vmem>>
      %dma_wait3A_1108 = tpu.memref_squeeze %dma_wait3A_1107 : memref<1x128xi32, #tpu.memory_space<vmem>> -> memref<128xi32, #tpu.memory_space<vmem>>
      %dma_wait3A_1109 = arith.constant 0 : i32
      %dma_wait3A_1110 = tpu.memref_slice %arg29[%dma_wait3A_1109] : memref<100352xf32, #tpu.memory_space<vmem_shared>> -> memref<100352xf32, #tpu.memory_space<vmem_shared>>
      tpu.wait_indirect_dma semaphore(%arg34 : memref<!tpu.dma_semaphore, #tpu.memory_space<semaphore_mem>>) src(%dma_wait3A_1105 : memref<128xf32, #tpu.memory_space<vmem>>) dst(%dma_wait3A_1110 : memref<100352xf32, #tpu.memory_space<vmem_shared>>)
      %scan3A_1111 = arith.constant 0 : i32
      %scan3A_1112 = arith.constant 1 : i32
    } else {
    }
    %barrier3A_795 = arith.constant 0 : index
    tpu.barrier barrier_id(%barrier3A_795)
    %add3A_796 = arith.constant 0 : i32
    %add3A_797 = arith.addi %mul3A_2, %add3A_796 : i32
    %add3A_798 = arith.constant 0 : i32
    %add3A_799 = arith.addi %mul3A_2, %add3A_798 : i32
    %dma_start3A_800 = tpu.memref_slice %arg10[%arg0, %add3A_799] : memref<2x100352xf32, #tpu.memory_space<hbm>> -> memref<1x1280xf32, #tpu.memory_space<hbm>>
    %dma_start3A_801 = tpu.memref_squeeze %dma_start3A_800 : memref<1x1280xf32, #tpu.memory_space<hbm>> -> memref<1280xf32, #tpu.memory_space<hbm>>
    %dma_start3A_802 = tpu.memref_slice %arg28[%add3A_797] : memref<100352xf32, #tpu.memory_space<vmem_shared>> -> memref<1280xf32, #tpu.memory_space<vmem_shared>>
    tpu.enqueue_dma source(%dma_start3A_802 : memref<1280xf32, #tpu.memory_space<vmem_shared>>) target(%dma_start3A_801 : memref<1280xf32, #tpu.memory_space<hbm>>) target_semaphore(%arg34 : memref<!tpu.dma_semaphore, #tpu.memory_space<semaphore_mem>>)
    %add3A_803 = arith.constant 0 : i32
    %add3A_804 = arith.addi %mul3A_2, %add3A_803 : i32
    %add3A_805 = arith.constant 0 : i32
    %add3A_806 = arith.addi %mul3A_2, %add3A_805 : i32
    %dma_start3A_807 = tpu.memref_slice %arg11[%arg0, %add3A_806] : memref<2x100352xf32, #tpu.memory_space<hbm>> -> memref<1x1280xf32, #tpu.memory_space<hbm>>
    %dma_start3A_808 = tpu.memref_squeeze %dma_start3A_807 : memref<1x1280xf32, #tpu.memory_space<hbm>> -> memref<1280xf32, #tpu.memory_space<hbm>>
    %dma_start3A_809 = tpu.memref_slice %arg29[%add3A_804] : memref<100352xf32, #tpu.memory_space<vmem_shared>> -> memref<1280xf32, #tpu.memory_space<vmem_shared>>
    tpu.enqueue_dma source(%dma_start3A_809 : memref<1280xf32, #tpu.memory_space<vmem_shared>>) target(%dma_start3A_808 : memref<1280xf32, #tpu.memory_space<hbm>>) target_semaphore(%arg34 : memref<!tpu.dma_semaphore, #tpu.memory_space<semaphore_mem>>)
    %add3A_810 = arith.constant 1280 : i32
    %add3A_811 = arith.addi %mul3A_2, %add3A_810 : i32
    %add3A_812 = arith.constant 1280 : i32
    %add3A_813 = arith.addi %mul3A_2, %add3A_812 : i32
    %dma_start3A_814 = tpu.memref_slice %arg10[%arg0, %add3A_813] : memref<2x100352xf32, #tpu.memory_space<hbm>> -> memref<1x1280xf32, #tpu.memory_space<hbm>>
    %dma_start3A_815 = tpu.memref_squeeze %dma_start3A_814 : memref<1x1280xf32, #tpu.memory_space<hbm>> -> memref<1280xf32, #tpu.memory_space<hbm>>
    %dma_start3A_816 = tpu.memref_slice %arg28[%add3A_811] : memref<100352xf32, #tpu.memory_space<vmem_shared>> -> memref<1280xf32, #tpu.memory_space<vmem_shared>>
    tpu.enqueue_dma source(%dma_start3A_816 : memref<1280xf32, #tpu.memory_space<vmem_shared>>) target(%dma_start3A_815 : memref<1280xf32, #tpu.memory_space<hbm>>) target_semaphore(%arg34 : memref<!tpu.dma_semaphore, #tpu.memory_space<semaphore_mem>>)
    %add3A_817 = arith.constant 1280 : i32
    %add3A_818 = arith.addi %mul3A_2, %add3A_817 : i32
    %add3A_819 = arith.constant 1280 : i32
    %add3A_820 = arith.addi %mul3A_2, %add3A_819 : i32
    %dma_start3A_821 = tpu.memref_slice %arg11[%arg0, %add3A_820] : memref<2x100352xf32, #tpu.memory_space<hbm>> -> memref<1x1280xf32, #tpu.memory_space<hbm>>
    %dma_start3A_822 = tpu.memref_squeeze %dma_start3A_821 : memref<1x1280xf32, #tpu.memory_space<hbm>> -> memref<1280xf32, #tpu.memory_space<hbm>>
    %dma_start3A_823 = tpu.memref_slice %arg29[%add3A_818] : memref<100352xf32, #tpu.memory_space<vmem_shared>> -> memref<1280xf32, #tpu.memory_space<vmem_shared>>
    tpu.enqueue_dma source(%dma_start3A_823 : memref<1280xf32, #tpu.memory_space<vmem_shared>>) target(%dma_start3A_822 : memref<1280xf32, #tpu.memory_space<hbm>>) target_semaphore(%arg34 : memref<!tpu.dma_semaphore, #tpu.memory_space<semaphore_mem>>)
    %add3A_824 = arith.constant 2560 : i32
    %add3A_825 = arith.addi %mul3A_2, %add3A_824 : i32
    %add3A_826 = arith.constant 2560 : i32
    %add3A_827 = arith.addi %mul3A_2, %add3A_826 : i32
    %dma_start3A_828 = tpu.memref_slice %arg10[%arg0, %add3A_827] : memref<2x100352xf32, #tpu.memory_space<hbm>> -> memref<1x1280xf32, #tpu.memory_space<hbm>>
    %dma_start3A_829 = tpu.memref_squeeze %dma_start3A_828 : memref<1x1280xf32, #tpu.memory_space<hbm>> -> memref<1280xf32, #tpu.memory_space<hbm>>
    %dma_start3A_830 = tpu.memref_slice %arg28[%add3A_825] : memref<100352xf32, #tpu.memory_space<vmem_shared>> -> memref<1280xf32, #tpu.memory_space<vmem_shared>>
    tpu.enqueue_dma source(%dma_start3A_830 : memref<1280xf32, #tpu.memory_space<vmem_shared>>) target(%dma_start3A_829 : memref<1280xf32, #tpu.memory_space<hbm>>) target_semaphore(%arg34 : memref<!tpu.dma_semaphore, #tpu.memory_space<semaphore_mem>>)
    %add3A_831 = arith.constant 2560 : i32
    %add3A_832 = arith.addi %mul3A_2, %add3A_831 : i32
    %add3A_833 = arith.constant 2560 : i32
    %add3A_834 = arith.addi %mul3A_2, %add3A_833 : i32
    %dma_start3A_835 = tpu.memref_slice %arg11[%arg0, %add3A_834] : memref<2x100352xf32, #tpu.memory_space<hbm>> -> memref<1x1280xf32, #tpu.memory_space<hbm>>
    %dma_start3A_836 = tpu.memref_squeeze %dma_start3A_835 : memref<1x1280xf32, #tpu.memory_space<hbm>> -> memref<1280xf32, #tpu.memory_space<hbm>>
    %dma_start3A_837 = tpu.memref_slice %arg29[%add3A_832] : memref<100352xf32, #tpu.memory_space<vmem_shared>> -> memref<1280xf32, #tpu.memory_space<vmem_shared>>
    tpu.enqueue_dma source(%dma_start3A_837 : memref<1280xf32, #tpu.memory_space<vmem_shared>>) target(%dma_start3A_836 : memref<1280xf32, #tpu.memory_space<hbm>>) target_semaphore(%arg34 : memref<!tpu.dma_semaphore, #tpu.memory_space<semaphore_mem>>)
    %add3A_838 = arith.constant 3840 : i32
    %add3A_839 = arith.addi %mul3A_2, %add3A_838 : i32
    %add3A_840 = arith.constant 3840 : i32
    %add3A_841 = arith.addi %mul3A_2, %add3A_840 : i32
    %dma_start3A_842 = tpu.memref_slice %arg10[%arg0, %add3A_841] : memref<2x100352xf32, #tpu.memory_space<hbm>> -> memref<1x1280xf32, #tpu.memory_space<hbm>>
    %dma_start3A_843 = tpu.memref_squeeze %dma_start3A_842 : memref<1x1280xf32, #tpu.memory_space<hbm>> -> memref<1280xf32, #tpu.memory_space<hbm>>
    %dma_start3A_844 = tpu.memref_slice %arg28[%add3A_839] : memref<100352xf32, #tpu.memory_space<vmem_shared>> -> memref<1280xf32, #tpu.memory_space<vmem_shared>>
    tpu.enqueue_dma source(%dma_start3A_844 : memref<1280xf32, #tpu.memory_space<vmem_shared>>) target(%dma_start3A_843 : memref<1280xf32, #tpu.memory_space<hbm>>) target_semaphore(%arg34 : memref<!tpu.dma_semaphore, #tpu.memory_space<semaphore_mem>>)
    %add3A_845 = arith.constant 3840 : i32
    %add3A_846 = arith.addi %mul3A_2, %add3A_845 : i32
    %add3A_847 = arith.constant 3840 : i32
    %add3A_848 = arith.addi %mul3A_2, %add3A_847 : i32
    %dma_start3A_849 = tpu.memref_slice %arg11[%arg0, %add3A_848] : memref<2x100352xf32, #tpu.memory_space<hbm>> -> memref<1x1280xf32, #tpu.memory_space<hbm>>
    %dma_start3A_850 = tpu.memref_squeeze %dma_start3A_849 : memref<1x1280xf32, #tpu.memory_space<hbm>> -> memref<1280xf32, #tpu.memory_space<hbm>>
    %dma_start3A_851 = tpu.memref_slice %arg29[%add3A_846] : memref<100352xf32, #tpu.memory_space<vmem_shared>> -> memref<1280xf32, #tpu.memory_space<vmem_shared>>
    tpu.enqueue_dma source(%dma_start3A_851 : memref<1280xf32, #tpu.memory_space<vmem_shared>>) target(%dma_start3A_850 : memref<1280xf32, #tpu.memory_space<hbm>>) target_semaphore(%arg34 : memref<!tpu.dma_semaphore, #tpu.memory_space<semaphore_mem>>)
    %add3A_852 = arith.constant 5120 : i32
    %add3A_853 = arith.addi %mul3A_2, %add3A_852 : i32
    %add3A_854 = arith.constant 5120 : i32
    %add3A_855 = arith.addi %mul3A_2, %add3A_854 : i32
    %dma_start3A_856 = tpu.memref_slice %arg10[%arg0, %add3A_855] : memref<2x100352xf32, #tpu.memory_space<hbm>> -> memref<1x1152xf32, #tpu.memory_space<hbm>>
    %dma_start3A_857 = tpu.memref_squeeze %dma_start3A_856 : memref<1x1152xf32, #tpu.memory_space<hbm>> -> memref<1152xf32, #tpu.memory_space<hbm>>
    %dma_start3A_858 = tpu.memref_slice %arg28[%add3A_853] : memref<100352xf32, #tpu.memory_space<vmem_shared>> -> memref<1152xf32, #tpu.memory_space<vmem_shared>>
    tpu.enqueue_dma source(%dma_start3A_858 : memref<1152xf32, #tpu.memory_space<vmem_shared>>) target(%dma_start3A_857 : memref<1152xf32, #tpu.memory_space<hbm>>) target_semaphore(%arg34 : memref<!tpu.dma_semaphore, #tpu.memory_space<semaphore_mem>>)
    %add3A_859 = arith.constant 5120 : i32
    %add3A_860 = arith.addi %mul3A_2, %add3A_859 : i32
    %add3A_861 = arith.constant 5120 : i32
    %add3A_862 = arith.addi %mul3A_2, %add3A_861 : i32
    %dma_start3A_863 = tpu.memref_slice %arg11[%arg0, %add3A_862] : memref<2x100352xf32, #tpu.memory_space<hbm>> -> memref<1x1152xf32, #tpu.memory_space<hbm>>
    %dma_start3A_864 = tpu.memref_squeeze %dma_start3A_863 : memref<1x1152xf32, #tpu.memory_space<hbm>> -> memref<1152xf32, #tpu.memory_space<hbm>>
    %dma_start3A_865 = tpu.memref_slice %arg29[%add3A_860] : memref<100352xf32, #tpu.memory_space<vmem_shared>> -> memref<1152xf32, #tpu.memory_space<vmem_shared>>
    tpu.enqueue_dma source(%dma_start3A_865 : memref<1152xf32, #tpu.memory_space<vmem_shared>>) target(%dma_start3A_864 : memref<1152xf32, #tpu.memory_space<hbm>>) target_semaphore(%arg34 : memref<!tpu.dma_semaphore, #tpu.memory_space<semaphore_mem>>)
    %add3A_866 = arith.constant 0 : i32
    %add3A_867 = arith.addi %mul3A_2, %add3A_866 : i32
    %add3A_868 = arith.constant 0 : i32
    %add3A_869 = arith.addi %mul3A_2, %add3A_868 : i32
    %dma_wait3A_870 = tpu.memref_slice %arg10[%arg0, %add3A_869] : memref<2x100352xf32, #tpu.memory_space<hbm>> -> memref<1x1280xf32, #tpu.memory_space<hbm>>
    %dma_wait3A_871 = tpu.memref_squeeze %dma_wait3A_870 : memref<1x1280xf32, #tpu.memory_space<hbm>> -> memref<1280xf32, #tpu.memory_space<hbm>>
    %dma_wait3A_872 = tpu.memref_slice %arg28[%add3A_867] : memref<100352xf32, #tpu.memory_space<vmem_shared>> -> memref<1280xf32, #tpu.memory_space<vmem_shared>>
    tpu.wait_dma2 semaphore(%arg34 : memref<!tpu.dma_semaphore, #tpu.memory_space<semaphore_mem>>) src(%dma_wait3A_872 : memref<1280xf32, #tpu.memory_space<vmem_shared>>) dst(%dma_wait3A_871 : memref<1280xf32, #tpu.memory_space<hbm>>)
    %add3A_873 = arith.constant 0 : i32
    %add3A_874 = arith.addi %mul3A_2, %add3A_873 : i32
    %add3A_875 = arith.constant 0 : i32
    %add3A_876 = arith.addi %mul3A_2, %add3A_875 : i32
    %dma_wait3A_877 = tpu.memref_slice %arg11[%arg0, %add3A_876] : memref<2x100352xf32, #tpu.memory_space<hbm>> -> memref<1x1280xf32, #tpu.memory_space<hbm>>
    %dma_wait3A_878 = tpu.memref_squeeze %dma_wait3A_877 : memref<1x1280xf32, #tpu.memory_space<hbm>> -> memref<1280xf32, #tpu.memory_space<hbm>>
    %dma_wait3A_879 = tpu.memref_slice %arg29[%add3A_874] : memref<100352xf32, #tpu.memory_space<vmem_shared>> -> memref<1280xf32, #tpu.memory_space<vmem_shared>>
    tpu.wait_dma2 semaphore(%arg34 : memref<!tpu.dma_semaphore, #tpu.memory_space<semaphore_mem>>) src(%dma_wait3A_879 : memref<1280xf32, #tpu.memory_space<vmem_shared>>) dst(%dma_wait3A_878 : memref<1280xf32, #tpu.memory_space<hbm>>)
    %add3A_880 = arith.constant 1280 : i32
    %add3A_881 = arith.addi %mul3A_2, %add3A_880 : i32
    %add3A_882 = arith.constant 1280 : i32
    %add3A_883 = arith.addi %mul3A_2, %add3A_882 : i32
    %dma_wait3A_884 = tpu.memref_slice %arg10[%arg0, %add3A_883] : memref<2x100352xf32, #tpu.memory_space<hbm>> -> memref<1x1280xf32, #tpu.memory_space<hbm>>
    %dma_wait3A_885 = tpu.memref_squeeze %dma_wait3A_884 : memref<1x1280xf32, #tpu.memory_space<hbm>> -> memref<1280xf32, #tpu.memory_space<hbm>>
    %dma_wait3A_886 = tpu.memref_slice %arg28[%add3A_881] : memref<100352xf32, #tpu.memory_space<vmem_shared>> -> memref<1280xf32, #tpu.memory_space<vmem_shared>>
    tpu.wait_dma2 semaphore(%arg34 : memref<!tpu.dma_semaphore, #tpu.memory_space<semaphore_mem>>) src(%dma_wait3A_886 : memref<1280xf32, #tpu.memory_space<vmem_shared>>) dst(%dma_wait3A_885 : memref<1280xf32, #tpu.memory_space<hbm>>)
    %add3A_887 = arith.constant 1280 : i32
    %add3A_888 = arith.addi %mul3A_2, %add3A_887 : i32
    %add3A_889 = arith.constant 1280 : i32
    %add3A_890 = arith.addi %mul3A_2, %add3A_889 : i32
    %dma_wait3A_891 = tpu.memref_slice %arg11[%arg0, %add3A_890] : memref<2x100352xf32, #tpu.memory_space<hbm>> -> memref<1x1280xf32, #tpu.memory_space<hbm>>
    %dma_wait3A_892 = tpu.memref_squeeze %dma_wait3A_891 : memref<1x1280xf32, #tpu.memory_space<hbm>> -> memref<1280xf32, #tpu.memory_space<hbm>>
    %dma_wait3A_893 = tpu.memref_slice %arg29[%add3A_888] : memref<100352xf32, #tpu.memory_space<vmem_shared>> -> memref<1280xf32, #tpu.memory_space<vmem_shared>>
    tpu.wait_dma2 semaphore(%arg34 : memref<!tpu.dma_semaphore, #tpu.memory_space<semaphore_mem>>) src(%dma_wait3A_893 : memref<1280xf32, #tpu.memory_space<vmem_shared>>) dst(%dma_wait3A_892 : memref<1280xf32, #tpu.memory_space<hbm>>)
    %add3A_894 = arith.constant 2560 : i32
    %add3A_895 = arith.addi %mul3A_2, %add3A_894 : i32
    %add3A_896 = arith.constant 2560 : i32
    %add3A_897 = arith.addi %mul3A_2, %add3A_896 : i32
    %dma_wait3A_898 = tpu.memref_slice %arg10[%arg0, %add3A_897] : memref<2x100352xf32, #tpu.memory_space<hbm>> -> memref<1x1280xf32, #tpu.memory_space<hbm>>
    %dma_wait3A_899 = tpu.memref_squeeze %dma_wait3A_898 : memref<1x1280xf32, #tpu.memory_space<hbm>> -> memref<1280xf32, #tpu.memory_space<hbm>>
    %dma_wait3A_900 = tpu.memref_slice %arg28[%add3A_895] : memref<100352xf32, #tpu.memory_space<vmem_shared>> -> memref<1280xf32, #tpu.memory_space<vmem_shared>>
    tpu.wait_dma2 semaphore(%arg34 : memref<!tpu.dma_semaphore, #tpu.memory_space<semaphore_mem>>) src(%dma_wait3A_900 : memref<1280xf32, #tpu.memory_space<vmem_shared>>) dst(%dma_wait3A_899 : memref<1280xf32, #tpu.memory_space<hbm>>)
    %add3A_901 = arith.constant 2560 : i32
    %add3A_902 = arith.addi %mul3A_2, %add3A_901 : i32
    %add3A_903 = arith.constant 2560 : i32
    %add3A_904 = arith.addi %mul3A_2, %add3A_903 : i32
    %dma_wait3A_905 = tpu.memref_slice %arg11[%arg0, %add3A_904] : memref<2x100352xf32, #tpu.memory_space<hbm>> -> memref<1x1280xf32, #tpu.memory_space<hbm>>
    %dma_wait3A_906 = tpu.memref_squeeze %dma_wait3A_905 : memref<1x1280xf32, #tpu.memory_space<hbm>> -> memref<1280xf32, #tpu.memory_space<hbm>>
    %dma_wait3A_907 = tpu.memref_slice %arg29[%add3A_902] : memref<100352xf32, #tpu.memory_space<vmem_shared>> -> memref<1280xf32, #tpu.memory_space<vmem_shared>>
    tpu.wait_dma2 semaphore(%arg34 : memref<!tpu.dma_semaphore, #tpu.memory_space<semaphore_mem>>) src(%dma_wait3A_907 : memref<1280xf32, #tpu.memory_space<vmem_shared>>) dst(%dma_wait3A_906 : memref<1280xf32, #tpu.memory_space<hbm>>)
    %add3A_908 = arith.constant 3840 : i32
    %add3A_909 = arith.addi %mul3A_2, %add3A_908 : i32
    %add3A_910 = arith.constant 3840 : i32
    %add3A_911 = arith.addi %mul3A_2, %add3A_910 : i32
    %dma_wait3A_912 = tpu.memref_slice %arg10[%arg0, %add3A_911] : memref<2x100352xf32, #tpu.memory_space<hbm>> -> memref<1x1280xf32, #tpu.memory_space<hbm>>
    %dma_wait3A_913 = tpu.memref_squeeze %dma_wait3A_912 : memref<1x1280xf32, #tpu.memory_space<hbm>> -> memref<1280xf32, #tpu.memory_space<hbm>>
    %dma_wait3A_914 = tpu.memref_slice %arg28[%add3A_909] : memref<100352xf32, #tpu.memory_space<vmem_shared>> -> memref<1280xf32, #tpu.memory_space<vmem_shared>>
    tpu.wait_dma2 semaphore(%arg34 : memref<!tpu.dma_semaphore, #tpu.memory_space<semaphore_mem>>) src(%dma_wait3A_914 : memref<1280xf32, #tpu.memory_space<vmem_shared>>) dst(%dma_wait3A_913 : memref<1280xf32, #tpu.memory_space<hbm>>)
    %add3A_915 = arith.constant 3840 : i32
    %add3A_916 = arith.addi %mul3A_2, %add3A_915 : i32
    %add3A_917 = arith.constant 3840 : i32
    %add3A_918 = arith.addi %mul3A_2, %add3A_917 : i32
    %dma_wait3A_919 = tpu.memref_slice %arg11[%arg0, %add3A_918] : memref<2x100352xf32, #tpu.memory_space<hbm>> -> memref<1x1280xf32, #tpu.memory_space<hbm>>
    %dma_wait3A_920 = tpu.memref_squeeze %dma_wait3A_919 : memref<1x1280xf32, #tpu.memory_space<hbm>> -> memref<1280xf32, #tpu.memory_space<hbm>>
    %dma_wait3A_921 = tpu.memref_slice %arg29[%add3A_916] : memref<100352xf32, #tpu.memory_space<vmem_shared>> -> memref<1280xf32, #tpu.memory_space<vmem_shared>>
    tpu.wait_dma2 semaphore(%arg34 : memref<!tpu.dma_semaphore, #tpu.memory_space<semaphore_mem>>) src(%dma_wait3A_921 : memref<1280xf32, #tpu.memory_space<vmem_shared>>) dst(%dma_wait3A_920 : memref<1280xf32, #tpu.memory_space<hbm>>)
    %add3A_922 = arith.constant 5120 : i32
    %add3A_923 = arith.addi %mul3A_2, %add3A_922 : i32
    %add3A_924 = arith.constant 5120 : i32
    %add3A_925 = arith.addi %mul3A_2, %add3A_924 : i32
    %dma_wait3A_926 = tpu.memref_slice %arg10[%arg0, %add3A_925] : memref<2x100352xf32, #tpu.memory_space<hbm>> -> memref<1x1152xf32, #tpu.memory_space<hbm>>
    %dma_wait3A_927 = tpu.memref_squeeze %dma_wait3A_926 : memref<1x1152xf32, #tpu.memory_space<hbm>> -> memref<1152xf32, #tpu.memory_space<hbm>>
    %dma_wait3A_928 = tpu.memref_slice %arg28[%add3A_923] : memref<100352xf32, #tpu.memory_space<vmem_shared>> -> memref<1152xf32, #tpu.memory_space<vmem_shared>>
    tpu.wait_dma2 semaphore(%arg34 : memref<!tpu.dma_semaphore, #tpu.memory_space<semaphore_mem>>) src(%dma_wait3A_928 : memref<1152xf32, #tpu.memory_space<vmem_shared>>) dst(%dma_wait3A_927 : memref<1152xf32, #tpu.memory_space<hbm>>)
    %add3A_929 = arith.constant 5120 : i32
    %add3A_930 = arith.addi %mul3A_2, %add3A_929 : i32
    %add3A_931 = arith.constant 5120 : i32
    %add3A_932 = arith.addi %mul3A_2, %add3A_931 : i32
    %dma_wait3A_933 = tpu.memref_slice %arg11[%arg0, %add3A_932] : memref<2x100352xf32, #tpu.memory_space<hbm>> -> memref<1x1152xf32, #tpu.memory_space<hbm>>
    %dma_wait3A_934 = tpu.memref_squeeze %dma_wait3A_933 : memref<1x1152xf32, #tpu.memory_space<hbm>> -> memref<1152xf32, #tpu.memory_space<hbm>>
    %dma_wait3A_935 = tpu.memref_slice %arg29[%add3A_930] : memref<100352xf32, #tpu.memory_space<vmem_shared>> -> memref<1152xf32, #tpu.memory_space<vmem_shared>>
    tpu.wait_dma2 semaphore(%arg34 : memref<!tpu.dma_semaphore, #tpu.memory_space<semaphore_mem>>) src(%dma_wait3A_935 : memref<1152xf32, #tpu.memory_space<vmem_shared>>) dst(%dma_wait3A_934 : memref<1152xf32, #tpu.memory_space<hbm>>)
    return
  }
}

module attributes {stable_mosaic.version = 14 : i64} {
  func.func @_combine_body(%arg0: memref<2x784x128xf32, #tpu.memory_space<vmem>>, %arg1: memref<2x784x128xf32, #tpu.memory_space<vmem>>, %arg2: memref<784x128xf32, #tpu.memory_space<vmem>>) attributes {dimension_semantics = [], scalar_prefetch = 0 : i64, scratch_operands = 0 : i64, tpu.core_type = #tpu.core_type<tc>} {
    %get3A = arith.constant 0 : index
    %get3A_0 = arith.constant 0 : index
    %get3A_1 = arith.constant 0 : index
    %get3A_2 = vector.load %arg0[%get3A, %get3A_0, %get3A_1] : memref<2x784x128xf32, #tpu.memory_space<vmem>>, vector<1x784x128xf32>
    %get3A_3 = vector.shape_cast %get3A_2 : vector<1x784x128xf32> to vector<784x128xf32>
    %get3A_4 = arith.constant 1 : index
    %get3A_5 = arith.constant 0 : index
    %get3A_6 = arith.constant 0 : index
    %get3A_7 = vector.load %arg0[%get3A_4, %get3A_5, %get3A_6] : memref<2x784x128xf32, #tpu.memory_space<vmem>>, vector<1x784x128xf32>
    %get3A_8 = vector.shape_cast %get3A_7 : vector<1x784x128xf32> to vector<784x128xf32>
    %add3A = arith.addf %get3A_3, %get3A_8 : vector<784x128xf32>
    %get3A_9 = arith.constant 0 : index
    %get3A_10 = arith.constant 0 : index
    %get3A_11 = arith.constant 0 : index
    %get3A_12 = vector.load %arg1[%get3A_9, %get3A_10, %get3A_11] : memref<2x784x128xf32, #tpu.memory_space<vmem>>, vector<1x784x128xf32>
    %get3A_13 = vector.shape_cast %get3A_12 : vector<1x784x128xf32> to vector<784x128xf32>
    %get3A_14 = arith.constant 1 : index
    %get3A_15 = arith.constant 0 : index
    %get3A_16 = arith.constant 0 : index
    %get3A_17 = vector.load %arg1[%get3A_14, %get3A_15, %get3A_16] : memref<2x784x128xf32, #tpu.memory_space<vmem>>, vector<1x784x128xf32>
    %get3A_18 = vector.shape_cast %get3A_17 : vector<1x784x128xf32> to vector<784x128xf32>
    %add3A_19 = arith.addf %get3A_13, %get3A_18 : vector<784x128xf32>
    %max3A = arith.constant 1.000000e+00 : f32
    %max3A_20 = vector.broadcast %max3A : f32 to vector<784x128xf32>
    %max3A_21 = arith.maximumf %add3A_19, %max3A_20 : vector<784x128xf32>
    %div3A = arith.divf %add3A, %max3A_21 : vector<784x128xf32>
    %swap3A = arith.constant 0 : index
    %swap3A_22 = arith.constant 0 : index
    %swap3A_23 = vector.load %arg2[%swap3A, %swap3A_22] : memref<784x128xf32, #tpu.memory_space<vmem>>, vector<784x128xf32>
    tpu.vector_store %arg2[%swap3A, %swap3A_22], %div3A {strides = array<i32>} : memref<784x128xf32, #tpu.memory_space<vmem>>, vector<784x128xf32>,
    return
  }
}

</mosaic_0001>

<sc_bundles>
// kernel: kernel.4.cloned.1.call-start
scs
__scs_entry_jumppad:
0x0: {  	(pc) =	sbr.rel $0x88, $3  }
0x1: {  	(tag) =	ssettag $0x0;
	lr =	simm.s32 $0x1  }
0x2: {  	[smem:$0x3F9C] =	sst lr;
	_ =	strace $0xD0000000  }
0x3: {  	_ = 	snop  }
0x4: {  	_ = 	snop  }
0x5: {  	_ = 	snop  }
0x6: {  	_ = 	snop  }
0x7: {  	_ = 	snop  }
__scs_overlays_trampoline_lowered:
0x8: {  	[smem:$0x3FAB] =	sst s0  }
0x9: {  	[smem:$0x3FAC] =	sst s1  }
0xa: {  	[smem:$0x3FAD] =	sst s2  }
0xb: {  	[smem:$0x3FAE] =	sst s3  }
0xc: {  	[smem:$0x3FAF] =	sst s4  }
0xd: {  	[smem:$0x3FB0] =	sst s5  }
0xe: {  	[smem:$0x3FB1] =	sst s6  }
0xf: {  	[smem:$0x3FB2] =	sst s7  }
0x10: {  	[smem:$0x3FB3] =	sst s8  }
0x11: {  	[smem:$0x3FB4] =	sst s9;
	s0 =	simm.s32 @!p0 $0x0  }
0x12: {  	s1 =	sld [smem:$0x3F9A];
	s0 =	simm.s32 @p0 $0x1  }
0x13: {  	[smem:$0x3FB5] =	sst s0;
	s0 =	simm.s32 @!p1 $0x0  }
0x14: {  	s2 =	sld [smem:$0x3F99];
	s0 =	simm.s32 @p1 $0x1  }
0x15: {  	[smem:$0x3FB6] =	sst s0;
	s0 =	simm.s32 @!p2 $0x0  }
0x16: {  	s3 =	sld [smem:$0x3FDB];
	s0 =	simm.s32 @p2 $0x1  }
0x17: {  	s4 =	simm.s32 $0x1BF5;
	[smem:$0x3FB8] =	sst s0  }
0x18: {  	s0 =	sld [smem:$0x3F9B];
	_ =	swait.ge [sflag:s4], $0x0  }
0x19: {  	s7 =	sld [smem:$0x3F9C]  }
0x1a: {  	s8 =	sadd.s32 $0xFFFFE003, lr  }
0x1b: {  	s9 =	sadd.s32 $0xFFFFFEF7, lr;
	s5 =	simm.s32 $0xFFFFFFFF;
	p2 =	slt.u32 s8, $0xFFFFF086  }
0x1c: {  	p1 =	slt.u32 s9, $0xF7A;
	s5 =	simm.s32 @!p2 $0x0  }
0x1d: {  	s5 =	simm.s32 @p1 $0x1;
	p0 =	seq.s32 s7, s2  }
0x1e: {  	s7 =	smul.u32 @!p0 $0xF7A, s2;
	p2 =	seq.s32 @!p0 s5, $0x0  }
0x1f: {  	s9 =	smul.u32 $0xF7A, s1;
	s8 =	simm.s32 @!p0 $0x1BF5;
	p2 =	por !p2, p0  }
0x20: {  	[sflag:s8] =	ssyncset.s32 @!p0 $0xFFFFF086;
	s6 =	sadd.s32 @!p0 s3, s7;
	s7 =	simm.s32 @!p0 $0x108  }
0x21: {  	s3 =	sadd.s32 s3, s9;
	s6 =	sadd.s32 @!p0 $0x88, s6;
	s7 =	simm.s32 @p2 $0x1082  }
0x22: {  	[simem:s7], [sflag:s8] =	dma.local @!p0 [hbm:s6], $0xF7A  }
0x23: {  	s9 =	sor.u32 $0xD0000000, s2;
	s6 =	simm.s32 $0x108;
	_ =	swait.ge @!p0 [sflag:s8], $0x0  }
0x24: {  	s3 =	sadd.s32 $0x88, s3;
	s6 =	simm.s32 @!p1 $0x1082;
	[sflag:s4] =	ssyncset.s32 $0xFFFFF086  }
0x25: {  	[simem:s6], [sflag:s4] =	dma.local [hbm:s3], $0xF7A  }
0x26: {  	[smem:$0x3F9C] =	sst s1;
	(tag) =	ssettag s2;
	_ =	strace s9  }
0x27: {  	s1 =	sld [smem:$0x3FAC]  }
0x28: {  	s2 =	sld [smem:$0x3FAD]  }
0x29: {  	s4 =	sld [smem:$0x3FAF]  }
0x2a: {  	p0 =	seq.s32 s5, $0x0;
	s5 =	sld [smem:$0x3FB0]  }
0x2b: {  	s6 =	sld [smem:$0x3FB1]  }
0x2c: {  	s7 =	sld [smem:$0x3FB2]  }
0x2d: {  	s3 =	simm.s32 $0x108;
	s8 =	sld [smem:$0x3FB3]  }
0x2e: {  	s3 =	simm.s32 @!p0 $0x1082;
	s9 =	sld [smem:$0x3FB4]  }
0x2f: {  	lr =	sadd.s32 s0, s3;
	s0 =	sld [smem:$0x3FAB]  }
0x30: {  	s3 =	sld [smem:$0x3FAE]  }
0x31: {  	[smem:$0x3FB7] =	sst s10  }
0x32: {  	s10 =	sld [smem:$0x3FB5];
	_ =	sdelay $0x3  }
0x33: {  	p0 =	seq.s32 s10, $0x1;
	s10 =	sld [smem:$0x3FB7];
	_ =	sdelay $0x3  }
0x34: {  	[smem:$0x3FB7] =	sst s10  }
0x35: {  	s10 =	sld [smem:$0x3FB6];
	_ =	sdelay $0x3  }
0x36: {  	p1 =	seq.s32 s10, $0x1;
	s10 =	sld [smem:$0x3FB7];
	_ =	sdelay $0x3  }
0x37: {  	[smem:$0x3FB7] =	sst s10  }
0x38: {  	s10 =	sld [smem:$0x3FB8]  }
0x39: {  	_ = 	snop;
	(pc) =	sbr.ind lr, $3  }
0x3a: {  	_ = 	snop  }
0x3b: {  	_ = 	snop  }
0x3c: {  	p2 =	seq.s32 s10, $0x1;
	s10 =	sld [smem:$0x3FB7]  }
0x3d: {  	_ =	shalt  }
0x3e: {  	_ =	shalt  }
0x3f: {  	_ =	shalt  }
0x40: {  	_ =	shalt  }
0x41: {  	_ =	shalt  }
0x42: {  	_ =	shalt  }
0x43: {  	_ =	shalt  }
0x44: {  	_ =	shalt  }
0x45: {  	_ =	shalt  }
0x46: {  	_ =	shalt  }
0x47: {  	_ =	shalt  }
0x48: {  	_ =	shalt  }
0x49: {  	_ =	shalt  }
0x4a: {  	_ =	shalt  }
0x4b: {  	_ =	shalt  }
0x4c: {  	_ =	shalt  }
0x4d: {  	_ =	shalt  }
0x4e: {  	_ =	shalt  }
0x4f: {  	_ =	shalt  }
0x50: {  	_ =	shalt  }
0x51: {  	_ =	shalt  }
0x52: {  	_ =	shalt  }
0x53: {  	_ =	shalt  }
0x54: {  	_ =	shalt  }
0x55: {  	_ =	shalt  }
0x56: {  	_ =	shalt  }
0x57: {  	_ =	shalt  }
0x58: {  	_ =	shalt  }
0x59: {  	_ =	shalt  }
0x5a: {  	_ =	shalt  }
0x5b: {  	_ =	shalt  }
0x5c: {  	_ =	shalt  }
0x5d: {  	_ =	shalt  }
0x5e: {  	_ =	shalt  }
0x5f: {  	_ =	shalt  }
0x60: {  	_ =	shalt  }
0x61: {  	_ =	shalt  }
0x62: {  	_ =	shalt  }
0x63: {  	_ =	shalt  }
0x64: {  	_ =	shalt  }
0x65: {  	_ =	shalt  }
0x66: {  	_ =	shalt  }
0x67: {  	_ =	shalt  }
0x68: {  	_ =	shalt  }
0x69: {  	_ =	shalt  }
0x6a: {  	_ =	shalt  }
0x6b: {  	_ =	shalt  }
0x6c: {  	_ =	shalt  }
0x6d: {  	_ =	shalt  }
0x6e: {  	_ =	shalt  }
0x6f: {  	_ =	shalt  }
0x70: {  	_ =	shalt  }
0x71: {  	_ =	shalt  }
0x72: {  	_ =	shalt  }
0x73: {  	_ =	shalt  }
0x74: {  	_ =	shalt  }
0x75: {  	_ =	shalt  }
0x76: {  	_ =	shalt  }
0x77: {  	_ =	shalt  }
0x78: {  	_ =	shalt  }
0x79: {  	_ =	shalt  }
0x7a: {  	_ =	shalt  }
0x7b: {  	_ =	shalt  }
0x7c: {  	_ =	shalt  }
0x7d: {  	_ =	shalt  }
0x7e: {  	_ =	shalt  }
0x7f: {  	_ =	shalt  }
0x80: {  	_ =	shalt  }
0x81: {  	_ =	shalt  }
0x82: {  	_ =	shalt  }
0x83: {  	_ =	shalt  }
0x84: {  	_ =	shalt  }
0x85: {  	_ =	shalt  }
0x86: {  	_ =	shalt  }
0x87: {  	_ =	shalt  }
.Lfunc_end0:
.L_simem_size_0:
called_computation_lowered:
.L_overlay_start_0:
0x88: {  	s2 =	sld [smem:$0x3FD9]  }
0x89: {  	s3 =	sld [smem:$0x3FFE];
	_ =	sdelay $0x1  }
0x8a: {  	s1 =	srdreg.scid  }
0x8b: {  	s0 =	sand.u32 $0x1, s1  }
0x8c: {  	s14 =	sshll.u32 s0, $0xA;
	s2 =	sadd.s32 s3, s2  }
0x8d: {  	s2 =	sadd.s32 s2, s14  }
0x8e: {  	[smem:$0x3FC3] =	sst s2  }
0x8f: {  	_ = 	snop  }
0x90: {  	s2 =	sld [smem:$0x3FC9]  }
0x91: {  	s15 =	sld [smem:$0x3FC8]  }
0x92: {  	s4 =	sld [smem:$0x3FD0]  }
0x93: {  	s5 =	sld [smem:$0x3FC7]  }
0x94: {  	s6 =	sld [smem:$0x3FC6]  }
0x95: {  	s8 =	simm.s32 $0xA;
	s9 =	simm.s32 $0x10;
	s7 =	sld [smem:$0x3FC5]  }
0x96: {  	[smem:s9], [sflag:s8] =	dma.local [hbm:s4], $0x1  }
0x97: {  	_ =	swait.eq [sflag:s8], $0x1  }
0x98: {  	[sflag:s8] =	ssyncset.done $0x0  }
0x99: {  	s16 =	sld [smem:$0x10];
	[sflag:s8] =	ssyncadd.s32 $0xFFFFFFFF  }
0x9a: {  	s17 =	sld [smem:$0x11];
	(tm) =	ssettm $0x1  }
0x9b: {  	s18 =	sld [smem:$0x3FFB];
	_ =	sdelay $0x3  }
0x9c: {  	_ =	strace s18  }
0x9d: {  	s9 =	sld [smem:$0x3FFC];
	_ =	sdelay $0x3  }
0x9e: {  	_ =	strace s9  }
0x9f: {  	s9 =	sld [smem:$0x3FFD];
	_ =	sdelay $0x3  }
0xa0: {  	_ =	strace s9  }
0xa1: {  	_ =	strace $0x8FFFFFFF  }
0xa2: {  	s19 =	sld [smem:$0x3FDB];
	_ =	sdelay $0x1  }
0xa3: {  	s10 =	simm.s32 $_scs_section_size  }
0xa4: {  	s11 =	simm.s32 $_size__tile_overlayer_lowered;
	s12 =	simm.s32 $_tile_overlayer_lowered  }
0xa5: {  	s22 =	simm.s32 $0x1BFF;
	s21 =	sshll.u32 s12, $0x1;
	s9 =	sadd.s32 s10, s19  }
0xa6: {  	s13 =	simm.s32 $0x0;
	s20 =	sshll.u32 s11, $0x1;
	s11 =	sadd.s32 s21, s9  }
0xa7: {  	[timem:s13], [sflag:s22] =	dma.local [hbm:s11], s20  }
0xa8: {  	_ =	swait.ge [sflag:s22], s20  }
0xa9: {  	s10 =	ssub.s32 $0x0, s20;
	[sflag:s22] =	ssyncset.done $0x0  }
0xaa: {  	[sflag:s22] =	ssyncadd.s32 s10;
	_ =	sdelay $0x1  }
0xab: {  	s23 =	simm.s32 $0x1B8B  }
0xac: {  	_ =	swait.ge [sflag:s23], $0x1  }
0xad: {  	[sflag:s23] =	ssyncset.done $0x0  }
0xae: {  	s25 =	simm.s32 $0x1B8E;
	s24 =	sld [smem:$0x3FFE];
	[sflag:s23] =	ssyncadd.s32 $0xFFFFFFFF  }
0xaf: {  	s26 =	simm.s32 $execute0_lowered;
	[smem:$0x3FD2] =	sst s25  }
0xb0: {  	s11 =	sshll.u32 s26, $0x1;
	_ =	strace $0x80000046;
	[dreg:$0x1] =	wrdreg $0xFFFFFFFF  }
0xb1: {  	s28 =	simm.s32 $_size_execute0_lowered;
	s9 =	sadd.s32 s9, s11;
	[dreg:$0x0] =	wrdreg $0x0  }
0xb2: {  	s11 =	sshll.u32 s28, $0x1;
	[dreg:$0x2] =	wrdreg s9  }
0xb3: {  	[dreg:$0x3] =	wrdreg s11  }
0xb4: {  	[dreg:$0x4] =	wrdreg $0xC0  }
0xb5: {  	_ =	task [dreg:s13], $0x5FFFF  }
0xb6: {  	[dreg:$0x1] =	wrdreg $0xFFFFFFFF  }
0xb7: {  	[dreg:$0x0] =	wrdreg $0x60  }
0xb8: {  	[dreg:$0x2] =	wrdreg s2  }
0xb9: {  	[dreg:$0x3] =	wrdreg s15  }
0xba: {  	[dreg:$0x4] =	wrdreg s5  }
0xbb: {  	[dreg:$0x5] =	wrdreg s6  }
0xbc: {  	[dreg:$0x6] =	wrdreg s7  }
0xbd: {  	[dreg:$0x7] =	wrdreg s17  }
0xbe: {  	[dreg:$0x8] =	wrdreg s16  }
0xbf: {  	[dreg:$0x9] =	wrdreg s24  }
0xc0: {  	[dreg:$0xa] =	wrdreg $0x1CB000  }
0xc1: {  	[dreg:$0xb] =	wrdreg $0x1E3800  }
0xc2: {  	[dreg:$0xc] =	wrdreg $0x9  }
0xc3: {  	_ =	task.clear_ibuf [dreg:s13], $0xDFFFF;
	_ =	strace $0x90000046  }
0xc4: {  	s29 =	simm.s32 $0x9;
	_ =	strace $0x80000048  }
0xc5: {  	_ =	swait.ge [sflag:s29], $0x1  }
0xc6: {  	[sflag:s29] =	ssyncadd.s32 $0xFFFFFFFF  }
0xc7: {  	_ =	strace $0x90000048  }
0xc8: {  	_ =	sfence  }
0xc9: {  	s30 =	sld [smem:$0x0];
	_ =	sdelay $0x2  }
0xca: {  	s31 =	sshll.u32 s1, $0xD;
	s1 =	sshrl.u32 s1, $0x2  }
0xcb: {  	s3 =	sand.u32 $0x4000, s31;
	s1 =	sadd.s32 s1, s30  }
0xcc: {  	s0 =	sor.u32 s3, s0;
	s1 =	sshll.u32 s1, $0x11  }
0xcd: {  	s0 =	sor.u32 s1, s0  }
0xce: {  	s0 =	sadd.s32 $0x8F2B, s0  }
0xcf: {  	[sflag:s0] =	ssyncadd.remote.s32 $0x1  }
0xd0: {  	_ =	sfence.sel $0xFFFF  }
0xd1: {  	[dreg:$0x0] =	wrdreg $0xFFFFFFFF;
	(pc) =	sbr.abs _section_cstart, $3  }
0xd2: {  	[dreg:$0x1] =	wrdreg $0xFFFFFFFF  }
0xd3: {  	_ =	task.clear_ibuf [dreg:s13], $0x2FFFF;
	_ =	strace $0x9FFFFFFF  }
0xd4: {  	(tm) =	ssettm $0x7FFFFFFF  }
0xd5: {  	_ =	shalt  }
tec
execute0_lowered:
.L_overlay_start_1:
0x0: {  	(tag) =	ssettag $0x1  }
0x1: {  	s1 =	rddreg [dreg:$0x1]  }
0x2: {  	s4 =	rddreg [dreg:$0x4]  }
0x3: {  	s6 =	rddreg [dreg:$0x5]  }
0x4: {  	s0 =	srdreg.scid;
	s8 =	rddreg [dreg:$0x6]  }
0x5: {  	s19 =	stileid.u32;
	s2 =	rddreg [dreg:$0x7];
	s3 =	simm.s32 $0x0  }
0x6: {  	s5 =	sand.u32 $0x1, s0;
	[smem:$0x7FF] =	sst s3;
	s11 =	sadd.s32 $0x7000, s2  }
0x7: {  	s14 =	smul.u32 $0x1880, s19;
	s15 =	sadd.s32 $0xD200, s2;
	s13 =	sadd.s32 $0xE00, s2  }
0x8: {  	s16 =	smul.u32 $0x3100, s19;
	s7 =	sshll.u32 s5, $0x4;
	s12 =	ssub.s32 $0x2, s5  }
0x9: {  	s5 =	sshll.u32 s5, $0x7;
	s9 =	sor.u32 s19, s7;
	s22 =	sshrl.u32 s12, $0x1  }
0xa: {  	s17 =	sadd.s32 $0xA00, s14;
	s18 =	sadd.s32 $0xF00, s14;
	s20 =	sadd.s32 $0x1400, s14  }
0xb: {  	s19 =	sshll.u32 s19, $0x5;
	s16 =	sor.u32 s5, s16;
	s7 =	sadd.s32 s13, s7  }
0xc: {  	s10 =	sshll.u32 s9, $0x4;
	s28 =	sadd.s32 s4, s19;
	s4 =	sshrl.u32 s16, $0x3  }
0xd: {  	s24 =	sshll.u32 s17, $0x1;
	s21 =	sshll.u32 s18, $0x1;
	[dreg:$0x10] =	wrdreg s7  }
0xe: {  	s0 =	sadd.s32 s10, s2;
	s2 =	ssub.s32 s12, s22;
	s25 =	sadd.s32 s13, s4  }
0xf: {  	s12 =	sadd.s32 $0x500, s14;
	s6 =	sadd.s32 s6, s10;
	[dreg:$0xc] =	wrdreg s25  }
0x10: {  	s19 =	sor.u32 s5, s24;
	s26 =	sadd.s32 s8, s10;
	[dreg:$0xd] =	wrdreg s6  }
0x11: {  	s21 =	sor.u32 s5, s21;
	s24 =	sadd.s32 s11, s4;
	[dreg:$0xe] =	wrdreg s26  }
0x12: {  	s4 =	sadd.s32 s15, s4;
	s8 =	sshrl.u32 s19, $0x3;
	[dreg:$0x14] =	wrdreg s24  }
0x13: {  	s10 =	sshrl.u32 s21, $0x3;
	[dreg:$0x15] =	wrdreg s4;
	s19 =	sadd.s32 s13, s8  }
0x14: {  	s23 =	sshll.u32 s12, $0x1;
	s21 =	sadd.s32 s13, s10;
	[dreg:$0x11] =	wrdreg s19  }
0x15: {  	s22 =	sshll.u32 s20, $0x1;
	s16 =	sor.u32 s5, s23;
	[dreg:$0x12] =	wrdreg s21  }
0x16: {  	s5 =	sor.u32 s5, s22;
	s22 =	sshrl.u32 s16, $0x3;
	s16 =	rddreg [dreg:$0x3]  }
0x17: {  	s6 =	sadd.s32 s15, s8;
	s19 =	rddreg [dreg:$0x8]  }
0x18: {  	s7 =	sadd.s32 s11, s10;
	[dreg:$0x19] =	wrdreg s6  }
0x19: {  	s10 =	sadd.s32 s15, s10;
	[dreg:$0x1a] =	wrdreg s7  }
0x1a: {  	s5 =	sshrl.u32 s5, $0x3;
	[dreg:$0x1b] =	wrdreg s10  }
0x1b: {  	s29 =	sadd.s32 s13, s22;
	s23 =	sadd.s32 s13, s5;
	s13 =	rddreg [dreg:$0x2]  }
0x1c: {  	[dreg:$0xf] =	wrdreg s29  }
0x1d: {  	s25 =	sadd.s32 s11, s22;
	[dreg:$0x13] =	wrdreg s23  }
0x1e: {  	s26 =	sadd.s32 s15, s22;
	[dreg:$0x16] =	wrdreg s25  }
0x1f: {  	[dreg:$0x17] =	wrdreg s26  }
0x20: {  	s21 =	sadd.s32 s11, s5;
	s23 =	rddreg [dreg:$0x9]  }
0x21: {  	s22 =	sadd.s32 s15, s5;
	[dreg:$0x1c] =	wrdreg s21  }
0x22: {  	s29 =	sadd.s32 s11, s8;
	[dreg:$0x1d] =	wrdreg s22  }
0x23: {  	[dreg:$0x18] =	wrdreg s29;
	s24 =	sadd.s32 s14, s23  }
0x24: {  	s29 =	sadd.s32 s12, s23;
	_ =	strace $0x80000047;
	[dreg:$0x1f] =	wrdreg s24  }
0x25: {  	s6 =	sadd.s32 s17, s19;
	[smem:$0x7DE] =	sst s29  }
0x26: {  	s4 =	smul.u32 $0x31900, s9;
	s7 =	sadd.s32 s17, s23;
	[smem:$0x7DF] =	sst s6  }
0x27: {  	p0 =	sgt.u32 s9, $0x1D;
	s8 =	sadd.s32 s18, s19;
	[smem:$0x7E0] =	sst s7  }
0x28: {  	s5 =	sshrl.u32 s4, $0x3;
	s9 =	sadd.s32 s18, s23;
	[smem:$0x7E1] =	sst s8  }
0x29: {  	s10 =	sadd.s32 s20, s19;
	s25 =	sadd.s32 s14, s19;
	[smem:$0x7E2] =	sst s9  }
0x2a: {  	s11 =	sadd.s32 $0xA0, s5;
	s14 =	sadd.s32 s20, s23;
	[smem:$0x7E3] =	sst s10  }
0x2b: {  	s15 =	sadd.s32 s13, s11;
	[smem:$0x7E4] =	sst s14  }
0x2c: {  	s18 =	sadd.s32 s1, s11;
	[smem:$0x7E5] =	sst s15  }
0x2d: {  	s0 =	sadd.s32 $0xC00, s0;
	[smem:$0x7E6] =	sst s18  }
0x2e: {  	[smem:$0x7FA] =	sst s0  }
0x2f: {  	s26 =	sadd.s32 s12, s19;
	[dreg:$0xb] =	wrdreg s28  }
0x30: {  	s12 =	smov.u32 s26;
	[dreg:$0x1e] =	wrdreg s25  }
0x31: {  	s17 =	sadd.s32 $0x140, s5;
	s6 =	sadd.s32 s16, s11;
	[smem:$0x7FD] =	sst s12  }
0x32: {  	s30 =	simm.s32 $0x1B000;
	s20 =	sadd.s32 s13, s17;
	[smem:$0x7E7] =	sst s6  }
0x33: {  	s31 =	simm.s32 $0x0;
	s21 =	sadd.s32 s1, s17;
	[smem:$0x7E8] =	sst s20  }
0x34: {  	s22 =	sadd.s32 s16, s17;
	s24 =	sadd.s32 $0x1E0, s5;
	[smem:$0x7E9] =	sst s21  }
0x35: {  	s7 =	sadd.s32 $0x1400, s4;
	s8 =	sadd.s32 $0x1900, s4;
	[smem:$0x7EA] =	sst s22  }
0x36: {  	s9 =	sadd.s32 $0x62C0, s5;
	s10 =	sadd.s32 $0x1E00, s4;
	[smem:$0x7EE] =	sst s7  }
0x37: {  	s17 =	sadd.s32 s13, s5;
	s18 =	sadd.s32 s1, s5;
	[smem:$0x7EF] =	sst s8  }
0x38: {  	s0 =	simm.s32 $0x500;
	s26 =	sadd.s32 s13, s24;
	[smem:$0x7F0] =	sst s10  }
0x39: {  	s29 =	sadd.s32 s1, s24;
	s6 =	sadd.s32 s16, s24;
	[smem:$0x7F4] =	sst s17  }
0x3a: {  	s11 =	sadd.s32 s13, s9;
	s14 =	sadd.s32 s1, s9;
	[smem:$0x7F5] =	sst s18  }
0x3b: {  	s15 =	sadd.s32 s16, s9;
	s20 =	sadd.s32 s16, s5;
	[smem:$0x7EB] =	sst s26  }
0x3c: {  	s21 =	sadd.s32 $0x6300, s5;
	s24 =	smax.u32 s2, $0x1;
	[smem:$0x7EC] =	sst s29  }
0x3d: {  	s9 =	simm.s32 $0x5;
	s17 =	simm.s32 $0x19C00;
	[smem:$0x7ED] =	sst s6  }
0x3e: {  	s18 =	simm.s32 $0x1A100;
	s7 =	simm.s32 $0x1BA00;
	[smem:$0x7F1] =	sst s11  }
0x3f: {  	s2 =	simm.s32 $0x1;
	s8 =	simm.s32 $0x1BF00;
	[smem:$0x7F2] =	sst s14  }
0x40: {  	s10 =	simm.s32 $0x4;
	s26 =	sadd.s32 $0x2300, s4;
	[smem:$0x7F3] =	sst s15  }
0x41: {  	[smem:$0x7F6] =	sst s20;
	s5 =	sadd.s32 s13, s21;
	s22 =	sadd.s32 s1, s21  }
.Ltmp0:
0x42: {  	s4 =	sadd.s32 s16, s21;
	[smem:$0x7FB] =	sst s24;
	(pc) =	sbr.rel .LBB2_1-.Ltmp0, $4  }
0x43: {  	s29 =	sadd.s32 $0x10, s28;
	s28 =	simm.s32 $0x1A600;
	[smem:$0x7F7] =	sst s5  }
0x44: {  	s14 =	simm.s32 $0x1AB00;
	s15 =	simm.s32 $0x1C600;
	[smem:$0x7F8] =	sst s22  }
0x45: {  	s21 =	simm.s32 $0x2;
	s20 =	simm.s32 $0x1B500;
	[smem:$0x7F9] =	sst s4  }
0x46: {  	v0 =	vimm.f32 $1.000000000e+00;
	v1 =	vimm.f32 $0.0e+00;
	s11 =	simm.s32 $0x3;
	[smem:$0x7FC] =	sst s29;
	s22 =	simm.s32 $0x18800  }
.LBB2_31:
0x47: {  	[bflag:$0x0] =	sbarrier.arrive $0xFFFF  }
0x48: {  	s4 =	stileid.u32;
	s24 =	simm.s32 $0x20;
	s5 =	rddreg [dreg:$0x1e]  }
0x49: {  	s29 =	simm.s32 $0x10;
	s4 =	sshll.u32 s4, $0x6;
	s6 =	rddreg [dreg:$0x14]  }
0x4a: {  	s4 =	sor.u32 $0x1C05, s4;
	s25 =	smov.u32 s5;
	s5 =	sshrl.u32 s5, $0x3  }
0x4b: {  	[hbm:s6@s24], [sflag:s4] =	dma.strided [spmem:s5@s29], $0xA0, s2, $0x10   }
0x4c: {  	s5 =	rddreg [dreg:$0x1f]  }
0x4d: {  	s6 =	rddreg [dreg:$0x15];
	s5 =	sshrl.u32 s5, $0x3  }
0x4e: {  	[hbm:s6@s24], [sflag:s4] =	dma.strided [spmem:s5@s29], $0xA0, s2, $0x10   }
0x4f: {  	s12 =	sld [smem:$0x7FD];
	_ =	sdelay $0x2  }
0x50: {  	s6 =	rddreg [dreg:$0x16];
	s5 =	sshrl.u32 s12, $0x3  }
0x51: {  	[hbm:s6@s24], [sflag:s4] =	dma.strided [spmem:s5@s29], $0xA0, s2, $0x10   }
0x52: {  	s5 =	sld [smem:$0x7DE];
	_ =	sdelay $0x2  }
0x53: {  	s6 =	rddreg [dreg:$0x17];
	s5 =	sshrl.u32 s5, $0x3  }
0x54: {  	[hbm:s6@s24], [sflag:s4] =	dma.strided [spmem:s5@s29], $0xA0, s2, $0x10   }
0x55: {  	s5 =	sld [smem:$0x7DF];
	_ =	sdelay $0x2  }
0x56: {  	s6 =	rddreg [dreg:$0x18];
	s5 =	sshrl.u32 s5, $0x3  }
0x57: {  	[hbm:s6@s24], [sflag:s4] =	dma.strided [spmem:s5@s29], $0xA0, s2, $0x10   }
0x58: {  	s5 =	sld [smem:$0x7E0];
	_ =	sdelay $0x2  }
0x59: {  	s6 =	rddreg [dreg:$0x19];
	s5 =	sshrl.u32 s5, $0x3  }
0x5a: {  	[hbm:s6@s24], [sflag:s4] =	dma.strided [spmem:s5@s29], $0xA0, s2, $0x10   }
0x5b: {  	s5 =	sld [smem:$0x7E1];
	_ =	sdelay $0x2  }
0x5c: {  	s6 =	rddreg [dreg:$0x1a];
	s5 =	sshrl.u32 s5, $0x3  }
0x5d: {  	[hbm:s6@s24], [sflag:s4] =	dma.strided [spmem:s5@s29], $0xA0, s2, $0x10   }
0x5e: {  	s5 =	sld [smem:$0x7E2];
	_ =	sdelay $0x2  }
0x5f: {  	s6 =	rddreg [dreg:$0x1b];
	s5 =	sshrl.u32 s5, $0x3  }
0x60: {  	[hbm:s6@s24], [sflag:s4] =	dma.strided [spmem:s5@s29], $0xA0, s2, $0x10   }
0x61: {  	s5 =	sld [smem:$0x7E3];
	_ =	sdelay $0x2  }
0x62: {  	s6 =	rddreg [dreg:$0x1c];
	s5 =	sshrl.u32 s5, $0x3  }
0x63: {  	[hbm:s6@s24], [sflag:s4] =	dma.strided [spmem:s5@s29], $0x90, s2, $0x10   }
0x64: {  	s5 =	sld [smem:$0x7E4];
	_ =	sdelay $0x2  }
0x65: {  	s6 =	rddreg [dreg:$0x1d];
	s5 =	sshrl.u32 s5, $0x3  }
0x66: {  	[hbm:s6@s24], [sflag:s4] =	dma.strided [spmem:s5@s29], $0x90, s2, $0x10   }
0x67: {  	_ =	swait.ge [sflag:s9], $0xA0  }
0x68: {  	[sflag:s9] =	ssyncset.done $0x0  }
0x69: {  	[sflag:s9] =	ssyncadd.s32 $0xFFFFFF60  }
0x6a: {  	_ =	swait.ge [sflag:s9], $0xA0  }
0x6b: {  	[sflag:s9] =	ssyncset.done $0x0  }
0x6c: {  	[sflag:s9] =	ssyncadd.s32 $0xFFFFFF60  }
0x6d: {  	_ =	swait.ge [sflag:s9], $0xA0  }
0x6e: {  	[sflag:s9] =	ssyncset.done $0x0  }
0x6f: {  	[sflag:s9] =	ssyncadd.s32 $0xFFFFFF60  }
0x70: {  	_ =	swait.ge [sflag:s9], $0xA0  }
0x71: {  	[sflag:s9] =	ssyncset.done $0x0  }
0x72: {  	[sflag:s9] =	ssyncadd.s32 $0xFFFFFF60  }
0x73: {  	_ =	swait.ge [sflag:s9], $0xA0  }
0x74: {  	[sflag:s9] =	ssyncset.done $0x0  }
0x75: {  	[sflag:s9] =	ssyncadd.s32 $0xFFFFFF60  }
0x76: {  	_ =	swait.ge [sflag:s9], $0xA0  }
0x77: {  	[sflag:s9] =	ssyncset.done $0x0  }
0x78: {  	[sflag:s9] =	ssyncadd.s32 $0xFFFFFF60  }
0x79: {  	_ =	swait.ge [sflag:s9], $0xA0  }
0x7a: {  	[sflag:s9] =	ssyncset.done $0x0  }
0x7b: {  	[sflag:s9] =	ssyncadd.s32 $0xFFFFFF60  }
0x7c: {  	_ =	swait.ge [sflag:s9], $0xA0  }
0x7d: {  	[sflag:s9] =	ssyncset.done $0x0  }
0x7e: {  	[sflag:s9] =	ssyncadd.s32 $0xFFFFFF60  }
0x7f: {  	_ =	swait.ge [sflag:s9], $0x90  }
0x80: {  	[sflag:s9] =	ssyncset.done $0x0  }
0x81: {  	[sflag:s9] =	ssyncadd.s32 $0xFFFFFF70  }
0x82: {  	_ =	swait.ge [sflag:s9], $0x90  }
0x83: {  	s29 =	sld [smem:$0x7FB];
	_ =	sdelay $0x1  }
0x84: {  	s31 =	sadd.s32 $0x1, s31  }
0x85: {  	p1 =	sne.s32 s31, s29  }
.Ltmp1:
0x86: {  	_ = 	snop;
	(pc) =	sbr.rel @!p1 .LBB2_32-.Ltmp1, $3  }
0x87: {  	_ =	sdelay $0x1  }
0x88: {  	[sflag:s9] =	ssyncset.done $0x0  }
0x89: {  	[sflag:s9] =	ssyncadd.s32 $0xFFFFFF70  }
.LBB2_1:
0x8a: {  	[smem:$0x7DD] =	sst s31;
	s4 =	simm.s32 $0x0  }
.LBB2_2:
0x8b: {  	p1 =	sne.s32 s4, $0x13C0  }
.Ltmp2:
0x8c: {  	_ = 	snop;
	(pc) =	sbr.rel @p1 .LBB2_2-.Ltmp2, $3  }
0x8d: {  	_ =	sdelay $0x1  }
0x8e: {  	s5 =	sshra.s32 s4, $0x2  }
0x8f: {  	s4 =	sadd.s32 $0x40, s4;
	[tilespmem:s5+$0x1C600] =	vst v0  }
0x90: {  	s4 =	simm.s32 $0x40;
	s5 =	simm.s32 $0x0;
	s24 =	smov.u32 s25  }
.LBB2_4:
0x91: {  	p1 =	sne.s32 s4, $0x13C0;
	[tilespmem:s5+$0x1A600] =	vst v1;
	s5 =	smov.u32 s4;
	s4 =	sadd.s32 $0x40, s4  }
.Ltmp3:
0x92: {  	(pc) =	sbr.rel @p1 .LBB2_4-.Ltmp3, $2  }
0x93: {  	_ =	sdelay $0x2  }
0x94: {  	s5 =	sshra.s32 s5, $0x2  }
0x95: {  	[tilespmem:s5+$0x1A600] =	vst v1  }
0x96: {  	[spmem:s24] =	stream.linear.scatter [tilespmem:s28], [sflag:$0x5], $0x500, $0x38;
	[tilespmem:$0x1FC00] =	vst v63  }
0x97: {  	s4 =	sld [smem:$0x7DF]  }
0x98: {  	[spmem:s12] =	stream.linear.scatter [tilespmem:s28], [sflag:$0x5], $0x500, $0x38;
	[tilespmem:$0x1FC00] =	vst v63  }
0x99: {  	s31 =	sld [smem:$0x7E1]  }
0x9a: {  	[spmem:s4] =	stream.linear.scatter [tilespmem:s28], [sflag:$0x5], $0x500, $0x38;
	[tilespmem:$0x1FC00] =	vst v63  }
0x9b: {  	s5 =	sld [smem:$0x7E3]  }
0x9c: {  	[spmem:s31] =	stream.linear.scatter [tilespmem:s28], [sflag:$0x5], $0x500, $0x38;
	[tilespmem:$0x1FC00] =	vst v63  }
0x9d: {  	s25 =	rddreg [dreg:$0x1f]  }
0x9e: {  	[spmem:s5] =	stream.linear.scatter [tilespmem:s28], [sflag:$0x5], $0x480, $0x38;
	[tilespmem:$0x1FC00] =	vst v63  }
0x9f: {  	s6 =	sld [smem:$0x7DE]  }
0xa0: {  	[spmem:s25] =	stream.linear.scatter [tilespmem:s28], [sflag:$0x5], $0x500, $0x38;
	[tilespmem:$0x1FC00] =	vst v63  }
0xa1: {  	s31 =	sld [smem:$0x7E0]  }
0xa2: {  	[spmem:s6] =	stream.linear.scatter [tilespmem:s28], [sflag:$0x5], $0x500, $0x38;
	[tilespmem:$0x1FC00] =	vst v63  }
0xa3: {  	s5 =	sld [smem:$0x7E2]  }
0xa4: {  	[spmem:s31] =	stream.linear.scatter [tilespmem:s28], [sflag:$0x5], $0x500, $0x38;
	[tilespmem:$0x1FC00] =	vst v63  }
0xa5: {  	s6 =	sld [smem:$0x7E4]  }
0xa6: {  	[spmem:s5] =	stream.linear.scatter [tilespmem:s28], [sflag:$0x5], $0x500, $0x38;
	[tilespmem:$0x1FC00] =	vst v63  }
0xa7: {  	_ = 	snop  }
0xa8: {  	[spmem:s6] =	stream.linear.scatter [tilespmem:s28], [sflag:$0x5], $0x480, $0x38;
	[tilespmem:$0x1FC00] =	vst v63  }
0xa9: {  	_ =	swait.ge [sflag:s9], $0x500  }
0xaa: {  	[sflag:s9] =	ssyncset.done $0x0  }
0xab: {  	[sflag:s9] =	ssyncadd.s32 $0xFFFFFB00  }
0xac: {  	_ =	swait.ge [sflag:s9], $0x500  }
0xad: {  	[sflag:s9] =	ssyncset.done $0x0  }
0xae: {  	[sflag:s9] =	ssyncadd.s32 $0xFFFFFB00  }
0xaf: {  	_ =	swait.ge [sflag:s9], $0x500  }
0xb0: {  	[sflag:s9] =	ssyncset.done $0x0  }
0xb1: {  	[sflag:s9] =	ssyncadd.s32 $0xFFFFFB00  }
0xb2: {  	_ =	swait.ge [sflag:s9], $0x500  }
0xb3: {  	[sflag:s9] =	ssyncset.done $0x0  }
0xb4: {  	[sflag:s9] =	ssyncadd.s32 $0xFFFFFB00  }
0xb5: {  	_ =	swait.ge [sflag:s9], $0x480  }
0xb6: {  	[sflag:s9] =	ssyncset.done $0x0  }
0xb7: {  	[sflag:s9] =	ssyncadd.s32 $0xFFFFFB80  }
0xb8: {  	_ =	swait.ge [sflag:s9], $0x500  }
0xb9: {  	[sflag:s9] =	ssyncset.done $0x0  }
0xba: {  	[sflag:s9] =	ssyncadd.s32 $0xFFFFFB00  }
0xbb: {  	_ =	swait.ge [sflag:s9], $0x500  }
0xbc: {  	[sflag:s9] =	ssyncset.done $0x0  }
0xbd: {  	[sflag:s9] =	ssyncadd.s32 $0xFFFFFB00  }
0xbe: {  	_ =	swait.ge [sflag:s9], $0x500  }
0xbf: {  	[sflag:s9] =	ssyncset.done $0x0  }
0xc0: {  	[sflag:s9] =	ssyncadd.s32 $0xFFFFFB00  }
0xc1: {  	_ =	swait.ge [sflag:s9], $0x500  }
0xc2: {  	[sflag:s9] =	ssyncset.done $0x0  }
0xc3: {  	[sflag:s9] =	ssyncadd.s32 $0xFFFFFB00  }
0xc4: {  	_ =	swait.ge [sflag:s9], $0x480  }
0xc5: {  	[sflag:s9] =	ssyncset.done $0x0  }
0xc6: {  	[sflag:s9] =	ssyncadd.s32 $0xFFFFFB80  }
0xc7: {  	s29 =	simm.s32 $0x6;
	[bflag:$0x0] =	sbarrier.arrive $0xFFFF  }
0xc8: {  	s4 =	simm.s32 $0x0;
	s6 =	simm.s32 $0x1C400;
	s31 =	rddreg [dreg:$0xb]  }
0xc9: {  	[tilespmem:s6], [sflag:$0x6] =	stream.linear.gather [hbm4b:s31+s4], $0x80, $0x38;
	[tilespmem:$0x1FC00] =	vst v63  }
0xca: {  	_ =	swait.ge [sflag:s29], $0x80  }
0xcb: {  	s5 =	sld [smem:$0x7FC]  }
0xcc: {  	[sflag:s29] =	ssyncset.done $0x0  }
0xcd: {  	s31 =	simm.s32 $0x1C480;
	[sflag:s29] =	ssyncadd.s32 $0xFFFFFF80  }
0xce: {  	[tilespmem:s31], [sflag:$0x6] =	stream.linear.gather [hbm4b:s5+s4], $0x80, $0x38;
	[tilespmem:$0x1FC00] =	vst v63  }
0xcf: {  	_ =	swait.ge [sflag:s29], $0x80  }
0xd0: {  	[sflag:s29] =	ssyncset.done $0x0  }
0xd1: {  	[sflag:s29] =	ssyncadd.s32 $0xFFFFFF80  }
0xd2: {  	s29 =	simm.s32 $0x80;
	s4 =	rddreg [dreg:$0x0]  }
0xd3: {  	[tilespmem:s14], [sflag:$0x5] =	stream.indirect.gather [hbm4b:s4+s29], $0x1, s6, s29, $0xb8;
	[tilespmem:$0x1FC00] =	vst v63  }
0xd4: {  	s5 =	simm.s32 $0x1AB80  }
0xd5: {  	[tilespmem:s5], [sflag:$0x5] =	stream.indirect.gather [hbm4b:s4+s29], $0x1, s31, s29, $0xb8;
	[tilespmem:$0x1FC00] =	vst v63  }
0xd6: {  	_ =	swait.ge [sflag:s9], $0x80  }
0xd7: {  	[sflag:s9] =	ssyncset.done $0x0  }
0xd8: {  	[sflag:s9] =	ssyncadd.s32 $0xFFFFFF80  }
0xd9: {  	_ =	swait.ge [sflag:s9], $0x80  }
0xda: {  	[sflag:s9] =	ssyncset.done $0x0  }
0xdb: {  	[sflag:s9] =	ssyncadd.s32 $0xFFFFFF80  }
0xdc: {  	[spmem:s19] =	stream.indirect.scatter.add.f32 [tilespmem:s14], [sflag:$0x5], $0x1, s6, s29, $0xb8;
	[tilespmem:$0x1FC00] =	vst v63  }
0xdd: {  	_ = 	snop  }
0xde: {  	[spmem:s23] =	stream.indirect.scatter.add.f32 [tilespmem:s15], [sflag:$0x5], $0x1, s6, s29, $0xb8;
	[tilespmem:$0x1FC00] =	vst v63  }
0xdf: {  	_ = 	snop  }
0xe0: {  	[spmem:s19] =	stream.indirect.scatter.add.f32 [tilespmem:s5], [sflag:$0x5], $0x1, s31, s29, $0xb8;
	[tilespmem:$0x1FC00] =	vst v63  }
0xe1: {  	_ = 	snop  }
0xe2: {  	[spmem:s23] =	stream.indirect.scatter.add.f32 [tilespmem:s15], [sflag:$0x5], $0x1, s31, s29, $0xb8;
	[tilespmem:$0x1FC00] =	vst v63  }
0xe3: {  	_ =	swait.ge [sflag:s9], $0x80  }
0xe4: {  	[sflag:s9] =	ssyncset.done $0x0  }
0xe5: {  	[sflag:s9] =	ssyncadd.s32 $0xFFFFFF80  }
0xe6: {  	_ =	swait.ge [sflag:s9], $0x80  }
0xe7: {  	[sflag:s9] =	ssyncset.done $0x0  }
0xe8: {  	[sflag:s9] =	ssyncadd.s32 $0xFFFFFF80  }
0xe9: {  	_ =	swait.ge [sflag:s9], $0x80  }
0xea: {  	[sflag:s9] =	ssyncset.done $0x0  }
0xeb: {  	[sflag:s9] =	ssyncadd.s32 $0xFFFFFF80  }
0xec: {  	_ =	swait.ge [sflag:s9], $0x80  }
0xed: {  	[sflag:s9] =	ssyncset.done $0x0  }
0xee: {  	[sflag:s9] =	ssyncadd.s32 $0xFFFFFF80  }
0xef: {  	[bflag:$0x0] =	sbarrier.arrive $0xFFFF  }
0xf0: {  	[tilespmem:s17], [sflag:$0x5] =	stream.linear.gather [spmem:s25], $0x500, $0x38;
	[tilespmem:$0x1FC00] =	vst v63  }
0xf1: {  	_ = 	snop  }
0xf2: {  	[tilespmem:s18], [sflag:$0x5] =	stream.linear.gather [spmem:s24], $0x500, $0x38;
	[tilespmem:$0x1FC00] =	vst v63  }
0xf3: {  	_ =	swait.ge [sflag:s9], $0x500  }
0xf4: {  	[sflag:s9] =	ssyncset.done $0x0  }
0xf5: {  	[sflag:s9] =	ssyncadd.s32 $0xFFFFFB00  }
0xf6: {  	_ =	swait.ge [sflag:s9], $0x500  }
0xf7: {  	[sflag:s9] =	ssyncset.done $0x0  }
0xf8: {  	[sflag:s9] =	ssyncadd.s32 $0xFFFFFB00  }
0xf9: {  	[spmem:s24] =	stream.linear.scatter [tilespmem:s28], [sflag:$0x2], $0x500, $0x38;
	[tilespmem:$0x1FC00] =	vst v63  }
0xfa: {  	_ = 	snop  }
0xfb: {  	[spmem:s25] =	stream.linear.scatter [tilespmem:s28], [sflag:$0x2], $0x500, $0x38;
	[tilespmem:$0x1FC00] =	vst v63  }
0xfc: {  	s4 =	simm.s32 $0x0;
	s5 =	simm.s32 $0x40;
	s25 =	sld [smem:$0x7F0]  }
.LBB2_6:
0xfd: {  	p1 =	sne.s32 s5, $0x13C0;
	v2 =	vld [tilespmem:s4+$0x1A100]  }
0xfe: {  	v3 =	vld [tilespmem:s4+$0x19C00];
	_ =	sdelay $0x2  }
.Ltmp4:
0xff: {  	(pc) =	sbr.rel @p1 .LBB2_6-.Ltmp4, $4  }
0x100: {  	v2 =	vadd.f32 $1.000000000e+00, v2  }
0x101: {  	vm0 =	vgt.f32 v3, $0.0e+00  }
0x102: {  	v2 =	vnsel vm0, $0x0, v2  }
0x103: {  	[tilespmem:s4+$0x1A100] =	vst v2;
	s4 =	sshra.s32 s5, $0x2;
	s5 =	sadd.s32 $0x40, s5  }
0x104: {  	v2 =	vld [tilespmem:s4+$0x1A100]  }
0x105: {  	v3 =	vld [tilespmem:s4+$0x19C00];
	_ =	sdelay $0x3  }
0x106: {  	v2 =	vadd.f32 $1.000000000e+00, v2  }
0x107: {  	vm0 =	vgt.f32 v3, $0.0e+00  }
0x108: {  	v2 =	vnsel vm0, $0x0, v2  }
0x109: {  	s5 =	rddreg [dreg:$0xc];
	s31 =	simm.s32 $0x100;
	s6 =	simm.s32 $0x6;
	[tilespmem:s4+$0x1A100] =	vst v2  }
0x10a: {  	[hbm4b:s5+s29] =	stream.strided.scatter [tilespmem:s18], [sflag:$0x6], $0x500, s31, s29, $0x38;
	[tilespmem:$0x1FC00] =	vst v63  }
0x10b: {  	_ =	swait.ge [sflag:s6], $0x500  }
0x10c: {  	s24 =	sld [smem:$0x7DE]  }
0x10d: {  	[sflag:s6] =	ssyncset.done $0x0  }
0x10e: {  	[sflag:s6] =	ssyncadd.s32 $0xFFFFFB00  }
0x10f: {  	[tilespmem:s17], [sflag:$0x5] =	stream.linear.gather [spmem:s24], $0x500, $0x38;
	[tilespmem:$0x1FC00] =	vst v63  }
0x110: {  	_ = 	snop  }
0x111: {  	[tilespmem:s18], [sflag:$0x5] =	stream.linear.gather [spmem:s12], $0x500, $0x38;
	[tilespmem:$0x1FC00] =	vst v63  }
0x112: {  	_ =	swait.ge [sflag:s9], $0x500  }
0x113: {  	[sflag:s9] =	ssyncset.done $0x0  }
0x114: {  	[sflag:s9] =	ssyncadd.s32 $0xFFFFFB00  }
0x115: {  	_ =	swait.ge [sflag:s9], $0x500  }
0x116: {  	[sflag:s9] =	ssyncset.done $0x0  }
0x117: {  	[sflag:s9] =	ssyncadd.s32 $0xFFFFFB00  }
0x118: {  	[spmem:s12] =	stream.linear.scatter [tilespmem:s28], [sflag:$0x2], $0x500, $0x38;
	[tilespmem:$0x1FC00] =	vst v63  }
0x119: {  	s4 =	simm.s32 $0x0;
	s5 =	simm.s32 $0x40  }
0x11a: {  	[spmem:s24] =	stream.linear.scatter [tilespmem:s28], [sflag:$0x2], $0x500, $0x38;
	[tilespmem:$0x1FC00] =	vst v63  }
.LBB2_8:
0x11b: {  	p1 =	sne.s32 s5, $0x13C0;
	v2 =	vld [tilespmem:s4+$0x1A100]  }
0x11c: {  	v3 =	vld [tilespmem:s4+$0x19C00];
	_ =	sdelay $0x2  }
.Ltmp5:
0x11d: {  	(pc) =	sbr.rel @p1 .LBB2_8-.Ltmp5, $4  }
0x11e: {  	v2 =	vadd.f32 $1.000000000e+00, v2  }
0x11f: {  	vm0 =	vgt.f32 v3, $0.0e+00  }
0x120: {  	v2 =	vnsel vm0, $0x0, v2  }
0x121: {  	[tilespmem:s4+$0x1A100] =	vst v2;
	s4 =	sshra.s32 s5, $0x2;
	s5 =	sadd.s32 $0x40, s5  }
0x122: {  	v2 =	vld [tilespmem:s4+$0x1A100]  }
0x123: {  	v3 =	vld [tilespmem:s4+$0x19C00];
	_ =	sdelay $0x3  }
0x124: {  	v2 =	vadd.f32 $1.000000000e+00, v2  }
0x125: {  	vm0 =	vgt.f32 v3, $0.0e+00  }
0x126: {  	v2 =	vnsel vm0, $0x0, v2  }
0x127: {  	s6 =	rddreg [dreg:$0xf];
	s12 =	simm.s32 $0x6;
	[tilespmem:s4+$0x1A100] =	vst v2  }
0x128: {  	[hbm4b:s6+s29] =	stream.strided.scatter [tilespmem:s18], [sflag:$0x6], $0x500, s31, s29, $0x38;
	[tilespmem:$0x1FC00] =	vst v63  }
0x129: {  	_ =	swait.ge [sflag:s12], $0x500  }
0x12a: {  	s5 =	sld [smem:$0x7E0]  }
0x12b: {  	[sflag:s12] =	ssyncset.done $0x0  }
0x12c: {  	s24 =	sld [smem:$0x7DF];
	[sflag:s12] =	ssyncadd.s32 $0xFFFFFB00  }
0x12d: {  	[tilespmem:s17], [sflag:$0x5] =	stream.linear.gather [spmem:s5], $0x500, $0x38;
	[tilespmem:$0x1FC00] =	vst v63  }
0x12e: {  	_ = 	snop  }
0x12f: {  	[tilespmem:s18], [sflag:$0x5] =	stream.linear.gather [spmem:s24], $0x500, $0x38;
	[tilespmem:$0x1FC00] =	vst v63  }
0x130: {  	_ =	swait.ge [sflag:s9], $0x500  }
0x131: {  	[sflag:s9] =	ssyncset.done $0x0  }
0x132: {  	[sflag:s9] =	ssyncadd.s32 $0xFFFFFB00  }
0x133: {  	_ =	swait.ge [sflag:s9], $0x500  }
0x134: {  	[sflag:s9] =	ssyncset.done $0x0  }
0x135: {  	[sflag:s9] =	ssyncadd.s32 $0xFFFFFB00  }
0x136: {  	[spmem:s24] =	stream.linear.scatter [tilespmem:s28], [sflag:$0x2], $0x500, $0x38;
	[tilespmem:$0x1FC00] =	vst v63  }
0x137: {  	_ = 	snop  }
0x138: {  	[spmem:s5] =	stream.linear.scatter [tilespmem:s28], [sflag:$0x2], $0x500, $0x38;
	[tilespmem:$0x1FC00] =	vst v63  }
0x139: {  	s4 =	simm.s32 $0x0;
	s5 =	simm.s32 $0x40  }
.LBB2_10:
0x13a: {  	p1 =	sne.s32 s5, $0x13C0;
	v2 =	vld [tilespmem:s4+$0x1A100]  }
0x13b: {  	v3 =	vld [tilespmem:s4+$0x19C00];
	_ =	sdelay $0x2  }
.Ltmp6:
0x13c: {  	(pc) =	sbr.rel @p1 .LBB2_10-.Ltmp6, $4  }
0x13d: {  	v2 =	vadd.f32 $1.000000000e+00, v2  }
0x13e: {  	vm0 =	vgt.f32 v3, $0.0e+00  }
0x13f: {  	v2 =	vnsel vm0, $0x0, v2  }
0x140: {  	[tilespmem:s4+$0x1A100] =	vst v2;
	s4 =	sshra.s32 s5, $0x2;
	s5 =	sadd.s32 $0x40, s5  }
0x141: {  	v2 =	vld [tilespmem:s4+$0x1A100]  }
0x142: {  	v3 =	vld [tilespmem:s4+$0x19C00];
	_ =	sdelay $0x3  }
0x143: {  	v2 =	vadd.f32 $1.000000000e+00, v2  }
0x144: {  	vm0 =	vgt.f32 v3, $0.0e+00  }
0x145: {  	v2 =	vnsel vm0, $0x0, v2  }
0x146: {  	s6 =	rddreg [dreg:$0x11];
	s12 =	simm.s32 $0x6;
	[tilespmem:s4+$0x1A100] =	vst v2  }
0x147: {  	[hbm4b:s6+s29] =	stream.strided.scatter [tilespmem:s18], [sflag:$0x6], $0x500, s31, s29, $0x38;
	[tilespmem:$0x1FC00] =	vst v63  }
0x148: {  	_ =	swait.ge [sflag:s12], $0x500  }
0x149: {  	s5 =	sld [smem:$0x7E2]  }
0x14a: {  	[sflag:s12] =	ssyncset.done $0x0  }
0x14b: {  	s24 =	sld [smem:$0x7E1];
	[sflag:s12] =	ssyncadd.s32 $0xFFFFFB00  }
0x14c: {  	[tilespmem:s17], [sflag:$0x5] =	stream.linear.gather [spmem:s5], $0x500, $0x38;
	[tilespmem:$0x1FC00] =	vst v63  }
0x14d: {  	_ = 	snop  }
0x14e: {  	[tilespmem:s18], [sflag:$0x5] =	stream.linear.gather [spmem:s24], $0x500, $0x38;
	[tilespmem:$0x1FC00] =	vst v63  }
0x14f: {  	_ =	swait.ge [sflag:s9], $0x500  }
0x150: {  	[sflag:s9] =	ssyncset.done $0x0  }
0x151: {  	[sflag:s9] =	ssyncadd.s32 $0xFFFFFB00  }
0x152: {  	_ =	swait.ge [sflag:s9], $0x500  }
0x153: {  	[sflag:s9] =	ssyncset.done $0x0  }
0x154: {  	[sflag:s9] =	ssyncadd.s32 $0xFFFFFB00  }
0x155: {  	[spmem:s24] =	stream.linear.scatter [tilespmem:s28], [sflag:$0x2], $0x500, $0x38;
	[tilespmem:$0x1FC00] =	vst v63  }
0x156: {  	_ = 	snop  }
0x157: {  	[spmem:s5] =	stream.linear.scatter [tilespmem:s28], [sflag:$0x2], $0x500, $0x38;
	[tilespmem:$0x1FC00] =	vst v63  }
0x158: {  	s4 =	simm.s32 $0x0;
	s5 =	simm.s32 $0x40  }
.LBB2_12:
0x159: {  	p1 =	sne.s32 s5, $0x13C0;
	v2 =	vld [tilespmem:s4+$0x1A100]  }
0x15a: {  	v3 =	vld [tilespmem:s4+$0x19C00];
	_ =	sdelay $0x2  }
.Ltmp7:
0x15b: {  	(pc) =	sbr.rel @p1 .LBB2_12-.Ltmp7, $4  }
0x15c: {  	v2 =	vadd.f32 $1.000000000e+00, v2  }
0x15d: {  	vm0 =	vgt.f32 v3, $0.0e+00  }
0x15e: {  	v2 =	vnsel vm0, $0x0, v2  }
0x15f: {  	[tilespmem:s4+$0x1A100] =	vst v2;
	s4 =	sshra.s32 s5, $0x2;
	s5 =	sadd.s32 $0x40, s5  }
0x160: {  	v2 =	vld [tilespmem:s4+$0x1A100]  }
0x161: {  	v3 =	vld [tilespmem:s4+$0x19C00];
	_ =	sdelay $0x3  }
0x162: {  	v2 =	vadd.f32 $1.000000000e+00, v2  }
0x163: {  	vm0 =	vgt.f32 v3, $0.0e+00  }
0x164: {  	v2 =	vnsel vm0, $0x0, v2  }
0x165: {  	s6 =	rddreg [dreg:$0x12];
	s12 =	simm.s32 $0x6;
	[tilespmem:s4+$0x1A100] =	vst v2  }
0x166: {  	[hbm4b:s6+s29] =	stream.strided.scatter [tilespmem:s18], [sflag:$0x6], $0x500, s31, s29, $0x38;
	[tilespmem:$0x1FC00] =	vst v63  }
0x167: {  	_ =	swait.ge [sflag:s12], $0x500  }
0x168: {  	s5 =	sld [smem:$0x7E4]  }
0x169: {  	[sflag:s12] =	ssyncset.done $0x0  }
0x16a: {  	s24 =	sld [smem:$0x7E3];
	[sflag:s12] =	ssyncadd.s32 $0xFFFFFB00  }
0x16b: {  	[tilespmem:s17], [sflag:$0x5] =	stream.linear.gather [spmem:s5], $0x480, $0x38;
	[tilespmem:$0x1FC00] =	vst v63  }
0x16c: {  	_ = 	snop  }
0x16d: {  	[tilespmem:s18], [sflag:$0x5] =	stream.linear.gather [spmem:s24], $0x480, $0x38;
	[tilespmem:$0x1FC00] =	vst v63  }
0x16e: {  	_ =	swait.ge [sflag:s9], $0x480  }
0x16f: {  	[sflag:s9] =	ssyncset.done $0x0  }
0x170: {  	[sflag:s9] =	ssyncadd.s32 $0xFFFFFB80  }
0x171: {  	_ =	swait.ge [sflag:s9], $0x480  }
0x172: {  	[sflag:s9] =	ssyncset.done $0x0  }
0x173: {  	[sflag:s9] =	ssyncadd.s32 $0xFFFFFB80  }
0x174: {  	[spmem:s24] =	stream.linear.scatter [tilespmem:s28], [sflag:$0x2], $0x480, $0x38;
	[tilespmem:$0x1FC00] =	vst v63  }
0x175: {  	_ = 	snop  }
0x176: {  	[spmem:s5] =	stream.linear.scatter [tilespmem:s28], [sflag:$0x2], $0x480, $0x38;
	[tilespmem:$0x1FC00] =	vst v63  }
0x177: {  	s4 =	simm.s32 $0x0;
	s5 =	simm.s32 $0x40  }
.LBB2_14:
0x178: {  	p1 =	sne.s32 s5, $0x11C0;
	v2 =	vld [tilespmem:s4+$0x1A100]  }
0x179: {  	v3 =	vld [tilespmem:s4+$0x19C00];
	_ =	sdelay $0x2  }
.Ltmp8:
0x17a: {  	(pc) =	sbr.rel @p1 .LBB2_14-.Ltmp8, $4  }
0x17b: {  	v2 =	vadd.f32 $1.000000000e+00, v2  }
0x17c: {  	vm0 =	vgt.f32 v3, $0.0e+00  }
0x17d: {  	v2 =	vnsel vm0, $0x0, v2  }
0x17e: {  	[tilespmem:s4+$0x1A100] =	vst v2;
	s4 =	sshra.s32 s5, $0x2;
	s5 =	sadd.s32 $0x40, s5  }
0x17f: {  	v2 =	vld [tilespmem:s4+$0x1A100]  }
0x180: {  	v3 =	vld [tilespmem:s4+$0x19C00];
	_ =	sdelay $0x3  }
0x181: {  	v2 =	vadd.f32 $1.000000000e+00, v2  }
0x182: {  	vm0 =	vgt.f32 v3, $0.0e+00  }
0x183: {  	v2 =	vnsel vm0, $0x0, v2  }
0x184: {  	s24 =	rddreg [dreg:$0x13];
	s6 =	simm.s32 $0x6;
	[tilespmem:s4+$0x1A100] =	vst v2  }
0x185: {  	[hbm4b:s24+s29] =	stream.strided.scatter [tilespmem:s18], [sflag:$0x6], $0x480, s31, s29, $0x38;
	[tilespmem:$0x1FC00] =	vst v63  }
0x186: {  	_ =	swait.ge [sflag:s6], $0x480  }
0x187: {  	[sflag:s6] =	ssyncset.done $0x0  }
0x188: {  	[sflag:s6] =	ssyncadd.s32 $0xFFFFFB80  }
0x189: {  	_ =	swait.ge [sflag:s21], $0x500  }
0x18a: {  	[sflag:s21] =	ssyncset.done $0x0  }
0x18b: {  	[sflag:s21] =	ssyncadd.s32 $0xFFFFFB00  }
0x18c: {  	_ =	swait.ge [sflag:s21], $0x500  }
0x18d: {  	[sflag:s21] =	ssyncset.done $0x0  }
0x18e: {  	[sflag:s21] =	ssyncadd.s32 $0xFFFFFB00  }
0x18f: {  	_ =	swait.ge [sflag:s21], $0x500  }
0x190: {  	[sflag:s21] =	ssyncset.done $0x0  }
0x191: {  	[sflag:s21] =	ssyncadd.s32 $0xFFFFFB00  }
0x192: {  	_ =	swait.ge [sflag:s21], $0x500  }
0x193: {  	[sflag:s21] =	ssyncset.done $0x0  }
0x194: {  	[sflag:s21] =	ssyncadd.s32 $0xFFFFFB00  }
0x195: {  	_ =	swait.ge [sflag:s21], $0x480  }
0x196: {  	[sflag:s21] =	ssyncset.done $0x0  }
0x197: {  	[sflag:s21] =	ssyncadd.s32 $0xFFFFFB80  }
0x198: {  	_ =	swait.ge [sflag:s21], $0x500  }
0x199: {  	[sflag:s21] =	ssyncset.done $0x0  }
0x19a: {  	[sflag:s21] =	ssyncadd.s32 $0xFFFFFB00  }
0x19b: {  	_ =	swait.ge [sflag:s21], $0x500  }
0x19c: {  	[sflag:s21] =	ssyncset.done $0x0  }
0x19d: {  	[sflag:s21] =	ssyncadd.s32 $0xFFFFFB00  }
0x19e: {  	_ =	swait.ge [sflag:s21], $0x500  }
0x19f: {  	[sflag:s21] =	ssyncset.done $0x0  }
0x1a0: {  	[sflag:s21] =	ssyncadd.s32 $0xFFFFFB00  }
0x1a1: {  	_ =	swait.ge [sflag:s21], $0x500  }
0x1a2: {  	[sflag:s21] =	ssyncset.done $0x0  }
0x1a3: {  	[sflag:s21] =	ssyncadd.s32 $0xFFFFFB00  }
0x1a4: {  	_ =	swait.ge [sflag:s21], $0x480  }
0x1a5: {  	[sflag:s21] =	ssyncset.done $0x0  }
0x1a6: {  	[sflag:s21] =	ssyncadd.s32 $0xFFFFFB80  }
0x1a7: {  	[bflag:$0x0] =	sbarrier.arrive $0xFFFF  }
0x1a8: {  	s4 =	simm.s32 $0x0;
	s5 =	rddreg [dreg:$0x10]  }
0x1a9: {  	[tilespmem:s4], [sflag:$0x6] =	stream.strided.gather [hbm4b:s5+s29], $0x18800, s31, s29, $0x38;
	[tilespmem:$0x1FC00] =	vst v63  }
0x1aa: {  	_ =	swait.ge [sflag:s6], $0x18800  }
0x1ab: {  	s31 =	sld [smem:$0x7F4]  }
0x1ac: {  	[sflag:s6] =	ssyncset.done $0x0  }
0x1ad: {  	[sflag:s6] =	ssyncadd.s32 $0xFFFE7800;
	s6 =	sld [smem:$0x7F5]  }
0x1ae: {  	[tilespmem:s22], [sflag:$0x1] =	stream.linear.gather [hbm4b:s31+s4], $0x500, $0x38;
	[tilespmem:$0x1FC00] =	vst v63  }
0x1af: {  	s12 =	sld [smem:$0x7F6]  }
0x1b0: {  	[tilespmem:s17], [sflag:$0x1] =	stream.linear.gather [hbm4b:s6+s4], $0x500, $0x38;
	[tilespmem:$0x1FC00] =	vst v63  }
0x1b1: {  	s24 =	sld [smem:$0x7E5]  }
0x1b2: {  	[tilespmem:s30], [sflag:$0x1] =	stream.linear.gather [hbm4b:s12+s4], $0x500, $0x38;
	[tilespmem:$0x1FC00] =	vst v63  }
0x1b3: {  	s29 =	simm.s32 $0x18D00;
	s31 =	sld [smem:$0x7E6]  }
0x1b4: {  	[tilespmem:s29], [sflag:$0x2] =	stream.linear.gather [hbm4b:s24+s4], $0x500, $0x38;
	[tilespmem:$0x1FC00] =	vst v63  }
0x1b5: {  	s6 =	sld [smem:$0x7E7]  }
0x1b6: {  	[tilespmem:s18], [sflag:$0x2] =	stream.linear.gather [hbm4b:s31+s4], $0x500, $0x38;
	[tilespmem:$0x1FC00] =	vst v63  }
0x1b7: {  	s12 =	sld [smem:$0x7E8]  }
0x1b8: {  	[tilespmem:s20], [sflag:$0x2] =	stream.linear.gather [hbm4b:s6+s4], $0x500, $0x38;
	[tilespmem:$0x1FC00] =	vst v63  }
0x1b9: {  	s24 =	simm.s32 $0x19200;
	s29 =	sld [smem:$0x7E9]  }
0x1ba: {  	[tilespmem:s24], [sflag:$0x3] =	stream.linear.gather [hbm4b:s12+s4], $0x500, $0x38;
	[tilespmem:$0x1FC00] =	vst v63  }
0x1bb: {  	s31 =	sld [smem:$0x7EA]  }
0x1bc: {  	[tilespmem:s28], [sflag:$0x3] =	stream.linear.gather [hbm4b:s29+s4], $0x500, $0x38;
	[tilespmem:$0x1FC00] =	vst v63  }
0x1bd: {  	_ = 	snop  }
0x1be: {  	[tilespmem:s7], [sflag:$0x3] =	stream.linear.gather [hbm4b:s31+s4], $0x500, $0x38;
	[tilespmem:$0x1FC00] =	vst v63  }
0x1bf: {  	_ =	swait.ge [sflag:s2], $0x500  }
0x1c0: {  	[sflag:s2] =	ssyncset.done $0x0  }
0x1c1: {  	[sflag:s2] =	ssyncadd.s32 $0xFFFFFB00  }
0x1c2: {  	_ =	swait.ge [sflag:s2], $0x500  }
0x1c3: {  	[sflag:s2] =	ssyncset.done $0x0  }
0x1c4: {  	[sflag:s2] =	ssyncadd.s32 $0xFFFFFB00  }
0x1c5: {  	_ =	swait.ge [sflag:s2], $0x500  }
0x1c6: {  	[sflag:s2] =	ssyncset.done $0x0  }
0x1c7: {  	s6 =	simm.s32 $0x0;
	[sflag:s2] =	ssyncadd.s32 $0xFFFFFB00  }
0x1c8: {  	v2 =	vld [tilespmem:s6+$0x18800];
	_ =	sdelay $0x5  }
0x1c9: {  	v3 =	vld [tilespmem:s6+$0x18810]  }
0x1ca: {  	v4 =	vld [tilespmem:s6+$0x19C00]  }
0x1cb: {  	v2 =	vld.idx.msk [tilespmem:v2+s3+$0x0], $0xffff;
	_ =	sdelay $0x4  }
0x1cc: {  	v2 =	vmul.f32 v4, v2;
	_ =	sdelay $0x1  }
0x1cd: {  	v4 =	vld [tilespmem:s6+$0x18820];
	[tilespmem:s6+$0x19C00] =	vst v2  }
0x1ce: {  	v2 =	vld.idx.msk [tilespmem:v3+s3+$0x0], $0xffff  }
0x1cf: {  	v3 =	vld [tilespmem:s6+$0x19C10];
	_ =	sdelay $0x4  }
0x1d0: {  	v2 =	vmul.f32 v3, v2;
	_ =	sdelay $0x1  }
0x1d1: {  	v3 =	vld [tilespmem:s6+$0x18830];
	[tilespmem:s6+$0x19C10] =	vst v2  }
0x1d2: {  	v2 =	vld.idx.msk [tilespmem:v4+s3+$0x0], $0xffff  }
0x1d3: {  	v4 =	vld [tilespmem:s6+$0x19C20];
	_ =	sdelay $0x4  }
0x1d4: {  	v4 =	vmul.f32 v4, v2  }
0x1d5: {  	s12 =	simm.s32 $0x40  }
0x1d6: {  	v2 =	vld [tilespmem:s12+$0x18800];
	[tilespmem:s6+$0x19C20] =	vst v4  }
0x1d7: {  	s5 =	simm.s32 $0x200;
	v3 =	vld.idx.msk [tilespmem:v3+s3+$0x0], $0xffff  }
.LBB2_16:
0x1d8: {  	p1 =	sne.s32 s5, $0x1300;
	v4 =	vld [tilespmem:s6+$0x19C30];
	_ =	sdelay $0x4  }
0x1d9: {  	v3 =	vmul.f32 v4, v3;
	_ =	sdelay $0x1  }
0x1da: {  	v4 =	vld [tilespmem:s12+$0x18810];
	[tilespmem:s6+$0x19C30] =	vst v3;
	s6 =	smov.u32 s12  }
0x1db: {  	v2 =	vld.idx.msk [tilespmem:v2+s3+$0x0], $0xffff  }
0x1dc: {  	v3 =	vld [tilespmem:s6+$0x19C00];
	_ =	sdelay $0x4  }
0x1dd: {  	v2 =	vmul.f32 v3, v2;
	_ =	sdelay $0x1  }
0x1de: {  	[tilespmem:s6+$0x19C00] =	vst v2;
	v2 =	vld [tilespmem:s6+$0x18820]  }
0x1df: {  	v3 =	vld.idx.msk [tilespmem:v4+s3+$0x0], $0xffff  }
0x1e0: {  	v4 =	vld [tilespmem:s6+$0x19C10];
	_ =	sdelay $0x4  }
0x1e1: {  	v3 =	vmul.f32 v4, v3;
	_ =	sdelay $0x1  }
0x1e2: {  	[tilespmem:s6+$0x19C10] =	vst v3;
	v3 =	vld [tilespmem:s6+$0x18830]  }
0x1e3: {  	v2 =	vld.idx.msk [tilespmem:v2+s3+$0x0], $0xffff  }
0x1e4: {  	v4 =	vld [tilespmem:s6+$0x19C20];
	_ =	sdelay $0x3  }
.Ltmp9:
0x1e5: {  	(pc) =	sbr.rel @p1 .LBB2_16-.Ltmp9, $4  }
0x1e6: {  	v4 =	vmul.f32 v4, v2  }
0x1e7: {  	s12 =	sshra.s32 s5, $0x2  }
0x1e8: {  	v2 =	vld [tilespmem:s12+$0x18800];
	[tilespmem:s6+$0x19C20] =	vst v4  }
0x1e9: {  	s5 =	sadd.s32 $0x100, s5;
	v3 =	vld.idx.msk [tilespmem:v3+s3+$0x0], $0xffff  }
0x1ea: {  	v4 =	vld [tilespmem:s6+$0x19C30];
	_ =	sdelay $0x4  }
0x1eb: {  	v3 =	vmul.f32 v4, v3;
	_ =	sdelay $0x1  }
0x1ec: {  	v4 =	vld [tilespmem:s12+$0x18810];
	[tilespmem:s6+$0x19C30] =	vst v3  }
0x1ed: {  	v2 =	vld.idx.msk [tilespmem:v2+s3+$0x0], $0xffff  }
0x1ee: {  	v3 =	vld [tilespmem:s12+$0x19C00];
	_ =	sdelay $0x4  }
0x1ef: {  	v2 =	vmul.f32 v3, v2;
	_ =	sdelay $0x1  }
0x1f0: {  	v3 =	vld [tilespmem:s12+$0x19C10];
	[tilespmem:s12+$0x19C00] =	vst v2  }
0x1f1: {  	v2 =	vld.idx.msk [tilespmem:v4+s3+$0x0], $0xffff  }
0x1f2: {  	v4 =	vld [tilespmem:s12+$0x18820];
	_ =	sdelay $0x4  }
0x1f3: {  	v2 =	vmul.f32 v3, v2;
	_ =	sdelay $0x1  }
0x1f4: {  	[tilespmem:s12+$0x19C10] =	vst v2;
	v2 =	vld [tilespmem:s12+$0x18830]  }
0x1f5: {  	v3 =	vld.idx.msk [tilespmem:v4+s3+$0x0], $0xffff  }
0x1f6: {  	v4 =	vld [tilespmem:s12+$0x19C20];
	_ =	sdelay $0x4  }
0x1f7: {  	v3 =	vmul.f32 v4, v3;
	_ =	sdelay $0x1  }
0x1f8: {  	[tilespmem:s12+$0x19C20] =	vst v3;
	v3 =	vld [tilespmem:s12+$0x19C30]  }
0x1f9: {  	v2 =	vld.idx.msk [tilespmem:v2+s3+$0x0], $0xffff;
	_ =	sdelay $0x4  }
0x1fa: {  	v2 =	vmul.f32 v3, v2;
	_ =	sdelay $0x1  }
0x1fb: {  	[tilespmem:s12+$0x19C30] =	vst v2  }
0x1fc: {  	[spmem:s19] =	stream.indirect.scatter.add.f32 [tilespmem:s17], [sflag:$0x1], $0x1, s30, s0, $0xb8;
	[tilespmem:$0x1FC00] =	vst v63  }
0x1fd: {  	s5 =	sld [smem:$0x7EB]  }
0x1fe: {  	[spmem:s23] =	stream.indirect.scatter.add.f32 [tilespmem:s15], [sflag:$0x1], $0x1, s30, s0, $0xb8;
	[tilespmem:$0x1FC00] =	vst v63  }
0x1ff: {  	s4 =	simm.s32 $0x0;
	s24 =	simm.s32 $0x19700;
	s29 =	sld [smem:$0x7EC]  }
0x200: {  	[tilespmem:s24], [sflag:$0x4] =	stream.linear.gather [hbm4b:s5+s4], $0x500, $0x38;
	[tilespmem:$0x1FC00] =	vst v63  }
0x201: {  	s31 =	sld [smem:$0x7ED]  }
0x202: {  	[tilespmem:s14], [sflag:$0x4] =	stream.linear.gather [hbm4b:s29+s4], $0x500, $0x38;
	[tilespmem:$0x1FC00] =	vst v63  }
0x203: {  	_ = 	snop  }
0x204: {  	[tilespmem:s8], [sflag:$0x4] =	stream.linear.gather [hbm4b:s31+s4], $0x500, $0x38;
	[tilespmem:$0x1FC00] =	vst v63  }
0x205: {  	_ =	swait.ge [sflag:s21], $0x500  }
0x206: {  	[sflag:s21] =	ssyncset.done $0x0  }
0x207: {  	[sflag:s21] =	ssyncadd.s32 $0xFFFFFB00  }
0x208: {  	_ =	swait.ge [sflag:s21], $0x500  }
0x209: {  	[sflag:s21] =	ssyncset.done $0x0  }
0x20a: {  	[sflag:s21] =	ssyncadd.s32 $0xFFFFFB00  }
0x20b: {  	_ =	swait.ge [sflag:s21], $0x500  }
0x20c: {  	[sflag:s21] =	ssyncset.done $0x0  }
0x20d: {  	s6 =	simm.s32 $0x0;
	[sflag:s21] =	ssyncadd.s32 $0xFFFFFB00  }
0x20e: {  	v2 =	vld [tilespmem:s6+$0x18D00];
	_ =	sdelay $0x5  }
0x20f: {  	v3 =	vld [tilespmem:s6+$0x18D10]  }
0x210: {  	v4 =	vld [tilespmem:s6+$0x1A100]  }
0x211: {  	v2 =	vld.idx.msk [tilespmem:v2+s3+$0x0], $0xffff;
	_ =	sdelay $0x4  }
0x212: {  	v2 =	vmul.f32 v4, v2;
	_ =	sdelay $0x1  }
0x213: {  	v4 =	vld [tilespmem:s6+$0x18D20];
	[tilespmem:s6+$0x1A100] =	vst v2  }
0x214: {  	v2 =	vld.idx.msk [tilespmem:v3+s3+$0x0], $0xffff  }
0x215: {  	v3 =	vld [tilespmem:s6+$0x1A110];
	_ =	sdelay $0x4  }
0x216: {  	v2 =	vmul.f32 v3, v2;
	_ =	sdelay $0x1  }
0x217: {  	v3 =	vld [tilespmem:s6+$0x18D30];
	[tilespmem:s6+$0x1A110] =	vst v2  }
0x218: {  	v2 =	vld.idx.msk [tilespmem:v4+s3+$0x0], $0xffff  }
0x219: {  	v4 =	vld [tilespmem:s6+$0x1A120];
	_ =	sdelay $0x4  }
0x21a: {  	v4 =	vmul.f32 v4, v2  }
0x21b: {  	s12 =	simm.s32 $0x40  }
0x21c: {  	v2 =	vld [tilespmem:s12+$0x18D00];
	[tilespmem:s6+$0x1A120] =	vst v4  }
0x21d: {  	s5 =	simm.s32 $0x200;
	v3 =	vld.idx.msk [tilespmem:v3+s3+$0x0], $0xffff  }
.LBB2_18:
0x21e: {  	p1 =	sne.s32 s5, $0x1300;
	v4 =	vld [tilespmem:s6+$0x1A130];
	_ =	sdelay $0x4  }
0x21f: {  	v3 =	vmul.f32 v4, v3;
	_ =	sdelay $0x1  }
0x220: {  	v4 =	vld [tilespmem:s12+$0x18D10];
	[tilespmem:s6+$0x1A130] =	vst v3;
	s6 =	smov.u32 s12  }
0x221: {  	v2 =	vld.idx.msk [tilespmem:v2+s3+$0x0], $0xffff  }
0x222: {  	v3 =	vld [tilespmem:s6+$0x1A100];
	_ =	sdelay $0x4  }
0x223: {  	v2 =	vmul.f32 v3, v2;
	_ =	sdelay $0x1  }
0x224: {  	[tilespmem:s6+$0x1A100] =	vst v2;
	v2 =	vld [tilespmem:s6+$0x18D20]  }
0x225: {  	v3 =	vld.idx.msk [tilespmem:v4+s3+$0x0], $0xffff  }
0x226: {  	v4 =	vld [tilespmem:s6+$0x1A110];
	_ =	sdelay $0x4  }
0x227: {  	v3 =	vmul.f32 v4, v3;
	_ =	sdelay $0x1  }
0x228: {  	[tilespmem:s6+$0x1A110] =	vst v3;
	v3 =	vld [tilespmem:s6+$0x18D30]  }
0x229: {  	v2 =	vld.idx.msk [tilespmem:v2+s3+$0x0], $0xffff  }
0x22a: {  	v4 =	vld [tilespmem:s6+$0x1A120];
	_ =	sdelay $0x3  }
.Ltmp10:
0x22b: {  	(pc) =	sbr.rel @p1 .LBB2_18-.Ltmp10, $4  }
0x22c: {  	v4 =	vmul.f32 v4, v2  }
0x22d: {  	s12 =	sshra.s32 s5, $0x2  }
0x22e: {  	v2 =	vld [tilespmem:s12+$0x18D00];
	[tilespmem:s6+$0x1A120] =	vst v4  }
0x22f: {  	s5 =	sadd.s32 $0x100, s5;
	v3 =	vld.idx.msk [tilespmem:v3+s3+$0x0], $0xffff  }
0x230: {  	v4 =	vld [tilespmem:s6+$0x1A130];
	_ =	sdelay $0x4  }
0x231: {  	v3 =	vmul.f32 v4, v3;
	_ =	sdelay $0x1  }
0x232: {  	v61 =	vld [tilespmem:s12+$0x18D10];
	[tilespmem:s6+$0x1A130] =	vst v3  }
0x233: {  	v2 =	vld.idx.msk [tilespmem:v2+s3+$0x0], $0xffff  }
0x234: {  	v3 =	vld [tilespmem:s12+$0x1A100];
	_ =	sdelay $0x4  }
0x235: {  	v2 =	vmul.f32 v3, v2  }
0x236: {  	v62 =	vld [tilespmem:s12+$0x18D20]  }
0x237: {  	v3 =	vld [tilespmem:s12+$0x1A110];
	[tilespmem:s12+$0x1A100] =	vst v2  }
0x238: {  	v2 =	vld.idx.msk [tilespmem:v61+s3+$0x0], $0xffff;
	_ =	sdelay $0x4  }
0x239: {  	v2 =	vmul.f32 v3, v2  }
0x23a: {  	v63 =	vld [tilespmem:s12+$0x1A120]  }
0x23b: {  	[tilespmem:s12+$0x1A110] =	vst v2;
	v2 =	vld [tilespmem:s12+$0x18D30]  }
0x23c: {  	v3 =	vld.idx.msk [tilespmem:v62+s3+$0x0], $0xffff;
	_ =	sdelay $0x4  }
0x23d: {  	v3 =	vmul.f32 v63, v3;
	_ =	sdelay $0x1  }
0x23e: {  	[tilespmem:s12+$0x1A120] =	vst v3;
	v3 =	vld [tilespmem:s12+$0x1A130]  }
0x23f: {  	v2 =	vld.idx.msk [tilespmem:v2+s3+$0x0], $0xffff;
	_ =	sdelay $0x4  }
0x240: {  	v2 =	vmul.f32 v3, v2;
	_ =	sdelay $0x1  }
0x241: {  	[tilespmem:s12+$0x1A130] =	vst v2  }
0x242: {  	[spmem:s19] =	stream.indirect.scatter.add.f32 [tilespmem:s18], [sflag:$0x2], $0x1, s20, s0, $0xb8;
	[tilespmem:$0x1FC00] =	vst v63  }
0x243: {  	s31 =	simm.s32 $0x0;
	s12 =	simm.s32 $0x0  }
0x244: {  	[spmem:s23] =	stream.indirect.scatter.add.f32 [tilespmem:s15], [sflag:$0x2], $0x1, s20, s0, $0xb8;
	[tilespmem:$0x1FC00] =	vst v63  }
.LBB2_20:
0x245: {  	_ =	swait.ge [sflag:s2], $0x500  }
0x246: {  	[sflag:s2] =	ssyncset.done $0x0  }
0x247: {  	[sflag:s2] =	ssyncadd.s32 $0xFFFFFB00  }
0x248: {  	_ =	swait.ge [sflag:s2], $0x500  }
0x249: {  	s4 =	sld [smem:$0x7EE]  }
0x24a: {  	s6 =	smul.u32 $0x1400, s31;
	_ =	sdelay $0x1  }
0x24b: {  	s4 =	sadd.s32 s6, s4  }
0x24c: {  	[sflag:s2] =	ssyncset.done $0x0;
	s4 =	sshrl.u32 s4, $0x3  }
0x24d: {  	[sflag:s2] =	ssyncadd.s32 $0xFFFFFB00;
	s5 =	sadd.s32 s13, s4  }
0x24e: {  	[tilespmem:s22], [sflag:$0x1] =	stream.linear.gather [hbm4b:s5+s12], $0x500, $0x38;
	[tilespmem:$0x1FC00] =	vst v63  }
0x24f: {  	s24 =	sadd.s32 s1, s4  }
0x250: {  	[tilespmem:s17], [sflag:$0x1] =	stream.linear.gather [hbm4b:s24+s12], $0x500, $0x38;
	[tilespmem:$0x1FC00] =	vst v63  }
0x251: {  	s4 =	sadd.s32 s16, s4  }
0x252: {  	[tilespmem:s30], [sflag:$0x1] =	stream.linear.gather [hbm4b:s4+s12], $0x500, $0x38;
	[tilespmem:$0x1FC00] =	vst v63  }
0x253: {  	_ =	swait.ge [sflag:s11], $0x500  }
0x254: {  	[sflag:s11] =	ssyncset.done $0x0  }
0x255: {  	[sflag:s11] =	ssyncadd.s32 $0xFFFFFB00  }
0x256: {  	_ =	swait.ge [sflag:s11], $0x500  }
0x257: {  	[sflag:s11] =	ssyncset.done $0x0  }
0x258: {  	[sflag:s11] =	ssyncadd.s32 $0xFFFFFB00  }
0x259: {  	_ =	swait.ge [sflag:s11], $0x500  }
0x25a: {  	[sflag:s11] =	ssyncset.done $0x0  }
0x25b: {  	s5 =	simm.s32 $0x0;
	[sflag:s11] =	ssyncadd.s32 $0xFFFFFB00  }
0x25c: {  	v2 =	vld [tilespmem:s5+$0x19200];
	_ =	sdelay $0x5  }
0x25d: {  	v3 =	vld [tilespmem:s5+$0x19210]  }
0x25e: {  	v4 =	vld [tilespmem:s5+$0x1A600]  }
0x25f: {  	v2 =	vld.idx.msk [tilespmem:v2+s3+$0x0], $0xffff;
	_ =	sdelay $0x4  }
0x260: {  	v2 =	vmul.f32 v4, v2;
	_ =	sdelay $0x1  }
0x261: {  	v4 =	vld [tilespmem:s5+$0x19220];
	[tilespmem:s5+$0x1A600] =	vst v2  }
0x262: {  	v2 =	vld.idx.msk [tilespmem:v3+s3+$0x0], $0xffff  }
0x263: {  	v3 =	vld [tilespmem:s5+$0x1A610];
	_ =	sdelay $0x4  }
0x264: {  	v2 =	vmul.f32 v3, v2;
	_ =	sdelay $0x1  }
0x265: {  	v3 =	vld [tilespmem:s5+$0x19230];
	[tilespmem:s5+$0x1A610] =	vst v2  }
0x266: {  	v2 =	vld.idx.msk [tilespmem:v4+s3+$0x0], $0xffff  }
0x267: {  	v4 =	vld [tilespmem:s5+$0x1A620];
	_ =	sdelay $0x4  }
0x268: {  	v4 =	vmul.f32 v4, v2  }
0x269: {  	s4 =	simm.s32 $0x40  }
0x26a: {  	v2 =	vld [tilespmem:s4+$0x19200];
	[tilespmem:s5+$0x1A620] =	vst v4  }
0x26b: {  	s29 =	simm.s32 $0x200;
	v3 =	vld.idx.msk [tilespmem:v3+s3+$0x0], $0xffff  }
.LBB2_21:
0x26c: {  	p1 =	sne.s32 s29, $0x1300;
	v4 =	vld [tilespmem:s5+$0x1A630];
	_ =	sdelay $0x4  }
0x26d: {  	v3 =	vmul.f32 v4, v3;
	_ =	sdelay $0x1  }
0x26e: {  	v4 =	vld [tilespmem:s4+$0x19210];
	[tilespmem:s5+$0x1A630] =	vst v3;
	s5 =	smov.u32 s4  }
0x26f: {  	v2 =	vld.idx.msk [tilespmem:v2+s3+$0x0], $0xffff  }
0x270: {  	v3 =	vld [tilespmem:s5+$0x1A600];
	_ =	sdelay $0x4  }
0x271: {  	v2 =	vmul.f32 v3, v2;
	_ =	sdelay $0x1  }
0x272: {  	[tilespmem:s5+$0x1A600] =	vst v2;
	v2 =	vld [tilespmem:s5+$0x19220]  }
0x273: {  	v3 =	vld.idx.msk [tilespmem:v4+s3+$0x0], $0xffff  }
0x274: {  	v4 =	vld [tilespmem:s5+$0x1A610];
	_ =	sdelay $0x4  }
0x275: {  	v3 =	vmul.f32 v4, v3;
	_ =	sdelay $0x1  }
0x276: {  	[tilespmem:s5+$0x1A610] =	vst v3;
	v3 =	vld [tilespmem:s5+$0x19230]  }
0x277: {  	v2 =	vld.idx.msk [tilespmem:v2+s3+$0x0], $0xffff  }
0x278: {  	v4 =	vld [tilespmem:s5+$0x1A620];
	_ =	sdelay $0x3  }
.Ltmp11:
0x279: {  	(pc) =	sbr.rel @p1 .LBB2_21-.Ltmp11, $4  }
0x27a: {  	v4 =	vmul.f32 v4, v2  }
0x27b: {  	s4 =	sshra.s32 s29, $0x2  }
0x27c: {  	v2 =	vld [tilespmem:s4+$0x19200];
	[tilespmem:s5+$0x1A620] =	vst v4  }
0x27d: {  	s29 =	sadd.s32 $0x100, s29;
	v3 =	vld.idx.msk [tilespmem:v3+s3+$0x0], $0xffff  }
0x27e: {  	v4 =	vld [tilespmem:s5+$0x1A630];
	_ =	sdelay $0x4  }
0x27f: {  	v3 =	vmul.f32 v4, v3;
	_ =	sdelay $0x1  }
0x280: {  	v4 =	vld [tilespmem:s4+$0x19210];
	[tilespmem:s5+$0x1A630] =	vst v3  }
0x281: {  	v2 =	vld.idx.msk [tilespmem:v2+s3+$0x0], $0xffff  }
0x282: {  	v3 =	vld [tilespmem:s4+$0x1A600];
	_ =	sdelay $0x4  }
0x283: {  	v2 =	vmul.f32 v3, v2;
	_ =	sdelay $0x1  }
0x284: {  	v3 =	vld [tilespmem:s4+$0x1A610];
	[tilespmem:s4+$0x1A600] =	vst v2  }
0x285: {  	v2 =	vld.idx.msk [tilespmem:v4+s3+$0x0], $0xffff  }
0x286: {  	v4 =	vld [tilespmem:s4+$0x19220];
	_ =	sdelay $0x4  }
0x287: {  	v2 =	vmul.f32 v3, v2;
	_ =	sdelay $0x1  }
0x288: {  	[tilespmem:s4+$0x1A610] =	vst v2;
	v2 =	vld [tilespmem:s4+$0x19230]  }
0x289: {  	v3 =	vld.idx.msk [tilespmem:v4+s3+$0x0], $0xffff  }
0x28a: {  	v4 =	vld [tilespmem:s4+$0x1A620];
	_ =	sdelay $0x4  }
0x28b: {  	v3 =	vmul.f32 v4, v3;
	_ =	sdelay $0x1  }
0x28c: {  	[tilespmem:s4+$0x1A620] =	vst v3;
	v3 =	vld [tilespmem:s4+$0x1A630]  }
0x28d: {  	v2 =	vld.idx.msk [tilespmem:v2+s3+$0x0], $0xffff;
	_ =	sdelay $0x4  }
0x28e: {  	v2 =	vmul.f32 v3, v2;
	_ =	sdelay $0x1  }
0x28f: {  	[tilespmem:s4+$0x1A630] =	vst v2  }
0x290: {  	[spmem:s19] =	stream.indirect.scatter.add.f32 [tilespmem:s28], [sflag:$0x3], $0x1, s7, s0, $0xb8;
	[tilespmem:$0x1FC00] =	vst v63  }
0x291: {  	_ = 	snop  }
0x292: {  	[spmem:s23] =	stream.indirect.scatter.add.f32 [tilespmem:s15], [sflag:$0x3], $0x1, s7, s0, $0xb8;
	[tilespmem:$0x1FC00] =	vst v63  }
0x293: {  	_ =	swait.ge [sflag:s21], $0x500  }
0x294: {  	[sflag:s21] =	ssyncset.done $0x0  }
0x295: {  	[sflag:s21] =	ssyncadd.s32 $0xFFFFFB00  }
0x296: {  	_ =	swait.ge [sflag:s21], $0x500  }
0x297: {  	s5 =	sld [smem:$0x7EF];
	_ =	sdelay $0x2  }
0x298: {  	s4 =	sadd.s32 s6, s5  }
0x299: {  	s29 =	simm.s32 $0x0;
	[sflag:s21] =	ssyncset.done $0x0;
	s4 =	sshrl.u32 s4, $0x3  }
0x29a: {  	s24 =	simm.s32 $0x18D00;
	[sflag:s21] =	ssyncadd.s32 $0xFFFFFB00;
	s5 =	sadd.s32 s13, s4  }
0x29b: {  	[tilespmem:s24], [sflag:$0x2] =	stream.linear.gather [hbm4b:s5+s29], $0x500, $0x38;
	[tilespmem:$0x1FC00] =	vst v63  }
0x29c: {  	s24 =	sadd.s32 s1, s4  }
0x29d: {  	[tilespmem:s18], [sflag:$0x2] =	stream.linear.gather [hbm4b:s24+s29], $0x500, $0x38;
	[tilespmem:$0x1FC00] =	vst v63  }
0x29e: {  	s4 =	sadd.s32 s16, s4  }
0x29f: {  	[tilespmem:s20], [sflag:$0x2] =	stream.linear.gather [hbm4b:s4+s29], $0x500, $0x38;
	[tilespmem:$0x1FC00] =	vst v63  }
0x2a0: {  	_ =	swait.ge [sflag:s10], $0x500  }
0x2a1: {  	[sflag:s10] =	ssyncset.done $0x0  }
0x2a2: {  	[sflag:s10] =	ssyncadd.s32 $0xFFFFFB00  }
0x2a3: {  	_ =	swait.ge [sflag:s10], $0x500  }
0x2a4: {  	[sflag:s10] =	ssyncset.done $0x0  }
0x2a5: {  	[sflag:s10] =	ssyncadd.s32 $0xFFFFFB00  }
0x2a6: {  	_ =	swait.ge [sflag:s10], $0x500  }
0x2a7: {  	[sflag:s10] =	ssyncset.done $0x0  }
0x2a8: {  	s5 =	simm.s32 $0x0;
	[sflag:s10] =	ssyncadd.s32 $0xFFFFFB00  }
0x2a9: {  	v2 =	vld [tilespmem:s5+$0x19700];
	_ =	sdelay $0x5  }
0x2aa: {  	v3 =	vld [tilespmem:s5+$0x19710]  }
0x2ab: {  	v4 =	vld [tilespmem:s5+$0x1AB00]  }
0x2ac: {  	v2 =	vld.idx.msk [tilespmem:v2+s3+$0x0], $0xffff;
	_ =	sdelay $0x4  }
0x2ad: {  	v2 =	vmul.f32 v4, v2;
	_ =	sdelay $0x1  }
0x2ae: {  	v4 =	vld [tilespmem:s5+$0x19720];
	[tilespmem:s5+$0x1AB00] =	vst v2  }
0x2af: {  	v2 =	vld.idx.msk [tilespmem:v3+s3+$0x0], $0xffff  }
0x2b0: {  	v3 =	vld [tilespmem:s5+$0x1AB10];
	_ =	sdelay $0x4  }
0x2b1: {  	v2 =	vmul.f32 v3, v2;
	_ =	sdelay $0x1  }
0x2b2: {  	v3 =	vld [tilespmem:s5+$0x19730];
	[tilespmem:s5+$0x1AB10] =	vst v2  }
0x2b3: {  	v2 =	vld.idx.msk [tilespmem:v4+s3+$0x0], $0xffff  }
0x2b4: {  	v4 =	vld [tilespmem:s5+$0x1AB20];
	_ =	sdelay $0x4  }
0x2b5: {  	v4 =	vmul.f32 v4, v2  }
0x2b6: {  	s4 =	simm.s32 $0x40  }
0x2b7: {  	v2 =	vld [tilespmem:s4+$0x19700];
	[tilespmem:s5+$0x1AB20] =	vst v4  }
0x2b8: {  	s29 =	simm.s32 $0x200;
	v3 =	vld.idx.msk [tilespmem:v3+s3+$0x0], $0xffff  }
.LBB2_23:
0x2b9: {  	p1 =	sne.s32 s29, $0x1300;
	v4 =	vld [tilespmem:s5+$0x1AB30];
	_ =	sdelay $0x4  }
0x2ba: {  	v3 =	vmul.f32 v4, v3;
	_ =	sdelay $0x1  }
0x2bb: {  	v4 =	vld [tilespmem:s4+$0x19710];
	[tilespmem:s5+$0x1AB30] =	vst v3;
	s5 =	smov.u32 s4  }
0x2bc: {  	v2 =	vld.idx.msk [tilespmem:v2+s3+$0x0], $0xffff  }
0x2bd: {  	v3 =	vld [tilespmem:s5+$0x1AB00];
	_ =	sdelay $0x4  }
0x2be: {  	v2 =	vmul.f32 v3, v2;
	_ =	sdelay $0x1  }
0x2bf: {  	[tilespmem:s5+$0x1AB00] =	vst v2;
	v2 =	vld [tilespmem:s5+$0x19720]  }
0x2c0: {  	v3 =	vld.idx.msk [tilespmem:v4+s3+$0x0], $0xffff  }
0x2c1: {  	v4 =	vld [tilespmem:s5+$0x1AB10];
	_ =	sdelay $0x4  }
0x2c2: {  	v3 =	vmul.f32 v4, v3;
	_ =	sdelay $0x1  }
0x2c3: {  	[tilespmem:s5+$0x1AB10] =	vst v3;
	v3 =	vld [tilespmem:s5+$0x19730]  }
0x2c4: {  	v2 =	vld.idx.msk [tilespmem:v2+s3+$0x0], $0xffff  }
0x2c5: {  	v4 =	vld [tilespmem:s5+$0x1AB20];
	_ =	sdelay $0x3  }
.Ltmp12:
0x2c6: {  	(pc) =	sbr.rel @p1 .LBB2_23-.Ltmp12, $4  }
0x2c7: {  	v4 =	vmul.f32 v4, v2  }
0x2c8: {  	s4 =	sshra.s32 s29, $0x2  }
0x2c9: {  	v2 =	vld [tilespmem:s4+$0x19700];
	[tilespmem:s5+$0x1AB20] =	vst v4  }
0x2ca: {  	s29 =	sadd.s32 $0x100, s29;
	v3 =	vld.idx.msk [tilespmem:v3+s3+$0x0], $0xffff  }
0x2cb: {  	v4 =	vld [tilespmem:s5+$0x1AB30];
	_ =	sdelay $0x4  }
0x2cc: {  	v3 =	vmul.f32 v4, v3;
	_ =	sdelay $0x1  }
0x2cd: {  	v4 =	vld [tilespmem:s4+$0x19710];
	[tilespmem:s5+$0x1AB30] =	vst v3  }
0x2ce: {  	v2 =	vld.idx.msk [tilespmem:v2+s3+$0x0], $0xffff  }
0x2cf: {  	v3 =	vld [tilespmem:s4+$0x1AB00];
	_ =	sdelay $0x4  }
0x2d0: {  	v2 =	vmul.f32 v3, v2;
	_ =	sdelay $0x1  }
0x2d1: {  	v3 =	vld [tilespmem:s4+$0x1AB10];
	[tilespmem:s4+$0x1AB00] =	vst v2  }
0x2d2: {  	v2 =	vld.idx.msk [tilespmem:v4+s3+$0x0], $0xffff  }
0x2d3: {  	v4 =	vld [tilespmem:s4+$0x19720];
	_ =	sdelay $0x4  }
0x2d4: {  	v2 =	vmul.f32 v3, v2;
	_ =	sdelay $0x1  }
0x2d5: {  	[tilespmem:s4+$0x1AB10] =	vst v2;
	v2 =	vld [tilespmem:s4+$0x19730]  }
0x2d6: {  	v3 =	vld.idx.msk [tilespmem:v4+s3+$0x0], $0xffff  }
0x2d7: {  	v4 =	vld [tilespmem:s4+$0x1AB20];
	_ =	sdelay $0x4  }
0x2d8: {  	v3 =	vmul.f32 v4, v3;
	_ =	sdelay $0x1  }
0x2d9: {  	[tilespmem:s4+$0x1AB20] =	vst v3;
	v3 =	vld [tilespmem:s4+$0x1AB30]  }
0x2da: {  	v2 =	vld.idx.msk [tilespmem:v2+s3+$0x0], $0xffff;
	_ =	sdelay $0x4  }
0x2db: {  	v2 =	vmul.f32 v3, v2;
	_ =	sdelay $0x1  }
0x2dc: {  	[tilespmem:s4+$0x1AB30] =	vst v2  }
0x2dd: {  	[spmem:s19] =	stream.indirect.scatter.add.f32 [tilespmem:s14], [sflag:$0x4], $0x1, s8, s0, $0xb8;
	[tilespmem:$0x1FC00] =	vst v63  }
0x2de: {  	_ = 	snop  }
0x2df: {  	[spmem:s23] =	stream.indirect.scatter.add.f32 [tilespmem:s15], [sflag:$0x4], $0x1, s8, s0, $0xb8;
	[tilespmem:$0x1FC00] =	vst v63  }
0x2e0: {  	_ =	swait.ge [sflag:s11], $0x500  }
0x2e1: {  	[sflag:s11] =	ssyncset.done $0x0  }
0x2e2: {  	[sflag:s11] =	ssyncadd.s32 $0xFFFFFB00  }
0x2e3: {  	s5 =	sadd.s32 s6, s25;
	_ =	swait.ge [sflag:s11], $0x500  }
0x2e4: {  	s29 =	simm.s32 $0x0;
	s4 =	sshrl.u32 s5, $0x3;
	[sflag:s11] =	ssyncset.done $0x0  }
0x2e5: {  	s24 =	simm.s32 $0x19200;
	s5 =	sadd.s32 s13, s4;
	[sflag:s11] =	ssyncadd.s32 $0xFFFFFB00  }
0x2e6: {  	[tilespmem:s24], [sflag:$0x3] =	stream.linear.gather [hbm4b:s5+s29], $0x500, $0x38;
	[tilespmem:$0x1FC00] =	vst v63  }
0x2e7: {  	s24 =	sadd.s32 s1, s4  }
0x2e8: {  	[tilespmem:s28], [sflag:$0x3] =	stream.linear.gather [hbm4b:s24+s29], $0x500, $0x38;
	[tilespmem:$0x1FC00] =	vst v63  }
0x2e9: {  	s4 =	sadd.s32 s16, s4  }
0x2ea: {  	[tilespmem:s7], [sflag:$0x3] =	stream.linear.gather [hbm4b:s4+s29], $0x500, $0x38;
	[tilespmem:$0x1FC00] =	vst v63  }
0x2eb: {  	_ =	swait.ge [sflag:s2], $0x500  }
0x2ec: {  	[sflag:s2] =	ssyncset.done $0x0  }
0x2ed: {  	[sflag:s2] =	ssyncadd.s32 $0xFFFFFB00  }
0x2ee: {  	_ =	swait.ge [sflag:s2], $0x500  }
0x2ef: {  	[sflag:s2] =	ssyncset.done $0x0  }
0x2f0: {  	[sflag:s2] =	ssyncadd.s32 $0xFFFFFB00  }
0x2f1: {  	_ =	swait.ge [sflag:s2], $0x500  }
0x2f2: {  	[sflag:s2] =	ssyncset.done $0x0  }
0x2f3: {  	s5 =	simm.s32 $0x0;
	[sflag:s2] =	ssyncadd.s32 $0xFFFFFB00  }
0x2f4: {  	v2 =	vld [tilespmem:s5+$0x18800];
	_ =	sdelay $0x5  }
0x2f5: {  	v3 =	vld [tilespmem:s5+$0x18810]  }
0x2f6: {  	v4 =	vld [tilespmem:s5+$0x19C00]  }
0x2f7: {  	v2 =	vld.idx.msk [tilespmem:v2+s3+$0x0], $0xffff;
	_ =	sdelay $0x4  }
0x2f8: {  	v2 =	vmul.f32 v4, v2;
	_ =	sdelay $0x1  }
0x2f9: {  	v4 =	vld [tilespmem:s5+$0x18820];
	[tilespmem:s5+$0x19C00] =	vst v2  }
0x2fa: {  	v2 =	vld.idx.msk [tilespmem:v3+s3+$0x0], $0xffff  }
0x2fb: {  	v3 =	vld [tilespmem:s5+$0x19C10];
	_ =	sdelay $0x4  }
0x2fc: {  	v2 =	vmul.f32 v3, v2;
	_ =	sdelay $0x1  }
0x2fd: {  	v3 =	vld [tilespmem:s5+$0x18830];
	[tilespmem:s5+$0x19C10] =	vst v2  }
0x2fe: {  	v2 =	vld.idx.msk [tilespmem:v4+s3+$0x0], $0xffff  }
0x2ff: {  	v4 =	vld [tilespmem:s5+$0x19C20];
	_ =	sdelay $0x4  }
0x300: {  	v4 =	vmul.f32 v4, v2  }
0x301: {  	s4 =	simm.s32 $0x40  }
0x302: {  	v2 =	vld [tilespmem:s4+$0x18800];
	[tilespmem:s5+$0x19C20] =	vst v4  }
0x303: {  	s29 =	simm.s32 $0x200;
	v3 =	vld.idx.msk [tilespmem:v3+s3+$0x0], $0xffff  }
.LBB2_25:
0x304: {  	p1 =	sne.s32 s29, $0x1300;
	v4 =	vld [tilespmem:s5+$0x19C30];
	_ =	sdelay $0x4  }
0x305: {  	v3 =	vmul.f32 v4, v3;
	_ =	sdelay $0x1  }
0x306: {  	v4 =	vld [tilespmem:s4+$0x18810];
	[tilespmem:s5+$0x19C30] =	vst v3;
	s5 =	smov.u32 s4  }
0x307: {  	v2 =	vld.idx.msk [tilespmem:v2+s3+$0x0], $0xffff  }
0x308: {  	v3 =	vld [tilespmem:s5+$0x19C00];
	_ =	sdelay $0x4  }
0x309: {  	v2 =	vmul.f32 v3, v2;
	_ =	sdelay $0x1  }
0x30a: {  	[tilespmem:s5+$0x19C00] =	vst v2;
	v2 =	vld [tilespmem:s5+$0x18820]  }
0x30b: {  	v3 =	vld.idx.msk [tilespmem:v4+s3+$0x0], $0xffff  }
0x30c: {  	v4 =	vld [tilespmem:s5+$0x19C10];
	_ =	sdelay $0x4  }
0x30d: {  	v3 =	vmul.f32 v4, v3;
	_ =	sdelay $0x1  }
0x30e: {  	[tilespmem:s5+$0x19C10] =	vst v3;
	v3 =	vld [tilespmem:s5+$0x18830]  }
0x30f: {  	v2 =	vld.idx.msk [tilespmem:v2+s3+$0x0], $0xffff  }
0x310: {  	v4 =	vld [tilespmem:s5+$0x19C20];
	_ =	sdelay $0x3  }
.Ltmp13:
0x311: {  	(pc) =	sbr.rel @p1 .LBB2_25-.Ltmp13, $4  }
0x312: {  	v4 =	vmul.f32 v4, v2  }
0x313: {  	s4 =	sshra.s32 s29, $0x2  }
0x314: {  	v2 =	vld [tilespmem:s4+$0x18800];
	[tilespmem:s5+$0x19C20] =	vst v4  }
0x315: {  	s29 =	sadd.s32 $0x100, s29;
	v3 =	vld.idx.msk [tilespmem:v3+s3+$0x0], $0xffff  }
0x316: {  	v4 =	vld [tilespmem:s5+$0x19C30];
	_ =	sdelay $0x4  }
0x317: {  	v3 =	vmul.f32 v4, v3;
	_ =	sdelay $0x1  }
0x318: {  	v4 =	vld [tilespmem:s4+$0x18810];
	[tilespmem:s5+$0x19C30] =	vst v3  }
0x319: {  	v2 =	vld.idx.msk [tilespmem:v2+s3+$0x0], $0xffff  }
0x31a: {  	v3 =	vld [tilespmem:s4+$0x19C00];
	_ =	sdelay $0x4  }
0x31b: {  	v2 =	vmul.f32 v3, v2;
	_ =	sdelay $0x1  }
0x31c: {  	v3 =	vld [tilespmem:s4+$0x19C10];
	[tilespmem:s4+$0x19C00] =	vst v2  }
0x31d: {  	v2 =	vld.idx.msk [tilespmem:v4+s3+$0x0], $0xffff  }
0x31e: {  	v4 =	vld [tilespmem:s4+$0x18820];
	_ =	sdelay $0x4  }
0x31f: {  	v2 =	vmul.f32 v3, v2;
	_ =	sdelay $0x1  }
0x320: {  	[tilespmem:s4+$0x19C10] =	vst v2;
	v2 =	vld [tilespmem:s4+$0x18830]  }
0x321: {  	v3 =	vld.idx.msk [tilespmem:v4+s3+$0x0], $0xffff  }
0x322: {  	v4 =	vld [tilespmem:s4+$0x19C20];
	_ =	sdelay $0x4  }
0x323: {  	v3 =	vmul.f32 v4, v3;
	_ =	sdelay $0x1  }
0x324: {  	[tilespmem:s4+$0x19C20] =	vst v3;
	v3 =	vld [tilespmem:s4+$0x19C30]  }
0x325: {  	v2 =	vld.idx.msk [tilespmem:v2+s3+$0x0], $0xffff;
	_ =	sdelay $0x4  }
0x326: {  	v2 =	vmul.f32 v3, v2;
	_ =	sdelay $0x1  }
0x327: {  	[tilespmem:s4+$0x19C30] =	vst v2  }
0x328: {  	[spmem:s19] =	stream.indirect.scatter.add.f32 [tilespmem:s17], [sflag:$0x1], $0x1, s30, s0, $0xb8;
	[tilespmem:$0x1FC00] =	vst v63  }
0x329: {  	_ = 	snop  }
0x32a: {  	[spmem:s23] =	stream.indirect.scatter.add.f32 [tilespmem:s15], [sflag:$0x1], $0x1, s30, s0, $0xb8;
	[tilespmem:$0x1FC00] =	vst v63  }
0x32b: {  	_ =	swait.ge [sflag:s10], $0x500  }
0x32c: {  	[sflag:s10] =	ssyncset.done $0x0  }
0x32d: {  	[sflag:s10] =	ssyncadd.s32 $0xFFFFFB00  }
0x32e: {  	s24 =	sadd.s32 s6, s26;
	_ =	swait.ge [sflag:s10], $0x500  }
0x32f: {  	s6 =	simm.s32 $0x0;
	s4 =	sshrl.u32 s24, $0x3;
	[sflag:s10] =	ssyncset.done $0x0  }
0x330: {  	s24 =	simm.s32 $0x19700;
	s29 =	sadd.s32 s13, s4;
	[sflag:s10] =	ssyncadd.s32 $0xFFFFFB00  }
0x331: {  	[tilespmem:s24], [sflag:$0x4] =	stream.linear.gather [hbm4b:s29+s6], $0x500, $0x38;
	[tilespmem:$0x1FC00] =	vst v63  }
0x332: {  	s29 =	sadd.s32 s1, s4  }
0x333: {  	[tilespmem:s14], [sflag:$0x4] =	stream.linear.gather [hbm4b:s29+s6], $0x500, $0x38;
	[tilespmem:$0x1FC00] =	vst v63  }
0x334: {  	s4 =	sadd.s32 s16, s4  }
0x335: {  	[tilespmem:s8], [sflag:$0x4] =	stream.linear.gather [hbm4b:s4+s6], $0x500, $0x38;
	[tilespmem:$0x1FC00] =	vst v63  }
0x336: {  	_ =	swait.ge [sflag:s21], $0x500  }
0x337: {  	[sflag:s21] =	ssyncset.done $0x0  }
0x338: {  	[sflag:s21] =	ssyncadd.s32 $0xFFFFFB00  }
0x339: {  	_ =	swait.ge [sflag:s21], $0x500  }
0x33a: {  	[sflag:s21] =	ssyncset.done $0x0  }
0x33b: {  	[sflag:s21] =	ssyncadd.s32 $0xFFFFFB00  }
0x33c: {  	_ =	swait.ge [sflag:s21], $0x500  }
0x33d: {  	[sflag:s21] =	ssyncset.done $0x0  }
0x33e: {  	s5 =	simm.s32 $0x0;
	[sflag:s21] =	ssyncadd.s32 $0xFFFFFB00  }
0x33f: {  	v2 =	vld [tilespmem:s5+$0x18D00];
	_ =	sdelay $0x5  }
0x340: {  	v3 =	vld [tilespmem:s5+$0x18D10]  }
0x341: {  	v4 =	vld [tilespmem:s5+$0x1A100]  }
0x342: {  	v2 =	vld.idx.msk [tilespmem:v2+s3+$0x0], $0xffff;
	_ =	sdelay $0x4  }
0x343: {  	v2 =	vmul.f32 v4, v2;
	_ =	sdelay $0x1  }
0x344: {  	v4 =	vld [tilespmem:s5+$0x18D20];
	[tilespmem:s5+$0x1A100] =	vst v2  }
0x345: {  	v2 =	vld.idx.msk [tilespmem:v3+s3+$0x0], $0xffff  }
0x346: {  	v3 =	vld [tilespmem:s5+$0x1A110];
	_ =	sdelay $0x4  }
0x347: {  	v2 =	vmul.f32 v3, v2;
	_ =	sdelay $0x1  }
0x348: {  	v3 =	vld [tilespmem:s5+$0x18D30];
	[tilespmem:s5+$0x1A110] =	vst v2  }
0x349: {  	v2 =	vld.idx.msk [tilespmem:v4+s3+$0x0], $0xffff  }
0x34a: {  	v4 =	vld [tilespmem:s5+$0x1A120];
	_ =	sdelay $0x4  }
0x34b: {  	v4 =	vmul.f32 v4, v2  }
0x34c: {  	s4 =	simm.s32 $0x40  }
0x34d: {  	v2 =	vld [tilespmem:s4+$0x18D00];
	[tilespmem:s5+$0x1A120] =	vst v4  }
0x34e: {  	s6 =	simm.s32 $0x200;
	v3 =	vld.idx.msk [tilespmem:v3+s3+$0x0], $0xffff  }
.LBB2_27:
0x34f: {  	p1 =	sne.s32 s6, $0x1300;
	v4 =	vld [tilespmem:s5+$0x1A130];
	_ =	sdelay $0x4  }
0x350: {  	v3 =	vmul.f32 v4, v3;
	_ =	sdelay $0x1  }
0x351: {  	v4 =	vld [tilespmem:s4+$0x18D10];
	[tilespmem:s5+$0x1A130] =	vst v3;
	s5 =	smov.u32 s4  }
0x352: {  	v2 =	vld.idx.msk [tilespmem:v2+s3+$0x0], $0xffff  }
0x353: {  	v3 =	vld [tilespmem:s5+$0x1A100];
	_ =	sdelay $0x4  }
0x354: {  	v2 =	vmul.f32 v3, v2;
	_ =	sdelay $0x1  }
0x355: {  	[tilespmem:s5+$0x1A100] =	vst v2;
	v2 =	vld [tilespmem:s5+$0x18D20]  }
0x356: {  	v3 =	vld.idx.msk [tilespmem:v4+s3+$0x0], $0xffff  }
0x357: {  	v4 =	vld [tilespmem:s5+$0x1A110];
	_ =	sdelay $0x4  }
0x358: {  	v3 =	vmul.f32 v4, v3;
	_ =	sdelay $0x1  }
0x359: {  	[tilespmem:s5+$0x1A110] =	vst v3;
	v3 =	vld [tilespmem:s5+$0x18D30]  }
0x35a: {  	v2 =	vld.idx.msk [tilespmem:v2+s3+$0x0], $0xffff  }
0x35b: {  	v4 =	vld [tilespmem:s5+$0x1A120];
	_ =	sdelay $0x3  }
.Ltmp14:
0x35c: {  	(pc) =	sbr.rel @p1 .LBB2_27-.Ltmp14, $4  }
0x35d: {  	v4 =	vmul.f32 v4, v2  }
0x35e: {  	s4 =	sshra.s32 s6, $0x2  }
0x35f: {  	v2 =	vld [tilespmem:s4+$0x18D00];
	[tilespmem:s5+$0x1A120] =	vst v4  }
0x360: {  	s6 =	sadd.s32 $0x100, s6;
	v3 =	vld.idx.msk [tilespmem:v3+s3+$0x0], $0xffff  }
0x361: {  	v4 =	vld [tilespmem:s5+$0x1A130];
	_ =	sdelay $0x4  }
0x362: {  	v3 =	vmul.f32 v4, v3;
	_ =	sdelay $0x1  }
0x363: {  	v61 =	vld [tilespmem:s4+$0x18D10];
	[tilespmem:s5+$0x1A130] =	vst v3  }
0x364: {  	v2 =	vld.idx.msk [tilespmem:v2+s3+$0x0], $0xffff  }
0x365: {  	v3 =	vld [tilespmem:s4+$0x1A100];
	_ =	sdelay $0x4  }
0x366: {  	v2 =	vmul.f32 v3, v2  }
0x367: {  	v62 =	vld [tilespmem:s4+$0x18D20]  }
0x368: {  	v3 =	vld [tilespmem:s4+$0x1A110];
	[tilespmem:s4+$0x1A100] =	vst v2  }
0x369: {  	v2 =	vld.idx.msk [tilespmem:v61+s3+$0x0], $0xffff;
	_ =	sdelay $0x4  }
0x36a: {  	v2 =	vmul.f32 v3, v2  }
0x36b: {  	v63 =	vld [tilespmem:s4+$0x1A120]  }
0x36c: {  	[tilespmem:s4+$0x1A110] =	vst v2;
	v2 =	vld [tilespmem:s4+$0x18D30]  }
0x36d: {  	v3 =	vld.idx.msk [tilespmem:v62+s3+$0x0], $0xffff;
	_ =	sdelay $0x4  }
0x36e: {  	v3 =	vmul.f32 v63, v3;
	_ =	sdelay $0x1  }
0x36f: {  	[tilespmem:s4+$0x1A120] =	vst v3;
	v3 =	vld [tilespmem:s4+$0x1A130]  }
0x370: {  	v2 =	vld.idx.msk [tilespmem:v2+s3+$0x0], $0xffff;
	_ =	sdelay $0x3  }
0x371: {  	s31 =	sadd.s32 $0x1, s31  }
0x372: {  	p1 =	sne.s32 s31, $0x27;
	v2 =	vmul.f32 v3, v2  }
.Ltmp15:
0x373: {  	_ = 	snop;
	(pc) =	sbr.rel @p1 .LBB2_20-.Ltmp15, $4  }
0x374: {  	[tilespmem:s4+$0x1A130] =	vst v2  }
0x375: {  	[spmem:s19] =	stream.indirect.scatter.add.f32 [tilespmem:s18], [sflag:$0x2], $0x1, s20, s0, $0xb8;
	[tilespmem:$0x1FC00] =	vst v63  }
0x376: {  	_ = 	snop  }
0x377: {  	[spmem:s23] =	stream.indirect.scatter.add.f32 [tilespmem:s15], [sflag:$0x2], $0x1, s20, s0, $0xb8;
	[tilespmem:$0x1FC00] =	vst v63  }
0x378: {  	_ =	swait.ge [sflag:s2], $0x500  }
0x379: {  	[sflag:s2] =	ssyncset.done $0x0  }
0x37a: {  	[sflag:s2] =	ssyncadd.s32 $0xFFFFFB00  }
0x37b: {  	_ =	swait.ge [sflag:s2], $0x500  }
0x37c: {  	[sflag:s2] =	ssyncset.done $0x0  }
0x37d: {  	[sflag:s2] =	ssyncadd.s32 $0xFFFFFB00  }
0x37e: {  	_ =	swait.ge [sflag:s21], $0x500  }
0x37f: {  	[sflag:s21] =	ssyncset.done $0x0  }
0x380: {  	[sflag:s21] =	ssyncadd.s32 $0xFFFFFB00  }
0x381: {  	_ =	swait.ge [sflag:s21], $0x500  }
0x382: {  	[sflag:s21] =	ssyncset.done $0x0  }
0x383: {  	[sflag:s21] =	ssyncadd.s32 $0xFFFFFB00  }
0x384: {  	_ =	swait.ge [sflag:s11], $0x500  }
0x385: {  	[sflag:s11] =	ssyncset.done $0x0  }
0x386: {  	[sflag:s11] =	ssyncadd.s32 $0xFFFFFB00  }
0x387: {  	_ =	swait.ge [sflag:s11], $0x500  }
0x388: {  	[sflag:s11] =	ssyncset.done $0x0  }
0x389: {  	[sflag:s11] =	ssyncadd.s32 $0xFFFFFB00  }
0x38a: {  	_ =	swait.ge [sflag:s11], $0x500  }
0x38b: {  	[sflag:s11] =	ssyncset.done $0x0  }
0x38c: {  	[sflag:s11] =	ssyncadd.s32 $0xFFFFFB00  }
0x38d: {  	_ =	swait.ge [sflag:s10], $0x500  }
0x38e: {  	[sflag:s10] =	ssyncset.done $0x0  }
0x38f: {  	[sflag:s10] =	ssyncadd.s32 $0xFFFFFB00  }
0x390: {  	_ =	swait.ge [sflag:s10], $0x500  }
0x391: {  	[sflag:s10] =	ssyncset.done $0x0  }
0x392: {  	[sflag:s10] =	ssyncadd.s32 $0xFFFFFB00  }
0x393: {  	_ =	swait.ge [sflag:s10], $0x500  }
0x394: {  	s4 =	sld [smem:$0x7F1]  }
0x395: {  	[sflag:s10] =	ssyncset.done $0x0  }
0x396: {  	s31 =	simm.s32 $0x18800;
	s6 =	simm.s32 $0x6;
	[sflag:s10] =	ssyncadd.s32 $0xFFFFFB00  }
0x397: {  	[tilespmem:s31], [sflag:$0x6] =	stream.linear.gather [hbm4b:s4+s3], $0x200, $0x38;
	[tilespmem:$0x1FC00] =	vst v63  }
0x398: {  	_ =	swait.ge [sflag:s6], $0x200  }
0x399: {  	s22 =	sld [smem:$0x7F2]  }
0x39a: {  	[sflag:s6] =	ssyncset.done $0x0  }
0x39b: {  	[sflag:s6] =	ssyncadd.s32 $0xFFFFFE00  }
0x39c: {  	[tilespmem:s17], [sflag:$0x6] =	stream.linear.gather [hbm4b:s22+s3], $0x200, $0x38;
	[tilespmem:$0x1FC00] =	vst v63  }
0x39d: {  	_ =	swait.ge [sflag:s6], $0x200  }
0x39e: {  	s24 =	sld [smem:$0x7F3]  }
0x39f: {  	[sflag:s6] =	ssyncset.done $0x0  }
0x3a0: {  	[sflag:s6] =	ssyncadd.s32 $0xFFFFFE00  }
0x3a1: {  	[tilespmem:s30], [sflag:$0x6] =	stream.linear.gather [hbm4b:s24+s3], $0x200, $0x38;
	[tilespmem:$0x1FC00] =	vst v63  }
0x3a2: {  	_ =	swait.ge [sflag:s6], $0x200  }
0x3a3: {  	[sflag:s6] =	ssyncset.done $0x0  }
0x3a4: {  	[sflag:s6] =	ssyncadd.s32 $0xFFFFFE00  }
0x3a5: {  	v2 =	vld [tilespmem:$0x18800];
	_ =	sdelay $0x5  }
0x3a6: {  	v3 =	vld [tilespmem:$0x19C00]  }
0x3a7: {  	v4 =	vld [tilespmem:$0x18810]  }
0x3a8: {  	v2 =	vld.idx.msk [tilespmem:v2+s3+$0x0], $0xffff  }
0x3a9: {  	v5 =	vld [tilespmem:$0x1B000];
	_ =	sdelay $0x3  }
0x3aa: {  	v2 =	vmul.f32 v3, v2  }
0x3ab: {  	v28 =	vld [tilespmem:$0x18820];
	[tilespmem:$0x1C400] =	vst v5  }
0x3ac: {  	v3 =	vld [tilespmem:$0x19C10];
	[tilespmem:$0x19C00] =	vst v2  }
0x3ad: {  	v2 =	vld.idx.msk [tilespmem:v4+s3+$0x0], $0xffff  }
0x3ae: {  	v29 =	vld [tilespmem:$0x1B010];
	_ =	sdelay $0x3  }
0x3af: {  	v2 =	vmul.f32 v3, v2  }
0x3b0: {  	v30 =	vld [tilespmem:$0x18830];
	[tilespmem:$0x1C410] =	vst v29  }
0x3b1: {  	v3 =	vld [tilespmem:$0x19C20];
	[tilespmem:$0x19C10] =	vst v2  }
0x3b2: {  	v2 =	vld.idx.msk [tilespmem:v28+s3+$0x0], $0xffff  }
0x3b3: {  	v31 =	vld [tilespmem:$0x1B020];
	_ =	sdelay $0x3  }
0x3b4: {  	v2 =	vmul.f32 v3, v2  }
0x3b5: {  	v32 =	vld [tilespmem:$0x18840];
	[tilespmem:$0x1C420] =	vst v31  }
0x3b6: {  	v3 =	vld [tilespmem:$0x19C30];
	[tilespmem:$0x19C20] =	vst v2  }
0x3b7: {  	v2 =	vld.idx.msk [tilespmem:v30+s3+$0x0], $0xffff  }
0x3b8: {  	v33 =	vld [tilespmem:$0x1B030];
	_ =	sdelay $0x3  }
0x3b9: {  	v2 =	vmul.f32 v3, v2  }
0x3ba: {  	v34 =	vld [tilespmem:$0x18850];
	[tilespmem:$0x1C430] =	vst v33  }
0x3bb: {  	v3 =	vld [tilespmem:$0x19C40];
	[tilespmem:$0x19C30] =	vst v2  }
0x3bc: {  	v2 =	vld.idx.msk [tilespmem:v32+s3+$0x0], $0xffff  }
0x3bd: {  	v35 =	vld [tilespmem:$0x1B040];
	_ =	sdelay $0x3  }
0x3be: {  	v2 =	vmul.f32 v3, v2  }
0x3bf: {  	v36 =	vld [tilespmem:$0x18860];
	[tilespmem:$0x1C440] =	vst v35  }
0x3c0: {  	v3 =	vld [tilespmem:$0x19C50];
	[tilespmem:$0x19C40] =	vst v2  }
0x3c1: {  	v2 =	vld.idx.msk [tilespmem:v34+s3+$0x0], $0xffff  }
0x3c2: {  	v37 =	vld [tilespmem:$0x1B050];
	_ =	sdelay $0x3  }
0x3c3: {  	v2 =	vmul.f32 v3, v2  }
0x3c4: {  	v38 =	vld [tilespmem:$0x18870];
	[tilespmem:$0x1C450] =	vst v37  }
0x3c5: {  	v3 =	vld [tilespmem:$0x19C60];
	[tilespmem:$0x19C50] =	vst v2  }
0x3c6: {  	v2 =	vld.idx.msk [tilespmem:v36+s3+$0x0], $0xffff  }
0x3c7: {  	v39 =	vld [tilespmem:$0x1B060];
	_ =	sdelay $0x3  }
0x3c8: {  	v2 =	vmul.f32 v3, v2  }
0x3c9: {  	v40 =	vld [tilespmem:$0x18880];
	[tilespmem:$0x1C460] =	vst v39  }
0x3ca: {  	v3 =	vld [tilespmem:$0x19C70];
	[tilespmem:$0x19C60] =	vst v2  }
0x3cb: {  	v2 =	vld.idx.msk [tilespmem:v38+s3+$0x0], $0xffff  }
0x3cc: {  	v41 =	vld [tilespmem:$0x1B070];
	_ =	sdelay $0x3  }
0x3cd: {  	v2 =	vmul.f32 v3, v2  }
0x3ce: {  	v42 =	vld [tilespmem:$0x18890];
	[tilespmem:$0x1C470] =	vst v41  }
0x3cf: {  	v3 =	vld [tilespmem:$0x19C80];
	[tilespmem:$0x19C70] =	vst v2  }
0x3d0: {  	v2 =	vld.idx.msk [tilespmem:v40+s3+$0x0], $0xffff  }
0x3d1: {  	v43 =	vld [tilespmem:$0x1B080];
	_ =	sdelay $0x3  }
0x3d2: {  	v2 =	vmul.f32 v3, v2  }
0x3d3: {  	v44 =	vld [tilespmem:$0x188A0];
	[tilespmem:$0x1C480] =	vst v43  }
0x3d4: {  	v3 =	vld [tilespmem:$0x19C90];
	[tilespmem:$0x19C80] =	vst v2  }
0x3d5: {  	v2 =	vld.idx.msk [tilespmem:v42+s3+$0x0], $0xffff  }
0x3d6: {  	v45 =	vld [tilespmem:$0x1B090];
	_ =	sdelay $0x3  }
0x3d7: {  	v2 =	vmul.f32 v3, v2  }
0x3d8: {  	v46 =	vld [tilespmem:$0x188B0];
	[tilespmem:$0x1C490] =	vst v45  }
0x3d9: {  	v3 =	vld [tilespmem:$0x19CA0];
	[tilespmem:$0x19C90] =	vst v2  }
0x3da: {  	v2 =	vld.idx.msk [tilespmem:v44+s3+$0x0], $0xffff  }
0x3db: {  	v47 =	vld [tilespmem:$0x1B0A0];
	_ =	sdelay $0x3  }
0x3dc: {  	v2 =	vmul.f32 v3, v2  }
0x3dd: {  	v48 =	vld [tilespmem:$0x188C0];
	[tilespmem:$0x1C4A0] =	vst v47  }
0x3de: {  	v3 =	vld [tilespmem:$0x19CB0];
	[tilespmem:$0x19CA0] =	vst v2  }
0x3df: {  	v2 =	vld.idx.msk [tilespmem:v46+s3+$0x0], $0xffff  }
0x3e0: {  	v49 =	vld [tilespmem:$0x1B0B0];
	_ =	sdelay $0x3  }
0x3e1: {  	v2 =	vmul.f32 v3, v2  }
0x3e2: {  	v50 =	vld [tilespmem:$0x188D0];
	[tilespmem:$0x1C4B0] =	vst v49  }
0x3e3: {  	v3 =	vld [tilespmem:$0x19CC0];
	[tilespmem:$0x19CB0] =	vst v2  }
0x3e4: {  	v2 =	vld.idx.msk [tilespmem:v48+s3+$0x0], $0xffff  }
0x3e5: {  	v51 =	vld [tilespmem:$0x1B0C0];
	_ =	sdelay $0x3  }
0x3e6: {  	v2 =	vmul.f32 v3, v2  }
0x3e7: {  	v52 =	vld [tilespmem:$0x188E0];
	[tilespmem:$0x1C4C0] =	vst v51  }
0x3e8: {  	v3 =	vld [tilespmem:$0x19CD0];
	[tilespmem:$0x19CC0] =	vst v2  }
0x3e9: {  	v2 =	vld.idx.msk [tilespmem:v50+s3+$0x0], $0xffff  }
0x3ea: {  	v53 =	vld [tilespmem:$0x1B0D0];
	_ =	sdelay $0x3  }
0x3eb: {  	v2 =	vmul.f32 v3, v2  }
0x3ec: {  	v54 =	vld [tilespmem:$0x188F0];
	[tilespmem:$0x1C4D0] =	vst v53  }
0x3ed: {  	v3 =	vld [tilespmem:$0x19CE0];
	[tilespmem:$0x19CD0] =	vst v2  }
0x3ee: {  	v2 =	vld.idx.msk [tilespmem:v52+s3+$0x0], $0xffff  }
0x3ef: {  	v55 =	vld [tilespmem:$0x1B0E0];
	_ =	sdelay $0x3  }
0x3f0: {  	v2 =	vmul.f32 v3, v2  }
0x3f1: {  	v56 =	vld [tilespmem:$0x18900];
	[tilespmem:$0x1C4E0] =	vst v55  }
0x3f2: {  	v3 =	vld [tilespmem:$0x19CF0];
	[tilespmem:$0x19CE0] =	vst v2  }
0x3f3: {  	v2 =	vld.idx.msk [tilespmem:v54+s3+$0x0], $0xffff  }
0x3f4: {  	v57 =	vld [tilespmem:$0x1B0F0];
	_ =	sdelay $0x3  }
0x3f5: {  	v2 =	vmul.f32 v3, v2  }
0x3f6: {  	v58 =	vld [tilespmem:$0x18910];
	[tilespmem:$0x1C4F0] =	vst v57  }
0x3f7: {  	v3 =	vld [tilespmem:$0x19D00];
	[tilespmem:$0x19CF0] =	vst v2  }
0x3f8: {  	v2 =	vld.idx.msk [tilespmem:v56+s3+$0x0], $0xffff  }
0x3f9: {  	v59 =	vld [tilespmem:$0x1B100];
	_ =	sdelay $0x3  }
0x3fa: {  	v2 =	vmul.f32 v3, v2  }
0x3fb: {  	v60 =	vld [tilespmem:$0x18920];
	[tilespmem:$0x1C500] =	vst v59  }
0x3fc: {  	v3 =	vld [tilespmem:$0x19D10];
	[tilespmem:$0x19D00] =	vst v2  }
0x3fd: {  	v2 =	vld.idx.msk [tilespmem:v58+s3+$0x0], $0xffff  }
0x3fe: {  	v61 =	vld [tilespmem:$0x1B110];
	_ =	sdelay $0x3  }
0x3ff: {  	v2 =	vmul.f32 v3, v2  }
0x400: {  	v62 =	vld [tilespmem:$0x18930];
	[tilespmem:$0x1C510] =	vst v61  }
0x401: {  	v3 =	vld [tilespmem:$0x19D20];
	[tilespmem:$0x19D10] =	vst v2  }
0x402: {  	v2 =	vld.idx.msk [tilespmem:v60+s3+$0x0], $0xffff  }
0x403: {  	v63 =	vld [tilespmem:$0x1B120];
	_ =	sdelay $0x3  }
0x404: {  	v2 =	vmul.f32 v3, v2  }
0x405: {  	v8 =	vld [tilespmem:$0x18940];
	[tilespmem:$0x1C520] =	vst v63  }
0x406: {  	v3 =	vld [tilespmem:$0x19D30];
	[tilespmem:$0x19D20] =	vst v2  }
0x407: {  	v2 =	vld.idx.msk [tilespmem:v62+s3+$0x0], $0xffff  }
0x408: {  	v9 =	vld [tilespmem:$0x1B130];
	_ =	sdelay $0x3  }
0x409: {  	v2 =	vmul.f32 v3, v2  }
0x40a: {  	v10 =	vld [tilespmem:$0x18950];
	[tilespmem:$0x1C530] =	vst v9  }
0x40b: {  	v3 =	vld [tilespmem:$0x19D40];
	[tilespmem:$0x19D30] =	vst v2  }
0x40c: {  	v2 =	vld.idx.msk [tilespmem:v8+s3+$0x0], $0xffff  }
0x40d: {  	v11 =	vld [tilespmem:$0x1B140];
	_ =	sdelay $0x3  }
0x40e: {  	v2 =	vmul.f32 v3, v2  }
0x40f: {  	v12 =	vld [tilespmem:$0x18960];
	[tilespmem:$0x1C540] =	vst v11  }
0x410: {  	v3 =	vld [tilespmem:$0x19D50];
	[tilespmem:$0x19D40] =	vst v2  }
0x411: {  	v2 =	vld.idx.msk [tilespmem:v10+s3+$0x0], $0xffff  }
0x412: {  	v13 =	vld [tilespmem:$0x1B150];
	_ =	sdelay $0x3  }
0x413: {  	v2 =	vmul.f32 v3, v2  }
0x414: {  	v14 =	vld [tilespmem:$0x18970];
	[tilespmem:$0x1C550] =	vst v13  }
0x415: {  	v3 =	vld [tilespmem:$0x19D60];
	[tilespmem:$0x19D50] =	vst v2  }
0x416: {  	v2 =	vld.idx.msk [tilespmem:v12+s3+$0x0], $0xffff  }
0x417: {  	v15 =	vld [tilespmem:$0x1B160];
	_ =	sdelay $0x3  }
0x418: {  	v2 =	vmul.f32 v3, v2  }
0x419: {  	v16 =	vld [tilespmem:$0x18980];
	[tilespmem:$0x1C560] =	vst v15  }
0x41a: {  	v3 =	vld [tilespmem:$0x19D70];
	[tilespmem:$0x19D60] =	vst v2  }
0x41b: {  	v2 =	vld.idx.msk [tilespmem:v14+s3+$0x0], $0xffff  }
0x41c: {  	v17 =	vld [tilespmem:$0x1B170];
	_ =	sdelay $0x3  }
0x41d: {  	v2 =	vmul.f32 v3, v2  }
0x41e: {  	v18 =	vld [tilespmem:$0x18990];
	[tilespmem:$0x1C570] =	vst v17  }
0x41f: {  	v3 =	vld [tilespmem:$0x19D80];
	[tilespmem:$0x19D70] =	vst v2  }
0x420: {  	v2 =	vld.idx.msk [tilespmem:v16+s3+$0x0], $0xffff  }
0x421: {  	v19 =	vld [tilespmem:$0x1B180];
	_ =	sdelay $0x3  }
0x422: {  	v2 =	vmul.f32 v3, v2  }
0x423: {  	v20 =	vld [tilespmem:$0x189A0];
	[tilespmem:$0x1C580] =	vst v19  }
0x424: {  	v3 =	vld [tilespmem:$0x19D90];
	[tilespmem:$0x19D80] =	vst v2  }
0x425: {  	v2 =	vld.idx.msk [tilespmem:v18+s3+$0x0], $0xffff  }
0x426: {  	v21 =	vld [tilespmem:$0x1B190];
	_ =	sdelay $0x3  }
0x427: {  	v2 =	vmul.f32 v3, v2  }
0x428: {  	v22 =	vld [tilespmem:$0x189B0];
	[tilespmem:$0x1C590] =	vst v21  }
0x429: {  	v3 =	vld [tilespmem:$0x19DA0];
	[tilespmem:$0x19D90] =	vst v2  }
0x42a: {  	v2 =	vld.idx.msk [tilespmem:v20+s3+$0x0], $0xffff  }
0x42b: {  	v23 =	vld [tilespmem:$0x1B1A0];
	_ =	sdelay $0x3  }
0x42c: {  	v2 =	vmul.f32 v3, v2  }
0x42d: {  	v24 =	vld [tilespmem:$0x189C0];
	[tilespmem:$0x1C5A0] =	vst v23  }
0x42e: {  	v3 =	vld [tilespmem:$0x19DB0];
	[tilespmem:$0x19DA0] =	vst v2  }
0x42f: {  	v2 =	vld.idx.msk [tilespmem:v22+s3+$0x0], $0xffff  }
0x430: {  	v25 =	vld [tilespmem:$0x1B1B0];
	_ =	sdelay $0x3  }
0x431: {  	v2 =	vmul.f32 v3, v2  }
0x432: {  	v26 =	vld [tilespmem:$0x189D0];
	[tilespmem:$0x1C5B0] =	vst v25  }
0x433: {  	v3 =	vld [tilespmem:$0x19DC0];
	[tilespmem:$0x19DB0] =	vst v2  }
0x434: {  	v2 =	vld.idx.msk [tilespmem:v24+s3+$0x0], $0xffff  }
0x435: {  	v27 =	vld [tilespmem:$0x1B1C0];
	_ =	sdelay $0x3  }
0x436: {  	v2 =	vmul.f32 v3, v2  }
0x437: {  	v28 =	vld [tilespmem:$0x189E0];
	[tilespmem:$0x1C5C0] =	vst v27  }
0x438: {  	v3 =	vld [tilespmem:$0x19DD0];
	[tilespmem:$0x19DC0] =	vst v2  }
0x439: {  	v2 =	vld.idx.msk [tilespmem:v26+s3+$0x0], $0xffff  }
0x43a: {  	v29 =	vld [tilespmem:$0x1B1D0];
	_ =	sdelay $0x3  }
0x43b: {  	v2 =	vmul.f32 v3, v2  }
0x43c: {  	v30 =	vld [tilespmem:$0x189F0];
	[tilespmem:$0x1C5D0] =	vst v29  }
0x43d: {  	v3 =	vld [tilespmem:$0x19DE0];
	[tilespmem:$0x19DD0] =	vst v2  }
0x43e: {  	v2 =	vld.idx.msk [tilespmem:v28+s3+$0x0], $0xffff  }
0x43f: {  	v31 =	vld [tilespmem:$0x1B1E0];
	_ =	sdelay $0x3  }
0x440: {  	v2 =	vmul.f32 v3, v2  }
0x441: {  	[tilespmem:$0x1C5E0] =	vst v31  }
0x442: {  	v3 =	vld [tilespmem:$0x19DF0];
	[tilespmem:$0x19DE0] =	vst v2  }
0x443: {  	v2 =	vld.idx.msk [tilespmem:v30+s3+$0x0], $0xffff  }
0x444: {  	v32 =	vld [tilespmem:$0x1B1F0];
	_ =	sdelay $0x3  }
0x445: {  	v2 =	vmul.f32 v3, v2  }
0x446: {  	[tilespmem:$0x1C5F0] =	vst v32  }
0x447: {  	s5 =	simm.s32 $0x1C400;
	s29 =	simm.s32 $0x80;
	[tilespmem:$0x19DF0] =	vst v2  }
0x448: {  	[spmem:s19] =	stream.indirect.scatter.add.f32 [tilespmem:s17], [sflag:$0x5], $0x1, s5, s29, $0xb8;
	[tilespmem:$0x1FC00] =	vst v63  }
0x449: {  	_ = 	snop  }
0x44a: {  	[spmem:s23] =	stream.indirect.scatter.add.f32 [tilespmem:s15], [sflag:$0x5], $0x1, s5, s29, $0xb8;
	[tilespmem:$0x1FC00] =	vst v63  }
0x44b: {  	s12 =	simm.s32 $0x1C480;
	s24 =	simm.s32 $0x19C80  }
0x44c: {  	[spmem:s19] =	stream.indirect.scatter.add.f32 [tilespmem:s24], [sflag:$0x5], $0x1, s12, s29, $0xb8;
	[tilespmem:$0x1FC00] =	vst v63  }
0x44d: {  	_ = 	snop  }
0x44e: {  	[spmem:s23] =	stream.indirect.scatter.add.f32 [tilespmem:s15], [sflag:$0x5], $0x1, s12, s29, $0xb8;
	[tilespmem:$0x1FC00] =	vst v63  }
0x44f: {  	s25 =	simm.s32 $0x1C500;
	s22 =	simm.s32 $0x19D00  }
0x450: {  	[spmem:s19] =	stream.indirect.scatter.add.f32 [tilespmem:s22], [sflag:$0x5], $0x1, s25, s29, $0xb8;
	[tilespmem:$0x1FC00] =	vst v63  }
0x451: {  	_ = 	snop  }
0x452: {  	[spmem:s23] =	stream.indirect.scatter.add.f32 [tilespmem:s15], [sflag:$0x5], $0x1, s25, s29, $0xb8;
	[tilespmem:$0x1FC00] =	vst v63  }
0x453: {  	s4 =	simm.s32 $0x1C580;
	s25 =	simm.s32 $0x19D80  }
0x454: {  	[spmem:s19] =	stream.indirect.scatter.add.f32 [tilespmem:s25], [sflag:$0x5], $0x1, s4, s29, $0xb8;
	[tilespmem:$0x1FC00] =	vst v63  }
0x455: {  	_ = 	snop  }
0x456: {  	[spmem:s23] =	stream.indirect.scatter.add.f32 [tilespmem:s15], [sflag:$0x5], $0x1, s4, s29, $0xb8;
	[tilespmem:$0x1FC00] =	vst v63  }
0x457: {  	_ =	swait.ge [sflag:s9], $0x80  }
0x458: {  	[sflag:s9] =	ssyncset.done $0x0  }
0x459: {  	[sflag:s9] =	ssyncadd.s32 $0xFFFFFF80  }
0x45a: {  	_ =	swait.ge [sflag:s9], $0x80  }
0x45b: {  	[sflag:s9] =	ssyncset.done $0x0  }
0x45c: {  	[sflag:s9] =	ssyncadd.s32 $0xFFFFFF80  }
0x45d: {  	_ =	swait.ge [sflag:s9], $0x80  }
0x45e: {  	[sflag:s9] =	ssyncset.done $0x0  }
0x45f: {  	[sflag:s9] =	ssyncadd.s32 $0xFFFFFF80  }
0x460: {  	_ =	swait.ge [sflag:s9], $0x80  }
0x461: {  	[sflag:s9] =	ssyncset.done $0x0  }
0x462: {  	[sflag:s9] =	ssyncadd.s32 $0xFFFFFF80  }
0x463: {  	_ =	swait.ge [sflag:s9], $0x80  }
0x464: {  	[sflag:s9] =	ssyncset.done $0x0  }
0x465: {  	[sflag:s9] =	ssyncadd.s32 $0xFFFFFF80  }
0x466: {  	_ =	swait.ge [sflag:s9], $0x80  }
0x467: {  	[sflag:s9] =	ssyncset.done $0x0  }
0x468: {  	[sflag:s9] =	ssyncadd.s32 $0xFFFFFF80  }
0x469: {  	_ =	swait.ge [sflag:s9], $0x80  }
0x46a: {  	[sflag:s9] =	ssyncset.done $0x0  }
0x46b: {  	[sflag:s9] =	ssyncadd.s32 $0xFFFFFF80  }
0x46c: {  	_ =	swait.ge [sflag:s9], $0x80  }
0x46d: {  	s25 =	sld [smem:$0x7F7]  }
0x46e: {  	[sflag:s9] =	ssyncset.done $0x0  }
0x46f: {  	[sflag:s9] =	ssyncadd.s32 $0xFFFFFF80  }
0x470: {  	[tilespmem:s31], [sflag:$0x6] =	stream.linear.gather [hbm4b:s25+s3], $0x100, $0x38;
	[tilespmem:$0x1FC00] =	vst v63  }
0x471: {  	_ =	swait.ge [sflag:s6], $0x100  }
0x472: {  	s25 =	sld [smem:$0x7F8]  }
0x473: {  	[sflag:s6] =	ssyncset.done $0x0  }
0x474: {  	[sflag:s6] =	ssyncadd.s32 $0xFFFFFF00  }
0x475: {  	[tilespmem:s17], [sflag:$0x6] =	stream.linear.gather [hbm4b:s25+s3], $0x100, $0x38;
	[tilespmem:$0x1FC00] =	vst v63  }
0x476: {  	_ =	swait.ge [sflag:s6], $0x100  }
0x477: {  	s25 =	sld [smem:$0x7F9]  }
0x478: {  	[sflag:s6] =	ssyncset.done $0x0  }
0x479: {  	[sflag:s6] =	ssyncadd.s32 $0xFFFFFF00  }
0x47a: {  	[tilespmem:s30], [sflag:$0x6] =	stream.linear.gather [hbm4b:s25+s3], $0x100, $0x38;
	[tilespmem:$0x1FC00] =	vst v63  }
0x47b: {  	_ =	swait.ge [sflag:s6], $0x100  }
0x47c: {  	[sflag:s6] =	ssyncset.done $0x0  }
0x47d: {  	[sflag:s6] =	ssyncadd.s32 $0xFFFFFF00  }
0x47e: {  	v2 =	vld [tilespmem:$0x18800];
	_ =	sdelay $0x5  }
0x47f: {  	v3 =	vld [tilespmem:$0x19C00]  }
0x480: {  	v33 =	vld [tilespmem:$0x18810]  }
0x481: {  	v2 =	vld.idx.msk [tilespmem:v2+s3+$0x0], $0xffff  }
0x482: {  	v34 =	vld [tilespmem:$0x1B000];
	_ =	sdelay $0x3  }
0x483: {  	v2 =	vmul.f32 v3, v2  }
0x484: {  	v35 =	vld [tilespmem:$0x18820];
	[tilespmem:$0x1C400] =	vst v34  }
0x485: {  	v3 =	vld [tilespmem:$0x19C10];
	[tilespmem:$0x19C00] =	vst v2  }
0x486: {  	v2 =	vld.idx.msk [tilespmem:v33+s3+$0x0], $0xffff  }
0x487: {  	v36 =	vld [tilespmem:$0x1B010];
	_ =	sdelay $0x3  }
0x488: {  	v2 =	vmul.f32 v3, v2  }
0x489: {  	v37 =	vld [tilespmem:$0x18830];
	[tilespmem:$0x1C410] =	vst v36  }
0x48a: {  	v3 =	vld [tilespmem:$0x19C20];
	[tilespmem:$0x19C10] =	vst v2  }
0x48b: {  	v2 =	vld.idx.msk [tilespmem:v35+s3+$0x0], $0xffff  }
0x48c: {  	v38 =	vld [tilespmem:$0x1B020];
	_ =	sdelay $0x3  }
0x48d: {  	v2 =	vmul.f32 v3, v2  }
0x48e: {  	v39 =	vld [tilespmem:$0x18840];
	[tilespmem:$0x1C420] =	vst v38  }
0x48f: {  	v3 =	vld [tilespmem:$0x19C30];
	[tilespmem:$0x19C20] =	vst v2  }
0x490: {  	v2 =	vld.idx.msk [tilespmem:v37+s3+$0x0], $0xffff  }
0x491: {  	v40 =	vld [tilespmem:$0x1B030];
	_ =	sdelay $0x3  }
0x492: {  	v2 =	vmul.f32 v3, v2  }
0x493: {  	v41 =	vld [tilespmem:$0x18850];
	[tilespmem:$0x1C430] =	vst v40  }
0x494: {  	v3 =	vld [tilespmem:$0x19C40];
	[tilespmem:$0x19C30] =	vst v2  }
0x495: {  	v2 =	vld.idx.msk [tilespmem:v39+s3+$0x0], $0xffff  }
0x496: {  	v42 =	vld [tilespmem:$0x1B040];
	_ =	sdelay $0x3  }
0x497: {  	v2 =	vmul.f32 v3, v2  }
0x498: {  	v43 =	vld [tilespmem:$0x18860];
	[tilespmem:$0x1C440] =	vst v42  }
0x499: {  	v3 =	vld [tilespmem:$0x19C50];
	[tilespmem:$0x19C40] =	vst v2  }
0x49a: {  	v2 =	vld.idx.msk [tilespmem:v41+s3+$0x0], $0xffff  }
0x49b: {  	v44 =	vld [tilespmem:$0x1B050];
	_ =	sdelay $0x3  }
0x49c: {  	v2 =	vmul.f32 v3, v2  }
0x49d: {  	v45 =	vld [tilespmem:$0x18870];
	[tilespmem:$0x1C450] =	vst v44  }
0x49e: {  	v3 =	vld [tilespmem:$0x19C60];
	[tilespmem:$0x19C50] =	vst v2  }
0x49f: {  	v2 =	vld.idx.msk [tilespmem:v43+s3+$0x0], $0xffff  }
0x4a0: {  	v46 =	vld [tilespmem:$0x1B060];
	_ =	sdelay $0x3  }
0x4a1: {  	v2 =	vmul.f32 v3, v2  }
0x4a2: {  	v47 =	vld [tilespmem:$0x18880];
	[tilespmem:$0x1C460] =	vst v46  }
0x4a3: {  	v3 =	vld [tilespmem:$0x19C70];
	[tilespmem:$0x19C60] =	vst v2  }
0x4a4: {  	v2 =	vld.idx.msk [tilespmem:v45+s3+$0x0], $0xffff  }
0x4a5: {  	v48 =	vld [tilespmem:$0x1B070];
	_ =	sdelay $0x3  }
0x4a6: {  	v2 =	vmul.f32 v3, v2  }
0x4a7: {  	v49 =	vld [tilespmem:$0x18890];
	[tilespmem:$0x1C470] =	vst v48  }
0x4a8: {  	v3 =	vld [tilespmem:$0x19C80];
	[tilespmem:$0x19C70] =	vst v2  }
0x4a9: {  	v2 =	vld.idx.msk [tilespmem:v47+s3+$0x0], $0xffff  }
0x4aa: {  	v50 =	vld [tilespmem:$0x1B080];
	_ =	sdelay $0x3  }
0x4ab: {  	v2 =	vmul.f32 v3, v2  }
0x4ac: {  	v51 =	vld [tilespmem:$0x188A0];
	[tilespmem:$0x1C480] =	vst v50  }
0x4ad: {  	v3 =	vld [tilespmem:$0x19C90];
	[tilespmem:$0x19C80] =	vst v2  }
0x4ae: {  	v2 =	vld.idx.msk [tilespmem:v49+s3+$0x0], $0xffff  }
0x4af: {  	v52 =	vld [tilespmem:$0x1B090];
	_ =	sdelay $0x3  }
0x4b0: {  	v2 =	vmul.f32 v3, v2  }
0x4b1: {  	v53 =	vld [tilespmem:$0x188B0];
	[tilespmem:$0x1C490] =	vst v52  }
0x4b2: {  	v3 =	vld [tilespmem:$0x19CA0];
	[tilespmem:$0x19C90] =	vst v2  }
0x4b3: {  	v2 =	vld.idx.msk [tilespmem:v51+s3+$0x0], $0xffff  }
0x4b4: {  	v54 =	vld [tilespmem:$0x1B0A0];
	_ =	sdelay $0x3  }
0x4b5: {  	v2 =	vmul.f32 v3, v2  }
0x4b6: {  	v55 =	vld [tilespmem:$0x188C0];
	[tilespmem:$0x1C4A0] =	vst v54  }
0x4b7: {  	v3 =	vld [tilespmem:$0x19CB0];
	[tilespmem:$0x19CA0] =	vst v2  }
0x4b8: {  	v2 =	vld.idx.msk [tilespmem:v53+s3+$0x0], $0xffff  }
0x4b9: {  	v56 =	vld [tilespmem:$0x1B0B0];
	_ =	sdelay $0x3  }
0x4ba: {  	v2 =	vmul.f32 v3, v2  }
0x4bb: {  	v57 =	vld [tilespmem:$0x188D0];
	[tilespmem:$0x1C4B0] =	vst v56  }
0x4bc: {  	v3 =	vld [tilespmem:$0x19CC0];
	[tilespmem:$0x19CB0] =	vst v2  }
0x4bd: {  	v2 =	vld.idx.msk [tilespmem:v55+s3+$0x0], $0xffff  }
0x4be: {  	v58 =	vld [tilespmem:$0x1B0C0];
	_ =	sdelay $0x3  }
0x4bf: {  	v2 =	vmul.f32 v3, v2  }
0x4c0: {  	v59 =	vld [tilespmem:$0x188E0];
	[tilespmem:$0x1C4C0] =	vst v58  }
0x4c1: {  	v3 =	vld [tilespmem:$0x19CD0];
	[tilespmem:$0x19CC0] =	vst v2  }
0x4c2: {  	v2 =	vld.idx.msk [tilespmem:v57+s3+$0x0], $0xffff  }
0x4c3: {  	v60 =	vld [tilespmem:$0x1B0D0];
	_ =	sdelay $0x3  }
0x4c4: {  	v2 =	vmul.f32 v3, v2  }
0x4c5: {  	v61 =	vld [tilespmem:$0x188F0];
	[tilespmem:$0x1C4D0] =	vst v60  }
0x4c6: {  	v3 =	vld [tilespmem:$0x19CE0];
	[tilespmem:$0x19CD0] =	vst v2  }
0x4c7: {  	v2 =	vld.idx.msk [tilespmem:v59+s3+$0x0], $0xffff  }
0x4c8: {  	v62 =	vld [tilespmem:$0x1B0E0];
	_ =	sdelay $0x3  }
0x4c9: {  	v2 =	vmul.f32 v3, v2  }
0x4ca: {  	[tilespmem:$0x1C4E0] =	vst v62  }
0x4cb: {  	v3 =	vld [tilespmem:$0x19CF0];
	[tilespmem:$0x19CE0] =	vst v2  }
0x4cc: {  	v2 =	vld.idx.msk [tilespmem:v61+s3+$0x0], $0xffff  }
0x4cd: {  	v63 =	vld [tilespmem:$0x1B0F0];
	_ =	sdelay $0x3  }
0x4ce: {  	v2 =	vmul.f32 v3, v2  }
0x4cf: {  	[tilespmem:$0x1C4F0] =	vst v63  }
0x4d0: {  	[tilespmem:$0x19CF0] =	vst v2  }
0x4d1: {  	[spmem:s19] =	stream.indirect.scatter.add.f32 [tilespmem:s17], [sflag:$0x5], $0x1, s5, s29, $0xb8;
	[tilespmem:$0x1FC00] =	vst v63  }
0x4d2: {  	_ = 	snop  }
0x4d3: {  	[spmem:s23] =	stream.indirect.scatter.add.f32 [tilespmem:s15], [sflag:$0x5], $0x1, s5, s29, $0xb8;
	[tilespmem:$0x1FC00] =	vst v63  }
0x4d4: {  	_ = 	snop  }
0x4d5: {  	[spmem:s19] =	stream.indirect.scatter.add.f32 [tilespmem:s24], [sflag:$0x5], $0x1, s12, s29, $0xb8;
	[tilespmem:$0x1FC00] =	vst v63  }
0x4d6: {  	_ = 	snop  }
0x4d7: {  	[spmem:s23] =	stream.indirect.scatter.add.f32 [tilespmem:s15], [sflag:$0x5], $0x1, s12, s29, $0xb8;
	[tilespmem:$0x1FC00] =	vst v63  }
0x4d8: {  	_ =	swait.ge [sflag:s9], $0x80  }
0x4d9: {  	[sflag:s9] =	ssyncset.done $0x0  }
0x4da: {  	[sflag:s9] =	ssyncadd.s32 $0xFFFFFF80  }
0x4db: {  	_ =	swait.ge [sflag:s9], $0x80  }
0x4dc: {  	[sflag:s9] =	ssyncset.done $0x0  }
0x4dd: {  	[sflag:s9] =	ssyncadd.s32 $0xFFFFFF80  }
0x4de: {  	_ =	swait.ge [sflag:s9], $0x80  }
.Ltmp16:
0x4df: {  	[sflag:s9] =	ssyncset.done $0x0;
	(pc) =	sbr.rel @p0 .LBB2_31-.Ltmp16, $4  }
0x4e0: {  	[sflag:s9] =	ssyncadd.s32 $0xFFFFFF80  }
0x4e1: {  	_ =	swait.ge [sflag:s9], $0x80  }
0x4e2: {  	[sflag:s9] =	ssyncset.done $0x0  }
0x4e3: {  	s22 =	simm.s32 $0x18800;
	s31 =	sld [smem:$0x7DD];
	[sflag:s9] =	ssyncadd.s32 $0xFFFFFF80  }
0x4e4: {  	s4 =	rddreg [dreg:$0xd];
	s5 =	simm.s32 $0x6  }
0x4e5: {  	[tilespmem:s22], [sflag:$0x6] =	stream.linear.gather [hbm4b:s4+s3], $0x80, $0x38;
	[tilespmem:$0x1FC00] =	vst v63  }
0x4e6: {  	_ =	swait.ge [sflag:s5], $0x80  }
0x4e7: {  	s12 =	sld [smem:$0x7FA]  }
0x4e8: {  	[sflag:s5] =	ssyncset.done $0x0  }
0x4e9: {  	[sflag:s5] =	ssyncadd.s32 $0xFFFFFF80  }
0x4ea: {  	[tilespmem:s17], [sflag:$0x6] =	stream.linear.gather [hbm4b:s12+s3], $0x80, $0x38;
	[tilespmem:$0x1FC00] =	vst v63  }
0x4eb: {  	_ =	swait.ge [sflag:s5], $0x80  }
0x4ec: {  	[sflag:s5] =	ssyncset.done $0x0  }
0x4ed: {  	s24 =	rddreg [dreg:$0xe];
	[sflag:s5] =	ssyncadd.s32 $0xFFFFFF80  }
0x4ee: {  	[tilespmem:s30], [sflag:$0x6] =	stream.linear.gather [hbm4b:s24+s3], $0x80, $0x38;
	[tilespmem:$0x1FC00] =	vst v63  }
0x4ef: {  	_ =	swait.ge [sflag:s5], $0x80  }
0x4f0: {  	[sflag:s5] =	ssyncset.done $0x0  }
0x4f1: {  	[sflag:s5] =	ssyncadd.s32 $0xFFFFFF80  }
0x4f2: {  	v2 =	vld [tilespmem:$0x18800];
	_ =	sdelay $0x5  }
0x4f3: {  	v3 =	vld [tilespmem:$0x19C00]  }
0x4f4: {  	v4 =	vld [tilespmem:$0x18810]  }
0x4f5: {  	v2 =	vld.idx.msk [tilespmem:v2+s3+$0x0], $0xffff  }
0x4f6: {  	v5 =	vld [tilespmem:$0x1B000];
	_ =	sdelay $0x3  }
0x4f7: {  	v2 =	vmul.f32 v3, v2  }
0x4f8: {  	v51 =	vld [tilespmem:$0x18820];
	[tilespmem:$0x1C400] =	vst v5  }
0x4f9: {  	v3 =	vld [tilespmem:$0x19C10];
	[tilespmem:$0x19C00] =	vst v2  }
0x4fa: {  	v2 =	vld.idx.msk [tilespmem:v4+s3+$0x0], $0xffff  }
0x4fb: {  	v52 =	vld [tilespmem:$0x1B010];
	_ =	sdelay $0x3  }
0x4fc: {  	v2 =	vmul.f32 v3, v2  }
0x4fd: {  	v53 =	vld [tilespmem:$0x18830];
	[tilespmem:$0x1C410] =	vst v52  }
0x4fe: {  	v3 =	vld [tilespmem:$0x19C20];
	[tilespmem:$0x19C10] =	vst v2  }
0x4ff: {  	v2 =	vld.idx.msk [tilespmem:v51+s3+$0x0], $0xffff  }
0x500: {  	v54 =	vld [tilespmem:$0x1B020];
	_ =	sdelay $0x3  }
0x501: {  	v2 =	vmul.f32 v3, v2  }
0x502: {  	v55 =	vld [tilespmem:$0x18840];
	[tilespmem:$0x1C420] =	vst v54  }
0x503: {  	v3 =	vld [tilespmem:$0x19C30];
	[tilespmem:$0x19C20] =	vst v2  }
0x504: {  	v2 =	vld.idx.msk [tilespmem:v53+s3+$0x0], $0xffff  }
0x505: {  	v56 =	vld [tilespmem:$0x1B030];
	_ =	sdelay $0x3  }
0x506: {  	v2 =	vmul.f32 v3, v2  }
0x507: {  	v57 =	vld [tilespmem:$0x18850];
	[tilespmem:$0x1C430] =	vst v56  }
0x508: {  	v3 =	vld [tilespmem:$0x19C40];
	[tilespmem:$0x19C30] =	vst v2  }
0x509: {  	v2 =	vld.idx.msk [tilespmem:v55+s3+$0x0], $0xffff  }
0x50a: {  	v58 =	vld [tilespmem:$0x1B040];
	_ =	sdelay $0x3  }
0x50b: {  	v2 =	vmul.f32 v3, v2  }
0x50c: {  	v59 =	vld [tilespmem:$0x18860];
	[tilespmem:$0x1C440] =	vst v58  }
0x50d: {  	v3 =	vld [tilespmem:$0x19C50];
	[tilespmem:$0x19C40] =	vst v2  }
0x50e: {  	v2 =	vld.idx.msk [tilespmem:v57+s3+$0x0], $0xffff  }
0x50f: {  	v60 =	vld [tilespmem:$0x1B050];
	_ =	sdelay $0x3  }
0x510: {  	v2 =	vmul.f32 v3, v2  }
0x511: {  	v61 =	vld [tilespmem:$0x18870];
	[tilespmem:$0x1C450] =	vst v60  }
0x512: {  	v3 =	vld [tilespmem:$0x19C60];
	[tilespmem:$0x19C50] =	vst v2  }
0x513: {  	v2 =	vld.idx.msk [tilespmem:v59+s3+$0x0], $0xffff  }
0x514: {  	v62 =	vld [tilespmem:$0x1B060];
	_ =	sdelay $0x3  }
0x515: {  	v2 =	vmul.f32 v3, v2  }
0x516: {  	[tilespmem:$0x1C460] =	vst v62  }
0x517: {  	v3 =	vld [tilespmem:$0x19C70];
	[tilespmem:$0x19C60] =	vst v2  }
0x518: {  	v2 =	vld.idx.msk [tilespmem:v61+s3+$0x0], $0xffff  }
0x519: {  	v63 =	vld [tilespmem:$0x1B070];
	_ =	sdelay $0x3  }
0x51a: {  	v2 =	vmul.f32 v3, v2  }
0x51b: {  	[tilespmem:$0x1C470] =	vst v63  }
0x51c: {  	s25 =	simm.s32 $0x1C400;
	[tilespmem:$0x19C70] =	vst v2  }
0x51d: {  	[spmem:s19] =	stream.indirect.scatter.add.f32 [tilespmem:s17], [sflag:$0x5], $0x1, s25, s29, $0xb8;
	[tilespmem:$0x1FC00] =	vst v63  }
0x51e: {  	_ = 	snop  }
0x51f: {  	[spmem:s23] =	stream.indirect.scatter.add.f32 [tilespmem:s15], [sflag:$0x5], $0x1, s25, s29, $0xb8;
	[tilespmem:$0x1FC00] =	vst v63  }
0x520: {  	_ =	swait.ge [sflag:s9], $0x80  }
.Ltmp17:
0x521: {  	[sflag:s9] =	ssyncset.done $0x0;
	(pc) =	sbr.rel .LBB2_31-.Ltmp17, $4  }
0x522: {  	[sflag:s9] =	ssyncadd.s32 $0xFFFFFF80  }
0x523: {  	_ =	swait.ge [sflag:s9], $0x80  }
0x524: {  	[sflag:s9] =	ssyncset.done $0x0  }
0x525: {  	[sflag:s9] =	ssyncadd.s32 $0xFFFFFF80  }
.LBB2_32:
0x526: {  	_ =	sfence.sel $0x180000  }
0x527: {  	[bflag:$0x0] =	sbarrier.arrive $0xFFFF  }
0x528: {  	_ =	strace $0x90000047  }
0x529: {  	s0 =	stileid.u32;
	[bflag:$0x2] =	sbarrier.arrive $0xFFFF  }
0x52a: {  	p0 =	sne.s32 s0, $0x0;
	s0 =	rddreg [dreg:$0xa]  }
0x52b: {  	s0 =	sadd.s32 @!p0 $0x100000, s0  }
0x52c: {  	[sflag:s0] =	ssyncadd.tile.s32 @!p0 $0x1;
	_ =	shalt  }
.Lfunc_end2:
_tile_overlayer_lowered:
.L_overlay_start_2:
0x52d: {  	(tag) =	ssettag $0x2  }
0x52e: {  	s0 =	rddreg [dreg:$0x0];
	s2 =	stileid.u32  }
0x52f: {  	s1 =	rddreg [dreg:$0x1];
	p0 =	sne.s32 s2, $0x0  }
0x530: {  	s3 =	rddreg [dreg:$0x2];
	[bflag:$0x3] =	sbarrier.arrive $0xFFFF;
	s2 =	simm.s32 @!p0 $0x1C06  }
0x531: {  	[timem:s3], [sflag:s2] =	dma.local @!p0 [hbm:s0], s1  }
0x532: {  	s0 =	simm.s32 @!p0 $0x6  }
0x533: {  	_ =	swait.ge @!p0 [sflag:s0], s1  }
0x534: {  	s1 =	ssub.s32 @!p0 $0x0, s1;
	[sflag:s0] =	ssyncset.done @!p0 $0x0  }
0x535: {  	[sflag:s0] =	ssyncadd.s32 @!p0 s1  }
0x536: {  	[bflag:$0x3] =	sbarrier.arrive $0xFFFF  }
0x537: {  	_ =	shalt  }

</sc_bundles>
